<compile_context>
chip_gen: v7x
topology: tpu7x:2x2x1
jax: 0.10.2.dev20260603
libtpu: 0.0.44.dev20260713+nightly
codegen_flags: <defaults>
</compile_context>

<pallas_src>
import jax
import jax.numpy as jnp
from jax import lax
from jax.experimental import pallas as pl
from jax.experimental.pallas import tpu as pltpu
from jax.experimental.pallas import tpu_sc as plsc

N = 50000
E = 800000
H = 64
NG = 64
NUM_LAYERS = 3

NCORES = 2
NSUB = 16
HALF = N // NCORES
CHUNK = 160
CHUNKS_PER_SUB = 320
EPAD = NSUB * CHUNKS_PER_SUB * CHUNK
ACC_ROWS = 25088
NW = 32
EPW = EPAD // NW
NBUCKET = 4
PGROUP = 1024
SLOTCAP = EPW + PGROUP
STAGECAP = 2 * PGROUP + PGROUP + 16
TRASH_OFF = 3 * PGROUP
NPHASE = 2
QUART = HALF // NPHASE
ACC2_ROWS = 25104
ZROWS = 128
ZPS = ACC2_ROWS // NSUB

BN = 5000
GRID = N // BN
CODES = 104



NSLOT = 2
GROUP = NSLOT * CHUNK
GROUPS_PER_SUB = CHUNKS_PER_SUB // NSLOT
ROWBYTES = CHUNK * H * 4


def _sc_scatter_body(m_hbm, src_hbm, dst_hbm, out_hbm, *scr):
    srcgs = scr[0:2]
    dstgs = scr[2:4]
    idxs = scr[4:4 + NSLOT]
    rows = scr[4 + NSLOT:4 + 2 * NSLOT]
    zrow_v = scr[4 + 2 * NSLOT]
    acc = scr[5 + 2 * NSLOT]
    gsems = scr[6 + 2 * NSLOT:6 + 3 * NSLOT]
    ssems = scr[6 + 3 * NSLOT:6 + 4 * NSLOT]
    pfsems = scr[6 + 4 * NSLOT:8 + 4 * NSLOT]
    c = lax.axis_index("c")
    s = lax.axis_index("s")

    zero16 = jnp.zeros((16,), jnp.float32)

    def zrow_body(i, carry):
        for k in range(H // 16):
            zrow_v[i, pl.ds(k * 16, 16)] = zero16
        return carry

    lax.fori_loop(0, ZROWS, zrow_body, 0)

    node_base = c * HALF
    zrow0 = s * ZPS
    for j in range(ZPS // ZROWS):
        pltpu.sync_copy(zrow_v, acc.at[pl.ds(zrow0 + j * ZROWS, ZROWS)])
    rem = ZPS % ZROWS
    if rem:
        pltpu.sync_copy(zrow_v.at[pl.ds(0, rem)],
                        acc.at[pl.ds(zrow0 + (ZPS // ZROWS) * ZROWS, rem)])

    plsc.subcore_barrier()

    def stage_base(o):
        return (s * GROUPS_PER_SUB + o) * GROUP

    def fire_stage(o, u):
        pltpu.async_copy(src_hbm.at[pl.ds(stage_base(o), GROUP)],
                         srcgs[u], pfsems[u])
        pltpu.async_copy(dst_hbm.at[pl.ds(stage_base(o), GROUP)],
                         dstgs[u], pfsems[u])

    def wait_stage(u):
        pltpu.make_async_copy(src_hbm.at[pl.ds(0, GROUP)], srcgs[u],
                              pfsems[u]).wait()
        pltpu.make_async_copy(dst_hbm.at[pl.ds(0, GROUP)], dstgs[u],
                              pfsems[u]).wait()

    fire_stage(0, 0)
    fire_stage(1, 1)

    def pair_body(t, carry):
        for u in range(2):
            o = 2 * t + u
            wait_stage(u)
            gathers = []
            for b in range(NSLOT):
                @pl.when(o > 0)
                def _(b=b):
                    pltpu.make_async_copy(rows[b], acc.at[idxs[b]],
                                          ssems[b]).wait()
                gathers.append(
                    pltpu.async_copy(
                        m_hbm.at[srcgs[u].at[pl.ds(b * CHUNK, CHUNK)]],
                        rows[b], gsems[b]))
            for b in range(NSLOT):
                for k in range(CHUNK // 16):
                    d = dstgs[u][pl.ds(b * CHUNK + k * 16, 16)]
                    loc = d - node_base
                    oob = (loc < 0) | (loc >= HALF)
                    idxs[b][pl.ds(k * 16, 16)] = jnp.where(oob, HALF + s, loc)
                gathers[b].wait()
                pltpu.async_copy(rows[b], acc.at[idxs[b]], ssems[b],
                                 add=True)
            @pl.when(o + 2 < GROUPS_PER_SUB)
            def _(o=o, u=u):
                fire_stage(o + 2, u)
        return carry

    lax.fori_loop(0, GROUPS_PER_SUB // 2, pair_body, 0)

    for b in range(NSLOT):
        pltpu.make_async_copy(rows[b], acc.at[idxs[b]], ssems[b]).wait()

    plsc.subcore_barrier()
    @pl.when(s < 8)
    def _():
        roff = s * 1563
        pltpu.sync_copy(acc.at[pl.ds(roff, 1563)],
                        out_hbm.at[c, pl.ds(roff, 1563)])

    @pl.when(s >= 8)
    def _():
        roff = 8 * 1563 + (s - 8) * 1562
        pltpu.sync_copy(acc.at[pl.ds(roff, 1562)],
                        out_hbm.at[c, pl.ds(roff, 1562)])


def _sc_scatter(m, srcp, dstp):
    mesh = plsc.VectorSubcoreMesh(core_axis_name="c", subcore_axis_name="s")
    f = pl.kernel(
        _sc_scatter_body,
        out_type=jax.ShapeDtypeStruct((NCORES, ACC_ROWS, H), jnp.float32),
        mesh=mesh,
        scratch_types=(
            [pltpu.VMEM((GROUP,), jnp.int32)] * 4
            + [pltpu.VMEM((CHUNK,), jnp.int32)] * NSLOT
            + [pltpu.VMEM((CHUNK, H), jnp.float32)] * NSLOT
            + [pltpu.VMEM((ZROWS, H), jnp.float32)]
            + [pltpu.VMEM_SHARED((ACC2_ROWS, H), jnp.float32)]
            + [pltpu.SemaphoreType.DMA] * (2 * NSLOT + 2)
        ),
        compiler_params=pltpu.CompilerParams(use_tc_tiling_on_sc=False,
                                             needs_layout_passes=False),
    )
    return f(m, srcp, dstp)



def _pre_body(x_ref, emb_ref, w1_ref, h0_ref, m1_ref):
    codes = x_ref[...]
    onehot = (codes == lax.broadcasted_iota(jnp.int32, (1, CODES), 1)
              ).astype(jnp.float32)
    h0 = lax.dot_general(onehot, emb_ref[...], (((1,), (0,)), ((), ())),
                         preferred_element_type=jnp.float32)
    h0_ref[...] = h0
    m1_ref[...] = jnp.dot(h0, w1_ref[...], preferred_element_type=jnp.float32)


def _pre(x, emb_pad, w1):
    return pl.pallas_call(
        _pre_body,
        grid=(GRID,),
        in_specs=[
            pl.BlockSpec((BN, 1), lambda i: (i, 0)),
            pl.BlockSpec((CODES, H), lambda i: (0, 0)),
            pl.BlockSpec((H, H), lambda i: (0, 0)),
        ],
        out_specs=[
            pl.BlockSpec((BN, H), lambda i: (i, 0)),
            pl.BlockSpec((BN, H), lambda i: (i, 0)),
        ],
        out_shape=[jax.ShapeDtypeStruct((N, H), jnp.float32)] * 2,
    )(x, emb_pad, w1)


def _gru_body(h_ref, a_ref, wihT, whhT, brz, bn_i, bn_h, wnext,
              hn_ref, mn_ref):
    h = h_ref[...]
    a = a_ref[0]
    gi = jnp.dot(a, wihT[...], preferred_element_type=jnp.float32)
    gh = jnp.dot(h, whhT[...], preferred_element_type=jnp.float32)
    rz = jax.nn.sigmoid(gi[:, :2 * H] + gh[:, :2 * H] + brz[...])
    r = rz[:, :H]
    z = rz[:, H:]
    n = jnp.tanh(gi[:, 2 * H:] + bn_i[...]
                 + r * (gh[:, 2 * H:] + bn_h[...]))
    hn = jax.nn.relu((1.0 - z) * n + z * h)
    hn_ref[...] = hn
    mn_ref[...] = jnp.dot(hn, wnext[...], preferred_element_type=jnp.float32)


def _gru(h, agg, wihT, whhT, brz, bn_i, bn_h, wnext):
    per_core = HALF // BN
    return pl.pallas_call(
        _gru_body,
        grid=(GRID,),
        in_specs=[
            pl.BlockSpec((BN, H), lambda i: (i, 0)),
            pl.BlockSpec((1, BN, H), lambda i: (i // per_core, i % per_core, 0)),
            pl.BlockSpec((H, 3 * H), lambda i: (0, 0)),
            pl.BlockSpec((H, 3 * H), lambda i: (0, 0)),
            pl.BlockSpec((1, 2 * H), lambda i: (0, 0)),
            pl.BlockSpec((1, H), lambda i: (0, 0)),
            pl.BlockSpec((1, H), lambda i: (0, 0)),
            pl.BlockSpec((H, H), lambda i: (0, 0)),
        ],
        out_specs=[pl.BlockSpec((BN, H), lambda i: (i, 0))] * 2,
        out_shape=[jax.ShapeDtypeStruct((N, H), jnp.float32)] * 2,
    )(h, agg, wihT, whhT, brz, bn_i, bn_h, wnext)


def _gru_pool_body(h_ref, a_ref, wihT, whhT, brz, bn_i, bn_h,
                   batch_ref, f1w, f1b, f2w, f2b, f3w, f3b,
                   out_ref, sums, cnt):
    i = pl.program_id(0)

    @pl.when(i == 0)
    def _():
        sums[...] = jnp.zeros_like(sums)
        cnt[...] = jnp.zeros_like(cnt)

    h = h_ref[...]
    a = a_ref[0]
    gi = jnp.dot(a, wihT[...], preferred_element_type=jnp.float32)
    gh = jnp.dot(h, whhT[...], preferred_element_type=jnp.float32)
    rz = jax.nn.sigmoid(gi[:, :2 * H] + gh[:, :2 * H] + brz[...])
    r = rz[:, :H]
    z = rz[:, H:]
    n = jnp.tanh(gi[:, 2 * H:] + bn_i[...]
                 + r * (gh[:, 2 * H:] + bn_h[...]))
    hn = jax.nn.relu((1.0 - z) * n + z * h)

    onehot = (batch_ref[...] == lax.broadcasted_iota(jnp.int32, (1, NG), 1)
              ).astype(jnp.float32)
    sums[...] += lax.dot_general(onehot, hn, (((0,), (0,)), ((), ())),
                                 preferred_element_type=jnp.float32)
    cnt[...] += lax.dot_general(onehot, jnp.ones((BN, 1), jnp.float32),
                                (((0,), (0,)), ((), ())),
                                preferred_element_type=jnp.float32)

    @pl.when(i == GRID - 1)
    def _():
        pooled = sums[...] / jnp.maximum(cnt[...], 1.0)
        o = jax.nn.relu(jnp.dot(pooled, f1w[...],
                                preferred_element_type=jnp.float32) + f1b[...])
        o = jax.nn.relu(jnp.dot(o, f2w[...],
                                preferred_element_type=jnp.float32) + f2b[...])
        o = jnp.dot(o, f3w[...], preferred_element_type=jnp.float32) + f3b[...]
        out_ref[...] = o


def _gru_pool(h, agg, wihT, whhT, brz, bn_i, bn_h, batch2d,
              f1w, f1b, f2w, f2b, f3w, f3b):
    per_core = HALF // BN
    return pl.pallas_call(
        _gru_pool_body,
        grid=(GRID,),
        in_specs=[
            pl.BlockSpec((BN, H), lambda i: (i, 0)),
            pl.BlockSpec((1, BN, H), lambda i: (i // per_core, i % per_core, 0)),
            pl.BlockSpec((H, 3 * H), lambda i: (0, 0)),
            pl.BlockSpec((H, 3 * H), lambda i: (0, 0)),
            pl.BlockSpec((1, 2 * H), lambda i: (0, 0)),
            pl.BlockSpec((1, H), lambda i: (0, 0)),
            pl.BlockSpec((1, H), lambda i: (0, 0)),
            pl.BlockSpec((BN, 1), lambda i: (i, 0)),
            pl.BlockSpec((H, H // 2), lambda i: (0, 0)),
            pl.BlockSpec((1, H // 2), lambda i: (0, 0)),
            pl.BlockSpec((H // 2, H // 4), lambda i: (0, 0)),
            pl.BlockSpec((1, H // 4), lambda i: (0, 0)),
            pl.BlockSpec((H // 4, 1), lambda i: (0, 0)),
            pl.BlockSpec((1, 1), lambda i: (0, 0)),
        ],
        out_specs=pl.BlockSpec((NG, 1), lambda i: (0, 0)),
        out_shape=jax.ShapeDtypeStruct((NG, 1), jnp.float32),
        scratch_shapes=[
            pltpu.VMEM((NG, NG), jnp.float32),
            pltpu.VMEM((NG, 1), jnp.float32),
        ],
    )(h, agg, wihT, whhT, brz, bn_i, bn_h, batch2d,
      f1w, f1b, f2w, f2b, f3w, f3b)



def kernel(x, edge_index, edge_attr, batch, node_emb, edge_lin_w, edge_lin_b,
           conv_weight, gru_Wih, gru_Whh, gru_bih, gru_bhh,
           fc1_w, fc1_b, fc2_w, fc2_b, fc3_w, fc3_b):
    src = edge_index[0]
    dst = edge_index[1]
    pad = EPAD - E
    srcp = jnp.concatenate([src, jnp.zeros((pad,), jnp.int32)])
    dstp = jnp.concatenate([dst, jnp.full((pad,), -1, jnp.int32)])

    emb_pad = jnp.pad(node_emb, ((0, CODES - node_emb.shape[0]), (0, 0)))

    h, m = _pre(x, emb_pad, conv_weight[0])

    for i in range(NUM_LAYERS):
        agg = _sc_scatter(m, srcp, dstp)
        wihT = gru_Wih[i].T
        whhT = gru_Whh[i].T
        brz = (gru_bih[i, :2 * H] + gru_bhh[i, :2 * H]).reshape(1, 2 * H)
        bn_i = gru_bih[i, 2 * H:].reshape(1, H)
        bn_h = gru_bhh[i, 2 * H:].reshape(1, H)
        if i + 1 < NUM_LAYERS:
            h, m = _gru(h, agg, wihT, whhT, brz, bn_i, bn_h,
                        conv_weight[i + 1])
        else:
            out = _gru_pool(h, agg, wihT, whhT, brz, bn_i, bn_h,
                            batch.reshape(N, 1),
                            fc1_w.T, fc1_b.reshape(1, H // 2),
                            fc2_w.T, fc2_b.reshape(1, H // 4),
                            fc3_w.T, fc3_b.reshape(1, 1))
    return out[:, 0]

# --- scband reference (transcript-rebuilt; emitter-appended) ---
"""Pipeline reference for scband-megnet-28329604284558 (READ-ONLY COPY).

The authoritative reference and input builder live on the scoring server;
editing this copy changes nothing except your own understanding.
"""

import jax, jax.numpy as jnp
import numpy as np

N = 50000
E = 800000
H = 64
DE = 16
NG = 64
NUM_LAYERS = 3


def setup_inputs(seed: int = 0) -> dict:
    key = jax.random.key(seed)
    ks = jax.random.split(key, 24)
    x = jax.random.randint(ks[0], (N, 1), 0, 100, dtype=jnp.int32)
    edge_index = jax.random.randint(ks[1], (2, E), 0, N, dtype=jnp.int32)
    edge_attr = jax.random.normal(ks[2], (E, DE), dtype=jnp.float32)
    batch = jnp.sort(jax.random.randint(ks[3], (N,), 0, NG, dtype=jnp.int32))
    s = 1.0 / np.sqrt(H)
    node_emb = jax.random.normal(ks[4], (100, H), dtype=jnp.float32)
    edge_lin_w = jax.random.uniform(ks[5], (H, DE), minval=-s, maxval=s)
    edge_lin_b = jax.random.uniform(ks[6], (H,), minval=-s, maxval=s)
    conv_weight = jax.random.uniform(ks[7], (NUM_LAYERS, H, H), minval=-s, maxval=s)
    gru_Wih = jax.random.uniform(ks[8], (NUM_LAYERS, 3 * H, H), minval=-s, maxval=s)
    gru_Whh = jax.random.uniform(ks[9], (NUM_LAYERS, 3 * H, H), minval=-s, maxval=s)
    gru_bih = jax.random.uniform(ks[10], (NUM_LAYERS, 3 * H), minval=-s, maxval=s)
    gru_bhh = jax.random.uniform(ks[11], (NUM_LAYERS, 3 * H), minval=-s, maxval=s)
    fc1_w = jax.random.uniform(ks[12], (H // 2, H), minval=-s, maxval=s)
    fc1_b = jax.random.uniform(ks[13], (H // 2,), minval=-s, maxval=s)
    fc2_w = jax.random.uniform(ks[14], (H // 4, H // 2), minval=-s, maxval=s)
    fc2_b = jax.random.uniform(ks[15], (H // 4,), minval=-s, maxval=s)
    fc3_w = jax.random.uniform(ks[16], (1, H // 4), minval=-s, maxval=s)
    fc3_b = jax.random.uniform(ks[17], (1,), minval=-s, maxval=s)
    return {"x": x, "edge_index": edge_index, "edge_attr": edge_attr, "batch": batch,
            "node_emb": node_emb, "edge_lin_w": edge_lin_w, "edge_lin_b": edge_lin_b,
            "conv_weight": conv_weight, "gru_Wih": gru_Wih, "gru_Whh": gru_Whh,
            "gru_bih": gru_bih, "gru_bhh": gru_bhh,
            "fc1_w": fc1_w, "fc1_b": fc1_b, "fc2_w": fc2_w, "fc2_b": fc2_b,
            "fc3_w": fc3_w, "fc3_b": fc3_b}


def _gated_conv(h, weight, Wih, Whh, bih, bhh, src, dst):
    # GatedGraphConv(num_layers=1): m = h @ W; aggregate-add at dst; GRUCell(m, h)
    m = h @ weight
    agg = jnp.zeros_like(h).at[dst].add(jnp.take(m, src, axis=0))
    gi = agg @ Wih.T + bih
    gh = h @ Whh.T + bhh
    i_r, i_z, i_n = jnp.split(gi, 3, axis=-1)
    h_r, h_z, h_n = jnp.split(gh, 3, axis=-1)
    r = jax.nn.sigmoid(i_r + h_r)
    z = jax.nn.sigmoid(i_z + h_z)
    n = jnp.tanh(i_n + r * h_n)
    return (1.0 - z) * n + z * h


def reference(x, edge_index, edge_attr, batch, node_emb, edge_lin_w, edge_lin_b,
              conv_weight, gru_Wih, gru_Whh, gru_bih, gru_bhh,
              fc1_w, fc1_b, fc2_w, fc2_b, fc3_w, fc3_b):
    h = jnp.take(node_emb, x[:, 0], axis=0)
    ea = edge_attr @ edge_lin_w.T + edge_lin_b  # computed but unused downstream (matches torch forward)
    src = edge_index[0]
    dst = edge_index[1]
    for i in range(NUM_LAYERS):
        h = _gated_conv(h, conv_weight[i], gru_Wih[i], gru_Whh[i], gru_bih[i], gru_bhh[i], src, dst)
        h = jax.nn.relu(h)
        # dropout: identity in eval mode
    sums = jax.ops.segment_sum(h, batch, num_segments=NG)
    cnt = jax.ops.segment_sum(jnp.ones((h.shape[0], 1), dtype=h.dtype), batch, num_segments=NG)
    pooled = sums / jnp.maximum(cnt, 1.0)
    o = jax.nn.relu(pooled @ fc1_w.T + fc1_b)
    o = jax.nn.relu(o @ fc2_w.T + fc2_b)
    o = o @ fc3_w.T + fc3_b
    return o.squeeze(-1)

if __name__ == "__main__":
    import jax
    _d = setup_inputs()
    print(jax.jit(kernel)(*tuple(_d.values())))

</pallas_src>

<mosaic_0001>
#map = affine_map<(d0, d1) -> (0, 0)>
#map1 = affine_map<(d0, d1) -> (0)>
#map2 = affine_map<(d0, d1) -> (0, 0, 0)>
module attributes {stable_mosaic.version = 14 : i64} {
  func.func @_sc_scatter_body(%arg0: i32, %arg1: i32, %arg2: memref<50000x64xf32, #tpu.memory_space<hbm>>, %arg3: memref<819200xi32, #tpu.memory_space<hbm>>, %arg4: memref<819200xi32, #tpu.memory_space<hbm>>, %arg5: memref<2x25088x64xf32, #tpu.memory_space<hbm>>, %arg6: memref<320xi32, #tpu.memory_space<vmem>>, %arg7: memref<320xi32, #tpu.memory_space<vmem>>, %arg8: memref<320xi32, #tpu.memory_space<vmem>>, %arg9: memref<320xi32, #tpu.memory_space<vmem>>, %arg10: memref<160xi32, #tpu.memory_space<vmem>>, %arg11: memref<160xi32, #tpu.memory_space<vmem>>, %arg12: memref<160x64xf32, #tpu.memory_space<vmem>>, %arg13: memref<160x64xf32, #tpu.memory_space<vmem>>, %arg14: memref<128x64xf32, #tpu.memory_space<vmem>>, %arg15: memref<25104x64xf32, #tpu.memory_space<vmem_shared>>, %arg16: memref<!tpu.dma_semaphore, #tpu.memory_space<semaphore_mem>>, %arg17: memref<!tpu.dma_semaphore, #tpu.memory_space<semaphore_mem>>, %arg18: memref<!tpu.dma_semaphore, #tpu.memory_space<semaphore_mem>>, %arg19: memref<!tpu.dma_semaphore, #tpu.memory_space<semaphore_mem>>, %arg20: memref<!tpu.dma_semaphore, #tpu.memory_space<semaphore_mem>>, %arg21: memref<!tpu.dma_semaphore, #tpu.memory_space<semaphore_mem>>) attributes {dimension_semantics = [#tpu.dimension_semantics<core_parallel>, #tpu.dimension_semantics<subcore_parallel>], iteration_bounds = array<i64: 2, 16>, scalar_prefetch = 0 : i64, scratch_operands = 16 : i64, tpu.core_type = #tpu.core_type<sc_vector_subcore>, window_params = [{transform_indices = #map}, {transform_indices = #map1}, {transform_indices = #map1}, {transform_indices = #map2}]} {
    %broadcast_in_dim3A = arith.constant 0.000000e+00 : f32
    %broadcast_in_dim3A_0 = vector.broadcast %broadcast_in_dim3A : f32 to vector<16xf32>
    %scan3A = arith.constant 0 : i32
    %scan3A_1 = arith.constant 0 : i32
    %scan3A_2 = arith.constant 128 : i32
    %scan3A_3 = arith.addi %scan3A_1, %scan3A_2 : i32
    %scan3A_4 = arith.constant 1 : i32
    scf.for %scan3A_83 = %scan3A_1 to %scan3A_3 step %scan3A_4  : i32 {
      %swap3A = arith.index_cast %scan3A_83 : i32 to index
      %swap3A_84 = arith.constant 0 : index
      %swap3A_85 = tpu.vector_load %arg14[%swap3A, %swap3A_84] {strides = array<i32>} : memref<128x64xf32, #tpu.memory_space<vmem>>, vector<16xf32>,
      tpu.vector_store %arg14[%swap3A, %swap3A_84], %broadcast_in_dim3A_0 {strides = array<i32>} : memref<128x64xf32, #tpu.memory_space<vmem>>, vector<16xf32>,
      %swap3A_86 = arith.index_cast %scan3A_83 : i32 to index
      %swap3A_87 = arith.constant 16 : index
      %swap3A_88 = tpu.vector_load %arg14[%swap3A_86, %swap3A_87] {strides = array<i32>} : memref<128x64xf32, #tpu.memory_space<vmem>>, vector<16xf32>,
      tpu.vector_store %arg14[%swap3A_86, %swap3A_87], %broadcast_in_dim3A_0 {strides = array<i32>} : memref<128x64xf32, #tpu.memory_space<vmem>>, vector<16xf32>,
      %swap3A_89 = arith.index_cast %scan3A_83 : i32 to index
      %swap3A_90 = arith.constant 32 : index
      %swap3A_91 = tpu.vector_load %arg14[%swap3A_89, %swap3A_90] {strides = array<i32>} : memref<128x64xf32, #tpu.memory_space<vmem>>, vector<16xf32>,
      tpu.vector_store %arg14[%swap3A_89, %swap3A_90], %broadcast_in_dim3A_0 {strides = array<i32>} : memref<128x64xf32, #tpu.memory_space<vmem>>, vector<16xf32>,
      %swap3A_92 = arith.index_cast %scan3A_83 : i32 to index
      %swap3A_93 = arith.constant 48 : index
      %swap3A_94 = tpu.vector_load %arg14[%swap3A_92, %swap3A_93] {strides = array<i32>} : memref<128x64xf32, #tpu.memory_space<vmem>>, vector<16xf32>,
      tpu.vector_store %arg14[%swap3A_92, %swap3A_93], %broadcast_in_dim3A_0 {strides = array<i32>} : memref<128x64xf32, #tpu.memory_space<vmem>>, vector<16xf32>,
    }
    %scan3A_5 = arith.constant 128 : i32
    %mul3A = arith.constant 25000 : i32
    %mul3A_6 = arith.muli %arg0, %mul3A : i32
    %mul3A_7 = arith.constant 1569 : i32
    %mul3A_8 = arith.muli %arg1, %mul3A_7 : i32
    %add3A = arith.constant 0 : i32
    %add3A_9 = arith.addi %mul3A_8, %add3A : i32
    "tpu.region"() ({
      %run_scoped3A = tpu.sem_alloc : memref<!tpu.dma_semaphore, #tpu.memory_space<semaphore_mem>>
      %dma_start3A_83 = arith.constant 0 : i32
      %dma_start3A_84 = tpu.memref_slice %arg15[%add3A_9, %dma_start3A_83] : memref<25104x64xf32, #tpu.memory_space<vmem_shared>> -> memref<128x64xf32, #tpu.memory_space<vmem_shared>>
      %dma_start3A_85 = arith.constant 0 : i32
      %dma_start3A_86 = tpu.memref_slice %arg15[%add3A_9, %dma_start3A_85] : memref<25104x64xf32, #tpu.memory_space<vmem_shared>> -> memref<128x64xf32, #tpu.memory_space<vmem_shared>>
      tpu.enqueue_dma source(%arg14 : memref<128x64xf32, #tpu.memory_space<vmem>>) target(%dma_start3A_86 : memref<128x64xf32, #tpu.memory_space<vmem_shared>>) target_semaphore(%run_scoped3A : memref<!tpu.dma_semaphore, #tpu.memory_space<semaphore_mem>>)
      %dma_wait3A_87 = arith.constant 0 : i32
      %dma_wait3A_88 = tpu.memref_slice %arg15[%add3A_9, %dma_wait3A_87] : memref<25104x64xf32, #tpu.memory_space<vmem_shared>> -> memref<128x64xf32, #tpu.memory_space<vmem_shared>>
      %dma_wait3A_89 = arith.constant 0 : i32
      %dma_wait3A_90 = tpu.memref_slice %arg15[%add3A_9, %dma_wait3A_89] : memref<25104x64xf32, #tpu.memory_space<vmem_shared>> -> memref<128x64xf32, #tpu.memory_space<vmem_shared>>
      tpu.wait_dma2 semaphore(%run_scoped3A : memref<!tpu.dma_semaphore, #tpu.memory_space<semaphore_mem>>) src(%arg14 : memref<128x64xf32, #tpu.memory_space<vmem>>) dst(%dma_wait3A_90 : memref<128x64xf32, #tpu.memory_space<vmem_shared>>)
      tpu.yield
    }) : () -> ()
    %add3A_10 = arith.constant 128 : i32
    %add3A_11 = arith.addi %mul3A_8, %add3A_10 : i32
    "tpu.region"() ({
      %run_scoped3A = tpu.sem_alloc : memref<!tpu.dma_semaphore, #tpu.memory_space<semaphore_mem>>
      %dma_start3A_83 = arith.constant 0 : i32
      %dma_start3A_84 = tpu.memref_slice %arg15[%add3A_11, %dma_start3A_83] : memref<25104x64xf32, #tpu.memory_space<vmem_shared>> -> memref<128x64xf32, #tpu.memory_space<vmem_shared>>
      %dma_start3A_85 = arith.constant 0 : i32
      %dma_start3A_86 = tpu.memref_slice %arg15[%add3A_11, %dma_start3A_85] : memref<25104x64xf32, #tpu.memory_space<vmem_shared>> -> memref<128x64xf32, #tpu.memory_space<vmem_shared>>
      tpu.enqueue_dma source(%arg14 : memref<128x64xf32, #tpu.memory_space<vmem>>) target(%dma_start3A_86 : memref<128x64xf32, #tpu.memory_space<vmem_shared>>) target_semaphore(%run_scoped3A : memref<!tpu.dma_semaphore, #tpu.memory_space<semaphore_mem>>)
      %dma_wait3A_87 = arith.constant 0 : i32
      %dma_wait3A_88 = tpu.memref_slice %arg15[%add3A_11, %dma_wait3A_87] : memref<25104x64xf32, #tpu.memory_space<vmem_shared>> -> memref<128x64xf32, #tpu.memory_space<vmem_shared>>
      %dma_wait3A_89 = arith.constant 0 : i32
      %dma_wait3A_90 = tpu.memref_slice %arg15[%add3A_11, %dma_wait3A_89] : memref<25104x64xf32, #tpu.memory_space<vmem_shared>> -> memref<128x64xf32, #tpu.memory_space<vmem_shared>>
      tpu.wait_dma2 semaphore(%run_scoped3A : memref<!tpu.dma_semaphore, #tpu.memory_space<semaphore_mem>>) src(%arg14 : memref<128x64xf32, #tpu.memory_space<vmem>>) dst(%dma_wait3A_90 : memref<128x64xf32, #tpu.memory_space<vmem_shared>>)
      tpu.yield
    }) : () -> ()
    %add3A_12 = arith.constant 256 : i32
    %add3A_13 = arith.addi %mul3A_8, %add3A_12 : i32
    "tpu.region"() ({
      %run_scoped3A = tpu.sem_alloc : memref<!tpu.dma_semaphore, #tpu.memory_space<semaphore_mem>>
      %dma_start3A_83 = arith.constant 0 : i32
      %dma_start3A_84 = tpu.memref_slice %arg15[%add3A_13, %dma_start3A_83] : memref<25104x64xf32, #tpu.memory_space<vmem_shared>> -> memref<128x64xf32, #tpu.memory_space<vmem_shared>>
      %dma_start3A_85 = arith.constant 0 : i32
      %dma_start3A_86 = tpu.memref_slice %arg15[%add3A_13, %dma_start3A_85] : memref<25104x64xf32, #tpu.memory_space<vmem_shared>> -> memref<128x64xf32, #tpu.memory_space<vmem_shared>>
      tpu.enqueue_dma source(%arg14 : memref<128x64xf32, #tpu.memory_space<vmem>>) target(%dma_start3A_86 : memref<128x64xf32, #tpu.memory_space<vmem_shared>>) target_semaphore(%run_scoped3A : memref<!tpu.dma_semaphore, #tpu.memory_space<semaphore_mem>>)
      %dma_wait3A_87 = arith.constant 0 : i32
      %dma_wait3A_88 = tpu.memref_slice %arg15[%add3A_13, %dma_wait3A_87] : memref<25104x64xf32, #tpu.memory_space<vmem_shared>> -> memref<128x64xf32, #tpu.memory_space<vmem_shared>>
      %dma_wait3A_89 = arith.constant 0 : i32
      %dma_wait3A_90 = tpu.memref_slice %arg15[%add3A_13, %dma_wait3A_89] : memref<25104x64xf32, #tpu.memory_space<vmem_shared>> -> memref<128x64xf32, #tpu.memory_space<vmem_shared>>
      tpu.wait_dma2 semaphore(%run_scoped3A : memref<!tpu.dma_semaphore, #tpu.memory_space<semaphore_mem>>) src(%arg14 : memref<128x64xf32, #tpu.memory_space<vmem>>) dst(%dma_wait3A_90 : memref<128x64xf32, #tpu.memory_space<vmem_shared>>)
      tpu.yield
    }) : () -> ()
    %add3A_14 = arith.constant 384 : i32
    %add3A_15 = arith.addi %mul3A_8, %add3A_14 : i32
    "tpu.region"() ({
      %run_scoped3A = tpu.sem_alloc : memref<!tpu.dma_semaphore, #tpu.memory_space<semaphore_mem>>
      %dma_start3A_83 = arith.constant 0 : i32
      %dma_start3A_84 = tpu.memref_slice %arg15[%add3A_15, %dma_start3A_83] : memref<25104x64xf32, #tpu.memory_space<vmem_shared>> -> memref<128x64xf32, #tpu.memory_space<vmem_shared>>
      %dma_start3A_85 = arith.constant 0 : i32
      %dma_start3A_86 = tpu.memref_slice %arg15[%add3A_15, %dma_start3A_85] : memref<25104x64xf32, #tpu.memory_space<vmem_shared>> -> memref<128x64xf32, #tpu.memory_space<vmem_shared>>
      tpu.enqueue_dma source(%arg14 : memref<128x64xf32, #tpu.memory_space<vmem>>) target(%dma_start3A_86 : memref<128x64xf32, #tpu.memory_space<vmem_shared>>) target_semaphore(%run_scoped3A : memref<!tpu.dma_semaphore, #tpu.memory_space<semaphore_mem>>)
      %dma_wait3A_87 = arith.constant 0 : i32
      %dma_wait3A_88 = tpu.memref_slice %arg15[%add3A_15, %dma_wait3A_87] : memref<25104x64xf32, #tpu.memory_space<vmem_shared>> -> memref<128x64xf32, #tpu.memory_space<vmem_shared>>
      %dma_wait3A_89 = arith.constant 0 : i32
      %dma_wait3A_90 = tpu.memref_slice %arg15[%add3A_15, %dma_wait3A_89] : memref<25104x64xf32, #tpu.memory_space<vmem_shared>> -> memref<128x64xf32, #tpu.memory_space<vmem_shared>>
      tpu.wait_dma2 semaphore(%run_scoped3A : memref<!tpu.dma_semaphore, #tpu.memory_space<semaphore_mem>>) src(%arg14 : memref<128x64xf32, #tpu.memory_space<vmem>>) dst(%dma_wait3A_90 : memref<128x64xf32, #tpu.memory_space<vmem_shared>>)
      tpu.yield
    }) : () -> ()
    %add3A_16 = arith.constant 512 : i32
    %add3A_17 = arith.addi %mul3A_8, %add3A_16 : i32
    "tpu.region"() ({
      %run_scoped3A = tpu.sem_alloc : memref<!tpu.dma_semaphore, #tpu.memory_space<semaphore_mem>>
      %dma_start3A_83 = arith.constant 0 : i32
      %dma_start3A_84 = tpu.memref_slice %arg15[%add3A_17, %dma_start3A_83] : memref<25104x64xf32, #tpu.memory_space<vmem_shared>> -> memref<128x64xf32, #tpu.memory_space<vmem_shared>>
      %dma_start3A_85 = arith.constant 0 : i32
      %dma_start3A_86 = tpu.memref_slice %arg15[%add3A_17, %dma_start3A_85] : memref<25104x64xf32, #tpu.memory_space<vmem_shared>> -> memref<128x64xf32, #tpu.memory_space<vmem_shared>>
      tpu.enqueue_dma source(%arg14 : memref<128x64xf32, #tpu.memory_space<vmem>>) target(%dma_start3A_86 : memref<128x64xf32, #tpu.memory_space<vmem_shared>>) target_semaphore(%run_scoped3A : memref<!tpu.dma_semaphore, #tpu.memory_space<semaphore_mem>>)
      %dma_wait3A_87 = arith.constant 0 : i32
      %dma_wait3A_88 = tpu.memref_slice %arg15[%add3A_17, %dma_wait3A_87] : memref<25104x64xf32, #tpu.memory_space<vmem_shared>> -> memref<128x64xf32, #tpu.memory_space<vmem_shared>>
      %dma_wait3A_89 = arith.constant 0 : i32
      %dma_wait3A_90 = tpu.memref_slice %arg15[%add3A_17, %dma_wait3A_89] : memref<25104x64xf32, #tpu.memory_space<vmem_shared>> -> memref<128x64xf32, #tpu.memory_space<vmem_shared>>
      tpu.wait_dma2 semaphore(%run_scoped3A : memref<!tpu.dma_semaphore, #tpu.memory_space<semaphore_mem>>) src(%arg14 : memref<128x64xf32, #tpu.memory_space<vmem>>) dst(%dma_wait3A_90 : memref<128x64xf32, #tpu.memory_space<vmem_shared>>)
      tpu.yield
    }) : () -> ()
    %add3A_18 = arith.constant 640 : i32
    %add3A_19 = arith.addi %mul3A_8, %add3A_18 : i32
    "tpu.region"() ({
      %run_scoped3A = tpu.sem_alloc : memref<!tpu.dma_semaphore, #tpu.memory_space<semaphore_mem>>
      %dma_start3A_83 = arith.constant 0 : i32
      %dma_start3A_84 = tpu.memref_slice %arg15[%add3A_19, %dma_start3A_83] : memref<25104x64xf32, #tpu.memory_space<vmem_shared>> -> memref<128x64xf32, #tpu.memory_space<vmem_shared>>
      %dma_start3A_85 = arith.constant 0 : i32
      %dma_start3A_86 = tpu.memref_slice %arg15[%add3A_19, %dma_start3A_85] : memref<25104x64xf32, #tpu.memory_space<vmem_shared>> -> memref<128x64xf32, #tpu.memory_space<vmem_shared>>
      tpu.enqueue_dma source(%arg14 : memref<128x64xf32, #tpu.memory_space<vmem>>) target(%dma_start3A_86 : memref<128x64xf32, #tpu.memory_space<vmem_shared>>) target_semaphore(%run_scoped3A : memref<!tpu.dma_semaphore, #tpu.memory_space<semaphore_mem>>)
      %dma_wait3A_87 = arith.constant 0 : i32
      %dma_wait3A_88 = tpu.memref_slice %arg15[%add3A_19, %dma_wait3A_87] : memref<25104x64xf32, #tpu.memory_space<vmem_shared>> -> memref<128x64xf32, #tpu.memory_space<vmem_shared>>
      %dma_wait3A_89 = arith.constant 0 : i32
      %dma_wait3A_90 = tpu.memref_slice %arg15[%add3A_19, %dma_wait3A_89] : memref<25104x64xf32, #tpu.memory_space<vmem_shared>> -> memref<128x64xf32, #tpu.memory_space<vmem_shared>>
      tpu.wait_dma2 semaphore(%run_scoped3A : memref<!tpu.dma_semaphore, #tpu.memory_space<semaphore_mem>>) src(%arg14 : memref<128x64xf32, #tpu.memory_space<vmem>>) dst(%dma_wait3A_90 : memref<128x64xf32, #tpu.memory_space<vmem_shared>>)
      tpu.yield
    }) : () -> ()
    %add3A_20 = arith.constant 768 : i32
    %add3A_21 = arith.addi %mul3A_8, %add3A_20 : i32
    "tpu.region"() ({
      %run_scoped3A = tpu.sem_alloc : memref<!tpu.dma_semaphore, #tpu.memory_space<semaphore_mem>>
      %dma_start3A_83 = arith.constant 0 : i32
      %dma_start3A_84 = tpu.memref_slice %arg15[%add3A_21, %dma_start3A_83] : memref<25104x64xf32, #tpu.memory_space<vmem_shared>> -> memref<128x64xf32, #tpu.memory_space<vmem_shared>>
      %dma_start3A_85 = arith.constant 0 : i32
      %dma_start3A_86 = tpu.memref_slice %arg15[%add3A_21, %dma_start3A_85] : memref<25104x64xf32, #tpu.memory_space<vmem_shared>> -> memref<128x64xf32, #tpu.memory_space<vmem_shared>>
      tpu.enqueue_dma source(%arg14 : memref<128x64xf32, #tpu.memory_space<vmem>>) target(%dma_start3A_86 : memref<128x64xf32, #tpu.memory_space<vmem_shared>>) target_semaphore(%run_scoped3A : memref<!tpu.dma_semaphore, #tpu.memory_space<semaphore_mem>>)
      %dma_wait3A_87 = arith.constant 0 : i32
      %dma_wait3A_88 = tpu.memref_slice %arg15[%add3A_21, %dma_wait3A_87] : memref<25104x64xf32, #tpu.memory_space<vmem_shared>> -> memref<128x64xf32, #tpu.memory_space<vmem_shared>>
      %dma_wait3A_89 = arith.constant 0 : i32
      %dma_wait3A_90 = tpu.memref_slice %arg15[%add3A_21, %dma_wait3A_89] : memref<25104x64xf32, #tpu.memory_space<vmem_shared>> -> memref<128x64xf32, #tpu.memory_space<vmem_shared>>
      tpu.wait_dma2 semaphore(%run_scoped3A : memref<!tpu.dma_semaphore, #tpu.memory_space<semaphore_mem>>) src(%arg14 : memref<128x64xf32, #tpu.memory_space<vmem>>) dst(%dma_wait3A_90 : memref<128x64xf32, #tpu.memory_space<vmem_shared>>)
      tpu.yield
    }) : () -> ()
    %add3A_22 = arith.constant 896 : i32
    %add3A_23 = arith.addi %mul3A_8, %add3A_22 : i32
    "tpu.region"() ({
      %run_scoped3A = tpu.sem_alloc : memref<!tpu.dma_semaphore, #tpu.memory_space<semaphore_mem>>
      %dma_start3A_83 = arith.constant 0 : i32
      %dma_start3A_84 = tpu.memref_slice %arg15[%add3A_23, %dma_start3A_83] : memref<25104x64xf32, #tpu.memory_space<vmem_shared>> -> memref<128x64xf32, #tpu.memory_space<vmem_shared>>
      %dma_start3A_85 = arith.constant 0 : i32
      %dma_start3A_86 = tpu.memref_slice %arg15[%add3A_23, %dma_start3A_85] : memref<25104x64xf32, #tpu.memory_space<vmem_shared>> -> memref<128x64xf32, #tpu.memory_space<vmem_shared>>
      tpu.enqueue_dma source(%arg14 : memref<128x64xf32, #tpu.memory_space<vmem>>) target(%dma_start3A_86 : memref<128x64xf32, #tpu.memory_space<vmem_shared>>) target_semaphore(%run_scoped3A : memref<!tpu.dma_semaphore, #tpu.memory_space<semaphore_mem>>)
      %dma_wait3A_87 = arith.constant 0 : i32
      %dma_wait3A_88 = tpu.memref_slice %arg15[%add3A_23, %dma_wait3A_87] : memref<25104x64xf32, #tpu.memory_space<vmem_shared>> -> memref<128x64xf32, #tpu.memory_space<vmem_shared>>
      %dma_wait3A_89 = arith.constant 0 : i32
      %dma_wait3A_90 = tpu.memref_slice %arg15[%add3A_23, %dma_wait3A_89] : memref<25104x64xf32, #tpu.memory_space<vmem_shared>> -> memref<128x64xf32, #tpu.memory_space<vmem_shared>>
      tpu.wait_dma2 semaphore(%run_scoped3A : memref<!tpu.dma_semaphore, #tpu.memory_space<semaphore_mem>>) src(%arg14 : memref<128x64xf32, #tpu.memory_space<vmem>>) dst(%dma_wait3A_90 : memref<128x64xf32, #tpu.memory_space<vmem_shared>>)
      tpu.yield
    }) : () -> ()
    %add3A_24 = arith.constant 1024 : i32
    %add3A_25 = arith.addi %mul3A_8, %add3A_24 : i32
    "tpu.region"() ({
      %run_scoped3A = tpu.sem_alloc : memref<!tpu.dma_semaphore, #tpu.memory_space<semaphore_mem>>
      %dma_start3A_83 = arith.constant 0 : i32
      %dma_start3A_84 = tpu.memref_slice %arg15[%add3A_25, %dma_start3A_83] : memref<25104x64xf32, #tpu.memory_space<vmem_shared>> -> memref<128x64xf32, #tpu.memory_space<vmem_shared>>
      %dma_start3A_85 = arith.constant 0 : i32
      %dma_start3A_86 = tpu.memref_slice %arg15[%add3A_25, %dma_start3A_85] : memref<25104x64xf32, #tpu.memory_space<vmem_shared>> -> memref<128x64xf32, #tpu.memory_space<vmem_shared>>
      tpu.enqueue_dma source(%arg14 : memref<128x64xf32, #tpu.memory_space<vmem>>) target(%dma_start3A_86 : memref<128x64xf32, #tpu.memory_space<vmem_shared>>) target_semaphore(%run_scoped3A : memref<!tpu.dma_semaphore, #tpu.memory_space<semaphore_mem>>)
      %dma_wait3A_87 = arith.constant 0 : i32
      %dma_wait3A_88 = tpu.memref_slice %arg15[%add3A_25, %dma_wait3A_87] : memref<25104x64xf32, #tpu.memory_space<vmem_shared>> -> memref<128x64xf32, #tpu.memory_space<vmem_shared>>
      %dma_wait3A_89 = arith.constant 0 : i32
      %dma_wait3A_90 = tpu.memref_slice %arg15[%add3A_25, %dma_wait3A_89] : memref<25104x64xf32, #tpu.memory_space<vmem_shared>> -> memref<128x64xf32, #tpu.memory_space<vmem_shared>>
      tpu.wait_dma2 semaphore(%run_scoped3A : memref<!tpu.dma_semaphore, #tpu.memory_space<semaphore_mem>>) src(%arg14 : memref<128x64xf32, #tpu.memory_space<vmem>>) dst(%dma_wait3A_90 : memref<128x64xf32, #tpu.memory_space<vmem_shared>>)
      tpu.yield
    }) : () -> ()
    %add3A_26 = arith.constant 1152 : i32
    %add3A_27 = arith.addi %mul3A_8, %add3A_26 : i32
    "tpu.region"() ({
      %run_scoped3A = tpu.sem_alloc : memref<!tpu.dma_semaphore, #tpu.memory_space<semaphore_mem>>
      %dma_start3A_83 = arith.constant 0 : i32
      %dma_start3A_84 = tpu.memref_slice %arg15[%add3A_27, %dma_start3A_83] : memref<25104x64xf32, #tpu.memory_space<vmem_shared>> -> memref<128x64xf32, #tpu.memory_space<vmem_shared>>
      %dma_start3A_85 = arith.constant 0 : i32
      %dma_start3A_86 = tpu.memref_slice %arg15[%add3A_27, %dma_start3A_85] : memref<25104x64xf32, #tpu.memory_space<vmem_shared>> -> memref<128x64xf32, #tpu.memory_space<vmem_shared>>
      tpu.enqueue_dma source(%arg14 : memref<128x64xf32, #tpu.memory_space<vmem>>) target(%dma_start3A_86 : memref<128x64xf32, #tpu.memory_space<vmem_shared>>) target_semaphore(%run_scoped3A : memref<!tpu.dma_semaphore, #tpu.memory_space<semaphore_mem>>)
      %dma_wait3A_87 = arith.constant 0 : i32
      %dma_wait3A_88 = tpu.memref_slice %arg15[%add3A_27, %dma_wait3A_87] : memref<25104x64xf32, #tpu.memory_space<vmem_shared>> -> memref<128x64xf32, #tpu.memory_space<vmem_shared>>
      %dma_wait3A_89 = arith.constant 0 : i32
      %dma_wait3A_90 = tpu.memref_slice %arg15[%add3A_27, %dma_wait3A_89] : memref<25104x64xf32, #tpu.memory_space<vmem_shared>> -> memref<128x64xf32, #tpu.memory_space<vmem_shared>>
      tpu.wait_dma2 semaphore(%run_scoped3A : memref<!tpu.dma_semaphore, #tpu.memory_space<semaphore_mem>>) src(%arg14 : memref<128x64xf32, #tpu.memory_space<vmem>>) dst(%dma_wait3A_90 : memref<128x64xf32, #tpu.memory_space<vmem_shared>>)
      tpu.yield
    }) : () -> ()
    %add3A_28 = arith.constant 1280 : i32
    %add3A_29 = arith.addi %mul3A_8, %add3A_28 : i32
    "tpu.region"() ({
      %run_scoped3A = tpu.sem_alloc : memref<!tpu.dma_semaphore, #tpu.memory_space<semaphore_mem>>
      %dma_start3A_83 = arith.constant 0 : i32
      %dma_start3A_84 = tpu.memref_slice %arg15[%add3A_29, %dma_start3A_83] : memref<25104x64xf32, #tpu.memory_space<vmem_shared>> -> memref<128x64xf32, #tpu.memory_space<vmem_shared>>
      %dma_start3A_85 = arith.constant 0 : i32
      %dma_start3A_86 = tpu.memref_slice %arg15[%add3A_29, %dma_start3A_85] : memref<25104x64xf32, #tpu.memory_space<vmem_shared>> -> memref<128x64xf32, #tpu.memory_space<vmem_shared>>
      tpu.enqueue_dma source(%arg14 : memref<128x64xf32, #tpu.memory_space<vmem>>) target(%dma_start3A_86 : memref<128x64xf32, #tpu.memory_space<vmem_shared>>) target_semaphore(%run_scoped3A : memref<!tpu.dma_semaphore, #tpu.memory_space<semaphore_mem>>)
      %dma_wait3A_87 = arith.constant 0 : i32
      %dma_wait3A_88 = tpu.memref_slice %arg15[%add3A_29, %dma_wait3A_87] : memref<25104x64xf32, #tpu.memory_space<vmem_shared>> -> memref<128x64xf32, #tpu.memory_space<vmem_shared>>
      %dma_wait3A_89 = arith.constant 0 : i32
      %dma_wait3A_90 = tpu.memref_slice %arg15[%add3A_29, %dma_wait3A_89] : memref<25104x64xf32, #tpu.memory_space<vmem_shared>> -> memref<128x64xf32, #tpu.memory_space<vmem_shared>>
      tpu.wait_dma2 semaphore(%run_scoped3A : memref<!tpu.dma_semaphore, #tpu.memory_space<semaphore_mem>>) src(%arg14 : memref<128x64xf32, #tpu.memory_space<vmem>>) dst(%dma_wait3A_90 : memref<128x64xf32, #tpu.memory_space<vmem_shared>>)
      tpu.yield
    }) : () -> ()
    %add3A_30 = arith.constant 1408 : i32
    %add3A_31 = arith.addi %mul3A_8, %add3A_30 : i32
    "tpu.region"() ({
      %run_scoped3A = tpu.sem_alloc : memref<!tpu.dma_semaphore, #tpu.memory_space<semaphore_mem>>
      %dma_start3A_83 = arith.constant 0 : i32
      %dma_start3A_84 = tpu.memref_slice %arg15[%add3A_31, %dma_start3A_83] : memref<25104x64xf32, #tpu.memory_space<vmem_shared>> -> memref<128x64xf32, #tpu.memory_space<vmem_shared>>
      %dma_start3A_85 = arith.constant 0 : i32
      %dma_start3A_86 = tpu.memref_slice %arg15[%add3A_31, %dma_start3A_85] : memref<25104x64xf32, #tpu.memory_space<vmem_shared>> -> memref<128x64xf32, #tpu.memory_space<vmem_shared>>
      tpu.enqueue_dma source(%arg14 : memref<128x64xf32, #tpu.memory_space<vmem>>) target(%dma_start3A_86 : memref<128x64xf32, #tpu.memory_space<vmem_shared>>) target_semaphore(%run_scoped3A : memref<!tpu.dma_semaphore, #tpu.memory_space<semaphore_mem>>)
      %dma_wait3A_87 = arith.constant 0 : i32
      %dma_wait3A_88 = tpu.memref_slice %arg15[%add3A_31, %dma_wait3A_87] : memref<25104x64xf32, #tpu.memory_space<vmem_shared>> -> memref<128x64xf32, #tpu.memory_space<vmem_shared>>
      %dma_wait3A_89 = arith.constant 0 : i32
      %dma_wait3A_90 = tpu.memref_slice %arg15[%add3A_31, %dma_wait3A_89] : memref<25104x64xf32, #tpu.memory_space<vmem_shared>> -> memref<128x64xf32, #tpu.memory_space<vmem_shared>>
      tpu.wait_dma2 semaphore(%run_scoped3A : memref<!tpu.dma_semaphore, #tpu.memory_space<semaphore_mem>>) src(%arg14 : memref<128x64xf32, #tpu.memory_space<vmem>>) dst(%dma_wait3A_90 : memref<128x64xf32, #tpu.memory_space<vmem_shared>>)
      tpu.yield
    }) : () -> ()
    %add3A_32 = arith.constant 1536 : i32
    %add3A_33 = arith.addi %mul3A_8, %add3A_32 : i32
    "tpu.region"() ({
      %run_scoped3A = tpu.sem_alloc : memref<!tpu.dma_semaphore, #tpu.memory_space<semaphore_mem>>
      %dma_start3A_83 = arith.constant 0 : i32
      %dma_start3A_84 = arith.constant 0 : i32
      %dma_start3A_85 = tpu.memref_slice %arg14[%dma_start3A_83, %dma_start3A_84] : memref<128x64xf32, #tpu.memory_space<vmem>> -> memref<33x64xf32, #tpu.memory_space<vmem>>
      %dma_start3A_86 = arith.constant 0 : i32
      %dma_start3A_87 = tpu.memref_slice %arg15[%add3A_33, %dma_start3A_86] : memref<25104x64xf32, #tpu.memory_space<vmem_shared>> -> memref<33x64xf32, #tpu.memory_space<vmem_shared>>
      %dma_start3A_88 = arith.constant 0 : i32
      %dma_start3A_89 = tpu.memref_slice %arg15[%add3A_33, %dma_start3A_88] : memref<25104x64xf32, #tpu.memory_space<vmem_shared>> -> memref<33x64xf32, #tpu.memory_space<vmem_shared>>
      %dma_start3A_90 = arith.constant 0 : i32
      %dma_start3A_91 = arith.constant 0 : i32
      %dma_start3A_92 = tpu.memref_slice %arg14[%dma_start3A_90, %dma_start3A_91] : memref<128x64xf32, #tpu.memory_space<vmem>> -> memref<33x64xf32, #tpu.memory_space<vmem>>
      tpu.enqueue_dma source(%dma_start3A_92 : memref<33x64xf32, #tpu.memory_space<vmem>>) target(%dma_start3A_89 : memref<33x64xf32, #tpu.memory_space<vmem_shared>>) target_semaphore(%run_scoped3A : memref<!tpu.dma_semaphore, #tpu.memory_space<semaphore_mem>>)
      %dma_wait3A_93 = arith.constant 0 : i32
      %dma_wait3A_94 = arith.constant 0 : i32
      %dma_wait3A_95 = tpu.memref_slice %arg14[%dma_wait3A_93, %dma_wait3A_94] : memref<128x64xf32, #tpu.memory_space<vmem>> -> memref<33x64xf32, #tpu.memory_space<vmem>>
      %dma_wait3A_96 = arith.constant 0 : i32
      %dma_wait3A_97 = tpu.memref_slice %arg15[%add3A_33, %dma_wait3A_96] : memref<25104x64xf32, #tpu.memory_space<vmem_shared>> -> memref<33x64xf32, #tpu.memory_space<vmem_shared>>
      %dma_wait3A_98 = arith.constant 0 : i32
      %dma_wait3A_99 = tpu.memref_slice %arg15[%add3A_33, %dma_wait3A_98] : memref<25104x64xf32, #tpu.memory_space<vmem_shared>> -> memref<33x64xf32, #tpu.memory_space<vmem_shared>>
      %dma_wait3A_100 = arith.constant 0 : i32
      %dma_wait3A_101 = arith.constant 0 : i32
      %dma_wait3A_102 = tpu.memref_slice %arg14[%dma_wait3A_100, %dma_wait3A_101] : memref<128x64xf32, #tpu.memory_space<vmem>> -> memref<33x64xf32, #tpu.memory_space<vmem>>
      tpu.wait_dma2 semaphore(%run_scoped3A : memref<!tpu.dma_semaphore, #tpu.memory_space<semaphore_mem>>) src(%dma_wait3A_102 : memref<33x64xf32, #tpu.memory_space<vmem>>) dst(%dma_wait3A_99 : memref<33x64xf32, #tpu.memory_space<vmem_shared>>)
      tpu.yield
    }) : () -> ()
    %barrier3A = arith.constant 0 : index
    tpu.barrier barrier_id(%barrier3A)
    %mul3A_34 = arith.constant 160 : i32
    %mul3A_35 = arith.muli %arg1, %mul3A_34 : i32
    %add3A_36 = arith.constant 0 : i32
    %add3A_37 = arith.addi %mul3A_35, %add3A_36 : i32
    %mul3A_38 = arith.constant 320 : i32
    %mul3A_39 = arith.muli %add3A_37, %mul3A_38 : i32
    %dma_start3A = tpu.memref_slice %arg3[%mul3A_39] : memref<819200xi32, #tpu.memory_space<hbm>> -> memref<320xi32, #tpu.memory_space<hbm>>
    %dma_start3A_40 = tpu.memref_slice %arg3[%mul3A_39] : memref<819200xi32, #tpu.memory_space<hbm>> -> memref<320xi32, #tpu.memory_space<hbm>>
    tpu.enqueue_dma source(%dma_start3A_40 : memref<320xi32, #tpu.memory_space<hbm>>) target(%arg6 : memref<320xi32, #tpu.memory_space<vmem>>) target_semaphore(%arg20 : memref<!tpu.dma_semaphore, #tpu.memory_space<semaphore_mem>>)
    %mul3A_41 = arith.constant 160 : i32
    %mul3A_42 = arith.muli %arg1, %mul3A_41 : i32
    %add3A_43 = arith.constant 0 : i32
    %add3A_44 = arith.addi %mul3A_42, %add3A_43 : i32
    %mul3A_45 = arith.constant 320 : i32
    %mul3A_46 = arith.muli %add3A_44, %mul3A_45 : i32
    %dma_start3A_47 = tpu.memref_slice %arg4[%mul3A_46] : memref<819200xi32, #tpu.memory_space<hbm>> -> memref<320xi32, #tpu.memory_space<hbm>>
    %dma_start3A_48 = tpu.memref_slice %arg4[%mul3A_46] : memref<819200xi32, #tpu.memory_space<hbm>> -> memref<320xi32, #tpu.memory_space<hbm>>
    tpu.enqueue_dma source(%dma_start3A_48 : memref<320xi32, #tpu.memory_space<hbm>>) target(%arg8 : memref<320xi32, #tpu.memory_space<vmem>>) target_semaphore(%arg20 : memref<!tpu.dma_semaphore, #tpu.memory_space<semaphore_mem>>)
    %mul3A_49 = arith.constant 160 : i32
    %mul3A_50 = arith.muli %arg1, %mul3A_49 : i32
    %add3A_51 = arith.constant 1 : i32
    %add3A_52 = arith.addi %mul3A_50, %add3A_51 : i32
    %mul3A_53 = arith.constant 320 : i32
    %mul3A_54 = arith.muli %add3A_52, %mul3A_53 : i32
    %dma_start3A_55 = tpu.memref_slice %arg3[%mul3A_54] : memref<819200xi32, #tpu.memory_space<hbm>> -> memref<320xi32, #tpu.memory_space<hbm>>
    %dma_start3A_56 = tpu.memref_slice %arg3[%mul3A_54] : memref<819200xi32, #tpu.memory_space<hbm>> -> memref<320xi32, #tpu.memory_space<hbm>>
    tpu.enqueue_dma source(%dma_start3A_56 : memref<320xi32, #tpu.memory_space<hbm>>) target(%arg7 : memref<320xi32, #tpu.memory_space<vmem>>) target_semaphore(%arg21 : memref<!tpu.dma_semaphore, #tpu.memory_space<semaphore_mem>>)
    %mul3A_57 = arith.constant 160 : i32
    %mul3A_58 = arith.muli %arg1, %mul3A_57 : i32
    %add3A_59 = arith.constant 1 : i32
    %add3A_60 = arith.addi %mul3A_58, %add3A_59 : i32
    %mul3A_61 = arith.constant 320 : i32
    %mul3A_62 = arith.muli %add3A_60, %mul3A_61 : i32
    %dma_start3A_63 = tpu.memref_slice %arg4[%mul3A_62] : memref<819200xi32, #tpu.memory_space<hbm>> -> memref<320xi32, #tpu.memory_space<hbm>>
    %dma_start3A_64 = tpu.memref_slice %arg4[%mul3A_62] : memref<819200xi32, #tpu.memory_space<hbm>> -> memref<320xi32, #tpu.memory_space<hbm>>
    tpu.enqueue_dma source(%dma_start3A_64 : memref<320xi32, #tpu.memory_space<hbm>>) target(%arg9 : memref<320xi32, #tpu.memory_space<vmem>>) target_semaphore(%arg21 : memref<!tpu.dma_semaphore, #tpu.memory_space<semaphore_mem>>)
    %scan3A_65 = arith.constant 0 : i32
    %scan3A_66 = arith.constant 0 : i32
    %scan3A_67 = arith.constant 80 : i32
    %scan3A_68 = arith.addi %scan3A_66, %scan3A_67 : i32
    %scan3A_69 = arith.constant 1 : i32
    scf.for %scan3A_83 = %scan3A_66 to %scan3A_68 step %scan3A_69  : i32 {
      %mul3A_84 = arith.constant 2 : i32
      %mul3A_85 = arith.muli %mul3A_84, %scan3A_83 : i32
      %add3A_86 = arith.constant 0 : i32
      %add3A_87 = arith.addi %mul3A_85, %add3A_86 : i32
      %dma_wait3A_88 = arith.constant 0 : i32
      %dma_wait3A_89 = tpu.memref_slice %arg3[%dma_wait3A_88] : memref<819200xi32, #tpu.memory_space<hbm>> -> memref<320xi32, #tpu.memory_space<hbm>>
      %dma_wait3A_90 = arith.constant 0 : i32
      %dma_wait3A_91 = tpu.memref_slice %arg3[%dma_wait3A_90] : memref<819200xi32, #tpu.memory_space<hbm>> -> memref<320xi32, #tpu.memory_space<hbm>>
      tpu.wait_dma2 semaphore(%arg20 : memref<!tpu.dma_semaphore, #tpu.memory_space<semaphore_mem>>) src(%dma_wait3A_91 : memref<320xi32, #tpu.memory_space<hbm>>) dst(%arg6 : memref<320xi32, #tpu.memory_space<vmem>>)
      %dma_wait3A_92 = arith.constant 0 : i32
      %dma_wait3A_93 = tpu.memref_slice %arg4[%dma_wait3A_92] : memref<819200xi32, #tpu.memory_space<hbm>> -> memref<320xi32, #tpu.memory_space<hbm>>
      %dma_wait3A_94 = arith.constant 0 : i32
      %dma_wait3A_95 = tpu.memref_slice %arg4[%dma_wait3A_94] : memref<819200xi32, #tpu.memory_space<hbm>> -> memref<320xi32, #tpu.memory_space<hbm>>
      tpu.wait_dma2 semaphore(%arg20 : memref<!tpu.dma_semaphore, #tpu.memory_space<semaphore_mem>>) src(%dma_wait3A_95 : memref<320xi32, #tpu.memory_space<hbm>>) dst(%arg8 : memref<320xi32, #tpu.memory_space<vmem>>)
      %gt3A = arith.constant 0 : i32
      %gt3A_96 = arith.cmpi sgt, %add3A_87, %gt3A : i32
      %convert_element_type3A_97 = arith.extui %gt3A_96 : i1 to i32
      %cond3A_98 = arith.constant 0 : i32
      %cond3A_99 = arith.cmpi ne, %convert_element_type3A_97, %cond3A_98 : i32
      scf.if %cond3A_99 {
        %dma_wait3A_868 = arith.constant 0 : i32
        %dma_wait3A_869 = arith.constant 0 : i32
        %dma_wait3A_870 = tpu.memref_slice %arg15[%dma_wait3A_868, %dma_wait3A_869] : memref<25104x64xf32, #tpu.memory_space<vmem_shared>> -> memref<25104x64xf32, #tpu.memory_space<vmem_shared>>
        tpu.wait_indirect_dma semaphore(%arg18 : memref<!tpu.dma_semaphore, #tpu.memory_space<semaphore_mem>>) src(%arg12 : memref<160x64xf32, #tpu.memory_space<vmem>>) dst(%dma_wait3A_870 : memref<25104x64xf32, #tpu.memory_space<vmem_shared>>)
      } else {
      }
      %dma_start3A_100 = arith.constant 0 : i32
      %dma_start3A_101 = tpu.memref_slice %arg6[%dma_start3A_100] : memref<320xi32, #tpu.memory_space<vmem>> -> memref<160xi32, #tpu.memory_space<vmem>>
      %dma_start3A_102 = arith.constant 0 : i32
      %dma_start3A_103 = arith.constant 0 : i32
      %dma_start3A_104 = tpu.memref_slice %arg2[%dma_start3A_102, %dma_start3A_103] : memref<50000x64xf32, #tpu.memory_space<hbm>> -> memref<50000x64xf32, #tpu.memory_space<hbm>>
      tpu.enqueue_indirect_dma source(%dma_start3A_104 : memref<50000x64xf32, #tpu.memory_space<hbm>>) target(%arg12 : memref<160x64xf32, #tpu.memory_space<vmem>>) offsets(%dma_start3A_101 : memref<160xi32, #tpu.memory_space<vmem>>) semaphore(%arg16 : memref<!tpu.dma_semaphore, #tpu.memory_space<semaphore_mem>>)
      %gt3A_105 = arith.constant 0 : i32
      %gt3A_106 = arith.cmpi sgt, %add3A_87, %gt3A_105 : i32
      %convert_element_type3A_107 = arith.extui %gt3A_106 : i1 to i32
      %cond3A_108 = arith.constant 0 : i32
      %cond3A_109 = arith.cmpi ne, %convert_element_type3A_107, %cond3A_108 : i32
      scf.if %cond3A_109 {
        %dma_wait3A_868 = arith.constant 0 : i32
        %dma_wait3A_869 = arith.constant 0 : i32
        %dma_wait3A_870 = tpu.memref_slice %arg15[%dma_wait3A_868, %dma_wait3A_869] : memref<25104x64xf32, #tpu.memory_space<vmem_shared>> -> memref<25104x64xf32, #tpu.memory_space<vmem_shared>>
        tpu.wait_indirect_dma semaphore(%arg19 : memref<!tpu.dma_semaphore, #tpu.memory_space<semaphore_mem>>) src(%arg13 : memref<160x64xf32, #tpu.memory_space<vmem>>) dst(%dma_wait3A_870 : memref<25104x64xf32, #tpu.memory_space<vmem_shared>>)
      } else {
      }
      %dma_start3A_110 = arith.constant 160 : i32
      %dma_start3A_111 = tpu.memref_slice %arg6[%dma_start3A_110] : memref<320xi32, #tpu.memory_space<vmem>> -> memref<160xi32, #tpu.memory_space<vmem>>
      %dma_start3A_112 = arith.constant 0 : i32
      %dma_start3A_113 = arith.constant 0 : i32
      %dma_start3A_114 = tpu.memref_slice %arg2[%dma_start3A_112, %dma_start3A_113] : memref<50000x64xf32, #tpu.memory_space<hbm>> -> memref<50000x64xf32, #tpu.memory_space<hbm>>
      tpu.enqueue_indirect_dma source(%dma_start3A_114 : memref<50000x64xf32, #tpu.memory_space<hbm>>) target(%arg13 : memref<160x64xf32, #tpu.memory_space<vmem>>) offsets(%dma_start3A_111 : memref<160xi32, #tpu.memory_space<vmem>>) semaphore(%arg17 : memref<!tpu.dma_semaphore, #tpu.memory_space<semaphore_mem>>)
      %get3A = arith.constant 0 : index
      %get3A_115 = tpu.vector_load %arg8[%get3A] {strides = array<i32>} : memref<320xi32, #tpu.memory_space<vmem>>, vector<16xi32>,
      %sub3A = vector.broadcast %mul3A_6 : i32 to vector<16xi32>
      %sub3A_116 = arith.subi %get3A_115, %sub3A : vector<16xi32>
      %lt3A_117 = arith.constant 0 : i32
      %lt3A_118 = vector.broadcast %lt3A_117 : i32 to vector<16xi32>
      %lt3A_119 = arith.cmpi slt, %sub3A_116, %lt3A_118 : vector<16xi32>
      %ge3A_120 = arith.constant 25000 : i32
      %ge3A_121 = vector.broadcast %ge3A_120 : i32 to vector<16xi32>
      %ge3A_122 = arith.cmpi sge, %sub3A_116, %ge3A_121 : vector<16xi32>
      %or3A = arith.ori %lt3A_119, %ge3A_122 : vector<16xi1>
      %add3A_123 = arith.constant 25000 : i32
      %add3A_124 = arith.addi %add3A_123, %arg1 : i32
      %broadcast_in_dim3A_125 = vector.broadcast %add3A_124 : i32 to vector<16xi32>
      %select_n3A = arith.select %or3A, %broadcast_in_dim3A_125, %sub3A_116 : vector<16xi1>, vector<16xi32>
      %swap3A = arith.constant 0 : index
      %swap3A_126 = tpu.vector_load %arg10[%swap3A] {strides = array<i32>} : memref<160xi32, #tpu.memory_space<vmem>>, vector<16xi32>,
      tpu.vector_store %arg10[%swap3A], %select_n3A {strides = array<i32>} : memref<160xi32, #tpu.memory_space<vmem>>, vector<16xi32>,
      %get3A_127 = arith.constant 16 : index
      %get3A_128 = tpu.vector_load %arg8[%get3A_127] {strides = array<i32>} : memref<320xi32, #tpu.memory_space<vmem>>, vector<16xi32>,
      %sub3A_129 = vector.broadcast %mul3A_6 : i32 to vector<16xi32>
      %sub3A_130 = arith.subi %get3A_128, %sub3A_129 : vector<16xi32>
      %lt3A_131 = arith.constant 0 : i32
      %lt3A_132 = vector.broadcast %lt3A_131 : i32 to vector<16xi32>
      %lt3A_133 = arith.cmpi slt, %sub3A_130, %lt3A_132 : vector<16xi32>
      %ge3A_134 = arith.constant 25000 : i32
      %ge3A_135 = vector.broadcast %ge3A_134 : i32 to vector<16xi32>
      %ge3A_136 = arith.cmpi sge, %sub3A_130, %ge3A_135 : vector<16xi32>
      %or3A_137 = arith.ori %lt3A_133, %ge3A_136 : vector<16xi1>
      %add3A_138 = arith.constant 25000 : i32
      %add3A_139 = arith.addi %add3A_138, %arg1 : i32
      %broadcast_in_dim3A_140 = vector.broadcast %add3A_139 : i32 to vector<16xi32>
      %select_n3A_141 = arith.select %or3A_137, %broadcast_in_dim3A_140, %sub3A_130 : vector<16xi1>, vector<16xi32>
      %swap3A_142 = arith.constant 16 : index
      %swap3A_143 = tpu.vector_load %arg10[%swap3A_142] {strides = array<i32>} : memref<160xi32, #tpu.memory_space<vmem>>, vector<16xi32>,
      tpu.vector_store %arg10[%swap3A_142], %select_n3A_141 {strides = array<i32>} : memref<160xi32, #tpu.memory_space<vmem>>, vector<16xi32>,
      %get3A_144 = arith.constant 32 : index
      %get3A_145 = tpu.vector_load %arg8[%get3A_144] {strides = array<i32>} : memref<320xi32, #tpu.memory_space<vmem>>, vector<16xi32>,
      %sub3A_146 = vector.broadcast %mul3A_6 : i32 to vector<16xi32>
      %sub3A_147 = arith.subi %get3A_145, %sub3A_146 : vector<16xi32>
      %lt3A_148 = arith.constant 0 : i32
      %lt3A_149 = vector.broadcast %lt3A_148 : i32 to vector<16xi32>
      %lt3A_150 = arith.cmpi slt, %sub3A_147, %lt3A_149 : vector<16xi32>
      %ge3A_151 = arith.constant 25000 : i32
      %ge3A_152 = vector.broadcast %ge3A_151 : i32 to vector<16xi32>
      %ge3A_153 = arith.cmpi sge, %sub3A_147, %ge3A_152 : vector<16xi32>
      %or3A_154 = arith.ori %lt3A_150, %ge3A_153 : vector<16xi1>
      %add3A_155 = arith.constant 25000 : i32
      %add3A_156 = arith.addi %add3A_155, %arg1 : i32
      %broadcast_in_dim3A_157 = vector.broadcast %add3A_156 : i32 to vector<16xi32>
      %select_n3A_158 = arith.select %or3A_154, %broadcast_in_dim3A_157, %sub3A_147 : vector<16xi1>, vector<16xi32>
      %swap3A_159 = arith.constant 32 : index
      %swap3A_160 = tpu.vector_load %arg10[%swap3A_159] {strides = array<i32>} : memref<160xi32, #tpu.memory_space<vmem>>, vector<16xi32>,
      tpu.vector_store %arg10[%swap3A_159], %select_n3A_158 {strides = array<i32>} : memref<160xi32, #tpu.memory_space<vmem>>, vector<16xi32>,
      %get3A_161 = arith.constant 48 : index
      %get3A_162 = tpu.vector_load %arg8[%get3A_161] {strides = array<i32>} : memref<320xi32, #tpu.memory_space<vmem>>, vector<16xi32>,
      %sub3A_163 = vector.broadcast %mul3A_6 : i32 to vector<16xi32>
      %sub3A_164 = arith.subi %get3A_162, %sub3A_163 : vector<16xi32>
      %lt3A_165 = arith.constant 0 : i32
      %lt3A_166 = vector.broadcast %lt3A_165 : i32 to vector<16xi32>
      %lt3A_167 = arith.cmpi slt, %sub3A_164, %lt3A_166 : vector<16xi32>
      %ge3A_168 = arith.constant 25000 : i32
      %ge3A_169 = vector.broadcast %ge3A_168 : i32 to vector<16xi32>
      %ge3A_170 = arith.cmpi sge, %sub3A_164, %ge3A_169 : vector<16xi32>
      %or3A_171 = arith.ori %lt3A_167, %ge3A_170 : vector<16xi1>
      %add3A_172 = arith.constant 25000 : i32
      %add3A_173 = arith.addi %add3A_172, %arg1 : i32
      %broadcast_in_dim3A_174 = vector.broadcast %add3A_173 : i32 to vector<16xi32>
      %select_n3A_175 = arith.select %or3A_171, %broadcast_in_dim3A_174, %sub3A_164 : vector<16xi1>, vector<16xi32>
      %swap3A_176 = arith.constant 48 : index
      %swap3A_177 = tpu.vector_load %arg10[%swap3A_176] {strides = array<i32>} : memref<160xi32, #tpu.memory_space<vmem>>, vector<16xi32>,
      tpu.vector_store %arg10[%swap3A_176], %select_n3A_175 {strides = array<i32>} : memref<160xi32, #tpu.memory_space<vmem>>, vector<16xi32>,
      %get3A_178 = arith.constant 64 : index
      %get3A_179 = tpu.vector_load %arg8[%get3A_178] {strides = array<i32>} : memref<320xi32, #tpu.memory_space<vmem>>, vector<16xi32>,
      %sub3A_180 = vector.broadcast %mul3A_6 : i32 to vector<16xi32>
      %sub3A_181 = arith.subi %get3A_179, %sub3A_180 : vector<16xi32>
      %lt3A_182 = arith.constant 0 : i32
      %lt3A_183 = vector.broadcast %lt3A_182 : i32 to vector<16xi32>
      %lt3A_184 = arith.cmpi slt, %sub3A_181, %lt3A_183 : vector<16xi32>
      %ge3A_185 = arith.constant 25000 : i32
      %ge3A_186 = vector.broadcast %ge3A_185 : i32 to vector<16xi32>
      %ge3A_187 = arith.cmpi sge, %sub3A_181, %ge3A_186 : vector<16xi32>
      %or3A_188 = arith.ori %lt3A_184, %ge3A_187 : vector<16xi1>
      %add3A_189 = arith.constant 25000 : i32
      %add3A_190 = arith.addi %add3A_189, %arg1 : i32
      %broadcast_in_dim3A_191 = vector.broadcast %add3A_190 : i32 to vector<16xi32>
      %select_n3A_192 = arith.select %or3A_188, %broadcast_in_dim3A_191, %sub3A_181 : vector<16xi1>, vector<16xi32>
      %swap3A_193 = arith.constant 64 : index
      %swap3A_194 = tpu.vector_load %arg10[%swap3A_193] {strides = array<i32>} : memref<160xi32, #tpu.memory_space<vmem>>, vector<16xi32>,
      tpu.vector_store %arg10[%swap3A_193], %select_n3A_192 {strides = array<i32>} : memref<160xi32, #tpu.memory_space<vmem>>, vector<16xi32>,
      %get3A_195 = arith.constant 80 : index
      %get3A_196 = tpu.vector_load %arg8[%get3A_195] {strides = array<i32>} : memref<320xi32, #tpu.memory_space<vmem>>, vector<16xi32>,
      %sub3A_197 = vector.broadcast %mul3A_6 : i32 to vector<16xi32>
      %sub3A_198 = arith.subi %get3A_196, %sub3A_197 : vector<16xi32>
      %lt3A_199 = arith.constant 0 : i32
      %lt3A_200 = vector.broadcast %lt3A_199 : i32 to vector<16xi32>
      %lt3A_201 = arith.cmpi slt, %sub3A_198, %lt3A_200 : vector<16xi32>
      %ge3A_202 = arith.constant 25000 : i32
      %ge3A_203 = vector.broadcast %ge3A_202 : i32 to vector<16xi32>
      %ge3A_204 = arith.cmpi sge, %sub3A_198, %ge3A_203 : vector<16xi32>
      %or3A_205 = arith.ori %lt3A_201, %ge3A_204 : vector<16xi1>
      %add3A_206 = arith.constant 25000 : i32
      %add3A_207 = arith.addi %add3A_206, %arg1 : i32
      %broadcast_in_dim3A_208 = vector.broadcast %add3A_207 : i32 to vector<16xi32>
      %select_n3A_209 = arith.select %or3A_205, %broadcast_in_dim3A_208, %sub3A_198 : vector<16xi1>, vector<16xi32>
      %swap3A_210 = arith.constant 80 : index
      %swap3A_211 = tpu.vector_load %arg10[%swap3A_210] {strides = array<i32>} : memref<160xi32, #tpu.memory_space<vmem>>, vector<16xi32>,
      tpu.vector_store %arg10[%swap3A_210], %select_n3A_209 {strides = array<i32>} : memref<160xi32, #tpu.memory_space<vmem>>, vector<16xi32>,
      %get3A_212 = arith.constant 96 : index
      %get3A_213 = tpu.vector_load %arg8[%get3A_212] {strides = array<i32>} : memref<320xi32, #tpu.memory_space<vmem>>, vector<16xi32>,
      %sub3A_214 = vector.broadcast %mul3A_6 : i32 to vector<16xi32>
      %sub3A_215 = arith.subi %get3A_213, %sub3A_214 : vector<16xi32>
      %lt3A_216 = arith.constant 0 : i32
      %lt3A_217 = vector.broadcast %lt3A_216 : i32 to vector<16xi32>
      %lt3A_218 = arith.cmpi slt, %sub3A_215, %lt3A_217 : vector<16xi32>
      %ge3A_219 = arith.constant 25000 : i32
      %ge3A_220 = vector.broadcast %ge3A_219 : i32 to vector<16xi32>
      %ge3A_221 = arith.cmpi sge, %sub3A_215, %ge3A_220 : vector<16xi32>
      %or3A_222 = arith.ori %lt3A_218, %ge3A_221 : vector<16xi1>
      %add3A_223 = arith.constant 25000 : i32
      %add3A_224 = arith.addi %add3A_223, %arg1 : i32
      %broadcast_in_dim3A_225 = vector.broadcast %add3A_224 : i32 to vector<16xi32>
      %select_n3A_226 = arith.select %or3A_222, %broadcast_in_dim3A_225, %sub3A_215 : vector<16xi1>, vector<16xi32>
      %swap3A_227 = arith.constant 96 : index
      %swap3A_228 = tpu.vector_load %arg10[%swap3A_227] {strides = array<i32>} : memref<160xi32, #tpu.memory_space<vmem>>, vector<16xi32>,
      tpu.vector_store %arg10[%swap3A_227], %select_n3A_226 {strides = array<i32>} : memref<160xi32, #tpu.memory_space<vmem>>, vector<16xi32>,
      %get3A_229 = arith.constant 112 : index
      %get3A_230 = tpu.vector_load %arg8[%get3A_229] {strides = array<i32>} : memref<320xi32, #tpu.memory_space<vmem>>, vector<16xi32>,
      %sub3A_231 = vector.broadcast %mul3A_6 : i32 to vector<16xi32>
      %sub3A_232 = arith.subi %get3A_230, %sub3A_231 : vector<16xi32>
      %lt3A_233 = arith.constant 0 : i32
      %lt3A_234 = vector.broadcast %lt3A_233 : i32 to vector<16xi32>
      %lt3A_235 = arith.cmpi slt, %sub3A_232, %lt3A_234 : vector<16xi32>
      %ge3A_236 = arith.constant 25000 : i32
      %ge3A_237 = vector.broadcast %ge3A_236 : i32 to vector<16xi32>
      %ge3A_238 = arith.cmpi sge, %sub3A_232, %ge3A_237 : vector<16xi32>
      %or3A_239 = arith.ori %lt3A_235, %ge3A_238 : vector<16xi1>
      %add3A_240 = arith.constant 25000 : i32
      %add3A_241 = arith.addi %add3A_240, %arg1 : i32
      %broadcast_in_dim3A_242 = vector.broadcast %add3A_241 : i32 to vector<16xi32>
      %select_n3A_243 = arith.select %or3A_239, %broadcast_in_dim3A_242, %sub3A_232 : vector<16xi1>, vector<16xi32>
      %swap3A_244 = arith.constant 112 : index
      %swap3A_245 = tpu.vector_load %arg10[%swap3A_244] {strides = array<i32>} : memref<160xi32, #tpu.memory_space<vmem>>, vector<16xi32>,
      tpu.vector_store %arg10[%swap3A_244], %select_n3A_243 {strides = array<i32>} : memref<160xi32, #tpu.memory_space<vmem>>, vector<16xi32>,
      %get3A_246 = arith.constant 128 : index
      %get3A_247 = tpu.vector_load %arg8[%get3A_246] {strides = array<i32>} : memref<320xi32, #tpu.memory_space<vmem>>, vector<16xi32>,
      %sub3A_248 = vector.broadcast %mul3A_6 : i32 to vector<16xi32>
      %sub3A_249 = arith.subi %get3A_247, %sub3A_248 : vector<16xi32>
      %lt3A_250 = arith.constant 0 : i32
      %lt3A_251 = vector.broadcast %lt3A_250 : i32 to vector<16xi32>
      %lt3A_252 = arith.cmpi slt, %sub3A_249, %lt3A_251 : vector<16xi32>
      %ge3A_253 = arith.constant 25000 : i32
      %ge3A_254 = vector.broadcast %ge3A_253 : i32 to vector<16xi32>
      %ge3A_255 = arith.cmpi sge, %sub3A_249, %ge3A_254 : vector<16xi32>
      %or3A_256 = arith.ori %lt3A_252, %ge3A_255 : vector<16xi1>
      %add3A_257 = arith.constant 25000 : i32
      %add3A_258 = arith.addi %add3A_257, %arg1 : i32
      %broadcast_in_dim3A_259 = vector.broadcast %add3A_258 : i32 to vector<16xi32>
      %select_n3A_260 = arith.select %or3A_256, %broadcast_in_dim3A_259, %sub3A_249 : vector<16xi1>, vector<16xi32>
      %swap3A_261 = arith.constant 128 : index
      %swap3A_262 = tpu.vector_load %arg10[%swap3A_261] {strides = array<i32>} : memref<160xi32, #tpu.memory_space<vmem>>, vector<16xi32>,
      tpu.vector_store %arg10[%swap3A_261], %select_n3A_260 {strides = array<i32>} : memref<160xi32, #tpu.memory_space<vmem>>, vector<16xi32>,
      %get3A_263 = arith.constant 144 : index
      %get3A_264 = tpu.vector_load %arg8[%get3A_263] {strides = array<i32>} : memref<320xi32, #tpu.memory_space<vmem>>, vector<16xi32>,
      %sub3A_265 = vector.broadcast %mul3A_6 : i32 to vector<16xi32>
      %sub3A_266 = arith.subi %get3A_264, %sub3A_265 : vector<16xi32>
      %lt3A_267 = arith.constant 0 : i32
      %lt3A_268 = vector.broadcast %lt3A_267 : i32 to vector<16xi32>
      %lt3A_269 = arith.cmpi slt, %sub3A_266, %lt3A_268 : vector<16xi32>
      %ge3A_270 = arith.constant 25000 : i32
      %ge3A_271 = vector.broadcast %ge3A_270 : i32 to vector<16xi32>
      %ge3A_272 = arith.cmpi sge, %sub3A_266, %ge3A_271 : vector<16xi32>
      %or3A_273 = arith.ori %lt3A_269, %ge3A_272 : vector<16xi1>
      %add3A_274 = arith.constant 25000 : i32
      %add3A_275 = arith.addi %add3A_274, %arg1 : i32
      %broadcast_in_dim3A_276 = vector.broadcast %add3A_275 : i32 to vector<16xi32>
      %select_n3A_277 = arith.select %or3A_273, %broadcast_in_dim3A_276, %sub3A_266 : vector<16xi1>, vector<16xi32>
      %swap3A_278 = arith.constant 144 : index
      %swap3A_279 = tpu.vector_load %arg10[%swap3A_278] {strides = array<i32>} : memref<160xi32, #tpu.memory_space<vmem>>, vector<16xi32>,
      tpu.vector_store %arg10[%swap3A_278], %select_n3A_277 {strides = array<i32>} : memref<160xi32, #tpu.memory_space<vmem>>, vector<16xi32>,
      %dma_wait3A_280 = arith.constant 0 : i32
      %dma_wait3A_281 = tpu.memref_slice %arg6[%dma_wait3A_280] : memref<320xi32, #tpu.memory_space<vmem>> -> memref<160xi32, #tpu.memory_space<vmem>>
      %dma_wait3A_282 = arith.constant 0 : i32
      %dma_wait3A_283 = arith.constant 0 : i32
      %dma_wait3A_284 = tpu.memref_slice %arg2[%dma_wait3A_282, %dma_wait3A_283] : memref<50000x64xf32, #tpu.memory_space<hbm>> -> memref<50000x64xf32, #tpu.memory_space<hbm>>
      tpu.wait_indirect_dma semaphore(%arg16 : memref<!tpu.dma_semaphore, #tpu.memory_space<semaphore_mem>>) src(%dma_wait3A_284 : memref<50000x64xf32, #tpu.memory_space<hbm>>) dst(%arg12 : memref<160x64xf32, #tpu.memory_space<vmem>>)
      %dma_start3A_285 = arith.constant 0 : i32
      %dma_start3A_286 = arith.constant 0 : i32
      %dma_start3A_287 = tpu.memref_slice %arg15[%dma_start3A_285, %dma_start3A_286] : memref<25104x64xf32, #tpu.memory_space<vmem_shared>> -> memref<25104x64xf32, #tpu.memory_space<vmem_shared>>
      tpu.enqueue_indirect_dma source(%arg12 : memref<160x64xf32, #tpu.memory_space<vmem>>) target(%dma_start3A_287 : memref<25104x64xf32, #tpu.memory_space<vmem_shared>>) offsets(%arg10 : memref<160xi32, #tpu.memory_space<vmem>>) semaphore(%arg18 : memref<!tpu.dma_semaphore, #tpu.memory_space<semaphore_mem>>) {add = true}
      %get3A_288 = arith.constant 160 : index
      %get3A_289 = tpu.vector_load %arg8[%get3A_288] {strides = array<i32>} : memref<320xi32, #tpu.memory_space<vmem>>, vector<16xi32>,
      %sub3A_290 = vector.broadcast %mul3A_6 : i32 to vector<16xi32>
      %sub3A_291 = arith.subi %get3A_289, %sub3A_290 : vector<16xi32>
      %lt3A_292 = arith.constant 0 : i32
      %lt3A_293 = vector.broadcast %lt3A_292 : i32 to vector<16xi32>
      %lt3A_294 = arith.cmpi slt, %sub3A_291, %lt3A_293 : vector<16xi32>
      %ge3A_295 = arith.constant 25000 : i32
      %ge3A_296 = vector.broadcast %ge3A_295 : i32 to vector<16xi32>
      %ge3A_297 = arith.cmpi sge, %sub3A_291, %ge3A_296 : vector<16xi32>
      %or3A_298 = arith.ori %lt3A_294, %ge3A_297 : vector<16xi1>
      %add3A_299 = arith.constant 25000 : i32
      %add3A_300 = arith.addi %add3A_299, %arg1 : i32
      %broadcast_in_dim3A_301 = vector.broadcast %add3A_300 : i32 to vector<16xi32>
      %select_n3A_302 = arith.select %or3A_298, %broadcast_in_dim3A_301, %sub3A_291 : vector<16xi1>, vector<16xi32>
      %swap3A_303 = arith.constant 0 : index
      %swap3A_304 = tpu.vector_load %arg11[%swap3A_303] {strides = array<i32>} : memref<160xi32, #tpu.memory_space<vmem>>, vector<16xi32>,
      tpu.vector_store %arg11[%swap3A_303], %select_n3A_302 {strides = array<i32>} : memref<160xi32, #tpu.memory_space<vmem>>, vector<16xi32>,
      %get3A_305 = arith.constant 176 : index
      %get3A_306 = tpu.vector_load %arg8[%get3A_305] {strides = array<i32>} : memref<320xi32, #tpu.memory_space<vmem>>, vector<16xi32>,
      %sub3A_307 = vector.broadcast %mul3A_6 : i32 to vector<16xi32>
      %sub3A_308 = arith.subi %get3A_306, %sub3A_307 : vector<16xi32>
      %lt3A_309 = arith.constant 0 : i32
      %lt3A_310 = vector.broadcast %lt3A_309 : i32 to vector<16xi32>
      %lt3A_311 = arith.cmpi slt, %sub3A_308, %lt3A_310 : vector<16xi32>
      %ge3A_312 = arith.constant 25000 : i32
      %ge3A_313 = vector.broadcast %ge3A_312 : i32 to vector<16xi32>
      %ge3A_314 = arith.cmpi sge, %sub3A_308, %ge3A_313 : vector<16xi32>
      %or3A_315 = arith.ori %lt3A_311, %ge3A_314 : vector<16xi1>
      %add3A_316 = arith.constant 25000 : i32
      %add3A_317 = arith.addi %add3A_316, %arg1 : i32
      %broadcast_in_dim3A_318 = vector.broadcast %add3A_317 : i32 to vector<16xi32>
      %select_n3A_319 = arith.select %or3A_315, %broadcast_in_dim3A_318, %sub3A_308 : vector<16xi1>, vector<16xi32>
      %swap3A_320 = arith.constant 16 : index
      %swap3A_321 = tpu.vector_load %arg11[%swap3A_320] {strides = array<i32>} : memref<160xi32, #tpu.memory_space<vmem>>, vector<16xi32>,
      tpu.vector_store %arg11[%swap3A_320], %select_n3A_319 {strides = array<i32>} : memref<160xi32, #tpu.memory_space<vmem>>, vector<16xi32>,
      %get3A_322 = arith.constant 192 : index
      %get3A_323 = tpu.vector_load %arg8[%get3A_322] {strides = array<i32>} : memref<320xi32, #tpu.memory_space<vmem>>, vector<16xi32>,
      %sub3A_324 = vector.broadcast %mul3A_6 : i32 to vector<16xi32>
      %sub3A_325 = arith.subi %get3A_323, %sub3A_324 : vector<16xi32>
      %lt3A_326 = arith.constant 0 : i32
      %lt3A_327 = vector.broadcast %lt3A_326 : i32 to vector<16xi32>
      %lt3A_328 = arith.cmpi slt, %sub3A_325, %lt3A_327 : vector<16xi32>
      %ge3A_329 = arith.constant 25000 : i32
      %ge3A_330 = vector.broadcast %ge3A_329 : i32 to vector<16xi32>
      %ge3A_331 = arith.cmpi sge, %sub3A_325, %ge3A_330 : vector<16xi32>
      %or3A_332 = arith.ori %lt3A_328, %ge3A_331 : vector<16xi1>
      %add3A_333 = arith.constant 25000 : i32
      %add3A_334 = arith.addi %add3A_333, %arg1 : i32
      %broadcast_in_dim3A_335 = vector.broadcast %add3A_334 : i32 to vector<16xi32>
      %select_n3A_336 = arith.select %or3A_332, %broadcast_in_dim3A_335, %sub3A_325 : vector<16xi1>, vector<16xi32>
      %swap3A_337 = arith.constant 32 : index
      %swap3A_338 = tpu.vector_load %arg11[%swap3A_337] {strides = array<i32>} : memref<160xi32, #tpu.memory_space<vmem>>, vector<16xi32>,
      tpu.vector_store %arg11[%swap3A_337], %select_n3A_336 {strides = array<i32>} : memref<160xi32, #tpu.memory_space<vmem>>, vector<16xi32>,
      %get3A_339 = arith.constant 208 : index
      %get3A_340 = tpu.vector_load %arg8[%get3A_339] {strides = array<i32>} : memref<320xi32, #tpu.memory_space<vmem>>, vector<16xi32>,
      %sub3A_341 = vector.broadcast %mul3A_6 : i32 to vector<16xi32>
      %sub3A_342 = arith.subi %get3A_340, %sub3A_341 : vector<16xi32>
      %lt3A_343 = arith.constant 0 : i32
      %lt3A_344 = vector.broadcast %lt3A_343 : i32 to vector<16xi32>
      %lt3A_345 = arith.cmpi slt, %sub3A_342, %lt3A_344 : vector<16xi32>
      %ge3A_346 = arith.constant 25000 : i32
      %ge3A_347 = vector.broadcast %ge3A_346 : i32 to vector<16xi32>
      %ge3A_348 = arith.cmpi sge, %sub3A_342, %ge3A_347 : vector<16xi32>
      %or3A_349 = arith.ori %lt3A_345, %ge3A_348 : vector<16xi1>
      %add3A_350 = arith.constant 25000 : i32
      %add3A_351 = arith.addi %add3A_350, %arg1 : i32
      %broadcast_in_dim3A_352 = vector.broadcast %add3A_351 : i32 to vector<16xi32>
      %select_n3A_353 = arith.select %or3A_349, %broadcast_in_dim3A_352, %sub3A_342 : vector<16xi1>, vector<16xi32>
      %swap3A_354 = arith.constant 48 : index
      %swap3A_355 = tpu.vector_load %arg11[%swap3A_354] {strides = array<i32>} : memref<160xi32, #tpu.memory_space<vmem>>, vector<16xi32>,
      tpu.vector_store %arg11[%swap3A_354], %select_n3A_353 {strides = array<i32>} : memref<160xi32, #tpu.memory_space<vmem>>, vector<16xi32>,
      %get3A_356 = arith.constant 224 : index
      %get3A_357 = tpu.vector_load %arg8[%get3A_356] {strides = array<i32>} : memref<320xi32, #tpu.memory_space<vmem>>, vector<16xi32>,
      %sub3A_358 = vector.broadcast %mul3A_6 : i32 to vector<16xi32>
      %sub3A_359 = arith.subi %get3A_357, %sub3A_358 : vector<16xi32>
      %lt3A_360 = arith.constant 0 : i32
      %lt3A_361 = vector.broadcast %lt3A_360 : i32 to vector<16xi32>
      %lt3A_362 = arith.cmpi slt, %sub3A_359, %lt3A_361 : vector<16xi32>
      %ge3A_363 = arith.constant 25000 : i32
      %ge3A_364 = vector.broadcast %ge3A_363 : i32 to vector<16xi32>
      %ge3A_365 = arith.cmpi sge, %sub3A_359, %ge3A_364 : vector<16xi32>
      %or3A_366 = arith.ori %lt3A_362, %ge3A_365 : vector<16xi1>
      %add3A_367 = arith.constant 25000 : i32
      %add3A_368 = arith.addi %add3A_367, %arg1 : i32
      %broadcast_in_dim3A_369 = vector.broadcast %add3A_368 : i32 to vector<16xi32>
      %select_n3A_370 = arith.select %or3A_366, %broadcast_in_dim3A_369, %sub3A_359 : vector<16xi1>, vector<16xi32>
      %swap3A_371 = arith.constant 64 : index
      %swap3A_372 = tpu.vector_load %arg11[%swap3A_371] {strides = array<i32>} : memref<160xi32, #tpu.memory_space<vmem>>, vector<16xi32>,
      tpu.vector_store %arg11[%swap3A_371], %select_n3A_370 {strides = array<i32>} : memref<160xi32, #tpu.memory_space<vmem>>, vector<16xi32>,
      %get3A_373 = arith.constant 240 : index
      %get3A_374 = tpu.vector_load %arg8[%get3A_373] {strides = array<i32>} : memref<320xi32, #tpu.memory_space<vmem>>, vector<16xi32>,
      %sub3A_375 = vector.broadcast %mul3A_6 : i32 to vector<16xi32>
      %sub3A_376 = arith.subi %get3A_374, %sub3A_375 : vector<16xi32>
      %lt3A_377 = arith.constant 0 : i32
      %lt3A_378 = vector.broadcast %lt3A_377 : i32 to vector<16xi32>
      %lt3A_379 = arith.cmpi slt, %sub3A_376, %lt3A_378 : vector<16xi32>
      %ge3A_380 = arith.constant 25000 : i32
      %ge3A_381 = vector.broadcast %ge3A_380 : i32 to vector<16xi32>
      %ge3A_382 = arith.cmpi sge, %sub3A_376, %ge3A_381 : vector<16xi32>
      %or3A_383 = arith.ori %lt3A_379, %ge3A_382 : vector<16xi1>
      %add3A_384 = arith.constant 25000 : i32
      %add3A_385 = arith.addi %add3A_384, %arg1 : i32
      %broadcast_in_dim3A_386 = vector.broadcast %add3A_385 : i32 to vector<16xi32>
      %select_n3A_387 = arith.select %or3A_383, %broadcast_in_dim3A_386, %sub3A_376 : vector<16xi1>, vector<16xi32>
      %swap3A_388 = arith.constant 80 : index
      %swap3A_389 = tpu.vector_load %arg11[%swap3A_388] {strides = array<i32>} : memref<160xi32, #tpu.memory_space<vmem>>, vector<16xi32>,
      tpu.vector_store %arg11[%swap3A_388], %select_n3A_387 {strides = array<i32>} : memref<160xi32, #tpu.memory_space<vmem>>, vector<16xi32>,
      %get3A_390 = arith.constant 256 : index
      %get3A_391 = tpu.vector_load %arg8[%get3A_390] {strides = array<i32>} : memref<320xi32, #tpu.memory_space<vmem>>, vector<16xi32>,
      %sub3A_392 = vector.broadcast %mul3A_6 : i32 to vector<16xi32>
      %sub3A_393 = arith.subi %get3A_391, %sub3A_392 : vector<16xi32>
      %lt3A_394 = arith.constant 0 : i32
      %lt3A_395 = vector.broadcast %lt3A_394 : i32 to vector<16xi32>
      %lt3A_396 = arith.cmpi slt, %sub3A_393, %lt3A_395 : vector<16xi32>
      %ge3A_397 = arith.constant 25000 : i32
      %ge3A_398 = vector.broadcast %ge3A_397 : i32 to vector<16xi32>
      %ge3A_399 = arith.cmpi sge, %sub3A_393, %ge3A_398 : vector<16xi32>
      %or3A_400 = arith.ori %lt3A_396, %ge3A_399 : vector<16xi1>
      %add3A_401 = arith.constant 25000 : i32
      %add3A_402 = arith.addi %add3A_401, %arg1 : i32
      %broadcast_in_dim3A_403 = vector.broadcast %add3A_402 : i32 to vector<16xi32>
      %select_n3A_404 = arith.select %or3A_400, %broadcast_in_dim3A_403, %sub3A_393 : vector<16xi1>, vector<16xi32>
      %swap3A_405 = arith.constant 96 : index
      %swap3A_406 = tpu.vector_load %arg11[%swap3A_405] {strides = array<i32>} : memref<160xi32, #tpu.memory_space<vmem>>, vector<16xi32>,
      tpu.vector_store %arg11[%swap3A_405], %select_n3A_404 {strides = array<i32>} : memref<160xi32, #tpu.memory_space<vmem>>, vector<16xi32>,
      %get3A_407 = arith.constant 272 : index
      %get3A_408 = tpu.vector_load %arg8[%get3A_407] {strides = array<i32>} : memref<320xi32, #tpu.memory_space<vmem>>, vector<16xi32>,
      %sub3A_409 = vector.broadcast %mul3A_6 : i32 to vector<16xi32>
      %sub3A_410 = arith.subi %get3A_408, %sub3A_409 : vector<16xi32>
      %lt3A_411 = arith.constant 0 : i32
      %lt3A_412 = vector.broadcast %lt3A_411 : i32 to vector<16xi32>
      %lt3A_413 = arith.cmpi slt, %sub3A_410, %lt3A_412 : vector<16xi32>
      %ge3A_414 = arith.constant 25000 : i32
      %ge3A_415 = vector.broadcast %ge3A_414 : i32 to vector<16xi32>
      %ge3A_416 = arith.cmpi sge, %sub3A_410, %ge3A_415 : vector<16xi32>
      %or3A_417 = arith.ori %lt3A_413, %ge3A_416 : vector<16xi1>
      %add3A_418 = arith.constant 25000 : i32
      %add3A_419 = arith.addi %add3A_418, %arg1 : i32
      %broadcast_in_dim3A_420 = vector.broadcast %add3A_419 : i32 to vector<16xi32>
      %select_n3A_421 = arith.select %or3A_417, %broadcast_in_dim3A_420, %sub3A_410 : vector<16xi1>, vector<16xi32>
      %swap3A_422 = arith.constant 112 : index
      %swap3A_423 = tpu.vector_load %arg11[%swap3A_422] {strides = array<i32>} : memref<160xi32, #tpu.memory_space<vmem>>, vector<16xi32>,
      tpu.vector_store %arg11[%swap3A_422], %select_n3A_421 {strides = array<i32>} : memref<160xi32, #tpu.memory_space<vmem>>, vector<16xi32>,
      %get3A_424 = arith.constant 288 : index
      %get3A_425 = tpu.vector_load %arg8[%get3A_424] {strides = array<i32>} : memref<320xi32, #tpu.memory_space<vmem>>, vector<16xi32>,
      %sub3A_426 = vector.broadcast %mul3A_6 : i32 to vector<16xi32>
      %sub3A_427 = arith.subi %get3A_425, %sub3A_426 : vector<16xi32>
      %lt3A_428 = arith.constant 0 : i32
      %lt3A_429 = vector.broadcast %lt3A_428 : i32 to vector<16xi32>
      %lt3A_430 = arith.cmpi slt, %sub3A_427, %lt3A_429 : vector<16xi32>
      %ge3A_431 = arith.constant 25000 : i32
      %ge3A_432 = vector.broadcast %ge3A_431 : i32 to vector<16xi32>
      %ge3A_433 = arith.cmpi sge, %sub3A_427, %ge3A_432 : vector<16xi32>
      %or3A_434 = arith.ori %lt3A_430, %ge3A_433 : vector<16xi1>
      %add3A_435 = arith.constant 25000 : i32
      %add3A_436 = arith.addi %add3A_435, %arg1 : i32
      %broadcast_in_dim3A_437 = vector.broadcast %add3A_436 : i32 to vector<16xi32>
      %select_n3A_438 = arith.select %or3A_434, %broadcast_in_dim3A_437, %sub3A_427 : vector<16xi1>, vector<16xi32>
      %swap3A_439 = arith.constant 128 : index
      %swap3A_440 = tpu.vector_load %arg11[%swap3A_439] {strides = array<i32>} : memref<160xi32, #tpu.memory_space<vmem>>, vector<16xi32>,
      tpu.vector_store %arg11[%swap3A_439], %select_n3A_438 {strides = array<i32>} : memref<160xi32, #tpu.memory_space<vmem>>, vector<16xi32>,
      %get3A_441 = arith.constant 304 : index
      %get3A_442 = tpu.vector_load %arg8[%get3A_441] {strides = array<i32>} : memref<320xi32, #tpu.memory_space<vmem>>, vector<16xi32>,
      %sub3A_443 = vector.broadcast %mul3A_6 : i32 to vector<16xi32>
      %sub3A_444 = arith.subi %get3A_442, %sub3A_443 : vector<16xi32>
      %lt3A_445 = arith.constant 0 : i32
      %lt3A_446 = vector.broadcast %lt3A_445 : i32 to vector<16xi32>
      %lt3A_447 = arith.cmpi slt, %sub3A_444, %lt3A_446 : vector<16xi32>
      %ge3A_448 = arith.constant 25000 : i32
      %ge3A_449 = vector.broadcast %ge3A_448 : i32 to vector<16xi32>
      %ge3A_450 = arith.cmpi sge, %sub3A_444, %ge3A_449 : vector<16xi32>
      %or3A_451 = arith.ori %lt3A_447, %ge3A_450 : vector<16xi1>
      %add3A_452 = arith.constant 25000 : i32
      %add3A_453 = arith.addi %add3A_452, %arg1 : i32
      %broadcast_in_dim3A_454 = vector.broadcast %add3A_453 : i32 to vector<16xi32>
      %select_n3A_455 = arith.select %or3A_451, %broadcast_in_dim3A_454, %sub3A_444 : vector<16xi1>, vector<16xi32>
      %swap3A_456 = arith.constant 144 : index
      %swap3A_457 = tpu.vector_load %arg11[%swap3A_456] {strides = array<i32>} : memref<160xi32, #tpu.memory_space<vmem>>, vector<16xi32>,
      tpu.vector_store %arg11[%swap3A_456], %select_n3A_455 {strides = array<i32>} : memref<160xi32, #tpu.memory_space<vmem>>, vector<16xi32>,
      %dma_wait3A_458 = arith.constant 160 : i32
      %dma_wait3A_459 = tpu.memref_slice %arg6[%dma_wait3A_458] : memref<320xi32, #tpu.memory_space<vmem>> -> memref<160xi32, #tpu.memory_space<vmem>>
      %dma_wait3A_460 = arith.constant 0 : i32
      %dma_wait3A_461 = arith.constant 0 : i32
      %dma_wait3A_462 = tpu.memref_slice %arg2[%dma_wait3A_460, %dma_wait3A_461] : memref<50000x64xf32, #tpu.memory_space<hbm>> -> memref<50000x64xf32, #tpu.memory_space<hbm>>
      tpu.wait_indirect_dma semaphore(%arg17 : memref<!tpu.dma_semaphore, #tpu.memory_space<semaphore_mem>>) src(%dma_wait3A_462 : memref<50000x64xf32, #tpu.memory_space<hbm>>) dst(%arg13 : memref<160x64xf32, #tpu.memory_space<vmem>>)
      %dma_start3A_463 = arith.constant 0 : i32
      %dma_start3A_464 = arith.constant 0 : i32
      %dma_start3A_465 = tpu.memref_slice %arg15[%dma_start3A_463, %dma_start3A_464] : memref<25104x64xf32, #tpu.memory_space<vmem_shared>> -> memref<25104x64xf32, #tpu.memory_space<vmem_shared>>
      tpu.enqueue_indirect_dma source(%arg13 : memref<160x64xf32, #tpu.memory_space<vmem>>) target(%dma_start3A_465 : memref<25104x64xf32, #tpu.memory_space<vmem_shared>>) offsets(%arg11 : memref<160xi32, #tpu.memory_space<vmem>>) semaphore(%arg19 : memref<!tpu.dma_semaphore, #tpu.memory_space<semaphore_mem>>) {add = true}
      %add3A_466 = arith.constant 2 : i32
      %add3A_467 = arith.addi %add3A_87, %add3A_466 : i32
      %lt3A_468 = arith.constant 160 : i32
      %lt3A_469 = arith.cmpi slt, %add3A_467, %lt3A_468 : i32
      %convert_element_type3A_470 = arith.extui %lt3A_469 : i1 to i32
      %cond3A_471 = arith.constant 0 : i32
      %cond3A_472 = arith.cmpi ne, %convert_element_type3A_470, %cond3A_471 : i32
      scf.if %cond3A_472 {
        %add3A_868 = arith.constant 2 : i32
        %add3A_869 = arith.addi %add3A_87, %add3A_868 : i32
        %mul3A_870 = arith.constant 160 : i32
        %mul3A_871 = arith.muli %arg1, %mul3A_870 : i32
        %add3A_872 = arith.addi %mul3A_871, %add3A_869 : i32
        %mul3A_873 = arith.constant 320 : i32
        %mul3A_874 = arith.muli %add3A_872, %mul3A_873 : i32
        %dma_start3A_875 = tpu.memref_slice %arg3[%mul3A_874] : memref<819200xi32, #tpu.memory_space<hbm>> -> memref<320xi32, #tpu.memory_space<hbm>>
        %dma_start3A_876 = tpu.memref_slice %arg3[%mul3A_874] : memref<819200xi32, #tpu.memory_space<hbm>> -> memref<320xi32, #tpu.memory_space<hbm>>
        tpu.enqueue_dma source(%dma_start3A_876 : memref<320xi32, #tpu.memory_space<hbm>>) target(%arg6 : memref<320xi32, #tpu.memory_space<vmem>>) target_semaphore(%arg20 : memref<!tpu.dma_semaphore, #tpu.memory_space<semaphore_mem>>)
        %mul3A_877 = arith.constant 160 : i32
        %mul3A_878 = arith.muli %arg1, %mul3A_877 : i32
        %add3A_879 = arith.addi %mul3A_878, %add3A_869 : i32
        %mul3A_880 = arith.constant 320 : i32
        %mul3A_881 = arith.muli %add3A_879, %mul3A_880 : i32
        %dma_start3A_882 = tpu.memref_slice %arg4[%mul3A_881] : memref<819200xi32, #tpu.memory_space<hbm>> -> memref<320xi32, #tpu.memory_space<hbm>>
        %dma_start3A_883 = tpu.memref_slice %arg4[%mul3A_881] : memref<819200xi32, #tpu.memory_space<hbm>> -> memref<320xi32, #tpu.memory_space<hbm>>
        tpu.enqueue_dma source(%dma_start3A_883 : memref<320xi32, #tpu.memory_space<hbm>>) target(%arg8 : memref<320xi32, #tpu.memory_space<vmem>>) target_semaphore(%arg20 : memref<!tpu.dma_semaphore, #tpu.memory_space<semaphore_mem>>)
      } else {
      }
      %mul3A_473 = arith.constant 2 : i32
      %mul3A_474 = arith.muli %mul3A_473, %scan3A_83 : i32
      %add3A_475 = arith.constant 1 : i32
      %add3A_476 = arith.addi %mul3A_474, %add3A_475 : i32
      %dma_wait3A_477 = arith.constant 0 : i32
      %dma_wait3A_478 = tpu.memref_slice %arg3[%dma_wait3A_477] : memref<819200xi32, #tpu.memory_space<hbm>> -> memref<320xi32, #tpu.memory_space<hbm>>
      %dma_wait3A_479 = arith.constant 0 : i32
      %dma_wait3A_480 = tpu.memref_slice %arg3[%dma_wait3A_479] : memref<819200xi32, #tpu.memory_space<hbm>> -> memref<320xi32, #tpu.memory_space<hbm>>
      tpu.wait_dma2 semaphore(%arg21 : memref<!tpu.dma_semaphore, #tpu.memory_space<semaphore_mem>>) src(%dma_wait3A_480 : memref<320xi32, #tpu.memory_space<hbm>>) dst(%arg7 : memref<320xi32, #tpu.memory_space<vmem>>)
      %dma_wait3A_481 = arith.constant 0 : i32
      %dma_wait3A_482 = tpu.memref_slice %arg4[%dma_wait3A_481] : memref<819200xi32, #tpu.memory_space<hbm>> -> memref<320xi32, #tpu.memory_space<hbm>>
      %dma_wait3A_483 = arith.constant 0 : i32
      %dma_wait3A_484 = tpu.memref_slice %arg4[%dma_wait3A_483] : memref<819200xi32, #tpu.memory_space<hbm>> -> memref<320xi32, #tpu.memory_space<hbm>>
      tpu.wait_dma2 semaphore(%arg21 : memref<!tpu.dma_semaphore, #tpu.memory_space<semaphore_mem>>) src(%dma_wait3A_484 : memref<320xi32, #tpu.memory_space<hbm>>) dst(%arg9 : memref<320xi32, #tpu.memory_space<vmem>>)
      %gt3A_485 = arith.constant 0 : i32
      %gt3A_486 = arith.cmpi sgt, %add3A_476, %gt3A_485 : i32
      %convert_element_type3A_487 = arith.extui %gt3A_486 : i1 to i32
      %cond3A_488 = arith.constant 0 : i32
      %cond3A_489 = arith.cmpi ne, %convert_element_type3A_487, %cond3A_488 : i32
      scf.if %cond3A_489 {
        %dma_wait3A_868 = arith.constant 0 : i32
        %dma_wait3A_869 = arith.constant 0 : i32
        %dma_wait3A_870 = tpu.memref_slice %arg15[%dma_wait3A_868, %dma_wait3A_869] : memref<25104x64xf32, #tpu.memory_space<vmem_shared>> -> memref<25104x64xf32, #tpu.memory_space<vmem_shared>>
        tpu.wait_indirect_dma semaphore(%arg18 : memref<!tpu.dma_semaphore, #tpu.memory_space<semaphore_mem>>) src(%arg12 : memref<160x64xf32, #tpu.memory_space<vmem>>) dst(%dma_wait3A_870 : memref<25104x64xf32, #tpu.memory_space<vmem_shared>>)
      } else {
      }
      %dma_start3A_490 = arith.constant 0 : i32
      %dma_start3A_491 = tpu.memref_slice %arg7[%dma_start3A_490] : memref<320xi32, #tpu.memory_space<vmem>> -> memref<160xi32, #tpu.memory_space<vmem>>
      %dma_start3A_492 = arith.constant 0 : i32
      %dma_start3A_493 = arith.constant 0 : i32
      %dma_start3A_494 = tpu.memref_slice %arg2[%dma_start3A_492, %dma_start3A_493] : memref<50000x64xf32, #tpu.memory_space<hbm>> -> memref<50000x64xf32, #tpu.memory_space<hbm>>
      tpu.enqueue_indirect_dma source(%dma_start3A_494 : memref<50000x64xf32, #tpu.memory_space<hbm>>) target(%arg12 : memref<160x64xf32, #tpu.memory_space<vmem>>) offsets(%dma_start3A_491 : memref<160xi32, #tpu.memory_space<vmem>>) semaphore(%arg16 : memref<!tpu.dma_semaphore, #tpu.memory_space<semaphore_mem>>)
      %gt3A_495 = arith.constant 0 : i32
      %gt3A_496 = arith.cmpi sgt, %add3A_476, %gt3A_495 : i32
      %convert_element_type3A_497 = arith.extui %gt3A_496 : i1 to i32
      %cond3A_498 = arith.constant 0 : i32
      %cond3A_499 = arith.cmpi ne, %convert_element_type3A_497, %cond3A_498 : i32
      scf.if %cond3A_499 {
        %dma_wait3A_868 = arith.constant 0 : i32
        %dma_wait3A_869 = arith.constant 0 : i32
        %dma_wait3A_870 = tpu.memref_slice %arg15[%dma_wait3A_868, %dma_wait3A_869] : memref<25104x64xf32, #tpu.memory_space<vmem_shared>> -> memref<25104x64xf32, #tpu.memory_space<vmem_shared>>
        tpu.wait_indirect_dma semaphore(%arg19 : memref<!tpu.dma_semaphore, #tpu.memory_space<semaphore_mem>>) src(%arg13 : memref<160x64xf32, #tpu.memory_space<vmem>>) dst(%dma_wait3A_870 : memref<25104x64xf32, #tpu.memory_space<vmem_shared>>)
      } else {
      }
      %dma_start3A_500 = arith.constant 160 : i32
      %dma_start3A_501 = tpu.memref_slice %arg7[%dma_start3A_500] : memref<320xi32, #tpu.memory_space<vmem>> -> memref<160xi32, #tpu.memory_space<vmem>>
      %dma_start3A_502 = arith.constant 0 : i32
      %dma_start3A_503 = arith.constant 0 : i32
      %dma_start3A_504 = tpu.memref_slice %arg2[%dma_start3A_502, %dma_start3A_503] : memref<50000x64xf32, #tpu.memory_space<hbm>> -> memref<50000x64xf32, #tpu.memory_space<hbm>>
      tpu.enqueue_indirect_dma source(%dma_start3A_504 : memref<50000x64xf32, #tpu.memory_space<hbm>>) target(%arg13 : memref<160x64xf32, #tpu.memory_space<vmem>>) offsets(%dma_start3A_501 : memref<160xi32, #tpu.memory_space<vmem>>) semaphore(%arg17 : memref<!tpu.dma_semaphore, #tpu.memory_space<semaphore_mem>>)
      %get3A_505 = arith.constant 0 : index
      %get3A_506 = tpu.vector_load %arg9[%get3A_505] {strides = array<i32>} : memref<320xi32, #tpu.memory_space<vmem>>, vector<16xi32>,
      %sub3A_507 = vector.broadcast %mul3A_6 : i32 to vector<16xi32>
      %sub3A_508 = arith.subi %get3A_506, %sub3A_507 : vector<16xi32>
      %lt3A_509 = arith.constant 0 : i32
      %lt3A_510 = vector.broadcast %lt3A_509 : i32 to vector<16xi32>
      %lt3A_511 = arith.cmpi slt, %sub3A_508, %lt3A_510 : vector<16xi32>
      %ge3A_512 = arith.constant 25000 : i32
      %ge3A_513 = vector.broadcast %ge3A_512 : i32 to vector<16xi32>
      %ge3A_514 = arith.cmpi sge, %sub3A_508, %ge3A_513 : vector<16xi32>
      %or3A_515 = arith.ori %lt3A_511, %ge3A_514 : vector<16xi1>
      %add3A_516 = arith.constant 25000 : i32
      %add3A_517 = arith.addi %add3A_516, %arg1 : i32
      %broadcast_in_dim3A_518 = vector.broadcast %add3A_517 : i32 to vector<16xi32>
      %select_n3A_519 = arith.select %or3A_515, %broadcast_in_dim3A_518, %sub3A_508 : vector<16xi1>, vector<16xi32>
      %swap3A_520 = arith.constant 0 : index
      %swap3A_521 = tpu.vector_load %arg10[%swap3A_520] {strides = array<i32>} : memref<160xi32, #tpu.memory_space<vmem>>, vector<16xi32>,
      tpu.vector_store %arg10[%swap3A_520], %select_n3A_519 {strides = array<i32>} : memref<160xi32, #tpu.memory_space<vmem>>, vector<16xi32>,
      %get3A_522 = arith.constant 16 : index
      %get3A_523 = tpu.vector_load %arg9[%get3A_522] {strides = array<i32>} : memref<320xi32, #tpu.memory_space<vmem>>, vector<16xi32>,
      %sub3A_524 = vector.broadcast %mul3A_6 : i32 to vector<16xi32>
      %sub3A_525 = arith.subi %get3A_523, %sub3A_524 : vector<16xi32>
      %lt3A_526 = arith.constant 0 : i32
      %lt3A_527 = vector.broadcast %lt3A_526 : i32 to vector<16xi32>
      %lt3A_528 = arith.cmpi slt, %sub3A_525, %lt3A_527 : vector<16xi32>
      %ge3A_529 = arith.constant 25000 : i32
      %ge3A_530 = vector.broadcast %ge3A_529 : i32 to vector<16xi32>
      %ge3A_531 = arith.cmpi sge, %sub3A_525, %ge3A_530 : vector<16xi32>
      %or3A_532 = arith.ori %lt3A_528, %ge3A_531 : vector<16xi1>
      %add3A_533 = arith.constant 25000 : i32
      %add3A_534 = arith.addi %add3A_533, %arg1 : i32
      %broadcast_in_dim3A_535 = vector.broadcast %add3A_534 : i32 to vector<16xi32>
      %select_n3A_536 = arith.select %or3A_532, %broadcast_in_dim3A_535, %sub3A_525 : vector<16xi1>, vector<16xi32>
      %swap3A_537 = arith.constant 16 : index
      %swap3A_538 = tpu.vector_load %arg10[%swap3A_537] {strides = array<i32>} : memref<160xi32, #tpu.memory_space<vmem>>, vector<16xi32>,
      tpu.vector_store %arg10[%swap3A_537], %select_n3A_536 {strides = array<i32>} : memref<160xi32, #tpu.memory_space<vmem>>, vector<16xi32>,
      %get3A_539 = arith.constant 32 : index
      %get3A_540 = tpu.vector_load %arg9[%get3A_539] {strides = array<i32>} : memref<320xi32, #tpu.memory_space<vmem>>, vector<16xi32>,
      %sub3A_541 = vector.broadcast %mul3A_6 : i32 to vector<16xi32>
      %sub3A_542 = arith.subi %get3A_540, %sub3A_541 : vector<16xi32>
      %lt3A_543 = arith.constant 0 : i32
      %lt3A_544 = vector.broadcast %lt3A_543 : i32 to vector<16xi32>
      %lt3A_545 = arith.cmpi slt, %sub3A_542, %lt3A_544 : vector<16xi32>
      %ge3A_546 = arith.constant 25000 : i32
      %ge3A_547 = vector.broadcast %ge3A_546 : i32 to vector<16xi32>
      %ge3A_548 = arith.cmpi sge, %sub3A_542, %ge3A_547 : vector<16xi32>
      %or3A_549 = arith.ori %lt3A_545, %ge3A_548 : vector<16xi1>
      %add3A_550 = arith.constant 25000 : i32
      %add3A_551 = arith.addi %add3A_550, %arg1 : i32
      %broadcast_in_dim3A_552 = vector.broadcast %add3A_551 : i32 to vector<16xi32>
      %select_n3A_553 = arith.select %or3A_549, %broadcast_in_dim3A_552, %sub3A_542 : vector<16xi1>, vector<16xi32>
      %swap3A_554 = arith.constant 32 : index
      %swap3A_555 = tpu.vector_load %arg10[%swap3A_554] {strides = array<i32>} : memref<160xi32, #tpu.memory_space<vmem>>, vector<16xi32>,
      tpu.vector_store %arg10[%swap3A_554], %select_n3A_553 {strides = array<i32>} : memref<160xi32, #tpu.memory_space<vmem>>, vector<16xi32>,
      %get3A_556 = arith.constant 48 : index
      %get3A_557 = tpu.vector_load %arg9[%get3A_556] {strides = array<i32>} : memref<320xi32, #tpu.memory_space<vmem>>, vector<16xi32>,
      %sub3A_558 = vector.broadcast %mul3A_6 : i32 to vector<16xi32>
      %sub3A_559 = arith.subi %get3A_557, %sub3A_558 : vector<16xi32>
      %lt3A_560 = arith.constant 0 : i32
      %lt3A_561 = vector.broadcast %lt3A_560 : i32 to vector<16xi32>
      %lt3A_562 = arith.cmpi slt, %sub3A_559, %lt3A_561 : vector<16xi32>
      %ge3A_563 = arith.constant 25000 : i32
      %ge3A_564 = vector.broadcast %ge3A_563 : i32 to vector<16xi32>
      %ge3A_565 = arith.cmpi sge, %sub3A_559, %ge3A_564 : vector<16xi32>
      %or3A_566 = arith.ori %lt3A_562, %ge3A_565 : vector<16xi1>
      %add3A_567 = arith.constant 25000 : i32
      %add3A_568 = arith.addi %add3A_567, %arg1 : i32
      %broadcast_in_dim3A_569 = vector.broadcast %add3A_568 : i32 to vector<16xi32>
      %select_n3A_570 = arith.select %or3A_566, %broadcast_in_dim3A_569, %sub3A_559 : vector<16xi1>, vector<16xi32>
      %swap3A_571 = arith.constant 48 : index
      %swap3A_572 = tpu.vector_load %arg10[%swap3A_571] {strides = array<i32>} : memref<160xi32, #tpu.memory_space<vmem>>, vector<16xi32>,
      tpu.vector_store %arg10[%swap3A_571], %select_n3A_570 {strides = array<i32>} : memref<160xi32, #tpu.memory_space<vmem>>, vector<16xi32>,
      %get3A_573 = arith.constant 64 : index
      %get3A_574 = tpu.vector_load %arg9[%get3A_573] {strides = array<i32>} : memref<320xi32, #tpu.memory_space<vmem>>, vector<16xi32>,
      %sub3A_575 = vector.broadcast %mul3A_6 : i32 to vector<16xi32>
      %sub3A_576 = arith.subi %get3A_574, %sub3A_575 : vector<16xi32>
      %lt3A_577 = arith.constant 0 : i32
      %lt3A_578 = vector.broadcast %lt3A_577 : i32 to vector<16xi32>
      %lt3A_579 = arith.cmpi slt, %sub3A_576, %lt3A_578 : vector<16xi32>
      %ge3A_580 = arith.constant 25000 : i32
      %ge3A_581 = vector.broadcast %ge3A_580 : i32 to vector<16xi32>
      %ge3A_582 = arith.cmpi sge, %sub3A_576, %ge3A_581 : vector<16xi32>
      %or3A_583 = arith.ori %lt3A_579, %ge3A_582 : vector<16xi1>
      %add3A_584 = arith.constant 25000 : i32
      %add3A_585 = arith.addi %add3A_584, %arg1 : i32
      %broadcast_in_dim3A_586 = vector.broadcast %add3A_585 : i32 to vector<16xi32>
      %select_n3A_587 = arith.select %or3A_583, %broadcast_in_dim3A_586, %sub3A_576 : vector<16xi1>, vector<16xi32>
      %swap3A_588 = arith.constant 64 : index
      %swap3A_589 = tpu.vector_load %arg10[%swap3A_588] {strides = array<i32>} : memref<160xi32, #tpu.memory_space<vmem>>, vector<16xi32>,
      tpu.vector_store %arg10[%swap3A_588], %select_n3A_587 {strides = array<i32>} : memref<160xi32, #tpu.memory_space<vmem>>, vector<16xi32>,
      %get3A_590 = arith.constant 80 : index
      %get3A_591 = tpu.vector_load %arg9[%get3A_590] {strides = array<i32>} : memref<320xi32, #tpu.memory_space<vmem>>, vector<16xi32>,
      %sub3A_592 = vector.broadcast %mul3A_6 : i32 to vector<16xi32>
      %sub3A_593 = arith.subi %get3A_591, %sub3A_592 : vector<16xi32>
      %lt3A_594 = arith.constant 0 : i32
      %lt3A_595 = vector.broadcast %lt3A_594 : i32 to vector<16xi32>
      %lt3A_596 = arith.cmpi slt, %sub3A_593, %lt3A_595 : vector<16xi32>
      %ge3A_597 = arith.constant 25000 : i32
      %ge3A_598 = vector.broadcast %ge3A_597 : i32 to vector<16xi32>
      %ge3A_599 = arith.cmpi sge, %sub3A_593, %ge3A_598 : vector<16xi32>
      %or3A_600 = arith.ori %lt3A_596, %ge3A_599 : vector<16xi1>
      %add3A_601 = arith.constant 25000 : i32
      %add3A_602 = arith.addi %add3A_601, %arg1 : i32
      %broadcast_in_dim3A_603 = vector.broadcast %add3A_602 : i32 to vector<16xi32>
      %select_n3A_604 = arith.select %or3A_600, %broadcast_in_dim3A_603, %sub3A_593 : vector<16xi1>, vector<16xi32>
      %swap3A_605 = arith.constant 80 : index
      %swap3A_606 = tpu.vector_load %arg10[%swap3A_605] {strides = array<i32>} : memref<160xi32, #tpu.memory_space<vmem>>, vector<16xi32>,
      tpu.vector_store %arg10[%swap3A_605], %select_n3A_604 {strides = array<i32>} : memref<160xi32, #tpu.memory_space<vmem>>, vector<16xi32>,
      %get3A_607 = arith.constant 96 : index
      %get3A_608 = tpu.vector_load %arg9[%get3A_607] {strides = array<i32>} : memref<320xi32, #tpu.memory_space<vmem>>, vector<16xi32>,
      %sub3A_609 = vector.broadcast %mul3A_6 : i32 to vector<16xi32>
      %sub3A_610 = arith.subi %get3A_608, %sub3A_609 : vector<16xi32>
      %lt3A_611 = arith.constant 0 : i32
      %lt3A_612 = vector.broadcast %lt3A_611 : i32 to vector<16xi32>
      %lt3A_613 = arith.cmpi slt, %sub3A_610, %lt3A_612 : vector<16xi32>
      %ge3A_614 = arith.constant 25000 : i32
      %ge3A_615 = vector.broadcast %ge3A_614 : i32 to vector<16xi32>
      %ge3A_616 = arith.cmpi sge, %sub3A_610, %ge3A_615 : vector<16xi32>
      %or3A_617 = arith.ori %lt3A_613, %ge3A_616 : vector<16xi1>
      %add3A_618 = arith.constant 25000 : i32
      %add3A_619 = arith.addi %add3A_618, %arg1 : i32
      %broadcast_in_dim3A_620 = vector.broadcast %add3A_619 : i32 to vector<16xi32>
      %select_n3A_621 = arith.select %or3A_617, %broadcast_in_dim3A_620, %sub3A_610 : vector<16xi1>, vector<16xi32>
      %swap3A_622 = arith.constant 96 : index
      %swap3A_623 = tpu.vector_load %arg10[%swap3A_622] {strides = array<i32>} : memref<160xi32, #tpu.memory_space<vmem>>, vector<16xi32>,
      tpu.vector_store %arg10[%swap3A_622], %select_n3A_621 {strides = array<i32>} : memref<160xi32, #tpu.memory_space<vmem>>, vector<16xi32>,
      %get3A_624 = arith.constant 112 : index
      %get3A_625 = tpu.vector_load %arg9[%get3A_624] {strides = array<i32>} : memref<320xi32, #tpu.memory_space<vmem>>, vector<16xi32>,
      %sub3A_626 = vector.broadcast %mul3A_6 : i32 to vector<16xi32>
      %sub3A_627 = arith.subi %get3A_625, %sub3A_626 : vector<16xi32>
      %lt3A_628 = arith.constant 0 : i32
      %lt3A_629 = vector.broadcast %lt3A_628 : i32 to vector<16xi32>
      %lt3A_630 = arith.cmpi slt, %sub3A_627, %lt3A_629 : vector<16xi32>
      %ge3A_631 = arith.constant 25000 : i32
      %ge3A_632 = vector.broadcast %ge3A_631 : i32 to vector<16xi32>
      %ge3A_633 = arith.cmpi sge, %sub3A_627, %ge3A_632 : vector<16xi32>
      %or3A_634 = arith.ori %lt3A_630, %ge3A_633 : vector<16xi1>
      %add3A_635 = arith.constant 25000 : i32
      %add3A_636 = arith.addi %add3A_635, %arg1 : i32
      %broadcast_in_dim3A_637 = vector.broadcast %add3A_636 : i32 to vector<16xi32>
      %select_n3A_638 = arith.select %or3A_634, %broadcast_in_dim3A_637, %sub3A_627 : vector<16xi1>, vector<16xi32>
      %swap3A_639 = arith.constant 112 : index
      %swap3A_640 = tpu.vector_load %arg10[%swap3A_639] {strides = array<i32>} : memref<160xi32, #tpu.memory_space<vmem>>, vector<16xi32>,
      tpu.vector_store %arg10[%swap3A_639], %select_n3A_638 {strides = array<i32>} : memref<160xi32, #tpu.memory_space<vmem>>, vector<16xi32>,
      %get3A_641 = arith.constant 128 : index
      %get3A_642 = tpu.vector_load %arg9[%get3A_641] {strides = array<i32>} : memref<320xi32, #tpu.memory_space<vmem>>, vector<16xi32>,
      %sub3A_643 = vector.broadcast %mul3A_6 : i32 to vector<16xi32>
      %sub3A_644 = arith.subi %get3A_642, %sub3A_643 : vector<16xi32>
      %lt3A_645 = arith.constant 0 : i32
      %lt3A_646 = vector.broadcast %lt3A_645 : i32 to vector<16xi32>
      %lt3A_647 = arith.cmpi slt, %sub3A_644, %lt3A_646 : vector<16xi32>
      %ge3A_648 = arith.constant 25000 : i32
      %ge3A_649 = vector.broadcast %ge3A_648 : i32 to vector<16xi32>
      %ge3A_650 = arith.cmpi sge, %sub3A_644, %ge3A_649 : vector<16xi32>
      %or3A_651 = arith.ori %lt3A_647, %ge3A_650 : vector<16xi1>
      %add3A_652 = arith.constant 25000 : i32
      %add3A_653 = arith.addi %add3A_652, %arg1 : i32
      %broadcast_in_dim3A_654 = vector.broadcast %add3A_653 : i32 to vector<16xi32>
      %select_n3A_655 = arith.select %or3A_651, %broadcast_in_dim3A_654, %sub3A_644 : vector<16xi1>, vector<16xi32>
      %swap3A_656 = arith.constant 128 : index
      %swap3A_657 = tpu.vector_load %arg10[%swap3A_656] {strides = array<i32>} : memref<160xi32, #tpu.memory_space<vmem>>, vector<16xi32>,
      tpu.vector_store %arg10[%swap3A_656], %select_n3A_655 {strides = array<i32>} : memref<160xi32, #tpu.memory_space<vmem>>, vector<16xi32>,
      %get3A_658 = arith.constant 144 : index
      %get3A_659 = tpu.vector_load %arg9[%get3A_658] {strides = array<i32>} : memref<320xi32, #tpu.memory_space<vmem>>, vector<16xi32>,
      %sub3A_660 = vector.broadcast %mul3A_6 : i32 to vector<16xi32>
      %sub3A_661 = arith.subi %get3A_659, %sub3A_660 : vector<16xi32>
      %lt3A_662 = arith.constant 0 : i32
      %lt3A_663 = vector.broadcast %lt3A_662 : i32 to vector<16xi32>
      %lt3A_664 = arith.cmpi slt, %sub3A_661, %lt3A_663 : vector<16xi32>
      %ge3A_665 = arith.constant 25000 : i32
      %ge3A_666 = vector.broadcast %ge3A_665 : i32 to vector<16xi32>
      %ge3A_667 = arith.cmpi sge, %sub3A_661, %ge3A_666 : vector<16xi32>
      %or3A_668 = arith.ori %lt3A_664, %ge3A_667 : vector<16xi1>
      %add3A_669 = arith.constant 25000 : i32
      %add3A_670 = arith.addi %add3A_669, %arg1 : i32
      %broadcast_in_dim3A_671 = vector.broadcast %add3A_670 : i32 to vector<16xi32>
      %select_n3A_672 = arith.select %or3A_668, %broadcast_in_dim3A_671, %sub3A_661 : vector<16xi1>, vector<16xi32>
      %swap3A_673 = arith.constant 144 : index
      %swap3A_674 = tpu.vector_load %arg10[%swap3A_673] {strides = array<i32>} : memref<160xi32, #tpu.memory_space<vmem>>, vector<16xi32>,
      tpu.vector_store %arg10[%swap3A_673], %select_n3A_672 {strides = array<i32>} : memref<160xi32, #tpu.memory_space<vmem>>, vector<16xi32>,
      %dma_wait3A_675 = arith.constant 0 : i32
      %dma_wait3A_676 = tpu.memref_slice %arg7[%dma_wait3A_675] : memref<320xi32, #tpu.memory_space<vmem>> -> memref<160xi32, #tpu.memory_space<vmem>>
      %dma_wait3A_677 = arith.constant 0 : i32
      %dma_wait3A_678 = arith.constant 0 : i32
      %dma_wait3A_679 = tpu.memref_slice %arg2[%dma_wait3A_677, %dma_wait3A_678] : memref<50000x64xf32, #tpu.memory_space<hbm>> -> memref<50000x64xf32, #tpu.memory_space<hbm>>
      tpu.wait_indirect_dma semaphore(%arg16 : memref<!tpu.dma_semaphore, #tpu.memory_space<semaphore_mem>>) src(%dma_wait3A_679 : memref<50000x64xf32, #tpu.memory_space<hbm>>) dst(%arg12 : memref<160x64xf32, #tpu.memory_space<vmem>>)
      %dma_start3A_680 = arith.constant 0 : i32
      %dma_start3A_681 = arith.constant 0 : i32
      %dma_start3A_682 = tpu.memref_slice %arg15[%dma_start3A_680, %dma_start3A_681] : memref<25104x64xf32, #tpu.memory_space<vmem_shared>> -> memref<25104x64xf32, #tpu.memory_space<vmem_shared>>
      tpu.enqueue_indirect_dma source(%arg12 : memref<160x64xf32, #tpu.memory_space<vmem>>) target(%dma_start3A_682 : memref<25104x64xf32, #tpu.memory_space<vmem_shared>>) offsets(%arg10 : memref<160xi32, #tpu.memory_space<vmem>>) semaphore(%arg18 : memref<!tpu.dma_semaphore, #tpu.memory_space<semaphore_mem>>) {add = true}
      %get3A_683 = arith.constant 160 : index
      %get3A_684 = tpu.vector_load %arg9[%get3A_683] {strides = array<i32>} : memref<320xi32, #tpu.memory_space<vmem>>, vector<16xi32>,
      %sub3A_685 = vector.broadcast %mul3A_6 : i32 to vector<16xi32>
      %sub3A_686 = arith.subi %get3A_684, %sub3A_685 : vector<16xi32>
      %lt3A_687 = arith.constant 0 : i32
      %lt3A_688 = vector.broadcast %lt3A_687 : i32 to vector<16xi32>
      %lt3A_689 = arith.cmpi slt, %sub3A_686, %lt3A_688 : vector<16xi32>
      %ge3A_690 = arith.constant 25000 : i32
      %ge3A_691 = vector.broadcast %ge3A_690 : i32 to vector<16xi32>
      %ge3A_692 = arith.cmpi sge, %sub3A_686, %ge3A_691 : vector<16xi32>
      %or3A_693 = arith.ori %lt3A_689, %ge3A_692 : vector<16xi1>
      %add3A_694 = arith.constant 25000 : i32
      %add3A_695 = arith.addi %add3A_694, %arg1 : i32
      %broadcast_in_dim3A_696 = vector.broadcast %add3A_695 : i32 to vector<16xi32>
      %select_n3A_697 = arith.select %or3A_693, %broadcast_in_dim3A_696, %sub3A_686 : vector<16xi1>, vector<16xi32>
      %swap3A_698 = arith.constant 0 : index
      %swap3A_699 = tpu.vector_load %arg11[%swap3A_698] {strides = array<i32>} : memref<160xi32, #tpu.memory_space<vmem>>, vector<16xi32>,
      tpu.vector_store %arg11[%swap3A_698], %select_n3A_697 {strides = array<i32>} : memref<160xi32, #tpu.memory_space<vmem>>, vector<16xi32>,
      %get3A_700 = arith.constant 176 : index
      %get3A_701 = tpu.vector_load %arg9[%get3A_700] {strides = array<i32>} : memref<320xi32, #tpu.memory_space<vmem>>, vector<16xi32>,
      %sub3A_702 = vector.broadcast %mul3A_6 : i32 to vector<16xi32>
      %sub3A_703 = arith.subi %get3A_701, %sub3A_702 : vector<16xi32>
      %lt3A_704 = arith.constant 0 : i32
      %lt3A_705 = vector.broadcast %lt3A_704 : i32 to vector<16xi32>
      %lt3A_706 = arith.cmpi slt, %sub3A_703, %lt3A_705 : vector<16xi32>
      %ge3A_707 = arith.constant 25000 : i32
      %ge3A_708 = vector.broadcast %ge3A_707 : i32 to vector<16xi32>
      %ge3A_709 = arith.cmpi sge, %sub3A_703, %ge3A_708 : vector<16xi32>
      %or3A_710 = arith.ori %lt3A_706, %ge3A_709 : vector<16xi1>
      %add3A_711 = arith.constant 25000 : i32
      %add3A_712 = arith.addi %add3A_711, %arg1 : i32
      %broadcast_in_dim3A_713 = vector.broadcast %add3A_712 : i32 to vector<16xi32>
      %select_n3A_714 = arith.select %or3A_710, %broadcast_in_dim3A_713, %sub3A_703 : vector<16xi1>, vector<16xi32>
      %swap3A_715 = arith.constant 16 : index
      %swap3A_716 = tpu.vector_load %arg11[%swap3A_715] {strides = array<i32>} : memref<160xi32, #tpu.memory_space<vmem>>, vector<16xi32>,
      tpu.vector_store %arg11[%swap3A_715], %select_n3A_714 {strides = array<i32>} : memref<160xi32, #tpu.memory_space<vmem>>, vector<16xi32>,
      %get3A_717 = arith.constant 192 : index
      %get3A_718 = tpu.vector_load %arg9[%get3A_717] {strides = array<i32>} : memref<320xi32, #tpu.memory_space<vmem>>, vector<16xi32>,
      %sub3A_719 = vector.broadcast %mul3A_6 : i32 to vector<16xi32>
      %sub3A_720 = arith.subi %get3A_718, %sub3A_719 : vector<16xi32>
      %lt3A_721 = arith.constant 0 : i32
      %lt3A_722 = vector.broadcast %lt3A_721 : i32 to vector<16xi32>
      %lt3A_723 = arith.cmpi slt, %sub3A_720, %lt3A_722 : vector<16xi32>
      %ge3A_724 = arith.constant 25000 : i32
      %ge3A_725 = vector.broadcast %ge3A_724 : i32 to vector<16xi32>
      %ge3A_726 = arith.cmpi sge, %sub3A_720, %ge3A_725 : vector<16xi32>
      %or3A_727 = arith.ori %lt3A_723, %ge3A_726 : vector<16xi1>
      %add3A_728 = arith.constant 25000 : i32
      %add3A_729 = arith.addi %add3A_728, %arg1 : i32
      %broadcast_in_dim3A_730 = vector.broadcast %add3A_729 : i32 to vector<16xi32>
      %select_n3A_731 = arith.select %or3A_727, %broadcast_in_dim3A_730, %sub3A_720 : vector<16xi1>, vector<16xi32>
      %swap3A_732 = arith.constant 32 : index
      %swap3A_733 = tpu.vector_load %arg11[%swap3A_732] {strides = array<i32>} : memref<160xi32, #tpu.memory_space<vmem>>, vector<16xi32>,
      tpu.vector_store %arg11[%swap3A_732], %select_n3A_731 {strides = array<i32>} : memref<160xi32, #tpu.memory_space<vmem>>, vector<16xi32>,
      %get3A_734 = arith.constant 208 : index
      %get3A_735 = tpu.vector_load %arg9[%get3A_734] {strides = array<i32>} : memref<320xi32, #tpu.memory_space<vmem>>, vector<16xi32>,
      %sub3A_736 = vector.broadcast %mul3A_6 : i32 to vector<16xi32>
      %sub3A_737 = arith.subi %get3A_735, %sub3A_736 : vector<16xi32>
      %lt3A_738 = arith.constant 0 : i32
      %lt3A_739 = vector.broadcast %lt3A_738 : i32 to vector<16xi32>
      %lt3A_740 = arith.cmpi slt, %sub3A_737, %lt3A_739 : vector<16xi32>
      %ge3A_741 = arith.constant 25000 : i32
      %ge3A_742 = vector.broadcast %ge3A_741 : i32 to vector<16xi32>
      %ge3A_743 = arith.cmpi sge, %sub3A_737, %ge3A_742 : vector<16xi32>
      %or3A_744 = arith.ori %lt3A_740, %ge3A_743 : vector<16xi1>
      %add3A_745 = arith.constant 25000 : i32
      %add3A_746 = arith.addi %add3A_745, %arg1 : i32
      %broadcast_in_dim3A_747 = vector.broadcast %add3A_746 : i32 to vector<16xi32>
      %select_n3A_748 = arith.select %or3A_744, %broadcast_in_dim3A_747, %sub3A_737 : vector<16xi1>, vector<16xi32>
      %swap3A_749 = arith.constant 48 : index
      %swap3A_750 = tpu.vector_load %arg11[%swap3A_749] {strides = array<i32>} : memref<160xi32, #tpu.memory_space<vmem>>, vector<16xi32>,
      tpu.vector_store %arg11[%swap3A_749], %select_n3A_748 {strides = array<i32>} : memref<160xi32, #tpu.memory_space<vmem>>, vector<16xi32>,
      %get3A_751 = arith.constant 224 : index
      %get3A_752 = tpu.vector_load %arg9[%get3A_751] {strides = array<i32>} : memref<320xi32, #tpu.memory_space<vmem>>, vector<16xi32>,
      %sub3A_753 = vector.broadcast %mul3A_6 : i32 to vector<16xi32>
      %sub3A_754 = arith.subi %get3A_752, %sub3A_753 : vector<16xi32>
      %lt3A_755 = arith.constant 0 : i32
      %lt3A_756 = vector.broadcast %lt3A_755 : i32 to vector<16xi32>
      %lt3A_757 = arith.cmpi slt, %sub3A_754, %lt3A_756 : vector<16xi32>
      %ge3A_758 = arith.constant 25000 : i32
      %ge3A_759 = vector.broadcast %ge3A_758 : i32 to vector<16xi32>
      %ge3A_760 = arith.cmpi sge, %sub3A_754, %ge3A_759 : vector<16xi32>
      %or3A_761 = arith.ori %lt3A_757, %ge3A_760 : vector<16xi1>
      %add3A_762 = arith.constant 25000 : i32
      %add3A_763 = arith.addi %add3A_762, %arg1 : i32
      %broadcast_in_dim3A_764 = vector.broadcast %add3A_763 : i32 to vector<16xi32>
      %select_n3A_765 = arith.select %or3A_761, %broadcast_in_dim3A_764, %sub3A_754 : vector<16xi1>, vector<16xi32>
      %swap3A_766 = arith.constant 64 : index
      %swap3A_767 = tpu.vector_load %arg11[%swap3A_766] {strides = array<i32>} : memref<160xi32, #tpu.memory_space<vmem>>, vector<16xi32>,
      tpu.vector_store %arg11[%swap3A_766], %select_n3A_765 {strides = array<i32>} : memref<160xi32, #tpu.memory_space<vmem>>, vector<16xi32>,
      %get3A_768 = arith.constant 240 : index
      %get3A_769 = tpu.vector_load %arg9[%get3A_768] {strides = array<i32>} : memref<320xi32, #tpu.memory_space<vmem>>, vector<16xi32>,
      %sub3A_770 = vector.broadcast %mul3A_6 : i32 to vector<16xi32>
      %sub3A_771 = arith.subi %get3A_769, %sub3A_770 : vector<16xi32>
      %lt3A_772 = arith.constant 0 : i32
      %lt3A_773 = vector.broadcast %lt3A_772 : i32 to vector<16xi32>
      %lt3A_774 = arith.cmpi slt, %sub3A_771, %lt3A_773 : vector<16xi32>
      %ge3A_775 = arith.constant 25000 : i32
      %ge3A_776 = vector.broadcast %ge3A_775 : i32 to vector<16xi32>
      %ge3A_777 = arith.cmpi sge, %sub3A_771, %ge3A_776 : vector<16xi32>
      %or3A_778 = arith.ori %lt3A_774, %ge3A_777 : vector<16xi1>
      %add3A_779 = arith.constant 25000 : i32
      %add3A_780 = arith.addi %add3A_779, %arg1 : i32
      %broadcast_in_dim3A_781 = vector.broadcast %add3A_780 : i32 to vector<16xi32>
      %select_n3A_782 = arith.select %or3A_778, %broadcast_in_dim3A_781, %sub3A_771 : vector<16xi1>, vector<16xi32>
      %swap3A_783 = arith.constant 80 : index
      %swap3A_784 = tpu.vector_load %arg11[%swap3A_783] {strides = array<i32>} : memref<160xi32, #tpu.memory_space<vmem>>, vector<16xi32>,
      tpu.vector_store %arg11[%swap3A_783], %select_n3A_782 {strides = array<i32>} : memref<160xi32, #tpu.memory_space<vmem>>, vector<16xi32>,
      %get3A_785 = arith.constant 256 : index
      %get3A_786 = tpu.vector_load %arg9[%get3A_785] {strides = array<i32>} : memref<320xi32, #tpu.memory_space<vmem>>, vector<16xi32>,
      %sub3A_787 = vector.broadcast %mul3A_6 : i32 to vector<16xi32>
      %sub3A_788 = arith.subi %get3A_786, %sub3A_787 : vector<16xi32>
      %lt3A_789 = arith.constant 0 : i32
      %lt3A_790 = vector.broadcast %lt3A_789 : i32 to vector<16xi32>
      %lt3A_791 = arith.cmpi slt, %sub3A_788, %lt3A_790 : vector<16xi32>
      %ge3A_792 = arith.constant 25000 : i32
      %ge3A_793 = vector.broadcast %ge3A_792 : i32 to vector<16xi32>
      %ge3A_794 = arith.cmpi sge, %sub3A_788, %ge3A_793 : vector<16xi32>
      %or3A_795 = arith.ori %lt3A_791, %ge3A_794 : vector<16xi1>
      %add3A_796 = arith.constant 25000 : i32
      %add3A_797 = arith.addi %add3A_796, %arg1 : i32
      %broadcast_in_dim3A_798 = vector.broadcast %add3A_797 : i32 to vector<16xi32>
      %select_n3A_799 = arith.select %or3A_795, %broadcast_in_dim3A_798, %sub3A_788 : vector<16xi1>, vector<16xi32>
      %swap3A_800 = arith.constant 96 : index
      %swap3A_801 = tpu.vector_load %arg11[%swap3A_800] {strides = array<i32>} : memref<160xi32, #tpu.memory_space<vmem>>, vector<16xi32>,
      tpu.vector_store %arg11[%swap3A_800], %select_n3A_799 {strides = array<i32>} : memref<160xi32, #tpu.memory_space<vmem>>, vector<16xi32>,
      %get3A_802 = arith.constant 272 : index
      %get3A_803 = tpu.vector_load %arg9[%get3A_802] {strides = array<i32>} : memref<320xi32, #tpu.memory_space<vmem>>, vector<16xi32>,
      %sub3A_804 = vector.broadcast %mul3A_6 : i32 to vector<16xi32>
      %sub3A_805 = arith.subi %get3A_803, %sub3A_804 : vector<16xi32>
      %lt3A_806 = arith.constant 0 : i32
      %lt3A_807 = vector.broadcast %lt3A_806 : i32 to vector<16xi32>
      %lt3A_808 = arith.cmpi slt, %sub3A_805, %lt3A_807 : vector<16xi32>
      %ge3A_809 = arith.constant 25000 : i32
      %ge3A_810 = vector.broadcast %ge3A_809 : i32 to vector<16xi32>
      %ge3A_811 = arith.cmpi sge, %sub3A_805, %ge3A_810 : vector<16xi32>
      %or3A_812 = arith.ori %lt3A_808, %ge3A_811 : vector<16xi1>
      %add3A_813 = arith.constant 25000 : i32
      %add3A_814 = arith.addi %add3A_813, %arg1 : i32
      %broadcast_in_dim3A_815 = vector.broadcast %add3A_814 : i32 to vector<16xi32>
      %select_n3A_816 = arith.select %or3A_812, %broadcast_in_dim3A_815, %sub3A_805 : vector<16xi1>, vector<16xi32>
      %swap3A_817 = arith.constant 112 : index
      %swap3A_818 = tpu.vector_load %arg11[%swap3A_817] {strides = array<i32>} : memref<160xi32, #tpu.memory_space<vmem>>, vector<16xi32>,
      tpu.vector_store %arg11[%swap3A_817], %select_n3A_816 {strides = array<i32>} : memref<160xi32, #tpu.memory_space<vmem>>, vector<16xi32>,
      %get3A_819 = arith.constant 288 : index
      %get3A_820 = tpu.vector_load %arg9[%get3A_819] {strides = array<i32>} : memref<320xi32, #tpu.memory_space<vmem>>, vector<16xi32>,
      %sub3A_821 = vector.broadcast %mul3A_6 : i32 to vector<16xi32>
      %sub3A_822 = arith.subi %get3A_820, %sub3A_821 : vector<16xi32>
      %lt3A_823 = arith.constant 0 : i32
      %lt3A_824 = vector.broadcast %lt3A_823 : i32 to vector<16xi32>
      %lt3A_825 = arith.cmpi slt, %sub3A_822, %lt3A_824 : vector<16xi32>
      %ge3A_826 = arith.constant 25000 : i32
      %ge3A_827 = vector.broadcast %ge3A_826 : i32 to vector<16xi32>
      %ge3A_828 = arith.cmpi sge, %sub3A_822, %ge3A_827 : vector<16xi32>
      %or3A_829 = arith.ori %lt3A_825, %ge3A_828 : vector<16xi1>
      %add3A_830 = arith.constant 25000 : i32
      %add3A_831 = arith.addi %add3A_830, %arg1 : i32
      %broadcast_in_dim3A_832 = vector.broadcast %add3A_831 : i32 to vector<16xi32>
      %select_n3A_833 = arith.select %or3A_829, %broadcast_in_dim3A_832, %sub3A_822 : vector<16xi1>, vector<16xi32>
      %swap3A_834 = arith.constant 128 : index
      %swap3A_835 = tpu.vector_load %arg11[%swap3A_834] {strides = array<i32>} : memref<160xi32, #tpu.memory_space<vmem>>, vector<16xi32>,
      tpu.vector_store %arg11[%swap3A_834], %select_n3A_833 {strides = array<i32>} : memref<160xi32, #tpu.memory_space<vmem>>, vector<16xi32>,
      %get3A_836 = arith.constant 304 : index
      %get3A_837 = tpu.vector_load %arg9[%get3A_836] {strides = array<i32>} : memref<320xi32, #tpu.memory_space<vmem>>, vector<16xi32>,
      %sub3A_838 = vector.broadcast %mul3A_6 : i32 to vector<16xi32>
      %sub3A_839 = arith.subi %get3A_837, %sub3A_838 : vector<16xi32>
      %lt3A_840 = arith.constant 0 : i32
      %lt3A_841 = vector.broadcast %lt3A_840 : i32 to vector<16xi32>
      %lt3A_842 = arith.cmpi slt, %sub3A_839, %lt3A_841 : vector<16xi32>
      %ge3A_843 = arith.constant 25000 : i32
      %ge3A_844 = vector.broadcast %ge3A_843 : i32 to vector<16xi32>
      %ge3A_845 = arith.cmpi sge, %sub3A_839, %ge3A_844 : vector<16xi32>
      %or3A_846 = arith.ori %lt3A_842, %ge3A_845 : vector<16xi1>
      %add3A_847 = arith.constant 25000 : i32
      %add3A_848 = arith.addi %add3A_847, %arg1 : i32
      %broadcast_in_dim3A_849 = vector.broadcast %add3A_848 : i32 to vector<16xi32>
      %select_n3A_850 = arith.select %or3A_846, %broadcast_in_dim3A_849, %sub3A_839 : vector<16xi1>, vector<16xi32>
      %swap3A_851 = arith.constant 144 : index
      %swap3A_852 = tpu.vector_load %arg11[%swap3A_851] {strides = array<i32>} : memref<160xi32, #tpu.memory_space<vmem>>, vector<16xi32>,
      tpu.vector_store %arg11[%swap3A_851], %select_n3A_850 {strides = array<i32>} : memref<160xi32, #tpu.memory_space<vmem>>, vector<16xi32>,
      %dma_wait3A_853 = arith.constant 160 : i32
      %dma_wait3A_854 = tpu.memref_slice %arg7[%dma_wait3A_853] : memref<320xi32, #tpu.memory_space<vmem>> -> memref<160xi32, #tpu.memory_space<vmem>>
      %dma_wait3A_855 = arith.constant 0 : i32
      %dma_wait3A_856 = arith.constant 0 : i32
      %dma_wait3A_857 = tpu.memref_slice %arg2[%dma_wait3A_855, %dma_wait3A_856] : memref<50000x64xf32, #tpu.memory_space<hbm>> -> memref<50000x64xf32, #tpu.memory_space<hbm>>
      tpu.wait_indirect_dma semaphore(%arg17 : memref<!tpu.dma_semaphore, #tpu.memory_space<semaphore_mem>>) src(%dma_wait3A_857 : memref<50000x64xf32, #tpu.memory_space<hbm>>) dst(%arg13 : memref<160x64xf32, #tpu.memory_space<vmem>>)
      %dma_start3A_858 = arith.constant 0 : i32
      %dma_start3A_859 = arith.constant 0 : i32
      %dma_start3A_860 = tpu.memref_slice %arg15[%dma_start3A_858, %dma_start3A_859] : memref<25104x64xf32, #tpu.memory_space<vmem_shared>> -> memref<25104x64xf32, #tpu.memory_space<vmem_shared>>
      tpu.enqueue_indirect_dma source(%arg13 : memref<160x64xf32, #tpu.memory_space<vmem>>) target(%dma_start3A_860 : memref<25104x64xf32, #tpu.memory_space<vmem_shared>>) offsets(%arg11 : memref<160xi32, #tpu.memory_space<vmem>>) semaphore(%arg19 : memref<!tpu.dma_semaphore, #tpu.memory_space<semaphore_mem>>) {add = true}
      %add3A_861 = arith.constant 2 : i32
      %add3A_862 = arith.addi %add3A_476, %add3A_861 : i32
      %lt3A_863 = arith.constant 160 : i32
      %lt3A_864 = arith.cmpi slt, %add3A_862, %lt3A_863 : i32
      %convert_element_type3A_865 = arith.extui %lt3A_864 : i1 to i32
      %cond3A_866 = arith.constant 0 : i32
      %cond3A_867 = arith.cmpi ne, %convert_element_type3A_865, %cond3A_866 : i32
      scf.if %cond3A_867 {
        %add3A_868 = arith.constant 2 : i32
        %add3A_869 = arith.addi %add3A_476, %add3A_868 : i32
        %mul3A_870 = arith.constant 160 : i32
        %mul3A_871 = arith.muli %arg1, %mul3A_870 : i32
        %add3A_872 = arith.addi %mul3A_871, %add3A_869 : i32
        %mul3A_873 = arith.constant 320 : i32
        %mul3A_874 = arith.muli %add3A_872, %mul3A_873 : i32
        %dma_start3A_875 = tpu.memref_slice %arg3[%mul3A_874] : memref<819200xi32, #tpu.memory_space<hbm>> -> memref<320xi32, #tpu.memory_space<hbm>>
        %dma_start3A_876 = tpu.memref_slice %arg3[%mul3A_874] : memref<819200xi32, #tpu.memory_space<hbm>> -> memref<320xi32, #tpu.memory_space<hbm>>
        tpu.enqueue_dma source(%dma_start3A_876 : memref<320xi32, #tpu.memory_space<hbm>>) target(%arg7 : memref<320xi32, #tpu.memory_space<vmem>>) target_semaphore(%arg21 : memref<!tpu.dma_semaphore, #tpu.memory_space<semaphore_mem>>)
        %mul3A_877 = arith.constant 160 : i32
        %mul3A_878 = arith.muli %arg1, %mul3A_877 : i32
        %add3A_879 = arith.addi %mul3A_878, %add3A_869 : i32
        %mul3A_880 = arith.constant 320 : i32
        %mul3A_881 = arith.muli %add3A_879, %mul3A_880 : i32
        %dma_start3A_882 = tpu.memref_slice %arg4[%mul3A_881] : memref<819200xi32, #tpu.memory_space<hbm>> -> memref<320xi32, #tpu.memory_space<hbm>>
        %dma_start3A_883 = tpu.memref_slice %arg4[%mul3A_881] : memref<819200xi32, #tpu.memory_space<hbm>> -> memref<320xi32, #tpu.memory_space<hbm>>
        tpu.enqueue_dma source(%dma_start3A_883 : memref<320xi32, #tpu.memory_space<hbm>>) target(%arg9 : memref<320xi32, #tpu.memory_space<vmem>>) target_semaphore(%arg21 : memref<!tpu.dma_semaphore, #tpu.memory_space<semaphore_mem>>)
      } else {
      }
    }
    %scan3A_70 = arith.constant 80 : i32
    %dma_wait3A = arith.constant 0 : i32
    %dma_wait3A_71 = arith.constant 0 : i32
    %dma_wait3A_72 = tpu.memref_slice %arg15[%dma_wait3A, %dma_wait3A_71] : memref<25104x64xf32, #tpu.memory_space<vmem_shared>> -> memref<25104x64xf32, #tpu.memory_space<vmem_shared>>
    tpu.wait_indirect_dma semaphore(%arg18 : memref<!tpu.dma_semaphore, #tpu.memory_space<semaphore_mem>>) src(%arg12 : memref<160x64xf32, #tpu.memory_space<vmem>>) dst(%dma_wait3A_72 : memref<25104x64xf32, #tpu.memory_space<vmem_shared>>)
    %dma_wait3A_73 = arith.constant 0 : i32
    %dma_wait3A_74 = arith.constant 0 : i32
    %dma_wait3A_75 = tpu.memref_slice %arg15[%dma_wait3A_73, %dma_wait3A_74] : memref<25104x64xf32, #tpu.memory_space<vmem_shared>> -> memref<25104x64xf32, #tpu.memory_space<vmem_shared>>
    tpu.wait_indirect_dma semaphore(%arg19 : memref<!tpu.dma_semaphore, #tpu.memory_space<semaphore_mem>>) src(%arg13 : memref<160x64xf32, #tpu.memory_space<vmem>>) dst(%dma_wait3A_75 : memref<25104x64xf32, #tpu.memory_space<vmem_shared>>)
    %barrier3A_76 = arith.constant 0 : index
    tpu.barrier barrier_id(%barrier3A_76)
    %lt3A = arith.constant 8 : i32
    %lt3A_77 = arith.cmpi slt, %arg1, %lt3A : i32
    %convert_element_type3A = arith.extui %lt3A_77 : i1 to i32
    %cond3A = arith.constant 0 : i32
    %cond3A_78 = arith.cmpi ne, %convert_element_type3A, %cond3A : i32
    scf.if %cond3A_78 {
      %mul3A_83 = arith.constant 1563 : i32
      %mul3A_84 = arith.muli %arg1, %mul3A_83 : i32
      "tpu.region"() ({
        %run_scoped3A = tpu.sem_alloc : memref<!tpu.dma_semaphore, #tpu.memory_space<semaphore_mem>>
        %dma_start3A_85 = arith.constant 0 : i32
        %dma_start3A_86 = tpu.memref_slice %arg5[%arg0, %mul3A_84, %dma_start3A_85] : memref<2x25088x64xf32, #tpu.memory_space<hbm>> -> memref<1x1563x64xf32, #tpu.memory_space<hbm>>
        %dma_start3A_87 = tpu.memref_squeeze %dma_start3A_86 : memref<1x1563x64xf32, #tpu.memory_space<hbm>> -> memref<1563x64xf32, #tpu.memory_space<hbm>>
        %dma_start3A_88 = arith.constant 0 : i32
        %dma_start3A_89 = tpu.memref_slice %arg15[%mul3A_84, %dma_start3A_88] : memref<25104x64xf32, #tpu.memory_space<vmem_shared>> -> memref<1563x64xf32, #tpu.memory_space<vmem_shared>>
        tpu.enqueue_dma source(%dma_start3A_89 : memref<1563x64xf32, #tpu.memory_space<vmem_shared>>) target(%dma_start3A_87 : memref<1563x64xf32, #tpu.memory_space<hbm>>) target_semaphore(%run_scoped3A : memref<!tpu.dma_semaphore, #tpu.memory_space<semaphore_mem>>)
        %dma_wait3A_90 = arith.constant 0 : i32
        %dma_wait3A_91 = tpu.memref_slice %arg5[%arg0, %mul3A_84, %dma_wait3A_90] : memref<2x25088x64xf32, #tpu.memory_space<hbm>> -> memref<1x1563x64xf32, #tpu.memory_space<hbm>>
        %dma_wait3A_92 = tpu.memref_squeeze %dma_wait3A_91 : memref<1x1563x64xf32, #tpu.memory_space<hbm>> -> memref<1563x64xf32, #tpu.memory_space<hbm>>
        %dma_wait3A_93 = arith.constant 0 : i32
        %dma_wait3A_94 = tpu.memref_slice %arg15[%mul3A_84, %dma_wait3A_93] : memref<25104x64xf32, #tpu.memory_space<vmem_shared>> -> memref<1563x64xf32, #tpu.memory_space<vmem_shared>>
        tpu.wait_dma2 semaphore(%run_scoped3A : memref<!tpu.dma_semaphore, #tpu.memory_space<semaphore_mem>>) src(%dma_wait3A_94 : memref<1563x64xf32, #tpu.memory_space<vmem_shared>>) dst(%dma_wait3A_92 : memref<1563x64xf32, #tpu.memory_space<hbm>>)
        tpu.yield
      }) : () -> ()
    } else {
    }
    %ge3A = arith.constant 8 : i32
    %ge3A_79 = arith.cmpi sge, %arg1, %ge3A : i32
    %convert_element_type3A_80 = arith.extui %ge3A_79 : i1 to i32
    %cond3A_81 = arith.constant 0 : i32
    %cond3A_82 = arith.cmpi ne, %convert_element_type3A_80, %cond3A_81 : i32
    scf.if %cond3A_82 {
      %sub3A = arith.constant 8 : i32
      %sub3A_83 = arith.subi %arg1, %sub3A : i32
      %mul3A_84 = arith.constant 1562 : i32
      %mul3A_85 = arith.muli %sub3A_83, %mul3A_84 : i32
      %add3A_86 = arith.constant 12504 : i32
      %add3A_87 = arith.addi %add3A_86, %mul3A_85 : i32
      "tpu.region"() ({
        %run_scoped3A = tpu.sem_alloc : memref<!tpu.dma_semaphore, #tpu.memory_space<semaphore_mem>>
        %dma_start3A_88 = arith.constant 0 : i32
        %dma_start3A_89 = tpu.memref_slice %arg5[%arg0, %add3A_87, %dma_start3A_88] : memref<2x25088x64xf32, #tpu.memory_space<hbm>> -> memref<1x1562x64xf32, #tpu.memory_space<hbm>>
        %dma_start3A_90 = tpu.memref_squeeze %dma_start3A_89 : memref<1x1562x64xf32, #tpu.memory_space<hbm>> -> memref<1562x64xf32, #tpu.memory_space<hbm>>
        %dma_start3A_91 = arith.constant 0 : i32
        %dma_start3A_92 = tpu.memref_slice %arg15[%add3A_87, %dma_start3A_91] : memref<25104x64xf32, #tpu.memory_space<vmem_shared>> -> memref<1562x64xf32, #tpu.memory_space<vmem_shared>>
        tpu.enqueue_dma source(%dma_start3A_92 : memref<1562x64xf32, #tpu.memory_space<vmem_shared>>) target(%dma_start3A_90 : memref<1562x64xf32, #tpu.memory_space<hbm>>) target_semaphore(%run_scoped3A : memref<!tpu.dma_semaphore, #tpu.memory_space<semaphore_mem>>)
        %dma_wait3A_93 = arith.constant 0 : i32
        %dma_wait3A_94 = tpu.memref_slice %arg5[%arg0, %add3A_87, %dma_wait3A_93] : memref<2x25088x64xf32, #tpu.memory_space<hbm>> -> memref<1x1562x64xf32, #tpu.memory_space<hbm>>
        %dma_wait3A_95 = tpu.memref_squeeze %dma_wait3A_94 : memref<1x1562x64xf32, #tpu.memory_space<hbm>> -> memref<1562x64xf32, #tpu.memory_space<hbm>>
        %dma_wait3A_96 = arith.constant 0 : i32
        %dma_wait3A_97 = tpu.memref_slice %arg15[%add3A_87, %dma_wait3A_96] : memref<25104x64xf32, #tpu.memory_space<vmem_shared>> -> memref<1562x64xf32, #tpu.memory_space<vmem_shared>>
        tpu.wait_dma2 semaphore(%run_scoped3A : memref<!tpu.dma_semaphore, #tpu.memory_space<semaphore_mem>>) src(%dma_wait3A_97 : memref<1562x64xf32, #tpu.memory_space<vmem_shared>>) dst(%dma_wait3A_95 : memref<1562x64xf32, #tpu.memory_space<hbm>>)
        tpu.yield
      }) : () -> ()
    } else {
    }
    return
  }
}

#map = affine_map<(d0, d1) -> (0, 0)>
#map1 = affine_map<(d0, d1) -> (0)>
#map2 = affine_map<(d0, d1) -> (0, 0, 0)>
module attributes {stable_mosaic.version = 14 : i64} {
  func.func @_sc_scatter_body(%arg0: i32, %arg1: i32, %arg2: memref<50000x64xf32, #tpu.memory_space<hbm>>, %arg3: memref<819200xi32, #tpu.memory_space<hbm>>, %arg4: memref<819200xi32, #tpu.memory_space<hbm>>, %arg5: memref<2x25088x64xf32, #tpu.memory_space<hbm>>, %arg6: memref<320xi32, #tpu.memory_space<vmem>>, %arg7: memref<320xi32, #tpu.memory_space<vmem>>, %arg8: memref<320xi32, #tpu.memory_space<vmem>>, %arg9: memref<320xi32, #tpu.memory_space<vmem>>, %arg10: memref<160xi32, #tpu.memory_space<vmem>>, %arg11: memref<160xi32, #tpu.memory_space<vmem>>, %arg12: memref<160x64xf32, #tpu.memory_space<vmem>>, %arg13: memref<160x64xf32, #tpu.memory_space<vmem>>, %arg14: memref<128x64xf32, #tpu.memory_space<vmem>>, %arg15: memref<25104x64xf32, #tpu.memory_space<vmem_shared>>, %arg16: memref<!tpu.dma_semaphore, #tpu.memory_space<semaphore_mem>>, %arg17: memref<!tpu.dma_semaphore, #tpu.memory_space<semaphore_mem>>, %arg18: memref<!tpu.dma_semaphore, #tpu.memory_space<semaphore_mem>>, %arg19: memref<!tpu.dma_semaphore, #tpu.memory_space<semaphore_mem>>, %arg20: memref<!tpu.dma_semaphore, #tpu.memory_space<semaphore_mem>>, %arg21: memref<!tpu.dma_semaphore, #tpu.memory_space<semaphore_mem>>) attributes {dimension_semantics = [#tpu.dimension_semantics<core_parallel>, #tpu.dimension_semantics<subcore_parallel>], iteration_bounds = array<i64: 2, 16>, scalar_prefetch = 0 : i64, scratch_operands = 16 : i64, tpu.core_type = #tpu.core_type<sc_vector_subcore>, window_params = [{transform_indices = #map}, {transform_indices = #map1}, {transform_indices = #map1}, {transform_indices = #map2}]} {
    %broadcast_in_dim3A = arith.constant 0.000000e+00 : f32
    %broadcast_in_dim3A_0 = vector.broadcast %broadcast_in_dim3A : f32 to vector<16xf32>
    %scan3A = arith.constant 0 : i32
    %scan3A_1 = arith.constant 0 : i32
    %scan3A_2 = arith.constant 128 : i32
    %scan3A_3 = arith.addi %scan3A_1, %scan3A_2 : i32
    %scan3A_4 = arith.constant 1 : i32
    scf.for %scan3A_83 = %scan3A_1 to %scan3A_3 step %scan3A_4  : i32 {
      %swap3A = arith.index_cast %scan3A_83 : i32 to index
      %swap3A_84 = arith.constant 0 : index
      %swap3A_85 = tpu.vector_load %arg14[%swap3A, %swap3A_84] {strides = array<i32>} : memref<128x64xf32, #tpu.memory_space<vmem>>, vector<16xf32>,
      tpu.vector_store %arg14[%swap3A, %swap3A_84], %broadcast_in_dim3A_0 {strides = array<i32>} : memref<128x64xf32, #tpu.memory_space<vmem>>, vector<16xf32>,
      %swap3A_86 = arith.index_cast %scan3A_83 : i32 to index
      %swap3A_87 = arith.constant 16 : index
      %swap3A_88 = tpu.vector_load %arg14[%swap3A_86, %swap3A_87] {strides = array<i32>} : memref<128x64xf32, #tpu.memory_space<vmem>>, vector<16xf32>,
      tpu.vector_store %arg14[%swap3A_86, %swap3A_87], %broadcast_in_dim3A_0 {strides = array<i32>} : memref<128x64xf32, #tpu.memory_space<vmem>>, vector<16xf32>,
      %swap3A_89 = arith.index_cast %scan3A_83 : i32 to index
      %swap3A_90 = arith.constant 32 : index
      %swap3A_91 = tpu.vector_load %arg14[%swap3A_89, %swap3A_90] {strides = array<i32>} : memref<128x64xf32, #tpu.memory_space<vmem>>, vector<16xf32>,
      tpu.vector_store %arg14[%swap3A_89, %swap3A_90], %broadcast_in_dim3A_0 {strides = array<i32>} : memref<128x64xf32, #tpu.memory_space<vmem>>, vector<16xf32>,
      %swap3A_92 = arith.index_cast %scan3A_83 : i32 to index
      %swap3A_93 = arith.constant 48 : index
      %swap3A_94 = tpu.vector_load %arg14[%swap3A_92, %swap3A_93] {strides = array<i32>} : memref<128x64xf32, #tpu.memory_space<vmem>>, vector<16xf32>,
      tpu.vector_store %arg14[%swap3A_92, %swap3A_93], %broadcast_in_dim3A_0 {strides = array<i32>} : memref<128x64xf32, #tpu.memory_space<vmem>>, vector<16xf32>,
    }
    %scan3A_5 = arith.constant 128 : i32
    %mul3A = arith.constant 25000 : i32
    %mul3A_6 = arith.muli %arg0, %mul3A : i32
    %mul3A_7 = arith.constant 1569 : i32
    %mul3A_8 = arith.muli %arg1, %mul3A_7 : i32
    %add3A = arith.constant 0 : i32
    %add3A_9 = arith.addi %mul3A_8, %add3A : i32
    "tpu.region"() ({
      %run_scoped3A = tpu.sem_alloc : memref<!tpu.dma_semaphore, #tpu.memory_space<semaphore_mem>>
      %dma_start3A_83 = arith.constant 0 : i32
      %dma_start3A_84 = tpu.memref_slice %arg15[%add3A_9, %dma_start3A_83] : memref<25104x64xf32, #tpu.memory_space<vmem_shared>> -> memref<128x64xf32, #tpu.memory_space<vmem_shared>>
      %dma_start3A_85 = arith.constant 0 : i32
      %dma_start3A_86 = tpu.memref_slice %arg15[%add3A_9, %dma_start3A_85] : memref<25104x64xf32, #tpu.memory_space<vmem_shared>> -> memref<128x64xf32, #tpu.memory_space<vmem_shared>>
      tpu.enqueue_dma source(%arg14 : memref<128x64xf32, #tpu.memory_space<vmem>>) target(%dma_start3A_86 : memref<128x64xf32, #tpu.memory_space<vmem_shared>>) target_semaphore(%run_scoped3A : memref<!tpu.dma_semaphore, #tpu.memory_space<semaphore_mem>>)
      %dma_wait3A_87 = arith.constant 0 : i32
      %dma_wait3A_88 = tpu.memref_slice %arg15[%add3A_9, %dma_wait3A_87] : memref<25104x64xf32, #tpu.memory_space<vmem_shared>> -> memref<128x64xf32, #tpu.memory_space<vmem_shared>>
      %dma_wait3A_89 = arith.constant 0 : i32
      %dma_wait3A_90 = tpu.memref_slice %arg15[%add3A_9, %dma_wait3A_89] : memref<25104x64xf32, #tpu.memory_space<vmem_shared>> -> memref<128x64xf32, #tpu.memory_space<vmem_shared>>
      tpu.wait_dma2 semaphore(%run_scoped3A : memref<!tpu.dma_semaphore, #tpu.memory_space<semaphore_mem>>) src(%arg14 : memref<128x64xf32, #tpu.memory_space<vmem>>) dst(%dma_wait3A_90 : memref<128x64xf32, #tpu.memory_space<vmem_shared>>)
      tpu.yield
    }) : () -> ()
    %add3A_10 = arith.constant 128 : i32
    %add3A_11 = arith.addi %mul3A_8, %add3A_10 : i32
    "tpu.region"() ({
      %run_scoped3A = tpu.sem_alloc : memref<!tpu.dma_semaphore, #tpu.memory_space<semaphore_mem>>
      %dma_start3A_83 = arith.constant 0 : i32
      %dma_start3A_84 = tpu.memref_slice %arg15[%add3A_11, %dma_start3A_83] : memref<25104x64xf32, #tpu.memory_space<vmem_shared>> -> memref<128x64xf32, #tpu.memory_space<vmem_shared>>
      %dma_start3A_85 = arith.constant 0 : i32
      %dma_start3A_86 = tpu.memref_slice %arg15[%add3A_11, %dma_start3A_85] : memref<25104x64xf32, #tpu.memory_space<vmem_shared>> -> memref<128x64xf32, #tpu.memory_space<vmem_shared>>
      tpu.enqueue_dma source(%arg14 : memref<128x64xf32, #tpu.memory_space<vmem>>) target(%dma_start3A_86 : memref<128x64xf32, #tpu.memory_space<vmem_shared>>) target_semaphore(%run_scoped3A : memref<!tpu.dma_semaphore, #tpu.memory_space<semaphore_mem>>)
      %dma_wait3A_87 = arith.constant 0 : i32
      %dma_wait3A_88 = tpu.memref_slice %arg15[%add3A_11, %dma_wait3A_87] : memref<25104x64xf32, #tpu.memory_space<vmem_shared>> -> memref<128x64xf32, #tpu.memory_space<vmem_shared>>
      %dma_wait3A_89 = arith.constant 0 : i32
      %dma_wait3A_90 = tpu.memref_slice %arg15[%add3A_11, %dma_wait3A_89] : memref<25104x64xf32, #tpu.memory_space<vmem_shared>> -> memref<128x64xf32, #tpu.memory_space<vmem_shared>>
      tpu.wait_dma2 semaphore(%run_scoped3A : memref<!tpu.dma_semaphore, #tpu.memory_space<semaphore_mem>>) src(%arg14 : memref<128x64xf32, #tpu.memory_space<vmem>>) dst(%dma_wait3A_90 : memref<128x64xf32, #tpu.memory_space<vmem_shared>>)
      tpu.yield
    }) : () -> ()
    %add3A_12 = arith.constant 256 : i32
    %add3A_13 = arith.addi %mul3A_8, %add3A_12 : i32
    "tpu.region"() ({
      %run_scoped3A = tpu.sem_alloc : memref<!tpu.dma_semaphore, #tpu.memory_space<semaphore_mem>>
      %dma_start3A_83 = arith.constant 0 : i32
      %dma_start3A_84 = tpu.memref_slice %arg15[%add3A_13, %dma_start3A_83] : memref<25104x64xf32, #tpu.memory_space<vmem_shared>> -> memref<128x64xf32, #tpu.memory_space<vmem_shared>>
      %dma_start3A_85 = arith.constant 0 : i32
      %dma_start3A_86 = tpu.memref_slice %arg15[%add3A_13, %dma_start3A_85] : memref<25104x64xf32, #tpu.memory_space<vmem_shared>> -> memref<128x64xf32, #tpu.memory_space<vmem_shared>>
      tpu.enqueue_dma source(%arg14 : memref<128x64xf32, #tpu.memory_space<vmem>>) target(%dma_start3A_86 : memref<128x64xf32, #tpu.memory_space<vmem_shared>>) target_semaphore(%run_scoped3A : memref<!tpu.dma_semaphore, #tpu.memory_space<semaphore_mem>>)
      %dma_wait3A_87 = arith.constant 0 : i32
      %dma_wait3A_88 = tpu.memref_slice %arg15[%add3A_13, %dma_wait3A_87] : memref<25104x64xf32, #tpu.memory_space<vmem_shared>> -> memref<128x64xf32, #tpu.memory_space<vmem_shared>>
      %dma_wait3A_89 = arith.constant 0 : i32
      %dma_wait3A_90 = tpu.memref_slice %arg15[%add3A_13, %dma_wait3A_89] : memref<25104x64xf32, #tpu.memory_space<vmem_shared>> -> memref<128x64xf32, #tpu.memory_space<vmem_shared>>
      tpu.wait_dma2 semaphore(%run_scoped3A : memref<!tpu.dma_semaphore, #tpu.memory_space<semaphore_mem>>) src(%arg14 : memref<128x64xf32, #tpu.memory_space<vmem>>) dst(%dma_wait3A_90 : memref<128x64xf32, #tpu.memory_space<vmem_shared>>)
      tpu.yield
    }) : () -> ()
    %add3A_14 = arith.constant 384 : i32
    %add3A_15 = arith.addi %mul3A_8, %add3A_14 : i32
    "tpu.region"() ({
      %run_scoped3A = tpu.sem_alloc : memref<!tpu.dma_semaphore, #tpu.memory_space<semaphore_mem>>
      %dma_start3A_83 = arith.constant 0 : i32
      %dma_start3A_84 = tpu.memref_slice %arg15[%add3A_15, %dma_start3A_83] : memref<25104x64xf32, #tpu.memory_space<vmem_shared>> -> memref<128x64xf32, #tpu.memory_space<vmem_shared>>
      %dma_start3A_85 = arith.constant 0 : i32
      %dma_start3A_86 = tpu.memref_slice %arg15[%add3A_15, %dma_start3A_85] : memref<25104x64xf32, #tpu.memory_space<vmem_shared>> -> memref<128x64xf32, #tpu.memory_space<vmem_shared>>
      tpu.enqueue_dma source(%arg14 : memref<128x64xf32, #tpu.memory_space<vmem>>) target(%dma_start3A_86 : memref<128x64xf32, #tpu.memory_space<vmem_shared>>) target_semaphore(%run_scoped3A : memref<!tpu.dma_semaphore, #tpu.memory_space<semaphore_mem>>)
      %dma_wait3A_87 = arith.constant 0 : i32
      %dma_wait3A_88 = tpu.memref_slice %arg15[%add3A_15, %dma_wait3A_87] : memref<25104x64xf32, #tpu.memory_space<vmem_shared>> -> memref<128x64xf32, #tpu.memory_space<vmem_shared>>
      %dma_wait3A_89 = arith.constant 0 : i32
      %dma_wait3A_90 = tpu.memref_slice %arg15[%add3A_15, %dma_wait3A_89] : memref<25104x64xf32, #tpu.memory_space<vmem_shared>> -> memref<128x64xf32, #tpu.memory_space<vmem_shared>>
      tpu.wait_dma2 semaphore(%run_scoped3A : memref<!tpu.dma_semaphore, #tpu.memory_space<semaphore_mem>>) src(%arg14 : memref<128x64xf32, #tpu.memory_space<vmem>>) dst(%dma_wait3A_90 : memref<128x64xf32, #tpu.memory_space<vmem_shared>>)
      tpu.yield
    }) : () -> ()
    %add3A_16 = arith.constant 512 : i32
    %add3A_17 = arith.addi %mul3A_8, %add3A_16 : i32
    "tpu.region"() ({
      %run_scoped3A = tpu.sem_alloc : memref<!tpu.dma_semaphore, #tpu.memory_space<semaphore_mem>>
      %dma_start3A_83 = arith.constant 0 : i32
      %dma_start3A_84 = tpu.memref_slice %arg15[%add3A_17, %dma_start3A_83] : memref<25104x64xf32, #tpu.memory_space<vmem_shared>> -> memref<128x64xf32, #tpu.memory_space<vmem_shared>>
      %dma_start3A_85 = arith.constant 0 : i32
      %dma_start3A_86 = tpu.memref_slice %arg15[%add3A_17, %dma_start3A_85] : memref<25104x64xf32, #tpu.memory_space<vmem_shared>> -> memref<128x64xf32, #tpu.memory_space<vmem_shared>>
      tpu.enqueue_dma source(%arg14 : memref<128x64xf32, #tpu.memory_space<vmem>>) target(%dma_start3A_86 : memref<128x64xf32, #tpu.memory_space<vmem_shared>>) target_semaphore(%run_scoped3A : memref<!tpu.dma_semaphore, #tpu.memory_space<semaphore_mem>>)
      %dma_wait3A_87 = arith.constant 0 : i32
      %dma_wait3A_88 = tpu.memref_slice %arg15[%add3A_17, %dma_wait3A_87] : memref<25104x64xf32, #tpu.memory_space<vmem_shared>> -> memref<128x64xf32, #tpu.memory_space<vmem_shared>>
      %dma_wait3A_89 = arith.constant 0 : i32
      %dma_wait3A_90 = tpu.memref_slice %arg15[%add3A_17, %dma_wait3A_89] : memref<25104x64xf32, #tpu.memory_space<vmem_shared>> -> memref<128x64xf32, #tpu.memory_space<vmem_shared>>
      tpu.wait_dma2 semaphore(%run_scoped3A : memref<!tpu.dma_semaphore, #tpu.memory_space<semaphore_mem>>) src(%arg14 : memref<128x64xf32, #tpu.memory_space<vmem>>) dst(%dma_wait3A_90 : memref<128x64xf32, #tpu.memory_space<vmem_shared>>)
      tpu.yield
    }) : () -> ()
    %add3A_18 = arith.constant 640 : i32
    %add3A_19 = arith.addi %mul3A_8, %add3A_18 : i32
    "tpu.region"() ({
      %run_scoped3A = tpu.sem_alloc : memref<!tpu.dma_semaphore, #tpu.memory_space<semaphore_mem>>
      %dma_start3A_83 = arith.constant 0 : i32
      %dma_start3A_84 = tpu.memref_slice %arg15[%add3A_19, %dma_start3A_83] : memref<25104x64xf32, #tpu.memory_space<vmem_shared>> -> memref<128x64xf32, #tpu.memory_space<vmem_shared>>
      %dma_start3A_85 = arith.constant 0 : i32
      %dma_start3A_86 = tpu.memref_slice %arg15[%add3A_19, %dma_start3A_85] : memref<25104x64xf32, #tpu.memory_space<vmem_shared>> -> memref<128x64xf32, #tpu.memory_space<vmem_shared>>
      tpu.enqueue_dma source(%arg14 : memref<128x64xf32, #tpu.memory_space<vmem>>) target(%dma_start3A_86 : memref<128x64xf32, #tpu.memory_space<vmem_shared>>) target_semaphore(%run_scoped3A : memref<!tpu.dma_semaphore, #tpu.memory_space<semaphore_mem>>)
      %dma_wait3A_87 = arith.constant 0 : i32
      %dma_wait3A_88 = tpu.memref_slice %arg15[%add3A_19, %dma_wait3A_87] : memref<25104x64xf32, #tpu.memory_space<vmem_shared>> -> memref<128x64xf32, #tpu.memory_space<vmem_shared>>
      %dma_wait3A_89 = arith.constant 0 : i32
      %dma_wait3A_90 = tpu.memref_slice %arg15[%add3A_19, %dma_wait3A_89] : memref<25104x64xf32, #tpu.memory_space<vmem_shared>> -> memref<128x64xf32, #tpu.memory_space<vmem_shared>>
      tpu.wait_dma2 semaphore(%run_scoped3A : memref<!tpu.dma_semaphore, #tpu.memory_space<semaphore_mem>>) src(%arg14 : memref<128x64xf32, #tpu.memory_space<vmem>>) dst(%dma_wait3A_90 : memref<128x64xf32, #tpu.memory_space<vmem_shared>>)
      tpu.yield
    }) : () -> ()
    %add3A_20 = arith.constant 768 : i32
    %add3A_21 = arith.addi %mul3A_8, %add3A_20 : i32
    "tpu.region"() ({
      %run_scoped3A = tpu.sem_alloc : memref<!tpu.dma_semaphore, #tpu.memory_space<semaphore_mem>>
      %dma_start3A_83 = arith.constant 0 : i32
      %dma_start3A_84 = tpu.memref_slice %arg15[%add3A_21, %dma_start3A_83] : memref<25104x64xf32, #tpu.memory_space<vmem_shared>> -> memref<128x64xf32, #tpu.memory_space<vmem_shared>>
      %dma_start3A_85 = arith.constant 0 : i32
      %dma_start3A_86 = tpu.memref_slice %arg15[%add3A_21, %dma_start3A_85] : memref<25104x64xf32, #tpu.memory_space<vmem_shared>> -> memref<128x64xf32, #tpu.memory_space<vmem_shared>>
      tpu.enqueue_dma source(%arg14 : memref<128x64xf32, #tpu.memory_space<vmem>>) target(%dma_start3A_86 : memref<128x64xf32, #tpu.memory_space<vmem_shared>>) target_semaphore(%run_scoped3A : memref<!tpu.dma_semaphore, #tpu.memory_space<semaphore_mem>>)
      %dma_wait3A_87 = arith.constant 0 : i32
      %dma_wait3A_88 = tpu.memref_slice %arg15[%add3A_21, %dma_wait3A_87] : memref<25104x64xf32, #tpu.memory_space<vmem_shared>> -> memref<128x64xf32, #tpu.memory_space<vmem_shared>>
      %dma_wait3A_89 = arith.constant 0 : i32
      %dma_wait3A_90 = tpu.memref_slice %arg15[%add3A_21, %dma_wait3A_89] : memref<25104x64xf32, #tpu.memory_space<vmem_shared>> -> memref<128x64xf32, #tpu.memory_space<vmem_shared>>
      tpu.wait_dma2 semaphore(%run_scoped3A : memref<!tpu.dma_semaphore, #tpu.memory_space<semaphore_mem>>) src(%arg14 : memref<128x64xf32, #tpu.memory_space<vmem>>) dst(%dma_wait3A_90 : memref<128x64xf32, #tpu.memory_space<vmem_shared>>)
      tpu.yield
    }) : () -> ()
    %add3A_22 = arith.constant 896 : i32
    %add3A_23 = arith.addi %mul3A_8, %add3A_22 : i32
    "tpu.region"() ({
      %run_scoped3A = tpu.sem_alloc : memref<!tpu.dma_semaphore, #tpu.memory_space<semaphore_mem>>
      %dma_start3A_83 = arith.constant 0 : i32
      %dma_start3A_84 = tpu.memref_slice %arg15[%add3A_23, %dma_start3A_83] : memref<25104x64xf32, #tpu.memory_space<vmem_shared>> -> memref<128x64xf32, #tpu.memory_space<vmem_shared>>
      %dma_start3A_85 = arith.constant 0 : i32
      %dma_start3A_86 = tpu.memref_slice %arg15[%add3A_23, %dma_start3A_85] : memref<25104x64xf32, #tpu.memory_space<vmem_shared>> -> memref<128x64xf32, #tpu.memory_space<vmem_shared>>
      tpu.enqueue_dma source(%arg14 : memref<128x64xf32, #tpu.memory_space<vmem>>) target(%dma_start3A_86 : memref<128x64xf32, #tpu.memory_space<vmem_shared>>) target_semaphore(%run_scoped3A : memref<!tpu.dma_semaphore, #tpu.memory_space<semaphore_mem>>)
      %dma_wait3A_87 = arith.constant 0 : i32
      %dma_wait3A_88 = tpu.memref_slice %arg15[%add3A_23, %dma_wait3A_87] : memref<25104x64xf32, #tpu.memory_space<vmem_shared>> -> memref<128x64xf32, #tpu.memory_space<vmem_shared>>
      %dma_wait3A_89 = arith.constant 0 : i32
      %dma_wait3A_90 = tpu.memref_slice %arg15[%add3A_23, %dma_wait3A_89] : memref<25104x64xf32, #tpu.memory_space<vmem_shared>> -> memref<128x64xf32, #tpu.memory_space<vmem_shared>>
      tpu.wait_dma2 semaphore(%run_scoped3A : memref<!tpu.dma_semaphore, #tpu.memory_space<semaphore_mem>>) src(%arg14 : memref<128x64xf32, #tpu.memory_space<vmem>>) dst(%dma_wait3A_90 : memref<128x64xf32, #tpu.memory_space<vmem_shared>>)
      tpu.yield
    }) : () -> ()
    %add3A_24 = arith.constant 1024 : i32
    %add3A_25 = arith.addi %mul3A_8, %add3A_24 : i32
    "tpu.region"() ({
      %run_scoped3A = tpu.sem_alloc : memref<!tpu.dma_semaphore, #tpu.memory_space<semaphore_mem>>
      %dma_start3A_83 = arith.constant 0 : i32
      %dma_start3A_84 = tpu.memref_slice %arg15[%add3A_25, %dma_start3A_83] : memref<25104x64xf32, #tpu.memory_space<vmem_shared>> -> memref<128x64xf32, #tpu.memory_space<vmem_shared>>
      %dma_start3A_85 = arith.constant 0 : i32
      %dma_start3A_86 = tpu.memref_slice %arg15[%add3A_25, %dma_start3A_85] : memref<25104x64xf32, #tpu.memory_space<vmem_shared>> -> memref<128x64xf32, #tpu.memory_space<vmem_shared>>
      tpu.enqueue_dma source(%arg14 : memref<128x64xf32, #tpu.memory_space<vmem>>) target(%dma_start3A_86 : memref<128x64xf32, #tpu.memory_space<vmem_shared>>) target_semaphore(%run_scoped3A : memref<!tpu.dma_semaphore, #tpu.memory_space<semaphore_mem>>)
      %dma_wait3A_87 = arith.constant 0 : i32
      %dma_wait3A_88 = tpu.memref_slice %arg15[%add3A_25, %dma_wait3A_87] : memref<25104x64xf32, #tpu.memory_space<vmem_shared>> -> memref<128x64xf32, #tpu.memory_space<vmem_shared>>
      %dma_wait3A_89 = arith.constant 0 : i32
      %dma_wait3A_90 = tpu.memref_slice %arg15[%add3A_25, %dma_wait3A_89] : memref<25104x64xf32, #tpu.memory_space<vmem_shared>> -> memref<128x64xf32, #tpu.memory_space<vmem_shared>>
      tpu.wait_dma2 semaphore(%run_scoped3A : memref<!tpu.dma_semaphore, #tpu.memory_space<semaphore_mem>>) src(%arg14 : memref<128x64xf32, #tpu.memory_space<vmem>>) dst(%dma_wait3A_90 : memref<128x64xf32, #tpu.memory_space<vmem_shared>>)
      tpu.yield
    }) : () -> ()
    %add3A_26 = arith.constant 1152 : i32
    %add3A_27 = arith.addi %mul3A_8, %add3A_26 : i32
    "tpu.region"() ({
      %run_scoped3A = tpu.sem_alloc : memref<!tpu.dma_semaphore, #tpu.memory_space<semaphore_mem>>
      %dma_start3A_83 = arith.constant 0 : i32
      %dma_start3A_84 = tpu.memref_slice %arg15[%add3A_27, %dma_start3A_83] : memref<25104x64xf32, #tpu.memory_space<vmem_shared>> -> memref<128x64xf32, #tpu.memory_space<vmem_shared>>
      %dma_start3A_85 = arith.constant 0 : i32
      %dma_start3A_86 = tpu.memref_slice %arg15[%add3A_27, %dma_start3A_85] : memref<25104x64xf32, #tpu.memory_space<vmem_shared>> -> memref<128x64xf32, #tpu.memory_space<vmem_shared>>
      tpu.enqueue_dma source(%arg14 : memref<128x64xf32, #tpu.memory_space<vmem>>) target(%dma_start3A_86 : memref<128x64xf32, #tpu.memory_space<vmem_shared>>) target_semaphore(%run_scoped3A : memref<!tpu.dma_semaphore, #tpu.memory_space<semaphore_mem>>)
      %dma_wait3A_87 = arith.constant 0 : i32
      %dma_wait3A_88 = tpu.memref_slice %arg15[%add3A_27, %dma_wait3A_87] : memref<25104x64xf32, #tpu.memory_space<vmem_shared>> -> memref<128x64xf32, #tpu.memory_space<vmem_shared>>
      %dma_wait3A_89 = arith.constant 0 : i32
      %dma_wait3A_90 = tpu.memref_slice %arg15[%add3A_27, %dma_wait3A_89] : memref<25104x64xf32, #tpu.memory_space<vmem_shared>> -> memref<128x64xf32, #tpu.memory_space<vmem_shared>>
      tpu.wait_dma2 semaphore(%run_scoped3A : memref<!tpu.dma_semaphore, #tpu.memory_space<semaphore_mem>>) src(%arg14 : memref<128x64xf32, #tpu.memory_space<vmem>>) dst(%dma_wait3A_90 : memref<128x64xf32, #tpu.memory_space<vmem_shared>>)
      tpu.yield
    }) : () -> ()
    %add3A_28 = arith.constant 1280 : i32
    %add3A_29 = arith.addi %mul3A_8, %add3A_28 : i32
    "tpu.region"() ({
      %run_scoped3A = tpu.sem_alloc : memref<!tpu.dma_semaphore, #tpu.memory_space<semaphore_mem>>
      %dma_start3A_83 = arith.constant 0 : i32
      %dma_start3A_84 = tpu.memref_slice %arg15[%add3A_29, %dma_start3A_83] : memref<25104x64xf32, #tpu.memory_space<vmem_shared>> -> memref<128x64xf32, #tpu.memory_space<vmem_shared>>
      %dma_start3A_85 = arith.constant 0 : i32
      %dma_start3A_86 = tpu.memref_slice %arg15[%add3A_29, %dma_start3A_85] : memref<25104x64xf32, #tpu.memory_space<vmem_shared>> -> memref<128x64xf32, #tpu.memory_space<vmem_shared>>
      tpu.enqueue_dma source(%arg14 : memref<128x64xf32, #tpu.memory_space<vmem>>) target(%dma_start3A_86 : memref<128x64xf32, #tpu.memory_space<vmem_shared>>) target_semaphore(%run_scoped3A : memref<!tpu.dma_semaphore, #tpu.memory_space<semaphore_mem>>)
      %dma_wait3A_87 = arith.constant 0 : i32
      %dma_wait3A_88 = tpu.memref_slice %arg15[%add3A_29, %dma_wait3A_87] : memref<25104x64xf32, #tpu.memory_space<vmem_shared>> -> memref<128x64xf32, #tpu.memory_space<vmem_shared>>
      %dma_wait3A_89 = arith.constant 0 : i32
      %dma_wait3A_90 = tpu.memref_slice %arg15[%add3A_29, %dma_wait3A_89] : memref<25104x64xf32, #tpu.memory_space<vmem_shared>> -> memref<128x64xf32, #tpu.memory_space<vmem_shared>>
      tpu.wait_dma2 semaphore(%run_scoped3A : memref<!tpu.dma_semaphore, #tpu.memory_space<semaphore_mem>>) src(%arg14 : memref<128x64xf32, #tpu.memory_space<vmem>>) dst(%dma_wait3A_90 : memref<128x64xf32, #tpu.memory_space<vmem_shared>>)
      tpu.yield
    }) : () -> ()
    %add3A_30 = arith.constant 1408 : i32
    %add3A_31 = arith.addi %mul3A_8, %add3A_30 : i32
    "tpu.region"() ({
      %run_scoped3A = tpu.sem_alloc : memref<!tpu.dma_semaphore, #tpu.memory_space<semaphore_mem>>
      %dma_start3A_83 = arith.constant 0 : i32
      %dma_start3A_84 = tpu.memref_slice %arg15[%add3A_31, %dma_start3A_83] : memref<25104x64xf32, #tpu.memory_space<vmem_shared>> -> memref<128x64xf32, #tpu.memory_space<vmem_shared>>
      %dma_start3A_85 = arith.constant 0 : i32
      %dma_start3A_86 = tpu.memref_slice %arg15[%add3A_31, %dma_start3A_85] : memref<25104x64xf32, #tpu.memory_space<vmem_shared>> -> memref<128x64xf32, #tpu.memory_space<vmem_shared>>
      tpu.enqueue_dma source(%arg14 : memref<128x64xf32, #tpu.memory_space<vmem>>) target(%dma_start3A_86 : memref<128x64xf32, #tpu.memory_space<vmem_shared>>) target_semaphore(%run_scoped3A : memref<!tpu.dma_semaphore, #tpu.memory_space<semaphore_mem>>)
      %dma_wait3A_87 = arith.constant 0 : i32
      %dma_wait3A_88 = tpu.memref_slice %arg15[%add3A_31, %dma_wait3A_87] : memref<25104x64xf32, #tpu.memory_space<vmem_shared>> -> memref<128x64xf32, #tpu.memory_space<vmem_shared>>
      %dma_wait3A_89 = arith.constant 0 : i32
      %dma_wait3A_90 = tpu.memref_slice %arg15[%add3A_31, %dma_wait3A_89] : memref<25104x64xf32, #tpu.memory_space<vmem_shared>> -> memref<128x64xf32, #tpu.memory_space<vmem_shared>>
      tpu.wait_dma2 semaphore(%run_scoped3A : memref<!tpu.dma_semaphore, #tpu.memory_space<semaphore_mem>>) src(%arg14 : memref<128x64xf32, #tpu.memory_space<vmem>>) dst(%dma_wait3A_90 : memref<128x64xf32, #tpu.memory_space<vmem_shared>>)
      tpu.yield
    }) : () -> ()
    %add3A_32 = arith.constant 1536 : i32
    %add3A_33 = arith.addi %mul3A_8, %add3A_32 : i32
    "tpu.region"() ({
      %run_scoped3A = tpu.sem_alloc : memref<!tpu.dma_semaphore, #tpu.memory_space<semaphore_mem>>
      %dma_start3A_83 = arith.constant 0 : i32
      %dma_start3A_84 = arith.constant 0 : i32
      %dma_start3A_85 = tpu.memref_slice %arg14[%dma_start3A_83, %dma_start3A_84] : memref<128x64xf32, #tpu.memory_space<vmem>> -> memref<33x64xf32, #tpu.memory_space<vmem>>
      %dma_start3A_86 = arith.constant 0 : i32
      %dma_start3A_87 = tpu.memref_slice %arg15[%add3A_33, %dma_start3A_86] : memref<25104x64xf32, #tpu.memory_space<vmem_shared>> -> memref<33x64xf32, #tpu.memory_space<vmem_shared>>
      %dma_start3A_88 = arith.constant 0 : i32
      %dma_start3A_89 = tpu.memref_slice %arg15[%add3A_33, %dma_start3A_88] : memref<25104x64xf32, #tpu.memory_space<vmem_shared>> -> memref<33x64xf32, #tpu.memory_space<vmem_shared>>
      %dma_start3A_90 = arith.constant 0 : i32
      %dma_start3A_91 = arith.constant 0 : i32
      %dma_start3A_92 = tpu.memref_slice %arg14[%dma_start3A_90, %dma_start3A_91] : memref<128x64xf32, #tpu.memory_space<vmem>> -> memref<33x64xf32, #tpu.memory_space<vmem>>
      tpu.enqueue_dma source(%dma_start3A_92 : memref<33x64xf32, #tpu.memory_space<vmem>>) target(%dma_start3A_89 : memref<33x64xf32, #tpu.memory_space<vmem_shared>>) target_semaphore(%run_scoped3A : memref<!tpu.dma_semaphore, #tpu.memory_space<semaphore_mem>>)
      %dma_wait3A_93 = arith.constant 0 : i32
      %dma_wait3A_94 = arith.constant 0 : i32
      %dma_wait3A_95 = tpu.memref_slice %arg14[%dma_wait3A_93, %dma_wait3A_94] : memref<128x64xf32, #tpu.memory_space<vmem>> -> memref<33x64xf32, #tpu.memory_space<vmem>>
      %dma_wait3A_96 = arith.constant 0 : i32
      %dma_wait3A_97 = tpu.memref_slice %arg15[%add3A_33, %dma_wait3A_96] : memref<25104x64xf32, #tpu.memory_space<vmem_shared>> -> memref<33x64xf32, #tpu.memory_space<vmem_shared>>
      %dma_wait3A_98 = arith.constant 0 : i32
      %dma_wait3A_99 = tpu.memref_slice %arg15[%add3A_33, %dma_wait3A_98] : memref<25104x64xf32, #tpu.memory_space<vmem_shared>> -> memref<33x64xf32, #tpu.memory_space<vmem_shared>>
      %dma_wait3A_100 = arith.constant 0 : i32
      %dma_wait3A_101 = arith.constant 0 : i32
      %dma_wait3A_102 = tpu.memref_slice %arg14[%dma_wait3A_100, %dma_wait3A_101] : memref<128x64xf32, #tpu.memory_space<vmem>> -> memref<33x64xf32, #tpu.memory_space<vmem>>
      tpu.wait_dma2 semaphore(%run_scoped3A : memref<!tpu.dma_semaphore, #tpu.memory_space<semaphore_mem>>) src(%dma_wait3A_102 : memref<33x64xf32, #tpu.memory_space<vmem>>) dst(%dma_wait3A_99 : memref<33x64xf32, #tpu.memory_space<vmem_shared>>)
      tpu.yield
    }) : () -> ()
    %barrier3A = arith.constant 0 : index
    tpu.barrier barrier_id(%barrier3A)
    %mul3A_34 = arith.constant 160 : i32
    %mul3A_35 = arith.muli %arg1, %mul3A_34 : i32
    %add3A_36 = arith.constant 0 : i32
    %add3A_37 = arith.addi %mul3A_35, %add3A_36 : i32
    %mul3A_38 = arith.constant 320 : i32
    %mul3A_39 = arith.muli %add3A_37, %mul3A_38 : i32
    %dma_start3A = tpu.memref_slice %arg3[%mul3A_39] : memref<819200xi32, #tpu.memory_space<hbm>> -> memref<320xi32, #tpu.memory_space<hbm>>
    %dma_start3A_40 = tpu.memref_slice %arg3[%mul3A_39] : memref<819200xi32, #tpu.memory_space<hbm>> -> memref<320xi32, #tpu.memory_space<hbm>>
    tpu.enqueue_dma source(%dma_start3A_40 : memref<320xi32, #tpu.memory_space<hbm>>) target(%arg6 : memref<320xi32, #tpu.memory_space<vmem>>) target_semaphore(%arg20 : memref<!tpu.dma_semaphore, #tpu.memory_space<semaphore_mem>>)
    %mul3A_41 = arith.constant 160 : i32
    %mul3A_42 = arith.muli %arg1, %mul3A_41 : i32
    %add3A_43 = arith.constant 0 : i32
    %add3A_44 = arith.addi %mul3A_42, %add3A_43 : i32
    %mul3A_45 = arith.constant 320 : i32
    %mul3A_46 = arith.muli %add3A_44, %mul3A_45 : i32
    %dma_start3A_47 = tpu.memref_slice %arg4[%mul3A_46] : memref<819200xi32, #tpu.memory_space<hbm>> -> memref<320xi32, #tpu.memory_space<hbm>>
    %dma_start3A_48 = tpu.memref_slice %arg4[%mul3A_46] : memref<819200xi32, #tpu.memory_space<hbm>> -> memref<320xi32, #tpu.memory_space<hbm>>
    tpu.enqueue_dma source(%dma_start3A_48 : memref<320xi32, #tpu.memory_space<hbm>>) target(%arg8 : memref<320xi32, #tpu.memory_space<vmem>>) target_semaphore(%arg20 : memref<!tpu.dma_semaphore, #tpu.memory_space<semaphore_mem>>)
    %mul3A_49 = arith.constant 160 : i32
    %mul3A_50 = arith.muli %arg1, %mul3A_49 : i32
    %add3A_51 = arith.constant 1 : i32
    %add3A_52 = arith.addi %mul3A_50, %add3A_51 : i32
    %mul3A_53 = arith.constant 320 : i32
    %mul3A_54 = arith.muli %add3A_52, %mul3A_53 : i32
    %dma_start3A_55 = tpu.memref_slice %arg3[%mul3A_54] : memref<819200xi32, #tpu.memory_space<hbm>> -> memref<320xi32, #tpu.memory_space<hbm>>
    %dma_start3A_56 = tpu.memref_slice %arg3[%mul3A_54] : memref<819200xi32, #tpu.memory_space<hbm>> -> memref<320xi32, #tpu.memory_space<hbm>>
    tpu.enqueue_dma source(%dma_start3A_56 : memref<320xi32, #tpu.memory_space<hbm>>) target(%arg7 : memref<320xi32, #tpu.memory_space<vmem>>) target_semaphore(%arg21 : memref<!tpu.dma_semaphore, #tpu.memory_space<semaphore_mem>>)
    %mul3A_57 = arith.constant 160 : i32
    %mul3A_58 = arith.muli %arg1, %mul3A_57 : i32
    %add3A_59 = arith.constant 1 : i32
    %add3A_60 = arith.addi %mul3A_58, %add3A_59 : i32
    %mul3A_61 = arith.constant 320 : i32
    %mul3A_62 = arith.muli %add3A_60, %mul3A_61 : i32
    %dma_start3A_63 = tpu.memref_slice %arg4[%mul3A_62] : memref<819200xi32, #tpu.memory_space<hbm>> -> memref<320xi32, #tpu.memory_space<hbm>>
    %dma_start3A_64 = tpu.memref_slice %arg4[%mul3A_62] : memref<819200xi32, #tpu.memory_space<hbm>> -> memref<320xi32, #tpu.memory_space<hbm>>
    tpu.enqueue_dma source(%dma_start3A_64 : memref<320xi32, #tpu.memory_space<hbm>>) target(%arg9 : memref<320xi32, #tpu.memory_space<vmem>>) target_semaphore(%arg21 : memref<!tpu.dma_semaphore, #tpu.memory_space<semaphore_mem>>)
    %scan3A_65 = arith.constant 0 : i32
    %scan3A_66 = arith.constant 0 : i32
    %scan3A_67 = arith.constant 80 : i32
    %scan3A_68 = arith.addi %scan3A_66, %scan3A_67 : i32
    %scan3A_69 = arith.constant 1 : i32
    scf.for %scan3A_83 = %scan3A_66 to %scan3A_68 step %scan3A_69  : i32 {
      %mul3A_84 = arith.constant 2 : i32
      %mul3A_85 = arith.muli %mul3A_84, %scan3A_83 : i32
      %add3A_86 = arith.constant 0 : i32
      %add3A_87 = arith.addi %mul3A_85, %add3A_86 : i32
      %dma_wait3A_88 = arith.constant 0 : i32
      %dma_wait3A_89 = tpu.memref_slice %arg3[%dma_wait3A_88] : memref<819200xi32, #tpu.memory_space<hbm>> -> memref<320xi32, #tpu.memory_space<hbm>>
      %dma_wait3A_90 = arith.constant 0 : i32
      %dma_wait3A_91 = tpu.memref_slice %arg3[%dma_wait3A_90] : memref<819200xi32, #tpu.memory_space<hbm>> -> memref<320xi32, #tpu.memory_space<hbm>>
      tpu.wait_dma2 semaphore(%arg20 : memref<!tpu.dma_semaphore, #tpu.memory_space<semaphore_mem>>) src(%dma_wait3A_91 : memref<320xi32, #tpu.memory_space<hbm>>) dst(%arg6 : memref<320xi32, #tpu.memory_space<vmem>>)
      %dma_wait3A_92 = arith.constant 0 : i32
      %dma_wait3A_93 = tpu.memref_slice %arg4[%dma_wait3A_92] : memref<819200xi32, #tpu.memory_space<hbm>> -> memref<320xi32, #tpu.memory_space<hbm>>
      %dma_wait3A_94 = arith.constant 0 : i32
      %dma_wait3A_95 = tpu.memref_slice %arg4[%dma_wait3A_94] : memref<819200xi32, #tpu.memory_space<hbm>> -> memref<320xi32, #tpu.memory_space<hbm>>
      tpu.wait_dma2 semaphore(%arg20 : memref<!tpu.dma_semaphore, #tpu.memory_space<semaphore_mem>>) src(%dma_wait3A_95 : memref<320xi32, #tpu.memory_space<hbm>>) dst(%arg8 : memref<320xi32, #tpu.memory_space<vmem>>)
      %gt3A = arith.constant 0 : i32
      %gt3A_96 = arith.cmpi sgt, %add3A_87, %gt3A : i32
      %convert_element_type3A_97 = arith.extui %gt3A_96 : i1 to i32
      %cond3A_98 = arith.constant 0 : i32
      %cond3A_99 = arith.cmpi ne, %convert_element_type3A_97, %cond3A_98 : i32
      scf.if %cond3A_99 {
        %dma_wait3A_868 = arith.constant 0 : i32
        %dma_wait3A_869 = arith.constant 0 : i32
        %dma_wait3A_870 = tpu.memref_slice %arg15[%dma_wait3A_868, %dma_wait3A_869] : memref<25104x64xf32, #tpu.memory_space<vmem_shared>> -> memref<25104x64xf32, #tpu.memory_space<vmem_shared>>
        tpu.wait_indirect_dma semaphore(%arg18 : memref<!tpu.dma_semaphore, #tpu.memory_space<semaphore_mem>>) src(%arg12 : memref<160x64xf32, #tpu.memory_space<vmem>>) dst(%dma_wait3A_870 : memref<25104x64xf32, #tpu.memory_space<vmem_shared>>)
      } else {
      }
      %dma_start3A_100 = arith.constant 0 : i32
      %dma_start3A_101 = tpu.memref_slice %arg6[%dma_start3A_100] : memref<320xi32, #tpu.memory_space<vmem>> -> memref<160xi32, #tpu.memory_space<vmem>>
      %dma_start3A_102 = arith.constant 0 : i32
      %dma_start3A_103 = arith.constant 0 : i32
      %dma_start3A_104 = tpu.memref_slice %arg2[%dma_start3A_102, %dma_start3A_103] : memref<50000x64xf32, #tpu.memory_space<hbm>> -> memref<50000x64xf32, #tpu.memory_space<hbm>>
      tpu.enqueue_indirect_dma source(%dma_start3A_104 : memref<50000x64xf32, #tpu.memory_space<hbm>>) target(%arg12 : memref<160x64xf32, #tpu.memory_space<vmem>>) offsets(%dma_start3A_101 : memref<160xi32, #tpu.memory_space<vmem>>) semaphore(%arg16 : memref<!tpu.dma_semaphore, #tpu.memory_space<semaphore_mem>>)
      %gt3A_105 = arith.constant 0 : i32
      %gt3A_106 = arith.cmpi sgt, %add3A_87, %gt3A_105 : i32
      %convert_element_type3A_107 = arith.extui %gt3A_106 : i1 to i32
      %cond3A_108 = arith.constant 0 : i32
      %cond3A_109 = arith.cmpi ne, %convert_element_type3A_107, %cond3A_108 : i32
      scf.if %cond3A_109 {
        %dma_wait3A_868 = arith.constant 0 : i32
        %dma_wait3A_869 = arith.constant 0 : i32
        %dma_wait3A_870 = tpu.memref_slice %arg15[%dma_wait3A_868, %dma_wait3A_869] : memref<25104x64xf32, #tpu.memory_space<vmem_shared>> -> memref<25104x64xf32, #tpu.memory_space<vmem_shared>>
        tpu.wait_indirect_dma semaphore(%arg19 : memref<!tpu.dma_semaphore, #tpu.memory_space<semaphore_mem>>) src(%arg13 : memref<160x64xf32, #tpu.memory_space<vmem>>) dst(%dma_wait3A_870 : memref<25104x64xf32, #tpu.memory_space<vmem_shared>>)
      } else {
      }
      %dma_start3A_110 = arith.constant 160 : i32
      %dma_start3A_111 = tpu.memref_slice %arg6[%dma_start3A_110] : memref<320xi32, #tpu.memory_space<vmem>> -> memref<160xi32, #tpu.memory_space<vmem>>
      %dma_start3A_112 = arith.constant 0 : i32
      %dma_start3A_113 = arith.constant 0 : i32
      %dma_start3A_114 = tpu.memref_slice %arg2[%dma_start3A_112, %dma_start3A_113] : memref<50000x64xf32, #tpu.memory_space<hbm>> -> memref<50000x64xf32, #tpu.memory_space<hbm>>
      tpu.enqueue_indirect_dma source(%dma_start3A_114 : memref<50000x64xf32, #tpu.memory_space<hbm>>) target(%arg13 : memref<160x64xf32, #tpu.memory_space<vmem>>) offsets(%dma_start3A_111 : memref<160xi32, #tpu.memory_space<vmem>>) semaphore(%arg17 : memref<!tpu.dma_semaphore, #tpu.memory_space<semaphore_mem>>)
      %get3A = arith.constant 0 : index
      %get3A_115 = tpu.vector_load %arg8[%get3A] {strides = array<i32>} : memref<320xi32, #tpu.memory_space<vmem>>, vector<16xi32>,
      %sub3A = vector.broadcast %mul3A_6 : i32 to vector<16xi32>
      %sub3A_116 = arith.subi %get3A_115, %sub3A : vector<16xi32>
      %lt3A_117 = arith.constant 0 : i32
      %lt3A_118 = vector.broadcast %lt3A_117 : i32 to vector<16xi32>
      %lt3A_119 = arith.cmpi slt, %sub3A_116, %lt3A_118 : vector<16xi32>
      %ge3A_120 = arith.constant 25000 : i32
      %ge3A_121 = vector.broadcast %ge3A_120 : i32 to vector<16xi32>
      %ge3A_122 = arith.cmpi sge, %sub3A_116, %ge3A_121 : vector<16xi32>
      %or3A = arith.ori %lt3A_119, %ge3A_122 : vector<16xi1>
      %add3A_123 = arith.constant 25000 : i32
      %add3A_124 = arith.addi %add3A_123, %arg1 : i32
      %broadcast_in_dim3A_125 = vector.broadcast %add3A_124 : i32 to vector<16xi32>
      %select_n3A = arith.select %or3A, %broadcast_in_dim3A_125, %sub3A_116 : vector<16xi1>, vector<16xi32>
      %swap3A = arith.constant 0 : index
      %swap3A_126 = tpu.vector_load %arg10[%swap3A] {strides = array<i32>} : memref<160xi32, #tpu.memory_space<vmem>>, vector<16xi32>,
      tpu.vector_store %arg10[%swap3A], %select_n3A {strides = array<i32>} : memref<160xi32, #tpu.memory_space<vmem>>, vector<16xi32>,
      %get3A_127 = arith.constant 16 : index
      %get3A_128 = tpu.vector_load %arg8[%get3A_127] {strides = array<i32>} : memref<320xi32, #tpu.memory_space<vmem>>, vector<16xi32>,
      %sub3A_129 = vector.broadcast %mul3A_6 : i32 to vector<16xi32>
      %sub3A_130 = arith.subi %get3A_128, %sub3A_129 : vector<16xi32>
      %lt3A_131 = arith.constant 0 : i32
      %lt3A_132 = vector.broadcast %lt3A_131 : i32 to vector<16xi32>
      %lt3A_133 = arith.cmpi slt, %sub3A_130, %lt3A_132 : vector<16xi32>
      %ge3A_134 = arith.constant 25000 : i32
      %ge3A_135 = vector.broadcast %ge3A_134 : i32 to vector<16xi32>
      %ge3A_136 = arith.cmpi sge, %sub3A_130, %ge3A_135 : vector<16xi32>
      %or3A_137 = arith.ori %lt3A_133, %ge3A_136 : vector<16xi1>
      %add3A_138 = arith.constant 25000 : i32
      %add3A_139 = arith.addi %add3A_138, %arg1 : i32
      %broadcast_in_dim3A_140 = vector.broadcast %add3A_139 : i32 to vector<16xi32>
      %select_n3A_141 = arith.select %or3A_137, %broadcast_in_dim3A_140, %sub3A_130 : vector<16xi1>, vector<16xi32>
      %swap3A_142 = arith.constant 16 : index
      %swap3A_143 = tpu.vector_load %arg10[%swap3A_142] {strides = array<i32>} : memref<160xi32, #tpu.memory_space<vmem>>, vector<16xi32>,
      tpu.vector_store %arg10[%swap3A_142], %select_n3A_141 {strides = array<i32>} : memref<160xi32, #tpu.memory_space<vmem>>, vector<16xi32>,
      %get3A_144 = arith.constant 32 : index
      %get3A_145 = tpu.vector_load %arg8[%get3A_144] {strides = array<i32>} : memref<320xi32, #tpu.memory_space<vmem>>, vector<16xi32>,
      %sub3A_146 = vector.broadcast %mul3A_6 : i32 to vector<16xi32>
      %sub3A_147 = arith.subi %get3A_145, %sub3A_146 : vector<16xi32>
      %lt3A_148 = arith.constant 0 : i32
      %lt3A_149 = vector.broadcast %lt3A_148 : i32 to vector<16xi32>
      %lt3A_150 = arith.cmpi slt, %sub3A_147, %lt3A_149 : vector<16xi32>
      %ge3A_151 = arith.constant 25000 : i32
      %ge3A_152 = vector.broadcast %ge3A_151 : i32 to vector<16xi32>
      %ge3A_153 = arith.cmpi sge, %sub3A_147, %ge3A_152 : vector<16xi32>
      %or3A_154 = arith.ori %lt3A_150, %ge3A_153 : vector<16xi1>
      %add3A_155 = arith.constant 25000 : i32
      %add3A_156 = arith.addi %add3A_155, %arg1 : i32
      %broadcast_in_dim3A_157 = vector.broadcast %add3A_156 : i32 to vector<16xi32>
      %select_n3A_158 = arith.select %or3A_154, %broadcast_in_dim3A_157, %sub3A_147 : vector<16xi1>, vector<16xi32>
      %swap3A_159 = arith.constant 32 : index
      %swap3A_160 = tpu.vector_load %arg10[%swap3A_159] {strides = array<i32>} : memref<160xi32, #tpu.memory_space<vmem>>, vector<16xi32>,
      tpu.vector_store %arg10[%swap3A_159], %select_n3A_158 {strides = array<i32>} : memref<160xi32, #tpu.memory_space<vmem>>, vector<16xi32>,
      %get3A_161 = arith.constant 48 : index
      %get3A_162 = tpu.vector_load %arg8[%get3A_161] {strides = array<i32>} : memref<320xi32, #tpu.memory_space<vmem>>, vector<16xi32>,
      %sub3A_163 = vector.broadcast %mul3A_6 : i32 to vector<16xi32>
      %sub3A_164 = arith.subi %get3A_162, %sub3A_163 : vector<16xi32>
      %lt3A_165 = arith.constant 0 : i32
      %lt3A_166 = vector.broadcast %lt3A_165 : i32 to vector<16xi32>
      %lt3A_167 = arith.cmpi slt, %sub3A_164, %lt3A_166 : vector<16xi32>
      %ge3A_168 = arith.constant 25000 : i32
      %ge3A_169 = vector.broadcast %ge3A_168 : i32 to vector<16xi32>
      %ge3A_170 = arith.cmpi sge, %sub3A_164, %ge3A_169 : vector<16xi32>
      %or3A_171 = arith.ori %lt3A_167, %ge3A_170 : vector<16xi1>
      %add3A_172 = arith.constant 25000 : i32
      %add3A_173 = arith.addi %add3A_172, %arg1 : i32
      %broadcast_in_dim3A_174 = vector.broadcast %add3A_173 : i32 to vector<16xi32>
      %select_n3A_175 = arith.select %or3A_171, %broadcast_in_dim3A_174, %sub3A_164 : vector<16xi1>, vector<16xi32>
      %swap3A_176 = arith.constant 48 : index
      %swap3A_177 = tpu.vector_load %arg10[%swap3A_176] {strides = array<i32>} : memref<160xi32, #tpu.memory_space<vmem>>, vector<16xi32>,
      tpu.vector_store %arg10[%swap3A_176], %select_n3A_175 {strides = array<i32>} : memref<160xi32, #tpu.memory_space<vmem>>, vector<16xi32>,
      %get3A_178 = arith.constant 64 : index
      %get3A_179 = tpu.vector_load %arg8[%get3A_178] {strides = array<i32>} : memref<320xi32, #tpu.memory_space<vmem>>, vector<16xi32>,
      %sub3A_180 = vector.broadcast %mul3A_6 : i32 to vector<16xi32>
      %sub3A_181 = arith.subi %get3A_179, %sub3A_180 : vector<16xi32>
      %lt3A_182 = arith.constant 0 : i32
      %lt3A_183 = vector.broadcast %lt3A_182 : i32 to vector<16xi32>
      %lt3A_184 = arith.cmpi slt, %sub3A_181, %lt3A_183 : vector<16xi32>
      %ge3A_185 = arith.constant 25000 : i32
      %ge3A_186 = vector.broadcast %ge3A_185 : i32 to vector<16xi32>
      %ge3A_187 = arith.cmpi sge, %sub3A_181, %ge3A_186 : vector<16xi32>
      %or3A_188 = arith.ori %lt3A_184, %ge3A_187 : vector<16xi1>
      %add3A_189 = arith.constant 25000 : i32
      %add3A_190 = arith.addi %add3A_189, %arg1 : i32
      %broadcast_in_dim3A_191 = vector.broadcast %add3A_190 : i32 to vector<16xi32>
      %select_n3A_192 = arith.select %or3A_188, %broadcast_in_dim3A_191, %sub3A_181 : vector<16xi1>, vector<16xi32>
      %swap3A_193 = arith.constant 64 : index
      %swap3A_194 = tpu.vector_load %arg10[%swap3A_193] {strides = array<i32>} : memref<160xi32, #tpu.memory_space<vmem>>, vector<16xi32>,
      tpu.vector_store %arg10[%swap3A_193], %select_n3A_192 {strides = array<i32>} : memref<160xi32, #tpu.memory_space<vmem>>, vector<16xi32>,
      %get3A_195 = arith.constant 80 : index
      %get3A_196 = tpu.vector_load %arg8[%get3A_195] {strides = array<i32>} : memref<320xi32, #tpu.memory_space<vmem>>, vector<16xi32>,
      %sub3A_197 = vector.broadcast %mul3A_6 : i32 to vector<16xi32>
      %sub3A_198 = arith.subi %get3A_196, %sub3A_197 : vector<16xi32>
      %lt3A_199 = arith.constant 0 : i32
      %lt3A_200 = vector.broadcast %lt3A_199 : i32 to vector<16xi32>
      %lt3A_201 = arith.cmpi slt, %sub3A_198, %lt3A_200 : vector<16xi32>
      %ge3A_202 = arith.constant 25000 : i32
      %ge3A_203 = vector.broadcast %ge3A_202 : i32 to vector<16xi32>
      %ge3A_204 = arith.cmpi sge, %sub3A_198, %ge3A_203 : vector<16xi32>
      %or3A_205 = arith.ori %lt3A_201, %ge3A_204 : vector<16xi1>
      %add3A_206 = arith.constant 25000 : i32
      %add3A_207 = arith.addi %add3A_206, %arg1 : i32
      %broadcast_in_dim3A_208 = vector.broadcast %add3A_207 : i32 to vector<16xi32>
      %select_n3A_209 = arith.select %or3A_205, %broadcast_in_dim3A_208, %sub3A_198 : vector<16xi1>, vector<16xi32>
      %swap3A_210 = arith.constant 80 : index
      %swap3A_211 = tpu.vector_load %arg10[%swap3A_210] {strides = array<i32>} : memref<160xi32, #tpu.memory_space<vmem>>, vector<16xi32>,
      tpu.vector_store %arg10[%swap3A_210], %select_n3A_209 {strides = array<i32>} : memref<160xi32, #tpu.memory_space<vmem>>, vector<16xi32>,
      %get3A_212 = arith.constant 96 : index
      %get3A_213 = tpu.vector_load %arg8[%get3A_212] {strides = array<i32>} : memref<320xi32, #tpu.memory_space<vmem>>, vector<16xi32>,
      %sub3A_214 = vector.broadcast %mul3A_6 : i32 to vector<16xi32>
      %sub3A_215 = arith.subi %get3A_213, %sub3A_214 : vector<16xi32>
      %lt3A_216 = arith.constant 0 : i32
      %lt3A_217 = vector.broadcast %lt3A_216 : i32 to vector<16xi32>
      %lt3A_218 = arith.cmpi slt, %sub3A_215, %lt3A_217 : vector<16xi32>
      %ge3A_219 = arith.constant 25000 : i32
      %ge3A_220 = vector.broadcast %ge3A_219 : i32 to vector<16xi32>
      %ge3A_221 = arith.cmpi sge, %sub3A_215, %ge3A_220 : vector<16xi32>
      %or3A_222 = arith.ori %lt3A_218, %ge3A_221 : vector<16xi1>
      %add3A_223 = arith.constant 25000 : i32
      %add3A_224 = arith.addi %add3A_223, %arg1 : i32
      %broadcast_in_dim3A_225 = vector.broadcast %add3A_224 : i32 to vector<16xi32>
      %select_n3A_226 = arith.select %or3A_222, %broadcast_in_dim3A_225, %sub3A_215 : vector<16xi1>, vector<16xi32>
      %swap3A_227 = arith.constant 96 : index
      %swap3A_228 = tpu.vector_load %arg10[%swap3A_227] {strides = array<i32>} : memref<160xi32, #tpu.memory_space<vmem>>, vector<16xi32>,
      tpu.vector_store %arg10[%swap3A_227], %select_n3A_226 {strides = array<i32>} : memref<160xi32, #tpu.memory_space<vmem>>, vector<16xi32>,
      %get3A_229 = arith.constant 112 : index
      %get3A_230 = tpu.vector_load %arg8[%get3A_229] {strides = array<i32>} : memref<320xi32, #tpu.memory_space<vmem>>, vector<16xi32>,
      %sub3A_231 = vector.broadcast %mul3A_6 : i32 to vector<16xi32>
      %sub3A_232 = arith.subi %get3A_230, %sub3A_231 : vector<16xi32>
      %lt3A_233 = arith.constant 0 : i32
      %lt3A_234 = vector.broadcast %lt3A_233 : i32 to vector<16xi32>
      %lt3A_235 = arith.cmpi slt, %sub3A_232, %lt3A_234 : vector<16xi32>
      %ge3A_236 = arith.constant 25000 : i32
      %ge3A_237 = vector.broadcast %ge3A_236 : i32 to vector<16xi32>
      %ge3A_238 = arith.cmpi sge, %sub3A_232, %ge3A_237 : vector<16xi32>
      %or3A_239 = arith.ori %lt3A_235, %ge3A_238 : vector<16xi1>
      %add3A_240 = arith.constant 25000 : i32
      %add3A_241 = arith.addi %add3A_240, %arg1 : i32
      %broadcast_in_dim3A_242 = vector.broadcast %add3A_241 : i32 to vector<16xi32>
      %select_n3A_243 = arith.select %or3A_239, %broadcast_in_dim3A_242, %sub3A_232 : vector<16xi1>, vector<16xi32>
      %swap3A_244 = arith.constant 112 : index
      %swap3A_245 = tpu.vector_load %arg10[%swap3A_244] {strides = array<i32>} : memref<160xi32, #tpu.memory_space<vmem>>, vector<16xi32>,
      tpu.vector_store %arg10[%swap3A_244], %select_n3A_243 {strides = array<i32>} : memref<160xi32, #tpu.memory_space<vmem>>, vector<16xi32>,
      %get3A_246 = arith.constant 128 : index
      %get3A_247 = tpu.vector_load %arg8[%get3A_246] {strides = array<i32>} : memref<320xi32, #tpu.memory_space<vmem>>, vector<16xi32>,
      %sub3A_248 = vector.broadcast %mul3A_6 : i32 to vector<16xi32>
      %sub3A_249 = arith.subi %get3A_247, %sub3A_248 : vector<16xi32>
      %lt3A_250 = arith.constant 0 : i32
      %lt3A_251 = vector.broadcast %lt3A_250 : i32 to vector<16xi32>
      %lt3A_252 = arith.cmpi slt, %sub3A_249, %lt3A_251 : vector<16xi32>
      %ge3A_253 = arith.constant 25000 : i32
      %ge3A_254 = vector.broadcast %ge3A_253 : i32 to vector<16xi32>
      %ge3A_255 = arith.cmpi sge, %sub3A_249, %ge3A_254 : vector<16xi32>
      %or3A_256 = arith.ori %lt3A_252, %ge3A_255 : vector<16xi1>
      %add3A_257 = arith.constant 25000 : i32
      %add3A_258 = arith.addi %add3A_257, %arg1 : i32
      %broadcast_in_dim3A_259 = vector.broadcast %add3A_258 : i32 to vector<16xi32>
      %select_n3A_260 = arith.select %or3A_256, %broadcast_in_dim3A_259, %sub3A_249 : vector<16xi1>, vector<16xi32>
      %swap3A_261 = arith.constant 128 : index
      %swap3A_262 = tpu.vector_load %arg10[%swap3A_261] {strides = array<i32>} : memref<160xi32, #tpu.memory_space<vmem>>, vector<16xi32>,
      tpu.vector_store %arg10[%swap3A_261], %select_n3A_260 {strides = array<i32>} : memref<160xi32, #tpu.memory_space<vmem>>, vector<16xi32>,
      %get3A_263 = arith.constant 144 : index
      %get3A_264 = tpu.vector_load %arg8[%get3A_263] {strides = array<i32>} : memref<320xi32, #tpu.memory_space<vmem>>, vector<16xi32>,
      %sub3A_265 = vector.broadcast %mul3A_6 : i32 to vector<16xi32>
      %sub3A_266 = arith.subi %get3A_264, %sub3A_265 : vector<16xi32>
      %lt3A_267 = arith.constant 0 : i32
      %lt3A_268 = vector.broadcast %lt3A_267 : i32 to vector<16xi32>
      %lt3A_269 = arith.cmpi slt, %sub3A_266, %lt3A_268 : vector<16xi32>
      %ge3A_270 = arith.constant 25000 : i32
      %ge3A_271 = vector.broadcast %ge3A_270 : i32 to vector<16xi32>
      %ge3A_272 = arith.cmpi sge, %sub3A_266, %ge3A_271 : vector<16xi32>
      %or3A_273 = arith.ori %lt3A_269, %ge3A_272 : vector<16xi1>
      %add3A_274 = arith.constant 25000 : i32
      %add3A_275 = arith.addi %add3A_274, %arg1 : i32
      %broadcast_in_dim3A_276 = vector.broadcast %add3A_275 : i32 to vector<16xi32>
      %select_n3A_277 = arith.select %or3A_273, %broadcast_in_dim3A_276, %sub3A_266 : vector<16xi1>, vector<16xi32>
      %swap3A_278 = arith.constant 144 : index
      %swap3A_279 = tpu.vector_load %arg10[%swap3A_278] {strides = array<i32>} : memref<160xi32, #tpu.memory_space<vmem>>, vector<16xi32>,
      tpu.vector_store %arg10[%swap3A_278], %select_n3A_277 {strides = array<i32>} : memref<160xi32, #tpu.memory_space<vmem>>, vector<16xi32>,
      %dma_wait3A_280 = arith.constant 0 : i32
      %dma_wait3A_281 = tpu.memref_slice %arg6[%dma_wait3A_280] : memref<320xi32, #tpu.memory_space<vmem>> -> memref<160xi32, #tpu.memory_space<vmem>>
      %dma_wait3A_282 = arith.constant 0 : i32
      %dma_wait3A_283 = arith.constant 0 : i32
      %dma_wait3A_284 = tpu.memref_slice %arg2[%dma_wait3A_282, %dma_wait3A_283] : memref<50000x64xf32, #tpu.memory_space<hbm>> -> memref<50000x64xf32, #tpu.memory_space<hbm>>
      tpu.wait_indirect_dma semaphore(%arg16 : memref<!tpu.dma_semaphore, #tpu.memory_space<semaphore_mem>>) src(%dma_wait3A_284 : memref<50000x64xf32, #tpu.memory_space<hbm>>) dst(%arg12 : memref<160x64xf32, #tpu.memory_space<vmem>>)
      %dma_start3A_285 = arith.constant 0 : i32
      %dma_start3A_286 = arith.constant 0 : i32
      %dma_start3A_287 = tpu.memref_slice %arg15[%dma_start3A_285, %dma_start3A_286] : memref<25104x64xf32, #tpu.memory_space<vmem_shared>> -> memref<25104x64xf32, #tpu.memory_space<vmem_shared>>
      tpu.enqueue_indirect_dma source(%arg12 : memref<160x64xf32, #tpu.memory_space<vmem>>) target(%dma_start3A_287 : memref<25104x64xf32, #tpu.memory_space<vmem_shared>>) offsets(%arg10 : memref<160xi32, #tpu.memory_space<vmem>>) semaphore(%arg18 : memref<!tpu.dma_semaphore, #tpu.memory_space<semaphore_mem>>) {add = true}
      %get3A_288 = arith.constant 160 : index
      %get3A_289 = tpu.vector_load %arg8[%get3A_288] {strides = array<i32>} : memref<320xi32, #tpu.memory_space<vmem>>, vector<16xi32>,
      %sub3A_290 = vector.broadcast %mul3A_6 : i32 to vector<16xi32>
      %sub3A_291 = arith.subi %get3A_289, %sub3A_290 : vector<16xi32>
      %lt3A_292 = arith.constant 0 : i32
      %lt3A_293 = vector.broadcast %lt3A_292 : i32 to vector<16xi32>
      %lt3A_294 = arith.cmpi slt, %sub3A_291, %lt3A_293 : vector<16xi32>
      %ge3A_295 = arith.constant 25000 : i32
      %ge3A_296 = vector.broadcast %ge3A_295 : i32 to vector<16xi32>
      %ge3A_297 = arith.cmpi sge, %sub3A_291, %ge3A_296 : vector<16xi32>
      %or3A_298 = arith.ori %lt3A_294, %ge3A_297 : vector<16xi1>
      %add3A_299 = arith.constant 25000 : i32
      %add3A_300 = arith.addi %add3A_299, %arg1 : i32
      %broadcast_in_dim3A_301 = vector.broadcast %add3A_300 : i32 to vector<16xi32>
      %select_n3A_302 = arith.select %or3A_298, %broadcast_in_dim3A_301, %sub3A_291 : vector<16xi1>, vector<16xi32>
      %swap3A_303 = arith.constant 0 : index
      %swap3A_304 = tpu.vector_load %arg11[%swap3A_303] {strides = array<i32>} : memref<160xi32, #tpu.memory_space<vmem>>, vector<16xi32>,
      tpu.vector_store %arg11[%swap3A_303], %select_n3A_302 {strides = array<i32>} : memref<160xi32, #tpu.memory_space<vmem>>, vector<16xi32>,
      %get3A_305 = arith.constant 176 : index
      %get3A_306 = tpu.vector_load %arg8[%get3A_305] {strides = array<i32>} : memref<320xi32, #tpu.memory_space<vmem>>, vector<16xi32>,
      %sub3A_307 = vector.broadcast %mul3A_6 : i32 to vector<16xi32>
      %sub3A_308 = arith.subi %get3A_306, %sub3A_307 : vector<16xi32>
      %lt3A_309 = arith.constant 0 : i32
      %lt3A_310 = vector.broadcast %lt3A_309 : i32 to vector<16xi32>
      %lt3A_311 = arith.cmpi slt, %sub3A_308, %lt3A_310 : vector<16xi32>
      %ge3A_312 = arith.constant 25000 : i32
      %ge3A_313 = vector.broadcast %ge3A_312 : i32 to vector<16xi32>
      %ge3A_314 = arith.cmpi sge, %sub3A_308, %ge3A_313 : vector<16xi32>
      %or3A_315 = arith.ori %lt3A_311, %ge3A_314 : vector<16xi1>
      %add3A_316 = arith.constant 25000 : i32
      %add3A_317 = arith.addi %add3A_316, %arg1 : i32
      %broadcast_in_dim3A_318 = vector.broadcast %add3A_317 : i32 to vector<16xi32>
      %select_n3A_319 = arith.select %or3A_315, %broadcast_in_dim3A_318, %sub3A_308 : vector<16xi1>, vector<16xi32>
      %swap3A_320 = arith.constant 16 : index
      %swap3A_321 = tpu.vector_load %arg11[%swap3A_320] {strides = array<i32>} : memref<160xi32, #tpu.memory_space<vmem>>, vector<16xi32>,
      tpu.vector_store %arg11[%swap3A_320], %select_n3A_319 {strides = array<i32>} : memref<160xi32, #tpu.memory_space<vmem>>, vector<16xi32>,
      %get3A_322 = arith.constant 192 : index
      %get3A_323 = tpu.vector_load %arg8[%get3A_322] {strides = array<i32>} : memref<320xi32, #tpu.memory_space<vmem>>, vector<16xi32>,
      %sub3A_324 = vector.broadcast %mul3A_6 : i32 to vector<16xi32>
      %sub3A_325 = arith.subi %get3A_323, %sub3A_324 : vector<16xi32>
      %lt3A_326 = arith.constant 0 : i32
      %lt3A_327 = vector.broadcast %lt3A_326 : i32 to vector<16xi32>
      %lt3A_328 = arith.cmpi slt, %sub3A_325, %lt3A_327 : vector<16xi32>
      %ge3A_329 = arith.constant 25000 : i32
      %ge3A_330 = vector.broadcast %ge3A_329 : i32 to vector<16xi32>
      %ge3A_331 = arith.cmpi sge, %sub3A_325, %ge3A_330 : vector<16xi32>
      %or3A_332 = arith.ori %lt3A_328, %ge3A_331 : vector<16xi1>
      %add3A_333 = arith.constant 25000 : i32
      %add3A_334 = arith.addi %add3A_333, %arg1 : i32
      %broadcast_in_dim3A_335 = vector.broadcast %add3A_334 : i32 to vector<16xi32>
      %select_n3A_336 = arith.select %or3A_332, %broadcast_in_dim3A_335, %sub3A_325 : vector<16xi1>, vector<16xi32>
      %swap3A_337 = arith.constant 32 : index
      %swap3A_338 = tpu.vector_load %arg11[%swap3A_337] {strides = array<i32>} : memref<160xi32, #tpu.memory_space<vmem>>, vector<16xi32>,
      tpu.vector_store %arg11[%swap3A_337], %select_n3A_336 {strides = array<i32>} : memref<160xi32, #tpu.memory_space<vmem>>, vector<16xi32>,
      %get3A_339 = arith.constant 208 : index
      %get3A_340 = tpu.vector_load %arg8[%get3A_339] {strides = array<i32>} : memref<320xi32, #tpu.memory_space<vmem>>, vector<16xi32>,
      %sub3A_341 = vector.broadcast %mul3A_6 : i32 to vector<16xi32>
      %sub3A_342 = arith.subi %get3A_340, %sub3A_341 : vector<16xi32>
      %lt3A_343 = arith.constant 0 : i32
      %lt3A_344 = vector.broadcast %lt3A_343 : i32 to vector<16xi32>
      %lt3A_345 = arith.cmpi slt, %sub3A_342, %lt3A_344 : vector<16xi32>
      %ge3A_346 = arith.constant 25000 : i32
      %ge3A_347 = vector.broadcast %ge3A_346 : i32 to vector<16xi32>
      %ge3A_348 = arith.cmpi sge, %sub3A_342, %ge3A_347 : vector<16xi32>
      %or3A_349 = arith.ori %lt3A_345, %ge3A_348 : vector<16xi1>
      %add3A_350 = arith.constant 25000 : i32
      %add3A_351 = arith.addi %add3A_350, %arg1 : i32
      %broadcast_in_dim3A_352 = vector.broadcast %add3A_351 : i32 to vector<16xi32>
      %select_n3A_353 = arith.select %or3A_349, %broadcast_in_dim3A_352, %sub3A_342 : vector<16xi1>, vector<16xi32>
      %swap3A_354 = arith.constant 48 : index
      %swap3A_355 = tpu.vector_load %arg11[%swap3A_354] {strides = array<i32>} : memref<160xi32, #tpu.memory_space<vmem>>, vector<16xi32>,
      tpu.vector_store %arg11[%swap3A_354], %select_n3A_353 {strides = array<i32>} : memref<160xi32, #tpu.memory_space<vmem>>, vector<16xi32>,
      %get3A_356 = arith.constant 224 : index
      %get3A_357 = tpu.vector_load %arg8[%get3A_356] {strides = array<i32>} : memref<320xi32, #tpu.memory_space<vmem>>, vector<16xi32>,
      %sub3A_358 = vector.broadcast %mul3A_6 : i32 to vector<16xi32>
      %sub3A_359 = arith.subi %get3A_357, %sub3A_358 : vector<16xi32>
      %lt3A_360 = arith.constant 0 : i32
      %lt3A_361 = vector.broadcast %lt3A_360 : i32 to vector<16xi32>
      %lt3A_362 = arith.cmpi slt, %sub3A_359, %lt3A_361 : vector<16xi32>
      %ge3A_363 = arith.constant 25000 : i32
      %ge3A_364 = vector.broadcast %ge3A_363 : i32 to vector<16xi32>
      %ge3A_365 = arith.cmpi sge, %sub3A_359, %ge3A_364 : vector<16xi32>
      %or3A_366 = arith.ori %lt3A_362, %ge3A_365 : vector<16xi1>
      %add3A_367 = arith.constant 25000 : i32
      %add3A_368 = arith.addi %add3A_367, %arg1 : i32
      %broadcast_in_dim3A_369 = vector.broadcast %add3A_368 : i32 to vector<16xi32>
      %select_n3A_370 = arith.select %or3A_366, %broadcast_in_dim3A_369, %sub3A_359 : vector<16xi1>, vector<16xi32>
      %swap3A_371 = arith.constant 64 : index
      %swap3A_372 = tpu.vector_load %arg11[%swap3A_371] {strides = array<i32>} : memref<160xi32, #tpu.memory_space<vmem>>, vector<16xi32>,
      tpu.vector_store %arg11[%swap3A_371], %select_n3A_370 {strides = array<i32>} : memref<160xi32, #tpu.memory_space<vmem>>, vector<16xi32>,
      %get3A_373 = arith.constant 240 : index
      %get3A_374 = tpu.vector_load %arg8[%get3A_373] {strides = array<i32>} : memref<320xi32, #tpu.memory_space<vmem>>, vector<16xi32>,
      %sub3A_375 = vector.broadcast %mul3A_6 : i32 to vector<16xi32>
      %sub3A_376 = arith.subi %get3A_374, %sub3A_375 : vector<16xi32>
      %lt3A_377 = arith.constant 0 : i32
      %lt3A_378 = vector.broadcast %lt3A_377 : i32 to vector<16xi32>
      %lt3A_379 = arith.cmpi slt, %sub3A_376, %lt3A_378 : vector<16xi32>
      %ge3A_380 = arith.constant 25000 : i32
      %ge3A_381 = vector.broadcast %ge3A_380 : i32 to vector<16xi32>
      %ge3A_382 = arith.cmpi sge, %sub3A_376, %ge3A_381 : vector<16xi32>
      %or3A_383 = arith.ori %lt3A_379, %ge3A_382 : vector<16xi1>
      %add3A_384 = arith.constant 25000 : i32
      %add3A_385 = arith.addi %add3A_384, %arg1 : i32
      %broadcast_in_dim3A_386 = vector.broadcast %add3A_385 : i32 to vector<16xi32>
      %select_n3A_387 = arith.select %or3A_383, %broadcast_in_dim3A_386, %sub3A_376 : vector<16xi1>, vector<16xi32>
      %swap3A_388 = arith.constant 80 : index
      %swap3A_389 = tpu.vector_load %arg11[%swap3A_388] {strides = array<i32>} : memref<160xi32, #tpu.memory_space<vmem>>, vector<16xi32>,
      tpu.vector_store %arg11[%swap3A_388], %select_n3A_387 {strides = array<i32>} : memref<160xi32, #tpu.memory_space<vmem>>, vector<16xi32>,
      %get3A_390 = arith.constant 256 : index
      %get3A_391 = tpu.vector_load %arg8[%get3A_390] {strides = array<i32>} : memref<320xi32, #tpu.memory_space<vmem>>, vector<16xi32>,
      %sub3A_392 = vector.broadcast %mul3A_6 : i32 to vector<16xi32>
      %sub3A_393 = arith.subi %get3A_391, %sub3A_392 : vector<16xi32>
      %lt3A_394 = arith.constant 0 : i32
      %lt3A_395 = vector.broadcast %lt3A_394 : i32 to vector<16xi32>
      %lt3A_396 = arith.cmpi slt, %sub3A_393, %lt3A_395 : vector<16xi32>
      %ge3A_397 = arith.constant 25000 : i32
      %ge3A_398 = vector.broadcast %ge3A_397 : i32 to vector<16xi32>
      %ge3A_399 = arith.cmpi sge, %sub3A_393, %ge3A_398 : vector<16xi32>
      %or3A_400 = arith.ori %lt3A_396, %ge3A_399 : vector<16xi1>
      %add3A_401 = arith.constant 25000 : i32
      %add3A_402 = arith.addi %add3A_401, %arg1 : i32
      %broadcast_in_dim3A_403 = vector.broadcast %add3A_402 : i32 to vector<16xi32>
      %select_n3A_404 = arith.select %or3A_400, %broadcast_in_dim3A_403, %sub3A_393 : vector<16xi1>, vector<16xi32>
      %swap3A_405 = arith.constant 96 : index
      %swap3A_406 = tpu.vector_load %arg11[%swap3A_405] {strides = array<i32>} : memref<160xi32, #tpu.memory_space<vmem>>, vector<16xi32>,
      tpu.vector_store %arg11[%swap3A_405], %select_n3A_404 {strides = array<i32>} : memref<160xi32, #tpu.memory_space<vmem>>, vector<16xi32>,
      %get3A_407 = arith.constant 272 : index
      %get3A_408 = tpu.vector_load %arg8[%get3A_407] {strides = array<i32>} : memref<320xi32, #tpu.memory_space<vmem>>, vector<16xi32>,
      %sub3A_409 = vector.broadcast %mul3A_6 : i32 to vector<16xi32>
      %sub3A_410 = arith.subi %get3A_408, %sub3A_409 : vector<16xi32>
      %lt3A_411 = arith.constant 0 : i32
      %lt3A_412 = vector.broadcast %lt3A_411 : i32 to vector<16xi32>
      %lt3A_413 = arith.cmpi slt, %sub3A_410, %lt3A_412 : vector<16xi32>
      %ge3A_414 = arith.constant 25000 : i32
      %ge3A_415 = vector.broadcast %ge3A_414 : i32 to vector<16xi32>
      %ge3A_416 = arith.cmpi sge, %sub3A_410, %ge3A_415 : vector<16xi32>
      %or3A_417 = arith.ori %lt3A_413, %ge3A_416 : vector<16xi1>
      %add3A_418 = arith.constant 25000 : i32
      %add3A_419 = arith.addi %add3A_418, %arg1 : i32
      %broadcast_in_dim3A_420 = vector.broadcast %add3A_419 : i32 to vector<16xi32>
      %select_n3A_421 = arith.select %or3A_417, %broadcast_in_dim3A_420, %sub3A_410 : vector<16xi1>, vector<16xi32>
      %swap3A_422 = arith.constant 112 : index
      %swap3A_423 = tpu.vector_load %arg11[%swap3A_422] {strides = array<i32>} : memref<160xi32, #tpu.memory_space<vmem>>, vector<16xi32>,
      tpu.vector_store %arg11[%swap3A_422], %select_n3A_421 {strides = array<i32>} : memref<160xi32, #tpu.memory_space<vmem>>, vector<16xi32>,
      %get3A_424 = arith.constant 288 : index
      %get3A_425 = tpu.vector_load %arg8[%get3A_424] {strides = array<i32>} : memref<320xi32, #tpu.memory_space<vmem>>, vector<16xi32>,
      %sub3A_426 = vector.broadcast %mul3A_6 : i32 to vector<16xi32>
      %sub3A_427 = arith.subi %get3A_425, %sub3A_426 : vector<16xi32>
      %lt3A_428 = arith.constant 0 : i32
      %lt3A_429 = vector.broadcast %lt3A_428 : i32 to vector<16xi32>
      %lt3A_430 = arith.cmpi slt, %sub3A_427, %lt3A_429 : vector<16xi32>
      %ge3A_431 = arith.constant 25000 : i32
      %ge3A_432 = vector.broadcast %ge3A_431 : i32 to vector<16xi32>
      %ge3A_433 = arith.cmpi sge, %sub3A_427, %ge3A_432 : vector<16xi32>
      %or3A_434 = arith.ori %lt3A_430, %ge3A_433 : vector<16xi1>
      %add3A_435 = arith.constant 25000 : i32
      %add3A_436 = arith.addi %add3A_435, %arg1 : i32
      %broadcast_in_dim3A_437 = vector.broadcast %add3A_436 : i32 to vector<16xi32>
      %select_n3A_438 = arith.select %or3A_434, %broadcast_in_dim3A_437, %sub3A_427 : vector<16xi1>, vector<16xi32>
      %swap3A_439 = arith.constant 128 : index
      %swap3A_440 = tpu.vector_load %arg11[%swap3A_439] {strides = array<i32>} : memref<160xi32, #tpu.memory_space<vmem>>, vector<16xi32>,
      tpu.vector_store %arg11[%swap3A_439], %select_n3A_438 {strides = array<i32>} : memref<160xi32, #tpu.memory_space<vmem>>, vector<16xi32>,
      %get3A_441 = arith.constant 304 : index
      %get3A_442 = tpu.vector_load %arg8[%get3A_441] {strides = array<i32>} : memref<320xi32, #tpu.memory_space<vmem>>, vector<16xi32>,
      %sub3A_443 = vector.broadcast %mul3A_6 : i32 to vector<16xi32>
      %sub3A_444 = arith.subi %get3A_442, %sub3A_443 : vector<16xi32>
      %lt3A_445 = arith.constant 0 : i32
      %lt3A_446 = vector.broadcast %lt3A_445 : i32 to vector<16xi32>
      %lt3A_447 = arith.cmpi slt, %sub3A_444, %lt3A_446 : vector<16xi32>
      %ge3A_448 = arith.constant 25000 : i32
      %ge3A_449 = vector.broadcast %ge3A_448 : i32 to vector<16xi32>
      %ge3A_450 = arith.cmpi sge, %sub3A_444, %ge3A_449 : vector<16xi32>
      %or3A_451 = arith.ori %lt3A_447, %ge3A_450 : vector<16xi1>
      %add3A_452 = arith.constant 25000 : i32
      %add3A_453 = arith.addi %add3A_452, %arg1 : i32
      %broadcast_in_dim3A_454 = vector.broadcast %add3A_453 : i32 to vector<16xi32>
      %select_n3A_455 = arith.select %or3A_451, %broadcast_in_dim3A_454, %sub3A_444 : vector<16xi1>, vector<16xi32>
      %swap3A_456 = arith.constant 144 : index
      %swap3A_457 = tpu.vector_load %arg11[%swap3A_456] {strides = array<i32>} : memref<160xi32, #tpu.memory_space<vmem>>, vector<16xi32>,
      tpu.vector_store %arg11[%swap3A_456], %select_n3A_455 {strides = array<i32>} : memref<160xi32, #tpu.memory_space<vmem>>, vector<16xi32>,
      %dma_wait3A_458 = arith.constant 160 : i32
      %dma_wait3A_459 = tpu.memref_slice %arg6[%dma_wait3A_458] : memref<320xi32, #tpu.memory_space<vmem>> -> memref<160xi32, #tpu.memory_space<vmem>>
      %dma_wait3A_460 = arith.constant 0 : i32
      %dma_wait3A_461 = arith.constant 0 : i32
      %dma_wait3A_462 = tpu.memref_slice %arg2[%dma_wait3A_460, %dma_wait3A_461] : memref<50000x64xf32, #tpu.memory_space<hbm>> -> memref<50000x64xf32, #tpu.memory_space<hbm>>
      tpu.wait_indirect_dma semaphore(%arg17 : memref<!tpu.dma_semaphore, #tpu.memory_space<semaphore_mem>>) src(%dma_wait3A_462 : memref<50000x64xf32, #tpu.memory_space<hbm>>) dst(%arg13 : memref<160x64xf32, #tpu.memory_space<vmem>>)
      %dma_start3A_463 = arith.constant 0 : i32
      %dma_start3A_464 = arith.constant 0 : i32
      %dma_start3A_465 = tpu.memref_slice %arg15[%dma_start3A_463, %dma_start3A_464] : memref<25104x64xf32, #tpu.memory_space<vmem_shared>> -> memref<25104x64xf32, #tpu.memory_space<vmem_shared>>
      tpu.enqueue_indirect_dma source(%arg13 : memref<160x64xf32, #tpu.memory_space<vmem>>) target(%dma_start3A_465 : memref<25104x64xf32, #tpu.memory_space<vmem_shared>>) offsets(%arg11 : memref<160xi32, #tpu.memory_space<vmem>>) semaphore(%arg19 : memref<!tpu.dma_semaphore, #tpu.memory_space<semaphore_mem>>) {add = true}
      %add3A_466 = arith.constant 2 : i32
      %add3A_467 = arith.addi %add3A_87, %add3A_466 : i32
      %lt3A_468 = arith.constant 160 : i32
      %lt3A_469 = arith.cmpi slt, %add3A_467, %lt3A_468 : i32
      %convert_element_type3A_470 = arith.extui %lt3A_469 : i1 to i32
      %cond3A_471 = arith.constant 0 : i32
      %cond3A_472 = arith.cmpi ne, %convert_element_type3A_470, %cond3A_471 : i32
      scf.if %cond3A_472 {
        %add3A_868 = arith.constant 2 : i32
        %add3A_869 = arith.addi %add3A_87, %add3A_868 : i32
        %mul3A_870 = arith.constant 160 : i32
        %mul3A_871 = arith.muli %arg1, %mul3A_870 : i32
        %add3A_872 = arith.addi %mul3A_871, %add3A_869 : i32
        %mul3A_873 = arith.constant 320 : i32
        %mul3A_874 = arith.muli %add3A_872, %mul3A_873 : i32
        %dma_start3A_875 = tpu.memref_slice %arg3[%mul3A_874] : memref<819200xi32, #tpu.memory_space<hbm>> -> memref<320xi32, #tpu.memory_space<hbm>>
        %dma_start3A_876 = tpu.memref_slice %arg3[%mul3A_874] : memref<819200xi32, #tpu.memory_space<hbm>> -> memref<320xi32, #tpu.memory_space<hbm>>
        tpu.enqueue_dma source(%dma_start3A_876 : memref<320xi32, #tpu.memory_space<hbm>>) target(%arg6 : memref<320xi32, #tpu.memory_space<vmem>>) target_semaphore(%arg20 : memref<!tpu.dma_semaphore, #tpu.memory_space<semaphore_mem>>)
        %mul3A_877 = arith.constant 160 : i32
        %mul3A_878 = arith.muli %arg1, %mul3A_877 : i32
        %add3A_879 = arith.addi %mul3A_878, %add3A_869 : i32
        %mul3A_880 = arith.constant 320 : i32
        %mul3A_881 = arith.muli %add3A_879, %mul3A_880 : i32
        %dma_start3A_882 = tpu.memref_slice %arg4[%mul3A_881] : memref<819200xi32, #tpu.memory_space<hbm>> -> memref<320xi32, #tpu.memory_space<hbm>>
        %dma_start3A_883 = tpu.memref_slice %arg4[%mul3A_881] : memref<819200xi32, #tpu.memory_space<hbm>> -> memref<320xi32, #tpu.memory_space<hbm>>
        tpu.enqueue_dma source(%dma_start3A_883 : memref<320xi32, #tpu.memory_space<hbm>>) target(%arg8 : memref<320xi32, #tpu.memory_space<vmem>>) target_semaphore(%arg20 : memref<!tpu.dma_semaphore, #tpu.memory_space<semaphore_mem>>)
      } else {
      }
      %mul3A_473 = arith.constant 2 : i32
      %mul3A_474 = arith.muli %mul3A_473, %scan3A_83 : i32
      %add3A_475 = arith.constant 1 : i32
      %add3A_476 = arith.addi %mul3A_474, %add3A_475 : i32
      %dma_wait3A_477 = arith.constant 0 : i32
      %dma_wait3A_478 = tpu.memref_slice %arg3[%dma_wait3A_477] : memref<819200xi32, #tpu.memory_space<hbm>> -> memref<320xi32, #tpu.memory_space<hbm>>
      %dma_wait3A_479 = arith.constant 0 : i32
      %dma_wait3A_480 = tpu.memref_slice %arg3[%dma_wait3A_479] : memref<819200xi32, #tpu.memory_space<hbm>> -> memref<320xi32, #tpu.memory_space<hbm>>
      tpu.wait_dma2 semaphore(%arg21 : memref<!tpu.dma_semaphore, #tpu.memory_space<semaphore_mem>>) src(%dma_wait3A_480 : memref<320xi32, #tpu.memory_space<hbm>>) dst(%arg7 : memref<320xi32, #tpu.memory_space<vmem>>)
      %dma_wait3A_481 = arith.constant 0 : i32
      %dma_wait3A_482 = tpu.memref_slice %arg4[%dma_wait3A_481] : memref<819200xi32, #tpu.memory_space<hbm>> -> memref<320xi32, #tpu.memory_space<hbm>>
      %dma_wait3A_483 = arith.constant 0 : i32
      %dma_wait3A_484 = tpu.memref_slice %arg4[%dma_wait3A_483] : memref<819200xi32, #tpu.memory_space<hbm>> -> memref<320xi32, #tpu.memory_space<hbm>>
      tpu.wait_dma2 semaphore(%arg21 : memref<!tpu.dma_semaphore, #tpu.memory_space<semaphore_mem>>) src(%dma_wait3A_484 : memref<320xi32, #tpu.memory_space<hbm>>) dst(%arg9 : memref<320xi32, #tpu.memory_space<vmem>>)
      %gt3A_485 = arith.constant 0 : i32
      %gt3A_486 = arith.cmpi sgt, %add3A_476, %gt3A_485 : i32
      %convert_element_type3A_487 = arith.extui %gt3A_486 : i1 to i32
      %cond3A_488 = arith.constant 0 : i32
      %cond3A_489 = arith.cmpi ne, %convert_element_type3A_487, %cond3A_488 : i32
      scf.if %cond3A_489 {
        %dma_wait3A_868 = arith.constant 0 : i32
        %dma_wait3A_869 = arith.constant 0 : i32
        %dma_wait3A_870 = tpu.memref_slice %arg15[%dma_wait3A_868, %dma_wait3A_869] : memref<25104x64xf32, #tpu.memory_space<vmem_shared>> -> memref<25104x64xf32, #tpu.memory_space<vmem_shared>>
        tpu.wait_indirect_dma semaphore(%arg18 : memref<!tpu.dma_semaphore, #tpu.memory_space<semaphore_mem>>) src(%arg12 : memref<160x64xf32, #tpu.memory_space<vmem>>) dst(%dma_wait3A_870 : memref<25104x64xf32, #tpu.memory_space<vmem_shared>>)
      } else {
      }
      %dma_start3A_490 = arith.constant 0 : i32
      %dma_start3A_491 = tpu.memref_slice %arg7[%dma_start3A_490] : memref<320xi32, #tpu.memory_space<vmem>> -> memref<160xi32, #tpu.memory_space<vmem>>
      %dma_start3A_492 = arith.constant 0 : i32
      %dma_start3A_493 = arith.constant 0 : i32
      %dma_start3A_494 = tpu.memref_slice %arg2[%dma_start3A_492, %dma_start3A_493] : memref<50000x64xf32, #tpu.memory_space<hbm>> -> memref<50000x64xf32, #tpu.memory_space<hbm>>
      tpu.enqueue_indirect_dma source(%dma_start3A_494 : memref<50000x64xf32, #tpu.memory_space<hbm>>) target(%arg12 : memref<160x64xf32, #tpu.memory_space<vmem>>) offsets(%dma_start3A_491 : memref<160xi32, #tpu.memory_space<vmem>>) semaphore(%arg16 : memref<!tpu.dma_semaphore, #tpu.memory_space<semaphore_mem>>)
      %gt3A_495 = arith.constant 0 : i32
      %gt3A_496 = arith.cmpi sgt, %add3A_476, %gt3A_495 : i32
      %convert_element_type3A_497 = arith.extui %gt3A_496 : i1 to i32
      %cond3A_498 = arith.constant 0 : i32
      %cond3A_499 = arith.cmpi ne, %convert_element_type3A_497, %cond3A_498 : i32
      scf.if %cond3A_499 {
        %dma_wait3A_868 = arith.constant 0 : i32
        %dma_wait3A_869 = arith.constant 0 : i32
        %dma_wait3A_870 = tpu.memref_slice %arg15[%dma_wait3A_868, %dma_wait3A_869] : memref<25104x64xf32, #tpu.memory_space<vmem_shared>> -> memref<25104x64xf32, #tpu.memory_space<vmem_shared>>
        tpu.wait_indirect_dma semaphore(%arg19 : memref<!tpu.dma_semaphore, #tpu.memory_space<semaphore_mem>>) src(%arg13 : memref<160x64xf32, #tpu.memory_space<vmem>>) dst(%dma_wait3A_870 : memref<25104x64xf32, #tpu.memory_space<vmem_shared>>)
      } else {
      }
      %dma_start3A_500 = arith.constant 160 : i32
      %dma_start3A_501 = tpu.memref_slice %arg7[%dma_start3A_500] : memref<320xi32, #tpu.memory_space<vmem>> -> memref<160xi32, #tpu.memory_space<vmem>>
      %dma_start3A_502 = arith.constant 0 : i32
      %dma_start3A_503 = arith.constant 0 : i32
      %dma_start3A_504 = tpu.memref_slice %arg2[%dma_start3A_502, %dma_start3A_503] : memref<50000x64xf32, #tpu.memory_space<hbm>> -> memref<50000x64xf32, #tpu.memory_space<hbm>>
      tpu.enqueue_indirect_dma source(%dma_start3A_504 : memref<50000x64xf32, #tpu.memory_space<hbm>>) target(%arg13 : memref<160x64xf32, #tpu.memory_space<vmem>>) offsets(%dma_start3A_501 : memref<160xi32, #tpu.memory_space<vmem>>) semaphore(%arg17 : memref<!tpu.dma_semaphore, #tpu.memory_space<semaphore_mem>>)
      %get3A_505 = arith.constant 0 : index
      %get3A_506 = tpu.vector_load %arg9[%get3A_505] {strides = array<i32>} : memref<320xi32, #tpu.memory_space<vmem>>, vector<16xi32>,
      %sub3A_507 = vector.broadcast %mul3A_6 : i32 to vector<16xi32>
      %sub3A_508 = arith.subi %get3A_506, %sub3A_507 : vector<16xi32>
      %lt3A_509 = arith.constant 0 : i32
      %lt3A_510 = vector.broadcast %lt3A_509 : i32 to vector<16xi32>
      %lt3A_511 = arith.cmpi slt, %sub3A_508, %lt3A_510 : vector<16xi32>
      %ge3A_512 = arith.constant 25000 : i32
      %ge3A_513 = vector.broadcast %ge3A_512 : i32 to vector<16xi32>
      %ge3A_514 = arith.cmpi sge, %sub3A_508, %ge3A_513 : vector<16xi32>
      %or3A_515 = arith.ori %lt3A_511, %ge3A_514 : vector<16xi1>
      %add3A_516 = arith.constant 25000 : i32
      %add3A_517 = arith.addi %add3A_516, %arg1 : i32
      %broadcast_in_dim3A_518 = vector.broadcast %add3A_517 : i32 to vector<16xi32>
      %select_n3A_519 = arith.select %or3A_515, %broadcast_in_dim3A_518, %sub3A_508 : vector<16xi1>, vector<16xi32>
      %swap3A_520 = arith.constant 0 : index
      %swap3A_521 = tpu.vector_load %arg10[%swap3A_520] {strides = array<i32>} : memref<160xi32, #tpu.memory_space<vmem>>, vector<16xi32>,
      tpu.vector_store %arg10[%swap3A_520], %select_n3A_519 {strides = array<i32>} : memref<160xi32, #tpu.memory_space<vmem>>, vector<16xi32>,
      %get3A_522 = arith.constant 16 : index
      %get3A_523 = tpu.vector_load %arg9[%get3A_522] {strides = array<i32>} : memref<320xi32, #tpu.memory_space<vmem>>, vector<16xi32>,
      %sub3A_524 = vector.broadcast %mul3A_6 : i32 to vector<16xi32>
      %sub3A_525 = arith.subi %get3A_523, %sub3A_524 : vector<16xi32>
      %lt3A_526 = arith.constant 0 : i32
      %lt3A_527 = vector.broadcast %lt3A_526 : i32 to vector<16xi32>
      %lt3A_528 = arith.cmpi slt, %sub3A_525, %lt3A_527 : vector<16xi32>
      %ge3A_529 = arith.constant 25000 : i32
      %ge3A_530 = vector.broadcast %ge3A_529 : i32 to vector<16xi32>
      %ge3A_531 = arith.cmpi sge, %sub3A_525, %ge3A_530 : vector<16xi32>
      %or3A_532 = arith.ori %lt3A_528, %ge3A_531 : vector<16xi1>
      %add3A_533 = arith.constant 25000 : i32
      %add3A_534 = arith.addi %add3A_533, %arg1 : i32
      %broadcast_in_dim3A_535 = vector.broadcast %add3A_534 : i32 to vector<16xi32>
      %select_n3A_536 = arith.select %or3A_532, %broadcast_in_dim3A_535, %sub3A_525 : vector<16xi1>, vector<16xi32>
      %swap3A_537 = arith.constant 16 : index
      %swap3A_538 = tpu.vector_load %arg10[%swap3A_537] {strides = array<i32>} : memref<160xi32, #tpu.memory_space<vmem>>, vector<16xi32>,
      tpu.vector_store %arg10[%swap3A_537], %select_n3A_536 {strides = array<i32>} : memref<160xi32, #tpu.memory_space<vmem>>, vector<16xi32>,
      %get3A_539 = arith.constant 32 : index
      %get3A_540 = tpu.vector_load %arg9[%get3A_539] {strides = array<i32>} : memref<320xi32, #tpu.memory_space<vmem>>, vector<16xi32>,
      %sub3A_541 = vector.broadcast %mul3A_6 : i32 to vector<16xi32>
      %sub3A_542 = arith.subi %get3A_540, %sub3A_541 : vector<16xi32>
      %lt3A_543 = arith.constant 0 : i32
      %lt3A_544 = vector.broadcast %lt3A_543 : i32 to vector<16xi32>
      %lt3A_545 = arith.cmpi slt, %sub3A_542, %lt3A_544 : vector<16xi32>
      %ge3A_546 = arith.constant 25000 : i32
      %ge3A_547 = vector.broadcast %ge3A_546 : i32 to vector<16xi32>
      %ge3A_548 = arith.cmpi sge, %sub3A_542, %ge3A_547 : vector<16xi32>
      %or3A_549 = arith.ori %lt3A_545, %ge3A_548 : vector<16xi1>
      %add3A_550 = arith.constant 25000 : i32
      %add3A_551 = arith.addi %add3A_550, %arg1 : i32
      %broadcast_in_dim3A_552 = vector.broadcast %add3A_551 : i32 to vector<16xi32>
      %select_n3A_553 = arith.select %or3A_549, %broadcast_in_dim3A_552, %sub3A_542 : vector<16xi1>, vector<16xi32>
      %swap3A_554 = arith.constant 32 : index
      %swap3A_555 = tpu.vector_load %arg10[%swap3A_554] {strides = array<i32>} : memref<160xi32, #tpu.memory_space<vmem>>, vector<16xi32>,
      tpu.vector_store %arg10[%swap3A_554], %select_n3A_553 {strides = array<i32>} : memref<160xi32, #tpu.memory_space<vmem>>, vector<16xi32>,
      %get3A_556 = arith.constant 48 : index
      %get3A_557 = tpu.vector_load %arg9[%get3A_556] {strides = array<i32>} : memref<320xi32, #tpu.memory_space<vmem>>, vector<16xi32>,
      %sub3A_558 = vector.broadcast %mul3A_6 : i32 to vector<16xi32>
      %sub3A_559 = arith.subi %get3A_557, %sub3A_558 : vector<16xi32>
      %lt3A_560 = arith.constant 0 : i32
      %lt3A_561 = vector.broadcast %lt3A_560 : i32 to vector<16xi32>
      %lt3A_562 = arith.cmpi slt, %sub3A_559, %lt3A_561 : vector<16xi32>
      %ge3A_563 = arith.constant 25000 : i32
      %ge3A_564 = vector.broadcast %ge3A_563 : i32 to vector<16xi32>
      %ge3A_565 = arith.cmpi sge, %sub3A_559, %ge3A_564 : vector<16xi32>
      %or3A_566 = arith.ori %lt3A_562, %ge3A_565 : vector<16xi1>
      %add3A_567 = arith.constant 25000 : i32
      %add3A_568 = arith.addi %add3A_567, %arg1 : i32
      %broadcast_in_dim3A_569 = vector.broadcast %add3A_568 : i32 to vector<16xi32>
      %select_n3A_570 = arith.select %or3A_566, %broadcast_in_dim3A_569, %sub3A_559 : vector<16xi1>, vector<16xi32>
      %swap3A_571 = arith.constant 48 : index
      %swap3A_572 = tpu.vector_load %arg10[%swap3A_571] {strides = array<i32>} : memref<160xi32, #tpu.memory_space<vmem>>, vector<16xi32>,
      tpu.vector_store %arg10[%swap3A_571], %select_n3A_570 {strides = array<i32>} : memref<160xi32, #tpu.memory_space<vmem>>, vector<16xi32>,
      %get3A_573 = arith.constant 64 : index
      %get3A_574 = tpu.vector_load %arg9[%get3A_573] {strides = array<i32>} : memref<320xi32, #tpu.memory_space<vmem>>, vector<16xi32>,
      %sub3A_575 = vector.broadcast %mul3A_6 : i32 to vector<16xi32>
      %sub3A_576 = arith.subi %get3A_574, %sub3A_575 : vector<16xi32>
      %lt3A_577 = arith.constant 0 : i32
      %lt3A_578 = vector.broadcast %lt3A_577 : i32 to vector<16xi32>
      %lt3A_579 = arith.cmpi slt, %sub3A_576, %lt3A_578 : vector<16xi32>
      %ge3A_580 = arith.constant 25000 : i32
      %ge3A_581 = vector.broadcast %ge3A_580 : i32 to vector<16xi32>
      %ge3A_582 = arith.cmpi sge, %sub3A_576, %ge3A_581 : vector<16xi32>
      %or3A_583 = arith.ori %lt3A_579, %ge3A_582 : vector<16xi1>
      %add3A_584 = arith.constant 25000 : i32
      %add3A_585 = arith.addi %add3A_584, %arg1 : i32
      %broadcast_in_dim3A_586 = vector.broadcast %add3A_585 : i32 to vector<16xi32>
      %select_n3A_587 = arith.select %or3A_583, %broadcast_in_dim3A_586, %sub3A_576 : vector<16xi1>, vector<16xi32>
      %swap3A_588 = arith.constant 64 : index
      %swap3A_589 = tpu.vector_load %arg10[%swap3A_588] {strides = array<i32>} : memref<160xi32, #tpu.memory_space<vmem>>, vector<16xi32>,
      tpu.vector_store %arg10[%swap3A_588], %select_n3A_587 {strides = array<i32>} : memref<160xi32, #tpu.memory_space<vmem>>, vector<16xi32>,
      %get3A_590 = arith.constant 80 : index
      %get3A_591 = tpu.vector_load %arg9[%get3A_590] {strides = array<i32>} : memref<320xi32, #tpu.memory_space<vmem>>, vector<16xi32>,
      %sub3A_592 = vector.broadcast %mul3A_6 : i32 to vector<16xi32>
      %sub3A_593 = arith.subi %get3A_591, %sub3A_592 : vector<16xi32>
      %lt3A_594 = arith.constant 0 : i32
      %lt3A_595 = vector.broadcast %lt3A_594 : i32 to vector<16xi32>
      %lt3A_596 = arith.cmpi slt, %sub3A_593, %lt3A_595 : vector<16xi32>
      %ge3A_597 = arith.constant 25000 : i32
      %ge3A_598 = vector.broadcast %ge3A_597 : i32 to vector<16xi32>
      %ge3A_599 = arith.cmpi sge, %sub3A_593, %ge3A_598 : vector<16xi32>
      %or3A_600 = arith.ori %lt3A_596, %ge3A_599 : vector<16xi1>
      %add3A_601 = arith.constant 25000 : i32
      %add3A_602 = arith.addi %add3A_601, %arg1 : i32
      %broadcast_in_dim3A_603 = vector.broadcast %add3A_602 : i32 to vector<16xi32>
      %select_n3A_604 = arith.select %or3A_600, %broadcast_in_dim3A_603, %sub3A_593 : vector<16xi1>, vector<16xi32>
      %swap3A_605 = arith.constant 80 : index
      %swap3A_606 = tpu.vector_load %arg10[%swap3A_605] {strides = array<i32>} : memref<160xi32, #tpu.memory_space<vmem>>, vector<16xi32>,
      tpu.vector_store %arg10[%swap3A_605], %select_n3A_604 {strides = array<i32>} : memref<160xi32, #tpu.memory_space<vmem>>, vector<16xi32>,
      %get3A_607 = arith.constant 96 : index
      %get3A_608 = tpu.vector_load %arg9[%get3A_607] {strides = array<i32>} : memref<320xi32, #tpu.memory_space<vmem>>, vector<16xi32>,
      %sub3A_609 = vector.broadcast %mul3A_6 : i32 to vector<16xi32>
      %sub3A_610 = arith.subi %get3A_608, %sub3A_609 : vector<16xi32>
      %lt3A_611 = arith.constant 0 : i32
      %lt3A_612 = vector.broadcast %lt3A_611 : i32 to vector<16xi32>
      %lt3A_613 = arith.cmpi slt, %sub3A_610, %lt3A_612 : vector<16xi32>
      %ge3A_614 = arith.constant 25000 : i32
      %ge3A_615 = vector.broadcast %ge3A_614 : i32 to vector<16xi32>
      %ge3A_616 = arith.cmpi sge, %sub3A_610, %ge3A_615 : vector<16xi32>
      %or3A_617 = arith.ori %lt3A_613, %ge3A_616 : vector<16xi1>
      %add3A_618 = arith.constant 25000 : i32
      %add3A_619 = arith.addi %add3A_618, %arg1 : i32
      %broadcast_in_dim3A_620 = vector.broadcast %add3A_619 : i32 to vector<16xi32>
      %select_n3A_621 = arith.select %or3A_617, %broadcast_in_dim3A_620, %sub3A_610 : vector<16xi1>, vector<16xi32>
      %swap3A_622 = arith.constant 96 : index
      %swap3A_623 = tpu.vector_load %arg10[%swap3A_622] {strides = array<i32>} : memref<160xi32, #tpu.memory_space<vmem>>, vector<16xi32>,
      tpu.vector_store %arg10[%swap3A_622], %select_n3A_621 {strides = array<i32>} : memref<160xi32, #tpu.memory_space<vmem>>, vector<16xi32>,
      %get3A_624 = arith.constant 112 : index
      %get3A_625 = tpu.vector_load %arg9[%get3A_624] {strides = array<i32>} : memref<320xi32, #tpu.memory_space<vmem>>, vector<16xi32>,
      %sub3A_626 = vector.broadcast %mul3A_6 : i32 to vector<16xi32>
      %sub3A_627 = arith.subi %get3A_625, %sub3A_626 : vector<16xi32>
      %lt3A_628 = arith.constant 0 : i32
      %lt3A_629 = vector.broadcast %lt3A_628 : i32 to vector<16xi32>
      %lt3A_630 = arith.cmpi slt, %sub3A_627, %lt3A_629 : vector<16xi32>
      %ge3A_631 = arith.constant 25000 : i32
      %ge3A_632 = vector.broadcast %ge3A_631 : i32 to vector<16xi32>
      %ge3A_633 = arith.cmpi sge, %sub3A_627, %ge3A_632 : vector<16xi32>
      %or3A_634 = arith.ori %lt3A_630, %ge3A_633 : vector<16xi1>
      %add3A_635 = arith.constant 25000 : i32
      %add3A_636 = arith.addi %add3A_635, %arg1 : i32
      %broadcast_in_dim3A_637 = vector.broadcast %add3A_636 : i32 to vector<16xi32>
      %select_n3A_638 = arith.select %or3A_634, %broadcast_in_dim3A_637, %sub3A_627 : vector<16xi1>, vector<16xi32>
      %swap3A_639 = arith.constant 112 : index
      %swap3A_640 = tpu.vector_load %arg10[%swap3A_639] {strides = array<i32>} : memref<160xi32, #tpu.memory_space<vmem>>, vector<16xi32>,
      tpu.vector_store %arg10[%swap3A_639], %select_n3A_638 {strides = array<i32>} : memref<160xi32, #tpu.memory_space<vmem>>, vector<16xi32>,
      %get3A_641 = arith.constant 128 : index
      %get3A_642 = tpu.vector_load %arg9[%get3A_641] {strides = array<i32>} : memref<320xi32, #tpu.memory_space<vmem>>, vector<16xi32>,
      %sub3A_643 = vector.broadcast %mul3A_6 : i32 to vector<16xi32>
      %sub3A_644 = arith.subi %get3A_642, %sub3A_643 : vector<16xi32>
      %lt3A_645 = arith.constant 0 : i32
      %lt3A_646 = vector.broadcast %lt3A_645 : i32 to vector<16xi32>
      %lt3A_647 = arith.cmpi slt, %sub3A_644, %lt3A_646 : vector<16xi32>
      %ge3A_648 = arith.constant 25000 : i32
      %ge3A_649 = vector.broadcast %ge3A_648 : i32 to vector<16xi32>
      %ge3A_650 = arith.cmpi sge, %sub3A_644, %ge3A_649 : vector<16xi32>
      %or3A_651 = arith.ori %lt3A_647, %ge3A_650 : vector<16xi1>
      %add3A_652 = arith.constant 25000 : i32
      %add3A_653 = arith.addi %add3A_652, %arg1 : i32
      %broadcast_in_dim3A_654 = vector.broadcast %add3A_653 : i32 to vector<16xi32>
      %select_n3A_655 = arith.select %or3A_651, %broadcast_in_dim3A_654, %sub3A_644 : vector<16xi1>, vector<16xi32>
      %swap3A_656 = arith.constant 128 : index
      %swap3A_657 = tpu.vector_load %arg10[%swap3A_656] {strides = array<i32>} : memref<160xi32, #tpu.memory_space<vmem>>, vector<16xi32>,
      tpu.vector_store %arg10[%swap3A_656], %select_n3A_655 {strides = array<i32>} : memref<160xi32, #tpu.memory_space<vmem>>, vector<16xi32>,
      %get3A_658 = arith.constant 144 : index
      %get3A_659 = tpu.vector_load %arg9[%get3A_658] {strides = array<i32>} : memref<320xi32, #tpu.memory_space<vmem>>, vector<16xi32>,
      %sub3A_660 = vector.broadcast %mul3A_6 : i32 to vector<16xi32>
      %sub3A_661 = arith.subi %get3A_659, %sub3A_660 : vector<16xi32>
      %lt3A_662 = arith.constant 0 : i32
      %lt3A_663 = vector.broadcast %lt3A_662 : i32 to vector<16xi32>
      %lt3A_664 = arith.cmpi slt, %sub3A_661, %lt3A_663 : vector<16xi32>
      %ge3A_665 = arith.constant 25000 : i32
      %ge3A_666 = vector.broadcast %ge3A_665 : i32 to vector<16xi32>
      %ge3A_667 = arith.cmpi sge, %sub3A_661, %ge3A_666 : vector<16xi32>
      %or3A_668 = arith.ori %lt3A_664, %ge3A_667 : vector<16xi1>
      %add3A_669 = arith.constant 25000 : i32
      %add3A_670 = arith.addi %add3A_669, %arg1 : i32
      %broadcast_in_dim3A_671 = vector.broadcast %add3A_670 : i32 to vector<16xi32>
      %select_n3A_672 = arith.select %or3A_668, %broadcast_in_dim3A_671, %sub3A_661 : vector<16xi1>, vector<16xi32>
      %swap3A_673 = arith.constant 144 : index
      %swap3A_674 = tpu.vector_load %arg10[%swap3A_673] {strides = array<i32>} : memref<160xi32, #tpu.memory_space<vmem>>, vector<16xi32>,
      tpu.vector_store %arg10[%swap3A_673], %select_n3A_672 {strides = array<i32>} : memref<160xi32, #tpu.memory_space<vmem>>, vector<16xi32>,
      %dma_wait3A_675 = arith.constant 0 : i32
      %dma_wait3A_676 = tpu.memref_slice %arg7[%dma_wait3A_675] : memref<320xi32, #tpu.memory_space<vmem>> -> memref<160xi32, #tpu.memory_space<vmem>>
      %dma_wait3A_677 = arith.constant 0 : i32
      %dma_wait3A_678 = arith.constant 0 : i32
      %dma_wait3A_679 = tpu.memref_slice %arg2[%dma_wait3A_677, %dma_wait3A_678] : memref<50000x64xf32, #tpu.memory_space<hbm>> -> memref<50000x64xf32, #tpu.memory_space<hbm>>
      tpu.wait_indirect_dma semaphore(%arg16 : memref<!tpu.dma_semaphore, #tpu.memory_space<semaphore_mem>>) src(%dma_wait3A_679 : memref<50000x64xf32, #tpu.memory_space<hbm>>) dst(%arg12 : memref<160x64xf32, #tpu.memory_space<vmem>>)
      %dma_start3A_680 = arith.constant 0 : i32
      %dma_start3A_681 = arith.constant 0 : i32
      %dma_start3A_682 = tpu.memref_slice %arg15[%dma_start3A_680, %dma_start3A_681] : memref<25104x64xf32, #tpu.memory_space<vmem_shared>> -> memref<25104x64xf32, #tpu.memory_space<vmem_shared>>
      tpu.enqueue_indirect_dma source(%arg12 : memref<160x64xf32, #tpu.memory_space<vmem>>) target(%dma_start3A_682 : memref<25104x64xf32, #tpu.memory_space<vmem_shared>>) offsets(%arg10 : memref<160xi32, #tpu.memory_space<vmem>>) semaphore(%arg18 : memref<!tpu.dma_semaphore, #tpu.memory_space<semaphore_mem>>) {add = true}
      %get3A_683 = arith.constant 160 : index
      %get3A_684 = tpu.vector_load %arg9[%get3A_683] {strides = array<i32>} : memref<320xi32, #tpu.memory_space<vmem>>, vector<16xi32>,
      %sub3A_685 = vector.broadcast %mul3A_6 : i32 to vector<16xi32>
      %sub3A_686 = arith.subi %get3A_684, %sub3A_685 : vector<16xi32>
      %lt3A_687 = arith.constant 0 : i32
      %lt3A_688 = vector.broadcast %lt3A_687 : i32 to vector<16xi32>
      %lt3A_689 = arith.cmpi slt, %sub3A_686, %lt3A_688 : vector<16xi32>
      %ge3A_690 = arith.constant 25000 : i32
      %ge3A_691 = vector.broadcast %ge3A_690 : i32 to vector<16xi32>
      %ge3A_692 = arith.cmpi sge, %sub3A_686, %ge3A_691 : vector<16xi32>
      %or3A_693 = arith.ori %lt3A_689, %ge3A_692 : vector<16xi1>
      %add3A_694 = arith.constant 25000 : i32
      %add3A_695 = arith.addi %add3A_694, %arg1 : i32
      %broadcast_in_dim3A_696 = vector.broadcast %add3A_695 : i32 to vector<16xi32>
      %select_n3A_697 = arith.select %or3A_693, %broadcast_in_dim3A_696, %sub3A_686 : vector<16xi1>, vector<16xi32>
      %swap3A_698 = arith.constant 0 : index
      %swap3A_699 = tpu.vector_load %arg11[%swap3A_698] {strides = array<i32>} : memref<160xi32, #tpu.memory_space<vmem>>, vector<16xi32>,
      tpu.vector_store %arg11[%swap3A_698], %select_n3A_697 {strides = array<i32>} : memref<160xi32, #tpu.memory_space<vmem>>, vector<16xi32>,
      %get3A_700 = arith.constant 176 : index
      %get3A_701 = tpu.vector_load %arg9[%get3A_700] {strides = array<i32>} : memref<320xi32, #tpu.memory_space<vmem>>, vector<16xi32>,
      %sub3A_702 = vector.broadcast %mul3A_6 : i32 to vector<16xi32>
      %sub3A_703 = arith.subi %get3A_701, %sub3A_702 : vector<16xi32>
      %lt3A_704 = arith.constant 0 : i32
      %lt3A_705 = vector.broadcast %lt3A_704 : i32 to vector<16xi32>
      %lt3A_706 = arith.cmpi slt, %sub3A_703, %lt3A_705 : vector<16xi32>
      %ge3A_707 = arith.constant 25000 : i32
      %ge3A_708 = vector.broadcast %ge3A_707 : i32 to vector<16xi32>
      %ge3A_709 = arith.cmpi sge, %sub3A_703, %ge3A_708 : vector<16xi32>
      %or3A_710 = arith.ori %lt3A_706, %ge3A_709 : vector<16xi1>
      %add3A_711 = arith.constant 25000 : i32
      %add3A_712 = arith.addi %add3A_711, %arg1 : i32
      %broadcast_in_dim3A_713 = vector.broadcast %add3A_712 : i32 to vector<16xi32>
      %select_n3A_714 = arith.select %or3A_710, %broadcast_in_dim3A_713, %sub3A_703 : vector<16xi1>, vector<16xi32>
      %swap3A_715 = arith.constant 16 : index
      %swap3A_716 = tpu.vector_load %arg11[%swap3A_715] {strides = array<i32>} : memref<160xi32, #tpu.memory_space<vmem>>, vector<16xi32>,
      tpu.vector_store %arg11[%swap3A_715], %select_n3A_714 {strides = array<i32>} : memref<160xi32, #tpu.memory_space<vmem>>, vector<16xi32>,
      %get3A_717 = arith.constant 192 : index
      %get3A_718 = tpu.vector_load %arg9[%get3A_717] {strides = array<i32>} : memref<320xi32, #tpu.memory_space<vmem>>, vector<16xi32>,
      %sub3A_719 = vector.broadcast %mul3A_6 : i32 to vector<16xi32>
      %sub3A_720 = arith.subi %get3A_718, %sub3A_719 : vector<16xi32>
      %lt3A_721 = arith.constant 0 : i32
      %lt3A_722 = vector.broadcast %lt3A_721 : i32 to vector<16xi32>
      %lt3A_723 = arith.cmpi slt, %sub3A_720, %lt3A_722 : vector<16xi32>
      %ge3A_724 = arith.constant 25000 : i32
      %ge3A_725 = vector.broadcast %ge3A_724 : i32 to vector<16xi32>
      %ge3A_726 = arith.cmpi sge, %sub3A_720, %ge3A_725 : vector<16xi32>
      %or3A_727 = arith.ori %lt3A_723, %ge3A_726 : vector<16xi1>
      %add3A_728 = arith.constant 25000 : i32
      %add3A_729 = arith.addi %add3A_728, %arg1 : i32
      %broadcast_in_dim3A_730 = vector.broadcast %add3A_729 : i32 to vector<16xi32>
      %select_n3A_731 = arith.select %or3A_727, %broadcast_in_dim3A_730, %sub3A_720 : vector<16xi1>, vector<16xi32>
      %swap3A_732 = arith.constant 32 : index
      %swap3A_733 = tpu.vector_load %arg11[%swap3A_732] {strides = array<i32>} : memref<160xi32, #tpu.memory_space<vmem>>, vector<16xi32>,
      tpu.vector_store %arg11[%swap3A_732], %select_n3A_731 {strides = array<i32>} : memref<160xi32, #tpu.memory_space<vmem>>, vector<16xi32>,
      %get3A_734 = arith.constant 208 : index
      %get3A_735 = tpu.vector_load %arg9[%get3A_734] {strides = array<i32>} : memref<320xi32, #tpu.memory_space<vmem>>, vector<16xi32>,
      %sub3A_736 = vector.broadcast %mul3A_6 : i32 to vector<16xi32>
      %sub3A_737 = arith.subi %get3A_735, %sub3A_736 : vector<16xi32>
      %lt3A_738 = arith.constant 0 : i32
      %lt3A_739 = vector.broadcast %lt3A_738 : i32 to vector<16xi32>
      %lt3A_740 = arith.cmpi slt, %sub3A_737, %lt3A_739 : vector<16xi32>
      %ge3A_741 = arith.constant 25000 : i32
      %ge3A_742 = vector.broadcast %ge3A_741 : i32 to vector<16xi32>
      %ge3A_743 = arith.cmpi sge, %sub3A_737, %ge3A_742 : vector<16xi32>
      %or3A_744 = arith.ori %lt3A_740, %ge3A_743 : vector<16xi1>
      %add3A_745 = arith.constant 25000 : i32
      %add3A_746 = arith.addi %add3A_745, %arg1 : i32
      %broadcast_in_dim3A_747 = vector.broadcast %add3A_746 : i32 to vector<16xi32>
      %select_n3A_748 = arith.select %or3A_744, %broadcast_in_dim3A_747, %sub3A_737 : vector<16xi1>, vector<16xi32>
      %swap3A_749 = arith.constant 48 : index
      %swap3A_750 = tpu.vector_load %arg11[%swap3A_749] {strides = array<i32>} : memref<160xi32, #tpu.memory_space<vmem>>, vector<16xi32>,
      tpu.vector_store %arg11[%swap3A_749], %select_n3A_748 {strides = array<i32>} : memref<160xi32, #tpu.memory_space<vmem>>, vector<16xi32>,
      %get3A_751 = arith.constant 224 : index
      %get3A_752 = tpu.vector_load %arg9[%get3A_751] {strides = array<i32>} : memref<320xi32, #tpu.memory_space<vmem>>, vector<16xi32>,
      %sub3A_753 = vector.broadcast %mul3A_6 : i32 to vector<16xi32>
      %sub3A_754 = arith.subi %get3A_752, %sub3A_753 : vector<16xi32>
      %lt3A_755 = arith.constant 0 : i32
      %lt3A_756 = vector.broadcast %lt3A_755 : i32 to vector<16xi32>
      %lt3A_757 = arith.cmpi slt, %sub3A_754, %lt3A_756 : vector<16xi32>
      %ge3A_758 = arith.constant 25000 : i32
      %ge3A_759 = vector.broadcast %ge3A_758 : i32 to vector<16xi32>
      %ge3A_760 = arith.cmpi sge, %sub3A_754, %ge3A_759 : vector<16xi32>
      %or3A_761 = arith.ori %lt3A_757, %ge3A_760 : vector<16xi1>
      %add3A_762 = arith.constant 25000 : i32
      %add3A_763 = arith.addi %add3A_762, %arg1 : i32
      %broadcast_in_dim3A_764 = vector.broadcast %add3A_763 : i32 to vector<16xi32>
      %select_n3A_765 = arith.select %or3A_761, %broadcast_in_dim3A_764, %sub3A_754 : vector<16xi1>, vector<16xi32>
      %swap3A_766 = arith.constant 64 : index
      %swap3A_767 = tpu.vector_load %arg11[%swap3A_766] {strides = array<i32>} : memref<160xi32, #tpu.memory_space<vmem>>, vector<16xi32>,
      tpu.vector_store %arg11[%swap3A_766], %select_n3A_765 {strides = array<i32>} : memref<160xi32, #tpu.memory_space<vmem>>, vector<16xi32>,
      %get3A_768 = arith.constant 240 : index
      %get3A_769 = tpu.vector_load %arg9[%get3A_768] {strides = array<i32>} : memref<320xi32, #tpu.memory_space<vmem>>, vector<16xi32>,
      %sub3A_770 = vector.broadcast %mul3A_6 : i32 to vector<16xi32>
      %sub3A_771 = arith.subi %get3A_769, %sub3A_770 : vector<16xi32>
      %lt3A_772 = arith.constant 0 : i32
      %lt3A_773 = vector.broadcast %lt3A_772 : i32 to vector<16xi32>
      %lt3A_774 = arith.cmpi slt, %sub3A_771, %lt3A_773 : vector<16xi32>
      %ge3A_775 = arith.constant 25000 : i32
      %ge3A_776 = vector.broadcast %ge3A_775 : i32 to vector<16xi32>
      %ge3A_777 = arith.cmpi sge, %sub3A_771, %ge3A_776 : vector<16xi32>
      %or3A_778 = arith.ori %lt3A_774, %ge3A_777 : vector<16xi1>
      %add3A_779 = arith.constant 25000 : i32
      %add3A_780 = arith.addi %add3A_779, %arg1 : i32
      %broadcast_in_dim3A_781 = vector.broadcast %add3A_780 : i32 to vector<16xi32>
      %select_n3A_782 = arith.select %or3A_778, %broadcast_in_dim3A_781, %sub3A_771 : vector<16xi1>, vector<16xi32>
      %swap3A_783 = arith.constant 80 : index
      %swap3A_784 = tpu.vector_load %arg11[%swap3A_783] {strides = array<i32>} : memref<160xi32, #tpu.memory_space<vmem>>, vector<16xi32>,
      tpu.vector_store %arg11[%swap3A_783], %select_n3A_782 {strides = array<i32>} : memref<160xi32, #tpu.memory_space<vmem>>, vector<16xi32>,
      %get3A_785 = arith.constant 256 : index
      %get3A_786 = tpu.vector_load %arg9[%get3A_785] {strides = array<i32>} : memref<320xi32, #tpu.memory_space<vmem>>, vector<16xi32>,
      %sub3A_787 = vector.broadcast %mul3A_6 : i32 to vector<16xi32>
      %sub3A_788 = arith.subi %get3A_786, %sub3A_787 : vector<16xi32>
      %lt3A_789 = arith.constant 0 : i32
      %lt3A_790 = vector.broadcast %lt3A_789 : i32 to vector<16xi32>
      %lt3A_791 = arith.cmpi slt, %sub3A_788, %lt3A_790 : vector<16xi32>
      %ge3A_792 = arith.constant 25000 : i32
      %ge3A_793 = vector.broadcast %ge3A_792 : i32 to vector<16xi32>
      %ge3A_794 = arith.cmpi sge, %sub3A_788, %ge3A_793 : vector<16xi32>
      %or3A_795 = arith.ori %lt3A_791, %ge3A_794 : vector<16xi1>
      %add3A_796 = arith.constant 25000 : i32
      %add3A_797 = arith.addi %add3A_796, %arg1 : i32
      %broadcast_in_dim3A_798 = vector.broadcast %add3A_797 : i32 to vector<16xi32>
      %select_n3A_799 = arith.select %or3A_795, %broadcast_in_dim3A_798, %sub3A_788 : vector<16xi1>, vector<16xi32>
      %swap3A_800 = arith.constant 96 : index
      %swap3A_801 = tpu.vector_load %arg11[%swap3A_800] {strides = array<i32>} : memref<160xi32, #tpu.memory_space<vmem>>, vector<16xi32>,
      tpu.vector_store %arg11[%swap3A_800], %select_n3A_799 {strides = array<i32>} : memref<160xi32, #tpu.memory_space<vmem>>, vector<16xi32>,
      %get3A_802 = arith.constant 272 : index
      %get3A_803 = tpu.vector_load %arg9[%get3A_802] {strides = array<i32>} : memref<320xi32, #tpu.memory_space<vmem>>, vector<16xi32>,
      %sub3A_804 = vector.broadcast %mul3A_6 : i32 to vector<16xi32>
      %sub3A_805 = arith.subi %get3A_803, %sub3A_804 : vector<16xi32>
      %lt3A_806 = arith.constant 0 : i32
      %lt3A_807 = vector.broadcast %lt3A_806 : i32 to vector<16xi32>
      %lt3A_808 = arith.cmpi slt, %sub3A_805, %lt3A_807 : vector<16xi32>
      %ge3A_809 = arith.constant 25000 : i32
      %ge3A_810 = vector.broadcast %ge3A_809 : i32 to vector<16xi32>
      %ge3A_811 = arith.cmpi sge, %sub3A_805, %ge3A_810 : vector<16xi32>
      %or3A_812 = arith.ori %lt3A_808, %ge3A_811 : vector<16xi1>
      %add3A_813 = arith.constant 25000 : i32
      %add3A_814 = arith.addi %add3A_813, %arg1 : i32
      %broadcast_in_dim3A_815 = vector.broadcast %add3A_814 : i32 to vector<16xi32>
      %select_n3A_816 = arith.select %or3A_812, %broadcast_in_dim3A_815, %sub3A_805 : vector<16xi1>, vector<16xi32>
      %swap3A_817 = arith.constant 112 : index
      %swap3A_818 = tpu.vector_load %arg11[%swap3A_817] {strides = array<i32>} : memref<160xi32, #tpu.memory_space<vmem>>, vector<16xi32>,
      tpu.vector_store %arg11[%swap3A_817], %select_n3A_816 {strides = array<i32>} : memref<160xi32, #tpu.memory_space<vmem>>, vector<16xi32>,
      %get3A_819 = arith.constant 288 : index
      %get3A_820 = tpu.vector_load %arg9[%get3A_819] {strides = array<i32>} : memref<320xi32, #tpu.memory_space<vmem>>, vector<16xi32>,
      %sub3A_821 = vector.broadcast %mul3A_6 : i32 to vector<16xi32>
      %sub3A_822 = arith.subi %get3A_820, %sub3A_821 : vector<16xi32>
      %lt3A_823 = arith.constant 0 : i32
      %lt3A_824 = vector.broadcast %lt3A_823 : i32 to vector<16xi32>
      %lt3A_825 = arith.cmpi slt, %sub3A_822, %lt3A_824 : vector<16xi32>
      %ge3A_826 = arith.constant 25000 : i32
      %ge3A_827 = vector.broadcast %ge3A_826 : i32 to vector<16xi32>
      %ge3A_828 = arith.cmpi sge, %sub3A_822, %ge3A_827 : vector<16xi32>
      %or3A_829 = arith.ori %lt3A_825, %ge3A_828 : vector<16xi1>
      %add3A_830 = arith.constant 25000 : i32
      %add3A_831 = arith.addi %add3A_830, %arg1 : i32
      %broadcast_in_dim3A_832 = vector.broadcast %add3A_831 : i32 to vector<16xi32>
      %select_n3A_833 = arith.select %or3A_829, %broadcast_in_dim3A_832, %sub3A_822 : vector<16xi1>, vector<16xi32>
      %swap3A_834 = arith.constant 128 : index
      %swap3A_835 = tpu.vector_load %arg11[%swap3A_834] {strides = array<i32>} : memref<160xi32, #tpu.memory_space<vmem>>, vector<16xi32>,
      tpu.vector_store %arg11[%swap3A_834], %select_n3A_833 {strides = array<i32>} : memref<160xi32, #tpu.memory_space<vmem>>, vector<16xi32>,
      %get3A_836 = arith.constant 304 : index
      %get3A_837 = tpu.vector_load %arg9[%get3A_836] {strides = array<i32>} : memref<320xi32, #tpu.memory_space<vmem>>, vector<16xi32>,
      %sub3A_838 = vector.broadcast %mul3A_6 : i32 to vector<16xi32>
      %sub3A_839 = arith.subi %get3A_837, %sub3A_838 : vector<16xi32>
      %lt3A_840 = arith.constant 0 : i32
      %lt3A_841 = vector.broadcast %lt3A_840 : i32 to vector<16xi32>
      %lt3A_842 = arith.cmpi slt, %sub3A_839, %lt3A_841 : vector<16xi32>
      %ge3A_843 = arith.constant 25000 : i32
      %ge3A_844 = vector.broadcast %ge3A_843 : i32 to vector<16xi32>
      %ge3A_845 = arith.cmpi sge, %sub3A_839, %ge3A_844 : vector<16xi32>
      %or3A_846 = arith.ori %lt3A_842, %ge3A_845 : vector<16xi1>
      %add3A_847 = arith.constant 25000 : i32
      %add3A_848 = arith.addi %add3A_847, %arg1 : i32
      %broadcast_in_dim3A_849 = vector.broadcast %add3A_848 : i32 to vector<16xi32>
      %select_n3A_850 = arith.select %or3A_846, %broadcast_in_dim3A_849, %sub3A_839 : vector<16xi1>, vector<16xi32>
      %swap3A_851 = arith.constant 144 : index
      %swap3A_852 = tpu.vector_load %arg11[%swap3A_851] {strides = array<i32>} : memref<160xi32, #tpu.memory_space<vmem>>, vector<16xi32>,
      tpu.vector_store %arg11[%swap3A_851], %select_n3A_850 {strides = array<i32>} : memref<160xi32, #tpu.memory_space<vmem>>, vector<16xi32>,
      %dma_wait3A_853 = arith.constant 160 : i32
      %dma_wait3A_854 = tpu.memref_slice %arg7[%dma_wait3A_853] : memref<320xi32, #tpu.memory_space<vmem>> -> memref<160xi32, #tpu.memory_space<vmem>>
      %dma_wait3A_855 = arith.constant 0 : i32
      %dma_wait3A_856 = arith.constant 0 : i32
      %dma_wait3A_857 = tpu.memref_slice %arg2[%dma_wait3A_855, %dma_wait3A_856] : memref<50000x64xf32, #tpu.memory_space<hbm>> -> memref<50000x64xf32, #tpu.memory_space<hbm>>
      tpu.wait_indirect_dma semaphore(%arg17 : memref<!tpu.dma_semaphore, #tpu.memory_space<semaphore_mem>>) src(%dma_wait3A_857 : memref<50000x64xf32, #tpu.memory_space<hbm>>) dst(%arg13 : memref<160x64xf32, #tpu.memory_space<vmem>>)
      %dma_start3A_858 = arith.constant 0 : i32
      %dma_start3A_859 = arith.constant 0 : i32
      %dma_start3A_860 = tpu.memref_slice %arg15[%dma_start3A_858, %dma_start3A_859] : memref<25104x64xf32, #tpu.memory_space<vmem_shared>> -> memref<25104x64xf32, #tpu.memory_space<vmem_shared>>
      tpu.enqueue_indirect_dma source(%arg13 : memref<160x64xf32, #tpu.memory_space<vmem>>) target(%dma_start3A_860 : memref<25104x64xf32, #tpu.memory_space<vmem_shared>>) offsets(%arg11 : memref<160xi32, #tpu.memory_space<vmem>>) semaphore(%arg19 : memref<!tpu.dma_semaphore, #tpu.memory_space<semaphore_mem>>) {add = true}
      %add3A_861 = arith.constant 2 : i32
      %add3A_862 = arith.addi %add3A_476, %add3A_861 : i32
      %lt3A_863 = arith.constant 160 : i32
      %lt3A_864 = arith.cmpi slt, %add3A_862, %lt3A_863 : i32
      %convert_element_type3A_865 = arith.extui %lt3A_864 : i1 to i32
      %cond3A_866 = arith.constant 0 : i32
      %cond3A_867 = arith.cmpi ne, %convert_element_type3A_865, %cond3A_866 : i32
      scf.if %cond3A_867 {
        %add3A_868 = arith.constant 2 : i32
        %add3A_869 = arith.addi %add3A_476, %add3A_868 : i32
        %mul3A_870 = arith.constant 160 : i32
        %mul3A_871 = arith.muli %arg1, %mul3A_870 : i32
        %add3A_872 = arith.addi %mul3A_871, %add3A_869 : i32
        %mul3A_873 = arith.constant 320 : i32
        %mul3A_874 = arith.muli %add3A_872, %mul3A_873 : i32
        %dma_start3A_875 = tpu.memref_slice %arg3[%mul3A_874] : memref<819200xi32, #tpu.memory_space<hbm>> -> memref<320xi32, #tpu.memory_space<hbm>>
        %dma_start3A_876 = tpu.memref_slice %arg3[%mul3A_874] : memref<819200xi32, #tpu.memory_space<hbm>> -> memref<320xi32, #tpu.memory_space<hbm>>
        tpu.enqueue_dma source(%dma_start3A_876 : memref<320xi32, #tpu.memory_space<hbm>>) target(%arg7 : memref<320xi32, #tpu.memory_space<vmem>>) target_semaphore(%arg21 : memref<!tpu.dma_semaphore, #tpu.memory_space<semaphore_mem>>)
        %mul3A_877 = arith.constant 160 : i32
        %mul3A_878 = arith.muli %arg1, %mul3A_877 : i32
        %add3A_879 = arith.addi %mul3A_878, %add3A_869 : i32
        %mul3A_880 = arith.constant 320 : i32
        %mul3A_881 = arith.muli %add3A_879, %mul3A_880 : i32
        %dma_start3A_882 = tpu.memref_slice %arg4[%mul3A_881] : memref<819200xi32, #tpu.memory_space<hbm>> -> memref<320xi32, #tpu.memory_space<hbm>>
        %dma_start3A_883 = tpu.memref_slice %arg4[%mul3A_881] : memref<819200xi32, #tpu.memory_space<hbm>> -> memref<320xi32, #tpu.memory_space<hbm>>
        tpu.enqueue_dma source(%dma_start3A_883 : memref<320xi32, #tpu.memory_space<hbm>>) target(%arg9 : memref<320xi32, #tpu.memory_space<vmem>>) target_semaphore(%arg21 : memref<!tpu.dma_semaphore, #tpu.memory_space<semaphore_mem>>)
      } else {
      }
    }
    %scan3A_70 = arith.constant 80 : i32
    %dma_wait3A = arith.constant 0 : i32
    %dma_wait3A_71 = arith.constant 0 : i32
    %dma_wait3A_72 = tpu.memref_slice %arg15[%dma_wait3A, %dma_wait3A_71] : memref<25104x64xf32, #tpu.memory_space<vmem_shared>> -> memref<25104x64xf32, #tpu.memory_space<vmem_shared>>
    tpu.wait_indirect_dma semaphore(%arg18 : memref<!tpu.dma_semaphore, #tpu.memory_space<semaphore_mem>>) src(%arg12 : memref<160x64xf32, #tpu.memory_space<vmem>>) dst(%dma_wait3A_72 : memref<25104x64xf32, #tpu.memory_space<vmem_shared>>)
    %dma_wait3A_73 = arith.constant 0 : i32
    %dma_wait3A_74 = arith.constant 0 : i32
    %dma_wait3A_75 = tpu.memref_slice %arg15[%dma_wait3A_73, %dma_wait3A_74] : memref<25104x64xf32, #tpu.memory_space<vmem_shared>> -> memref<25104x64xf32, #tpu.memory_space<vmem_shared>>
    tpu.wait_indirect_dma semaphore(%arg19 : memref<!tpu.dma_semaphore, #tpu.memory_space<semaphore_mem>>) src(%arg13 : memref<160x64xf32, #tpu.memory_space<vmem>>) dst(%dma_wait3A_75 : memref<25104x64xf32, #tpu.memory_space<vmem_shared>>)
    %barrier3A_76 = arith.constant 0 : index
    tpu.barrier barrier_id(%barrier3A_76)
    %lt3A = arith.constant 8 : i32
    %lt3A_77 = arith.cmpi slt, %arg1, %lt3A : i32
    %convert_element_type3A = arith.extui %lt3A_77 : i1 to i32
    %cond3A = arith.constant 0 : i32
    %cond3A_78 = arith.cmpi ne, %convert_element_type3A, %cond3A : i32
    scf.if %cond3A_78 {
      %mul3A_83 = arith.constant 1563 : i32
      %mul3A_84 = arith.muli %arg1, %mul3A_83 : i32
      "tpu.region"() ({
        %run_scoped3A = tpu.sem_alloc : memref<!tpu.dma_semaphore, #tpu.memory_space<semaphore_mem>>
        %dma_start3A_85 = arith.constant 0 : i32
        %dma_start3A_86 = tpu.memref_slice %arg5[%arg0, %mul3A_84, %dma_start3A_85] : memref<2x25088x64xf32, #tpu.memory_space<hbm>> -> memref<1x1563x64xf32, #tpu.memory_space<hbm>>
        %dma_start3A_87 = tpu.memref_squeeze %dma_start3A_86 : memref<1x1563x64xf32, #tpu.memory_space<hbm>> -> memref<1563x64xf32, #tpu.memory_space<hbm>>
        %dma_start3A_88 = arith.constant 0 : i32
        %dma_start3A_89 = tpu.memref_slice %arg15[%mul3A_84, %dma_start3A_88] : memref<25104x64xf32, #tpu.memory_space<vmem_shared>> -> memref<1563x64xf32, #tpu.memory_space<vmem_shared>>
        tpu.enqueue_dma source(%dma_start3A_89 : memref<1563x64xf32, #tpu.memory_space<vmem_shared>>) target(%dma_start3A_87 : memref<1563x64xf32, #tpu.memory_space<hbm>>) target_semaphore(%run_scoped3A : memref<!tpu.dma_semaphore, #tpu.memory_space<semaphore_mem>>)
        %dma_wait3A_90 = arith.constant 0 : i32
        %dma_wait3A_91 = tpu.memref_slice %arg5[%arg0, %mul3A_84, %dma_wait3A_90] : memref<2x25088x64xf32, #tpu.memory_space<hbm>> -> memref<1x1563x64xf32, #tpu.memory_space<hbm>>
        %dma_wait3A_92 = tpu.memref_squeeze %dma_wait3A_91 : memref<1x1563x64xf32, #tpu.memory_space<hbm>> -> memref<1563x64xf32, #tpu.memory_space<hbm>>
        %dma_wait3A_93 = arith.constant 0 : i32
        %dma_wait3A_94 = tpu.memref_slice %arg15[%mul3A_84, %dma_wait3A_93] : memref<25104x64xf32, #tpu.memory_space<vmem_shared>> -> memref<1563x64xf32, #tpu.memory_space<vmem_shared>>
        tpu.wait_dma2 semaphore(%run_scoped3A : memref<!tpu.dma_semaphore, #tpu.memory_space<semaphore_mem>>) src(%dma_wait3A_94 : memref<1563x64xf32, #tpu.memory_space<vmem_shared>>) dst(%dma_wait3A_92 : memref<1563x64xf32, #tpu.memory_space<hbm>>)
        tpu.yield
      }) : () -> ()
    } else {
    }
    %ge3A = arith.constant 8 : i32
    %ge3A_79 = arith.cmpi sge, %arg1, %ge3A : i32
    %convert_element_type3A_80 = arith.extui %ge3A_79 : i1 to i32
    %cond3A_81 = arith.constant 0 : i32
    %cond3A_82 = arith.cmpi ne, %convert_element_type3A_80, %cond3A_81 : i32
    scf.if %cond3A_82 {
      %sub3A = arith.constant 8 : i32
      %sub3A_83 = arith.subi %arg1, %sub3A : i32
      %mul3A_84 = arith.constant 1562 : i32
      %mul3A_85 = arith.muli %sub3A_83, %mul3A_84 : i32
      %add3A_86 = arith.constant 12504 : i32
      %add3A_87 = arith.addi %add3A_86, %mul3A_85 : i32
      "tpu.region"() ({
        %run_scoped3A = tpu.sem_alloc : memref<!tpu.dma_semaphore, #tpu.memory_space<semaphore_mem>>
        %dma_start3A_88 = arith.constant 0 : i32
        %dma_start3A_89 = tpu.memref_slice %arg5[%arg0, %add3A_87, %dma_start3A_88] : memref<2x25088x64xf32, #tpu.memory_space<hbm>> -> memref<1x1562x64xf32, #tpu.memory_space<hbm>>
        %dma_start3A_90 = tpu.memref_squeeze %dma_start3A_89 : memref<1x1562x64xf32, #tpu.memory_space<hbm>> -> memref<1562x64xf32, #tpu.memory_space<hbm>>
        %dma_start3A_91 = arith.constant 0 : i32
        %dma_start3A_92 = tpu.memref_slice %arg15[%add3A_87, %dma_start3A_91] : memref<25104x64xf32, #tpu.memory_space<vmem_shared>> -> memref<1562x64xf32, #tpu.memory_space<vmem_shared>>
        tpu.enqueue_dma source(%dma_start3A_92 : memref<1562x64xf32, #tpu.memory_space<vmem_shared>>) target(%dma_start3A_90 : memref<1562x64xf32, #tpu.memory_space<hbm>>) target_semaphore(%run_scoped3A : memref<!tpu.dma_semaphore, #tpu.memory_space<semaphore_mem>>)
        %dma_wait3A_93 = arith.constant 0 : i32
        %dma_wait3A_94 = tpu.memref_slice %arg5[%arg0, %add3A_87, %dma_wait3A_93] : memref<2x25088x64xf32, #tpu.memory_space<hbm>> -> memref<1x1562x64xf32, #tpu.memory_space<hbm>>
        %dma_wait3A_95 = tpu.memref_squeeze %dma_wait3A_94 : memref<1x1562x64xf32, #tpu.memory_space<hbm>> -> memref<1562x64xf32, #tpu.memory_space<hbm>>
        %dma_wait3A_96 = arith.constant 0 : i32
        %dma_wait3A_97 = tpu.memref_slice %arg15[%add3A_87, %dma_wait3A_96] : memref<25104x64xf32, #tpu.memory_space<vmem_shared>> -> memref<1562x64xf32, #tpu.memory_space<vmem_shared>>
        tpu.wait_dma2 semaphore(%run_scoped3A : memref<!tpu.dma_semaphore, #tpu.memory_space<semaphore_mem>>) src(%dma_wait3A_97 : memref<1562x64xf32, #tpu.memory_space<vmem_shared>>) dst(%dma_wait3A_95 : memref<1562x64xf32, #tpu.memory_space<hbm>>)
        tpu.yield
      }) : () -> ()
    } else {
    }
    return
  }
}

#map = affine_map<(d0, d1) -> (0, 0)>
#map1 = affine_map<(d0, d1) -> (0)>
#map2 = affine_map<(d0, d1) -> (0, 0, 0)>
module attributes {stable_mosaic.version = 14 : i64} {
  func.func @_sc_scatter_body(%arg0: i32, %arg1: i32, %arg2: memref<50000x64xf32, #tpu.memory_space<hbm>>, %arg3: memref<819200xi32, #tpu.memory_space<hbm>>, %arg4: memref<819200xi32, #tpu.memory_space<hbm>>, %arg5: memref<2x25088x64xf32, #tpu.memory_space<hbm>>, %arg6: memref<320xi32, #tpu.memory_space<vmem>>, %arg7: memref<320xi32, #tpu.memory_space<vmem>>, %arg8: memref<320xi32, #tpu.memory_space<vmem>>, %arg9: memref<320xi32, #tpu.memory_space<vmem>>, %arg10: memref<160xi32, #tpu.memory_space<vmem>>, %arg11: memref<160xi32, #tpu.memory_space<vmem>>, %arg12: memref<160x64xf32, #tpu.memory_space<vmem>>, %arg13: memref<160x64xf32, #tpu.memory_space<vmem>>, %arg14: memref<128x64xf32, #tpu.memory_space<vmem>>, %arg15: memref<25104x64xf32, #tpu.memory_space<vmem_shared>>, %arg16: memref<!tpu.dma_semaphore, #tpu.memory_space<semaphore_mem>>, %arg17: memref<!tpu.dma_semaphore, #tpu.memory_space<semaphore_mem>>, %arg18: memref<!tpu.dma_semaphore, #tpu.memory_space<semaphore_mem>>, %arg19: memref<!tpu.dma_semaphore, #tpu.memory_space<semaphore_mem>>, %arg20: memref<!tpu.dma_semaphore, #tpu.memory_space<semaphore_mem>>, %arg21: memref<!tpu.dma_semaphore, #tpu.memory_space<semaphore_mem>>) attributes {dimension_semantics = [#tpu.dimension_semantics<core_parallel>, #tpu.dimension_semantics<subcore_parallel>], iteration_bounds = array<i64: 2, 16>, scalar_prefetch = 0 : i64, scratch_operands = 16 : i64, tpu.core_type = #tpu.core_type<sc_vector_subcore>, window_params = [{transform_indices = #map}, {transform_indices = #map1}, {transform_indices = #map1}, {transform_indices = #map2}]} {
    %broadcast_in_dim3A = arith.constant 0.000000e+00 : f32
    %broadcast_in_dim3A_0 = vector.broadcast %broadcast_in_dim3A : f32 to vector<16xf32>
    %scan3A = arith.constant 0 : i32
    %scan3A_1 = arith.constant 0 : i32
    %scan3A_2 = arith.constant 128 : i32
    %scan3A_3 = arith.addi %scan3A_1, %scan3A_2 : i32
    %scan3A_4 = arith.constant 1 : i32
    scf.for %scan3A_83 = %scan3A_1 to %scan3A_3 step %scan3A_4  : i32 {
      %swap3A = arith.index_cast %scan3A_83 : i32 to index
      %swap3A_84 = arith.constant 0 : index
      %swap3A_85 = tpu.vector_load %arg14[%swap3A, %swap3A_84] {strides = array<i32>} : memref<128x64xf32, #tpu.memory_space<vmem>>, vector<16xf32>,
      tpu.vector_store %arg14[%swap3A, %swap3A_84], %broadcast_in_dim3A_0 {strides = array<i32>} : memref<128x64xf32, #tpu.memory_space<vmem>>, vector<16xf32>,
      %swap3A_86 = arith.index_cast %scan3A_83 : i32 to index
      %swap3A_87 = arith.constant 16 : index
      %swap3A_88 = tpu.vector_load %arg14[%swap3A_86, %swap3A_87] {strides = array<i32>} : memref<128x64xf32, #tpu.memory_space<vmem>>, vector<16xf32>,
      tpu.vector_store %arg14[%swap3A_86, %swap3A_87], %broadcast_in_dim3A_0 {strides = array<i32>} : memref<128x64xf32, #tpu.memory_space<vmem>>, vector<16xf32>,
      %swap3A_89 = arith.index_cast %scan3A_83 : i32 to index
      %swap3A_90 = arith.constant 32 : index
      %swap3A_91 = tpu.vector_load %arg14[%swap3A_89, %swap3A_90] {strides = array<i32>} : memref<128x64xf32, #tpu.memory_space<vmem>>, vector<16xf32>,
      tpu.vector_store %arg14[%swap3A_89, %swap3A_90], %broadcast_in_dim3A_0 {strides = array<i32>} : memref<128x64xf32, #tpu.memory_space<vmem>>, vector<16xf32>,
      %swap3A_92 = arith.index_cast %scan3A_83 : i32 to index
      %swap3A_93 = arith.constant 48 : index
      %swap3A_94 = tpu.vector_load %arg14[%swap3A_92, %swap3A_93] {strides = array<i32>} : memref<128x64xf32, #tpu.memory_space<vmem>>, vector<16xf32>,
      tpu.vector_store %arg14[%swap3A_92, %swap3A_93], %broadcast_in_dim3A_0 {strides = array<i32>} : memref<128x64xf32, #tpu.memory_space<vmem>>, vector<16xf32>,
    }
    %scan3A_5 = arith.constant 128 : i32
    %mul3A = arith.constant 25000 : i32
    %mul3A_6 = arith.muli %arg0, %mul3A : i32
    %mul3A_7 = arith.constant 1569 : i32
    %mul3A_8 = arith.muli %arg1, %mul3A_7 : i32
    %add3A = arith.constant 0 : i32
    %add3A_9 = arith.addi %mul3A_8, %add3A : i32
    "tpu.region"() ({
      %run_scoped3A = tpu.sem_alloc : memref<!tpu.dma_semaphore, #tpu.memory_space<semaphore_mem>>
      %dma_start3A_83 = arith.constant 0 : i32
      %dma_start3A_84 = tpu.memref_slice %arg15[%add3A_9, %dma_start3A_83] : memref<25104x64xf32, #tpu.memory_space<vmem_shared>> -> memref<128x64xf32, #tpu.memory_space<vmem_shared>>
      %dma_start3A_85 = arith.constant 0 : i32
      %dma_start3A_86 = tpu.memref_slice %arg15[%add3A_9, %dma_start3A_85] : memref<25104x64xf32, #tpu.memory_space<vmem_shared>> -> memref<128x64xf32, #tpu.memory_space<vmem_shared>>
      tpu.enqueue_dma source(%arg14 : memref<128x64xf32, #tpu.memory_space<vmem>>) target(%dma_start3A_86 : memref<128x64xf32, #tpu.memory_space<vmem_shared>>) target_semaphore(%run_scoped3A : memref<!tpu.dma_semaphore, #tpu.memory_space<semaphore_mem>>)
      %dma_wait3A_87 = arith.constant 0 : i32
      %dma_wait3A_88 = tpu.memref_slice %arg15[%add3A_9, %dma_wait3A_87] : memref<25104x64xf32, #tpu.memory_space<vmem_shared>> -> memref<128x64xf32, #tpu.memory_space<vmem_shared>>
      %dma_wait3A_89 = arith.constant 0 : i32
      %dma_wait3A_90 = tpu.memref_slice %arg15[%add3A_9, %dma_wait3A_89] : memref<25104x64xf32, #tpu.memory_space<vmem_shared>> -> memref<128x64xf32, #tpu.memory_space<vmem_shared>>
      tpu.wait_dma2 semaphore(%run_scoped3A : memref<!tpu.dma_semaphore, #tpu.memory_space<semaphore_mem>>) src(%arg14 : memref<128x64xf32, #tpu.memory_space<vmem>>) dst(%dma_wait3A_90 : memref<128x64xf32, #tpu.memory_space<vmem_shared>>)
      tpu.yield
    }) : () -> ()
    %add3A_10 = arith.constant 128 : i32
    %add3A_11 = arith.addi %mul3A_8, %add3A_10 : i32
    "tpu.region"() ({
      %run_scoped3A = tpu.sem_alloc : memref<!tpu.dma_semaphore, #tpu.memory_space<semaphore_mem>>
      %dma_start3A_83 = arith.constant 0 : i32
      %dma_start3A_84 = tpu.memref_slice %arg15[%add3A_11, %dma_start3A_83] : memref<25104x64xf32, #tpu.memory_space<vmem_shared>> -> memref<128x64xf32, #tpu.memory_space<vmem_shared>>
      %dma_start3A_85 = arith.constant 0 : i32
      %dma_start3A_86 = tpu.memref_slice %arg15[%add3A_11, %dma_start3A_85] : memref<25104x64xf32, #tpu.memory_space<vmem_shared>> -> memref<128x64xf32, #tpu.memory_space<vmem_shared>>
      tpu.enqueue_dma source(%arg14 : memref<128x64xf32, #tpu.memory_space<vmem>>) target(%dma_start3A_86 : memref<128x64xf32, #tpu.memory_space<vmem_shared>>) target_semaphore(%run_scoped3A : memref<!tpu.dma_semaphore, #tpu.memory_space<semaphore_mem>>)
      %dma_wait3A_87 = arith.constant 0 : i32
      %dma_wait3A_88 = tpu.memref_slice %arg15[%add3A_11, %dma_wait3A_87] : memref<25104x64xf32, #tpu.memory_space<vmem_shared>> -> memref<128x64xf32, #tpu.memory_space<vmem_shared>>
      %dma_wait3A_89 = arith.constant 0 : i32
      %dma_wait3A_90 = tpu.memref_slice %arg15[%add3A_11, %dma_wait3A_89] : memref<25104x64xf32, #tpu.memory_space<vmem_shared>> -> memref<128x64xf32, #tpu.memory_space<vmem_shared>>
      tpu.wait_dma2 semaphore(%run_scoped3A : memref<!tpu.dma_semaphore, #tpu.memory_space<semaphore_mem>>) src(%arg14 : memref<128x64xf32, #tpu.memory_space<vmem>>) dst(%dma_wait3A_90 : memref<128x64xf32, #tpu.memory_space<vmem_shared>>)
      tpu.yield
    }) : () -> ()
    %add3A_12 = arith.constant 256 : i32
    %add3A_13 = arith.addi %mul3A_8, %add3A_12 : i32
    "tpu.region"() ({
      %run_scoped3A = tpu.sem_alloc : memref<!tpu.dma_semaphore, #tpu.memory_space<semaphore_mem>>
      %dma_start3A_83 = arith.constant 0 : i32
      %dma_start3A_84 = tpu.memref_slice %arg15[%add3A_13, %dma_start3A_83] : memref<25104x64xf32, #tpu.memory_space<vmem_shared>> -> memref<128x64xf32, #tpu.memory_space<vmem_shared>>
      %dma_start3A_85 = arith.constant 0 : i32
      %dma_start3A_86 = tpu.memref_slice %arg15[%add3A_13, %dma_start3A_85] : memref<25104x64xf32, #tpu.memory_space<vmem_shared>> -> memref<128x64xf32, #tpu.memory_space<vmem_shared>>
      tpu.enqueue_dma source(%arg14 : memref<128x64xf32, #tpu.memory_space<vmem>>) target(%dma_start3A_86 : memref<128x64xf32, #tpu.memory_space<vmem_shared>>) target_semaphore(%run_scoped3A : memref<!tpu.dma_semaphore, #tpu.memory_space<semaphore_mem>>)
      %dma_wait3A_87 = arith.constant 0 : i32
      %dma_wait3A_88 = tpu.memref_slice %arg15[%add3A_13, %dma_wait3A_87] : memref<25104x64xf32, #tpu.memory_space<vmem_shared>> -> memref<128x64xf32, #tpu.memory_space<vmem_shared>>
      %dma_wait3A_89 = arith.constant 0 : i32
      %dma_wait3A_90 = tpu.memref_slice %arg15[%add3A_13, %dma_wait3A_89] : memref<25104x64xf32, #tpu.memory_space<vmem_shared>> -> memref<128x64xf32, #tpu.memory_space<vmem_shared>>
      tpu.wait_dma2 semaphore(%run_scoped3A : memref<!tpu.dma_semaphore, #tpu.memory_space<semaphore_mem>>) src(%arg14 : memref<128x64xf32, #tpu.memory_space<vmem>>) dst(%dma_wait3A_90 : memref<128x64xf32, #tpu.memory_space<vmem_shared>>)
      tpu.yield
    }) : () -> ()
    %add3A_14 = arith.constant 384 : i32
    %add3A_15 = arith.addi %mul3A_8, %add3A_14 : i32
    "tpu.region"() ({
      %run_scoped3A = tpu.sem_alloc : memref<!tpu.dma_semaphore, #tpu.memory_space<semaphore_mem>>
      %dma_start3A_83 = arith.constant 0 : i32
      %dma_start3A_84 = tpu.memref_slice %arg15[%add3A_15, %dma_start3A_83] : memref<25104x64xf32, #tpu.memory_space<vmem_shared>> -> memref<128x64xf32, #tpu.memory_space<vmem_shared>>
      %dma_start3A_85 = arith.constant 0 : i32
      %dma_start3A_86 = tpu.memref_slice %arg15[%add3A_15, %dma_start3A_85] : memref<25104x64xf32, #tpu.memory_space<vmem_shared>> -> memref<128x64xf32, #tpu.memory_space<vmem_shared>>
      tpu.enqueue_dma source(%arg14 : memref<128x64xf32, #tpu.memory_space<vmem>>) target(%dma_start3A_86 : memref<128x64xf32, #tpu.memory_space<vmem_shared>>) target_semaphore(%run_scoped3A : memref<!tpu.dma_semaphore, #tpu.memory_space<semaphore_mem>>)
      %dma_wait3A_87 = arith.constant 0 : i32
      %dma_wait3A_88 = tpu.memref_slice %arg15[%add3A_15, %dma_wait3A_87] : memref<25104x64xf32, #tpu.memory_space<vmem_shared>> -> memref<128x64xf32, #tpu.memory_space<vmem_shared>>
      %dma_wait3A_89 = arith.constant 0 : i32
      %dma_wait3A_90 = tpu.memref_slice %arg15[%add3A_15, %dma_wait3A_89] : memref<25104x64xf32, #tpu.memory_space<vmem_shared>> -> memref<128x64xf32, #tpu.memory_space<vmem_shared>>
      tpu.wait_dma2 semaphore(%run_scoped3A : memref<!tpu.dma_semaphore, #tpu.memory_space<semaphore_mem>>) src(%arg14 : memref<128x64xf32, #tpu.memory_space<vmem>>) dst(%dma_wait3A_90 : memref<128x64xf32, #tpu.memory_space<vmem_shared>>)
      tpu.yield
    }) : () -> ()
    %add3A_16 = arith.constant 512 : i32
    %add3A_17 = arith.addi %mul3A_8, %add3A_16 : i32
    "tpu.region"() ({
      %run_scoped3A = tpu.sem_alloc : memref<!tpu.dma_semaphore, #tpu.memory_space<semaphore_mem>>
      %dma_start3A_83 = arith.constant 0 : i32
      %dma_start3A_84 = tpu.memref_slice %arg15[%add3A_17, %dma_start3A_83] : memref<25104x64xf32, #tpu.memory_space<vmem_shared>> -> memref<128x64xf32, #tpu.memory_space<vmem_shared>>
      %dma_start3A_85 = arith.constant 0 : i32
      %dma_start3A_86 = tpu.memref_slice %arg15[%add3A_17, %dma_start3A_85] : memref<25104x64xf32, #tpu.memory_space<vmem_shared>> -> memref<128x64xf32, #tpu.memory_space<vmem_shared>>
      tpu.enqueue_dma source(%arg14 : memref<128x64xf32, #tpu.memory_space<vmem>>) target(%dma_start3A_86 : memref<128x64xf32, #tpu.memory_space<vmem_shared>>) target_semaphore(%run_scoped3A : memref<!tpu.dma_semaphore, #tpu.memory_space<semaphore_mem>>)
      %dma_wait3A_87 = arith.constant 0 : i32
      %dma_wait3A_88 = tpu.memref_slice %arg15[%add3A_17, %dma_wait3A_87] : memref<25104x64xf32, #tpu.memory_space<vmem_shared>> -> memref<128x64xf32, #tpu.memory_space<vmem_shared>>
      %dma_wait3A_89 = arith.constant 0 : i32
      %dma_wait3A_90 = tpu.memref_slice %arg15[%add3A_17, %dma_wait3A_89] : memref<25104x64xf32, #tpu.memory_space<vmem_shared>> -> memref<128x64xf32, #tpu.memory_space<vmem_shared>>
      tpu.wait_dma2 semaphore(%run_scoped3A : memref<!tpu.dma_semaphore, #tpu.memory_space<semaphore_mem>>) src(%arg14 : memref<128x64xf32, #tpu.memory_space<vmem>>) dst(%dma_wait3A_90 : memref<128x64xf32, #tpu.memory_space<vmem_shared>>)
      tpu.yield
    }) : () -> ()
    %add3A_18 = arith.constant 640 : i32
    %add3A_19 = arith.addi %mul3A_8, %add3A_18 : i32
    "tpu.region"() ({
      %run_scoped3A = tpu.sem_alloc : memref<!tpu.dma_semaphore, #tpu.memory_space<semaphore_mem>>
      %dma_start3A_83 = arith.constant 0 : i32
      %dma_start3A_84 = tpu.memref_slice %arg15[%add3A_19, %dma_start3A_83] : memref<25104x64xf32, #tpu.memory_space<vmem_shared>> -> memref<128x64xf32, #tpu.memory_space<vmem_shared>>
      %dma_start3A_85 = arith.constant 0 : i32
      %dma_start3A_86 = tpu.memref_slice %arg15[%add3A_19, %dma_start3A_85] : memref<25104x64xf32, #tpu.memory_space<vmem_shared>> -> memref<128x64xf32, #tpu.memory_space<vmem_shared>>
      tpu.enqueue_dma source(%arg14 : memref<128x64xf32, #tpu.memory_space<vmem>>) target(%dma_start3A_86 : memref<128x64xf32, #tpu.memory_space<vmem_shared>>) target_semaphore(%run_scoped3A : memref<!tpu.dma_semaphore, #tpu.memory_space<semaphore_mem>>)
      %dma_wait3A_87 = arith.constant 0 : i32
      %dma_wait3A_88 = tpu.memref_slice %arg15[%add3A_19, %dma_wait3A_87] : memref<25104x64xf32, #tpu.memory_space<vmem_shared>> -> memref<128x64xf32, #tpu.memory_space<vmem_shared>>
      %dma_wait3A_89 = arith.constant 0 : i32
      %dma_wait3A_90 = tpu.memref_slice %arg15[%add3A_19, %dma_wait3A_89] : memref<25104x64xf32, #tpu.memory_space<vmem_shared>> -> memref<128x64xf32, #tpu.memory_space<vmem_shared>>
      tpu.wait_dma2 semaphore(%run_scoped3A : memref<!tpu.dma_semaphore, #tpu.memory_space<semaphore_mem>>) src(%arg14 : memref<128x64xf32, #tpu.memory_space<vmem>>) dst(%dma_wait3A_90 : memref<128x64xf32, #tpu.memory_space<vmem_shared>>)
      tpu.yield
    }) : () -> ()
    %add3A_20 = arith.constant 768 : i32
    %add3A_21 = arith.addi %mul3A_8, %add3A_20 : i32
    "tpu.region"() ({
      %run_scoped3A = tpu.sem_alloc : memref<!tpu.dma_semaphore, #tpu.memory_space<semaphore_mem>>
      %dma_start3A_83 = arith.constant 0 : i32
      %dma_start3A_84 = tpu.memref_slice %arg15[%add3A_21, %dma_start3A_83] : memref<25104x64xf32, #tpu.memory_space<vmem_shared>> -> memref<128x64xf32, #tpu.memory_space<vmem_shared>>
      %dma_start3A_85 = arith.constant 0 : i32
      %dma_start3A_86 = tpu.memref_slice %arg15[%add3A_21, %dma_start3A_85] : memref<25104x64xf32, #tpu.memory_space<vmem_shared>> -> memref<128x64xf32, #tpu.memory_space<vmem_shared>>
      tpu.enqueue_dma source(%arg14 : memref<128x64xf32, #tpu.memory_space<vmem>>) target(%dma_start3A_86 : memref<128x64xf32, #tpu.memory_space<vmem_shared>>) target_semaphore(%run_scoped3A : memref<!tpu.dma_semaphore, #tpu.memory_space<semaphore_mem>>)
      %dma_wait3A_87 = arith.constant 0 : i32
      %dma_wait3A_88 = tpu.memref_slice %arg15[%add3A_21, %dma_wait3A_87] : memref<25104x64xf32, #tpu.memory_space<vmem_shared>> -> memref<128x64xf32, #tpu.memory_space<vmem_shared>>
      %dma_wait3A_89 = arith.constant 0 : i32
      %dma_wait3A_90 = tpu.memref_slice %arg15[%add3A_21, %dma_wait3A_89] : memref<25104x64xf32, #tpu.memory_space<vmem_shared>> -> memref<128x64xf32, #tpu.memory_space<vmem_shared>>
      tpu.wait_dma2 semaphore(%run_scoped3A : memref<!tpu.dma_semaphore, #tpu.memory_space<semaphore_mem>>) src(%arg14 : memref<128x64xf32, #tpu.memory_space<vmem>>) dst(%dma_wait3A_90 : memref<128x64xf32, #tpu.memory_space<vmem_shared>>)
      tpu.yield
    }) : () -> ()
    %add3A_22 = arith.constant 896 : i32
    %add3A_23 = arith.addi %mul3A_8, %add3A_22 : i32
    "tpu.region"() ({
      %run_scoped3A = tpu.sem_alloc : memref<!tpu.dma_semaphore, #tpu.memory_space<semaphore_mem>>
      %dma_start3A_83 = arith.constant 0 : i32
      %dma_start3A_84 = tpu.memref_slice %arg15[%add3A_23, %dma_start3A_83] : memref<25104x64xf32, #tpu.memory_space<vmem_shared>> -> memref<128x64xf32, #tpu.memory_space<vmem_shared>>
      %dma_start3A_85 = arith.constant 0 : i32
      %dma_start3A_86 = tpu.memref_slice %arg15[%add3A_23, %dma_start3A_85] : memref<25104x64xf32, #tpu.memory_space<vmem_shared>> -> memref<128x64xf32, #tpu.memory_space<vmem_shared>>
      tpu.enqueue_dma source(%arg14 : memref<128x64xf32, #tpu.memory_space<vmem>>) target(%dma_start3A_86 : memref<128x64xf32, #tpu.memory_space<vmem_shared>>) target_semaphore(%run_scoped3A : memref<!tpu.dma_semaphore, #tpu.memory_space<semaphore_mem>>)
      %dma_wait3A_87 = arith.constant 0 : i32
      %dma_wait3A_88 = tpu.memref_slice %arg15[%add3A_23, %dma_wait3A_87] : memref<25104x64xf32, #tpu.memory_space<vmem_shared>> -> memref<128x64xf32, #tpu.memory_space<vmem_shared>>
      %dma_wait3A_89 = arith.constant 0 : i32
      %dma_wait3A_90 = tpu.memref_slice %arg15[%add3A_23, %dma_wait3A_89] : memref<25104x64xf32, #tpu.memory_space<vmem_shared>> -> memref<128x64xf32, #tpu.memory_space<vmem_shared>>
      tpu.wait_dma2 semaphore(%run_scoped3A : memref<!tpu.dma_semaphore, #tpu.memory_space<semaphore_mem>>) src(%arg14 : memref<128x64xf32, #tpu.memory_space<vmem>>) dst(%dma_wait3A_90 : memref<128x64xf32, #tpu.memory_space<vmem_shared>>)
      tpu.yield
    }) : () -> ()
    %add3A_24 = arith.constant 1024 : i32
    %add3A_25 = arith.addi %mul3A_8, %add3A_24 : i32
    "tpu.region"() ({
      %run_scoped3A = tpu.sem_alloc : memref<!tpu.dma_semaphore, #tpu.memory_space<semaphore_mem>>
      %dma_start3A_83 = arith.constant 0 : i32
      %dma_start3A_84 = tpu.memref_slice %arg15[%add3A_25, %dma_start3A_83] : memref<25104x64xf32, #tpu.memory_space<vmem_shared>> -> memref<128x64xf32, #tpu.memory_space<vmem_shared>>
      %dma_start3A_85 = arith.constant 0 : i32
      %dma_start3A_86 = tpu.memref_slice %arg15[%add3A_25, %dma_start3A_85] : memref<25104x64xf32, #tpu.memory_space<vmem_shared>> -> memref<128x64xf32, #tpu.memory_space<vmem_shared>>
      tpu.enqueue_dma source(%arg14 : memref<128x64xf32, #tpu.memory_space<vmem>>) target(%dma_start3A_86 : memref<128x64xf32, #tpu.memory_space<vmem_shared>>) target_semaphore(%run_scoped3A : memref<!tpu.dma_semaphore, #tpu.memory_space<semaphore_mem>>)
      %dma_wait3A_87 = arith.constant 0 : i32
      %dma_wait3A_88 = tpu.memref_slice %arg15[%add3A_25, %dma_wait3A_87] : memref<25104x64xf32, #tpu.memory_space<vmem_shared>> -> memref<128x64xf32, #tpu.memory_space<vmem_shared>>
      %dma_wait3A_89 = arith.constant 0 : i32
      %dma_wait3A_90 = tpu.memref_slice %arg15[%add3A_25, %dma_wait3A_89] : memref<25104x64xf32, #tpu.memory_space<vmem_shared>> -> memref<128x64xf32, #tpu.memory_space<vmem_shared>>
      tpu.wait_dma2 semaphore(%run_scoped3A : memref<!tpu.dma_semaphore, #tpu.memory_space<semaphore_mem>>) src(%arg14 : memref<128x64xf32, #tpu.memory_space<vmem>>) dst(%dma_wait3A_90 : memref<128x64xf32, #tpu.memory_space<vmem_shared>>)
      tpu.yield
    }) : () -> ()
    %add3A_26 = arith.constant 1152 : i32
    %add3A_27 = arith.addi %mul3A_8, %add3A_26 : i32
    "tpu.region"() ({
      %run_scoped3A = tpu.sem_alloc : memref<!tpu.dma_semaphore, #tpu.memory_space<semaphore_mem>>
      %dma_start3A_83 = arith.constant 0 : i32
      %dma_start3A_84 = tpu.memref_slice %arg15[%add3A_27, %dma_start3A_83] : memref<25104x64xf32, #tpu.memory_space<vmem_shared>> -> memref<128x64xf32, #tpu.memory_space<vmem_shared>>
      %dma_start3A_85 = arith.constant 0 : i32
      %dma_start3A_86 = tpu.memref_slice %arg15[%add3A_27, %dma_start3A_85] : memref<25104x64xf32, #tpu.memory_space<vmem_shared>> -> memref<128x64xf32, #tpu.memory_space<vmem_shared>>
      tpu.enqueue_dma source(%arg14 : memref<128x64xf32, #tpu.memory_space<vmem>>) target(%dma_start3A_86 : memref<128x64xf32, #tpu.memory_space<vmem_shared>>) target_semaphore(%run_scoped3A : memref<!tpu.dma_semaphore, #tpu.memory_space<semaphore_mem>>)
      %dma_wait3A_87 = arith.constant 0 : i32
      %dma_wait3A_88 = tpu.memref_slice %arg15[%add3A_27, %dma_wait3A_87] : memref<25104x64xf32, #tpu.memory_space<vmem_shared>> -> memref<128x64xf32, #tpu.memory_space<vmem_shared>>
      %dma_wait3A_89 = arith.constant 0 : i32
      %dma_wait3A_90 = tpu.memref_slice %arg15[%add3A_27, %dma_wait3A_89] : memref<25104x64xf32, #tpu.memory_space<vmem_shared>> -> memref<128x64xf32, #tpu.memory_space<vmem_shared>>
      tpu.wait_dma2 semaphore(%run_scoped3A : memref<!tpu.dma_semaphore, #tpu.memory_space<semaphore_mem>>) src(%arg14 : memref<128x64xf32, #tpu.memory_space<vmem>>) dst(%dma_wait3A_90 : memref<128x64xf32, #tpu.memory_space<vmem_shared>>)
      tpu.yield
    }) : () -> ()
    %add3A_28 = arith.constant 1280 : i32
    %add3A_29 = arith.addi %mul3A_8, %add3A_28 : i32
    "tpu.region"() ({
      %run_scoped3A = tpu.sem_alloc : memref<!tpu.dma_semaphore, #tpu.memory_space<semaphore_mem>>
      %dma_start3A_83 = arith.constant 0 : i32
      %dma_start3A_84 = tpu.memref_slice %arg15[%add3A_29, %dma_start3A_83] : memref<25104x64xf32, #tpu.memory_space<vmem_shared>> -> memref<128x64xf32, #tpu.memory_space<vmem_shared>>
      %dma_start3A_85 = arith.constant 0 : i32
      %dma_start3A_86 = tpu.memref_slice %arg15[%add3A_29, %dma_start3A_85] : memref<25104x64xf32, #tpu.memory_space<vmem_shared>> -> memref<128x64xf32, #tpu.memory_space<vmem_shared>>
      tpu.enqueue_dma source(%arg14 : memref<128x64xf32, #tpu.memory_space<vmem>>) target(%dma_start3A_86 : memref<128x64xf32, #tpu.memory_space<vmem_shared>>) target_semaphore(%run_scoped3A : memref<!tpu.dma_semaphore, #tpu.memory_space<semaphore_mem>>)
      %dma_wait3A_87 = arith.constant 0 : i32
      %dma_wait3A_88 = tpu.memref_slice %arg15[%add3A_29, %dma_wait3A_87] : memref<25104x64xf32, #tpu.memory_space<vmem_shared>> -> memref<128x64xf32, #tpu.memory_space<vmem_shared>>
      %dma_wait3A_89 = arith.constant 0 : i32
      %dma_wait3A_90 = tpu.memref_slice %arg15[%add3A_29, %dma_wait3A_89] : memref<25104x64xf32, #tpu.memory_space<vmem_shared>> -> memref<128x64xf32, #tpu.memory_space<vmem_shared>>
      tpu.wait_dma2 semaphore(%run_scoped3A : memref<!tpu.dma_semaphore, #tpu.memory_space<semaphore_mem>>) src(%arg14 : memref<128x64xf32, #tpu.memory_space<vmem>>) dst(%dma_wait3A_90 : memref<128x64xf32, #tpu.memory_space<vmem_shared>>)
      tpu.yield
    }) : () -> ()
    %add3A_30 = arith.constant 1408 : i32
    %add3A_31 = arith.addi %mul3A_8, %add3A_30 : i32
    "tpu.region"() ({
      %run_scoped3A = tpu.sem_alloc : memref<!tpu.dma_semaphore, #tpu.memory_space<semaphore_mem>>
      %dma_start3A_83 = arith.constant 0 : i32
      %dma_start3A_84 = tpu.memref_slice %arg15[%add3A_31, %dma_start3A_83] : memref<25104x64xf32, #tpu.memory_space<vmem_shared>> -> memref<128x64xf32, #tpu.memory_space<vmem_shared>>
      %dma_start3A_85 = arith.constant 0 : i32
      %dma_start3A_86 = tpu.memref_slice %arg15[%add3A_31, %dma_start3A_85] : memref<25104x64xf32, #tpu.memory_space<vmem_shared>> -> memref<128x64xf32, #tpu.memory_space<vmem_shared>>
      tpu.enqueue_dma source(%arg14 : memref<128x64xf32, #tpu.memory_space<vmem>>) target(%dma_start3A_86 : memref<128x64xf32, #tpu.memory_space<vmem_shared>>) target_semaphore(%run_scoped3A : memref<!tpu.dma_semaphore, #tpu.memory_space<semaphore_mem>>)
      %dma_wait3A_87 = arith.constant 0 : i32
      %dma_wait3A_88 = tpu.memref_slice %arg15[%add3A_31, %dma_wait3A_87] : memref<25104x64xf32, #tpu.memory_space<vmem_shared>> -> memref<128x64xf32, #tpu.memory_space<vmem_shared>>
      %dma_wait3A_89 = arith.constant 0 : i32
      %dma_wait3A_90 = tpu.memref_slice %arg15[%add3A_31, %dma_wait3A_89] : memref<25104x64xf32, #tpu.memory_space<vmem_shared>> -> memref<128x64xf32, #tpu.memory_space<vmem_shared>>
      tpu.wait_dma2 semaphore(%run_scoped3A : memref<!tpu.dma_semaphore, #tpu.memory_space<semaphore_mem>>) src(%arg14 : memref<128x64xf32, #tpu.memory_space<vmem>>) dst(%dma_wait3A_90 : memref<128x64xf32, #tpu.memory_space<vmem_shared>>)
      tpu.yield
    }) : () -> ()
    %add3A_32 = arith.constant 1536 : i32
    %add3A_33 = arith.addi %mul3A_8, %add3A_32 : i32
    "tpu.region"() ({
      %run_scoped3A = tpu.sem_alloc : memref<!tpu.dma_semaphore, #tpu.memory_space<semaphore_mem>>
      %dma_start3A_83 = arith.constant 0 : i32
      %dma_start3A_84 = arith.constant 0 : i32
      %dma_start3A_85 = tpu.memref_slice %arg14[%dma_start3A_83, %dma_start3A_84] : memref<128x64xf32, #tpu.memory_space<vmem>> -> memref<33x64xf32, #tpu.memory_space<vmem>>
      %dma_start3A_86 = arith.constant 0 : i32
      %dma_start3A_87 = tpu.memref_slice %arg15[%add3A_33, %dma_start3A_86] : memref<25104x64xf32, #tpu.memory_space<vmem_shared>> -> memref<33x64xf32, #tpu.memory_space<vmem_shared>>
      %dma_start3A_88 = arith.constant 0 : i32
      %dma_start3A_89 = tpu.memref_slice %arg15[%add3A_33, %dma_start3A_88] : memref<25104x64xf32, #tpu.memory_space<vmem_shared>> -> memref<33x64xf32, #tpu.memory_space<vmem_shared>>
      %dma_start3A_90 = arith.constant 0 : i32
      %dma_start3A_91 = arith.constant 0 : i32
      %dma_start3A_92 = tpu.memref_slice %arg14[%dma_start3A_90, %dma_start3A_91] : memref<128x64xf32, #tpu.memory_space<vmem>> -> memref<33x64xf32, #tpu.memory_space<vmem>>
      tpu.enqueue_dma source(%dma_start3A_92 : memref<33x64xf32, #tpu.memory_space<vmem>>) target(%dma_start3A_89 : memref<33x64xf32, #tpu.memory_space<vmem_shared>>) target_semaphore(%run_scoped3A : memref<!tpu.dma_semaphore, #tpu.memory_space<semaphore_mem>>)
      %dma_wait3A_93 = arith.constant 0 : i32
      %dma_wait3A_94 = arith.constant 0 : i32
      %dma_wait3A_95 = tpu.memref_slice %arg14[%dma_wait3A_93, %dma_wait3A_94] : memref<128x64xf32, #tpu.memory_space<vmem>> -> memref<33x64xf32, #tpu.memory_space<vmem>>
      %dma_wait3A_96 = arith.constant 0 : i32
      %dma_wait3A_97 = tpu.memref_slice %arg15[%add3A_33, %dma_wait3A_96] : memref<25104x64xf32, #tpu.memory_space<vmem_shared>> -> memref<33x64xf32, #tpu.memory_space<vmem_shared>>
      %dma_wait3A_98 = arith.constant 0 : i32
      %dma_wait3A_99 = tpu.memref_slice %arg15[%add3A_33, %dma_wait3A_98] : memref<25104x64xf32, #tpu.memory_space<vmem_shared>> -> memref<33x64xf32, #tpu.memory_space<vmem_shared>>
      %dma_wait3A_100 = arith.constant 0 : i32
      %dma_wait3A_101 = arith.constant 0 : i32
      %dma_wait3A_102 = tpu.memref_slice %arg14[%dma_wait3A_100, %dma_wait3A_101] : memref<128x64xf32, #tpu.memory_space<vmem>> -> memref<33x64xf32, #tpu.memory_space<vmem>>
      tpu.wait_dma2 semaphore(%run_scoped3A : memref<!tpu.dma_semaphore, #tpu.memory_space<semaphore_mem>>) src(%dma_wait3A_102 : memref<33x64xf32, #tpu.memory_space<vmem>>) dst(%dma_wait3A_99 : memref<33x64xf32, #tpu.memory_space<vmem_shared>>)
      tpu.yield
    }) : () -> ()
    %barrier3A = arith.constant 0 : index
    tpu.barrier barrier_id(%barrier3A)
    %mul3A_34 = arith.constant 160 : i32
    %mul3A_35 = arith.muli %arg1, %mul3A_34 : i32
    %add3A_36 = arith.constant 0 : i32
    %add3A_37 = arith.addi %mul3A_35, %add3A_36 : i32
    %mul3A_38 = arith.constant 320 : i32
    %mul3A_39 = arith.muli %add3A_37, %mul3A_38 : i32
    %dma_start3A = tpu.memref_slice %arg3[%mul3A_39] : memref<819200xi32, #tpu.memory_space<hbm>> -> memref<320xi32, #tpu.memory_space<hbm>>
    %dma_start3A_40 = tpu.memref_slice %arg3[%mul3A_39] : memref<819200xi32, #tpu.memory_space<hbm>> -> memref<320xi32, #tpu.memory_space<hbm>>
    tpu.enqueue_dma source(%dma_start3A_40 : memref<320xi32, #tpu.memory_space<hbm>>) target(%arg6 : memref<320xi32, #tpu.memory_space<vmem>>) target_semaphore(%arg20 : memref<!tpu.dma_semaphore, #tpu.memory_space<semaphore_mem>>)
    %mul3A_41 = arith.constant 160 : i32
    %mul3A_42 = arith.muli %arg1, %mul3A_41 : i32
    %add3A_43 = arith.constant 0 : i32
    %add3A_44 = arith.addi %mul3A_42, %add3A_43 : i32
    %mul3A_45 = arith.constant 320 : i32
    %mul3A_46 = arith.muli %add3A_44, %mul3A_45 : i32
    %dma_start3A_47 = tpu.memref_slice %arg4[%mul3A_46] : memref<819200xi32, #tpu.memory_space<hbm>> -> memref<320xi32, #tpu.memory_space<hbm>>
    %dma_start3A_48 = tpu.memref_slice %arg4[%mul3A_46] : memref<819200xi32, #tpu.memory_space<hbm>> -> memref<320xi32, #tpu.memory_space<hbm>>
    tpu.enqueue_dma source(%dma_start3A_48 : memref<320xi32, #tpu.memory_space<hbm>>) target(%arg8 : memref<320xi32, #tpu.memory_space<vmem>>) target_semaphore(%arg20 : memref<!tpu.dma_semaphore, #tpu.memory_space<semaphore_mem>>)
    %mul3A_49 = arith.constant 160 : i32
    %mul3A_50 = arith.muli %arg1, %mul3A_49 : i32
    %add3A_51 = arith.constant 1 : i32
    %add3A_52 = arith.addi %mul3A_50, %add3A_51 : i32
    %mul3A_53 = arith.constant 320 : i32
    %mul3A_54 = arith.muli %add3A_52, %mul3A_53 : i32
    %dma_start3A_55 = tpu.memref_slice %arg3[%mul3A_54] : memref<819200xi32, #tpu.memory_space<hbm>> -> memref<320xi32, #tpu.memory_space<hbm>>
    %dma_start3A_56 = tpu.memref_slice %arg3[%mul3A_54] : memref<819200xi32, #tpu.memory_space<hbm>> -> memref<320xi32, #tpu.memory_space<hbm>>
    tpu.enqueue_dma source(%dma_start3A_56 : memref<320xi32, #tpu.memory_space<hbm>>) target(%arg7 : memref<320xi32, #tpu.memory_space<vmem>>) target_semaphore(%arg21 : memref<!tpu.dma_semaphore, #tpu.memory_space<semaphore_mem>>)
    %mul3A_57 = arith.constant 160 : i32
    %mul3A_58 = arith.muli %arg1, %mul3A_57 : i32
    %add3A_59 = arith.constant 1 : i32
    %add3A_60 = arith.addi %mul3A_58, %add3A_59 : i32
    %mul3A_61 = arith.constant 320 : i32
    %mul3A_62 = arith.muli %add3A_60, %mul3A_61 : i32
    %dma_start3A_63 = tpu.memref_slice %arg4[%mul3A_62] : memref<819200xi32, #tpu.memory_space<hbm>> -> memref<320xi32, #tpu.memory_space<hbm>>
    %dma_start3A_64 = tpu.memref_slice %arg4[%mul3A_62] : memref<819200xi32, #tpu.memory_space<hbm>> -> memref<320xi32, #tpu.memory_space<hbm>>
    tpu.enqueue_dma source(%dma_start3A_64 : memref<320xi32, #tpu.memory_space<hbm>>) target(%arg9 : memref<320xi32, #tpu.memory_space<vmem>>) target_semaphore(%arg21 : memref<!tpu.dma_semaphore, #tpu.memory_space<semaphore_mem>>)
    %scan3A_65 = arith.constant 0 : i32
    %scan3A_66 = arith.constant 0 : i32
    %scan3A_67 = arith.constant 80 : i32
    %scan3A_68 = arith.addi %scan3A_66, %scan3A_67 : i32
    %scan3A_69 = arith.constant 1 : i32
    scf.for %scan3A_83 = %scan3A_66 to %scan3A_68 step %scan3A_69  : i32 {
      %mul3A_84 = arith.constant 2 : i32
      %mul3A_85 = arith.muli %mul3A_84, %scan3A_83 : i32
      %add3A_86 = arith.constant 0 : i32
      %add3A_87 = arith.addi %mul3A_85, %add3A_86 : i32
      %dma_wait3A_88 = arith.constant 0 : i32
      %dma_wait3A_89 = tpu.memref_slice %arg3[%dma_wait3A_88] : memref<819200xi32, #tpu.memory_space<hbm>> -> memref<320xi32, #tpu.memory_space<hbm>>
      %dma_wait3A_90 = arith.constant 0 : i32
      %dma_wait3A_91 = tpu.memref_slice %arg3[%dma_wait3A_90] : memref<819200xi32, #tpu.memory_space<hbm>> -> memref<320xi32, #tpu.memory_space<hbm>>
      tpu.wait_dma2 semaphore(%arg20 : memref<!tpu.dma_semaphore, #tpu.memory_space<semaphore_mem>>) src(%dma_wait3A_91 : memref<320xi32, #tpu.memory_space<hbm>>) dst(%arg6 : memref<320xi32, #tpu.memory_space<vmem>>)
      %dma_wait3A_92 = arith.constant 0 : i32
      %dma_wait3A_93 = tpu.memref_slice %arg4[%dma_wait3A_92] : memref<819200xi32, #tpu.memory_space<hbm>> -> memref<320xi32, #tpu.memory_space<hbm>>
      %dma_wait3A_94 = arith.constant 0 : i32
      %dma_wait3A_95 = tpu.memref_slice %arg4[%dma_wait3A_94] : memref<819200xi32, #tpu.memory_space<hbm>> -> memref<320xi32, #tpu.memory_space<hbm>>
      tpu.wait_dma2 semaphore(%arg20 : memref<!tpu.dma_semaphore, #tpu.memory_space<semaphore_mem>>) src(%dma_wait3A_95 : memref<320xi32, #tpu.memory_space<hbm>>) dst(%arg8 : memref<320xi32, #tpu.memory_space<vmem>>)
      %gt3A = arith.constant 0 : i32
      %gt3A_96 = arith.cmpi sgt, %add3A_87, %gt3A : i32
      %convert_element_type3A_97 = arith.extui %gt3A_96 : i1 to i32
      %cond3A_98 = arith.constant 0 : i32
      %cond3A_99 = arith.cmpi ne, %convert_element_type3A_97, %cond3A_98 : i32
      scf.if %cond3A_99 {
        %dma_wait3A_868 = arith.constant 0 : i32
        %dma_wait3A_869 = arith.constant 0 : i32
        %dma_wait3A_870 = tpu.memref_slice %arg15[%dma_wait3A_868, %dma_wait3A_869] : memref<25104x64xf32, #tpu.memory_space<vmem_shared>> -> memref<25104x64xf32, #tpu.memory_space<vmem_shared>>
        tpu.wait_indirect_dma semaphore(%arg18 : memref<!tpu.dma_semaphore, #tpu.memory_space<semaphore_mem>>) src(%arg12 : memref<160x64xf32, #tpu.memory_space<vmem>>) dst(%dma_wait3A_870 : memref<25104x64xf32, #tpu.memory_space<vmem_shared>>)
      } else {
      }
      %dma_start3A_100 = arith.constant 0 : i32
      %dma_start3A_101 = tpu.memref_slice %arg6[%dma_start3A_100] : memref<320xi32, #tpu.memory_space<vmem>> -> memref<160xi32, #tpu.memory_space<vmem>>
      %dma_start3A_102 = arith.constant 0 : i32
      %dma_start3A_103 = arith.constant 0 : i32
      %dma_start3A_104 = tpu.memref_slice %arg2[%dma_start3A_102, %dma_start3A_103] : memref<50000x64xf32, #tpu.memory_space<hbm>> -> memref<50000x64xf32, #tpu.memory_space<hbm>>
      tpu.enqueue_indirect_dma source(%dma_start3A_104 : memref<50000x64xf32, #tpu.memory_space<hbm>>) target(%arg12 : memref<160x64xf32, #tpu.memory_space<vmem>>) offsets(%dma_start3A_101 : memref<160xi32, #tpu.memory_space<vmem>>) semaphore(%arg16 : memref<!tpu.dma_semaphore, #tpu.memory_space<semaphore_mem>>)
      %gt3A_105 = arith.constant 0 : i32
      %gt3A_106 = arith.cmpi sgt, %add3A_87, %gt3A_105 : i32
      %convert_element_type3A_107 = arith.extui %gt3A_106 : i1 to i32
      %cond3A_108 = arith.constant 0 : i32
      %cond3A_109 = arith.cmpi ne, %convert_element_type3A_107, %cond3A_108 : i32
      scf.if %cond3A_109 {
        %dma_wait3A_868 = arith.constant 0 : i32
        %dma_wait3A_869 = arith.constant 0 : i32
        %dma_wait3A_870 = tpu.memref_slice %arg15[%dma_wait3A_868, %dma_wait3A_869] : memref<25104x64xf32, #tpu.memory_space<vmem_shared>> -> memref<25104x64xf32, #tpu.memory_space<vmem_shared>>
        tpu.wait_indirect_dma semaphore(%arg19 : memref<!tpu.dma_semaphore, #tpu.memory_space<semaphore_mem>>) src(%arg13 : memref<160x64xf32, #tpu.memory_space<vmem>>) dst(%dma_wait3A_870 : memref<25104x64xf32, #tpu.memory_space<vmem_shared>>)
      } else {
      }
      %dma_start3A_110 = arith.constant 160 : i32
      %dma_start3A_111 = tpu.memref_slice %arg6[%dma_start3A_110] : memref<320xi32, #tpu.memory_space<vmem>> -> memref<160xi32, #tpu.memory_space<vmem>>
      %dma_start3A_112 = arith.constant 0 : i32
      %dma_start3A_113 = arith.constant 0 : i32
      %dma_start3A_114 = tpu.memref_slice %arg2[%dma_start3A_112, %dma_start3A_113] : memref<50000x64xf32, #tpu.memory_space<hbm>> -> memref<50000x64xf32, #tpu.memory_space<hbm>>
      tpu.enqueue_indirect_dma source(%dma_start3A_114 : memref<50000x64xf32, #tpu.memory_space<hbm>>) target(%arg13 : memref<160x64xf32, #tpu.memory_space<vmem>>) offsets(%dma_start3A_111 : memref<160xi32, #tpu.memory_space<vmem>>) semaphore(%arg17 : memref<!tpu.dma_semaphore, #tpu.memory_space<semaphore_mem>>)
      %get3A = arith.constant 0 : index
      %get3A_115 = tpu.vector_load %arg8[%get3A] {strides = array<i32>} : memref<320xi32, #tpu.memory_space<vmem>>, vector<16xi32>,
      %sub3A = vector.broadcast %mul3A_6 : i32 to vector<16xi32>
      %sub3A_116 = arith.subi %get3A_115, %sub3A : vector<16xi32>
      %lt3A_117 = arith.constant 0 : i32
      %lt3A_118 = vector.broadcast %lt3A_117 : i32 to vector<16xi32>
      %lt3A_119 = arith.cmpi slt, %sub3A_116, %lt3A_118 : vector<16xi32>
      %ge3A_120 = arith.constant 25000 : i32
      %ge3A_121 = vector.broadcast %ge3A_120 : i32 to vector<16xi32>
      %ge3A_122 = arith.cmpi sge, %sub3A_116, %ge3A_121 : vector<16xi32>
      %or3A = arith.ori %lt3A_119, %ge3A_122 : vector<16xi1>
      %add3A_123 = arith.constant 25000 : i32
      %add3A_124 = arith.addi %add3A_123, %arg1 : i32
      %broadcast_in_dim3A_125 = vector.broadcast %add3A_124 : i32 to vector<16xi32>
      %select_n3A = arith.select %or3A, %broadcast_in_dim3A_125, %sub3A_116 : vector<16xi1>, vector<16xi32>
      %swap3A = arith.constant 0 : index
      %swap3A_126 = tpu.vector_load %arg10[%swap3A] {strides = array<i32>} : memref<160xi32, #tpu.memory_space<vmem>>, vector<16xi32>,
      tpu.vector_store %arg10[%swap3A], %select_n3A {strides = array<i32>} : memref<160xi32, #tpu.memory_space<vmem>>, vector<16xi32>,
      %get3A_127 = arith.constant 16 : index
      %get3A_128 = tpu.vector_load %arg8[%get3A_127] {strides = array<i32>} : memref<320xi32, #tpu.memory_space<vmem>>, vector<16xi32>,
      %sub3A_129 = vector.broadcast %mul3A_6 : i32 to vector<16xi32>
      %sub3A_130 = arith.subi %get3A_128, %sub3A_129 : vector<16xi32>
      %lt3A_131 = arith.constant 0 : i32
      %lt3A_132 = vector.broadcast %lt3A_131 : i32 to vector<16xi32>
      %lt3A_133 = arith.cmpi slt, %sub3A_130, %lt3A_132 : vector<16xi32>
      %ge3A_134 = arith.constant 25000 : i32
      %ge3A_135 = vector.broadcast %ge3A_134 : i32 to vector<16xi32>
      %ge3A_136 = arith.cmpi sge, %sub3A_130, %ge3A_135 : vector<16xi32>
      %or3A_137 = arith.ori %lt3A_133, %ge3A_136 : vector<16xi1>
      %add3A_138 = arith.constant 25000 : i32
      %add3A_139 = arith.addi %add3A_138, %arg1 : i32
      %broadcast_in_dim3A_140 = vector.broadcast %add3A_139 : i32 to vector<16xi32>
      %select_n3A_141 = arith.select %or3A_137, %broadcast_in_dim3A_140, %sub3A_130 : vector<16xi1>, vector<16xi32>
      %swap3A_142 = arith.constant 16 : index
      %swap3A_143 = tpu.vector_load %arg10[%swap3A_142] {strides = array<i32>} : memref<160xi32, #tpu.memory_space<vmem>>, vector<16xi32>,
      tpu.vector_store %arg10[%swap3A_142], %select_n3A_141 {strides = array<i32>} : memref<160xi32, #tpu.memory_space<vmem>>, vector<16xi32>,
      %get3A_144 = arith.constant 32 : index
      %get3A_145 = tpu.vector_load %arg8[%get3A_144] {strides = array<i32>} : memref<320xi32, #tpu.memory_space<vmem>>, vector<16xi32>,
      %sub3A_146 = vector.broadcast %mul3A_6 : i32 to vector<16xi32>
      %sub3A_147 = arith.subi %get3A_145, %sub3A_146 : vector<16xi32>
      %lt3A_148 = arith.constant 0 : i32
      %lt3A_149 = vector.broadcast %lt3A_148 : i32 to vector<16xi32>
      %lt3A_150 = arith.cmpi slt, %sub3A_147, %lt3A_149 : vector<16xi32>
      %ge3A_151 = arith.constant 25000 : i32
      %ge3A_152 = vector.broadcast %ge3A_151 : i32 to vector<16xi32>
      %ge3A_153 = arith.cmpi sge, %sub3A_147, %ge3A_152 : vector<16xi32>
      %or3A_154 = arith.ori %lt3A_150, %ge3A_153 : vector<16xi1>
      %add3A_155 = arith.constant 25000 : i32
      %add3A_156 = arith.addi %add3A_155, %arg1 : i32
      %broadcast_in_dim3A_157 = vector.broadcast %add3A_156 : i32 to vector<16xi32>
      %select_n3A_158 = arith.select %or3A_154, %broadcast_in_dim3A_157, %sub3A_147 : vector<16xi1>, vector<16xi32>
      %swap3A_159 = arith.constant 32 : index
      %swap3A_160 = tpu.vector_load %arg10[%swap3A_159] {strides = array<i32>} : memref<160xi32, #tpu.memory_space<vmem>>, vector<16xi32>,
      tpu.vector_store %arg10[%swap3A_159], %select_n3A_158 {strides = array<i32>} : memref<160xi32, #tpu.memory_space<vmem>>, vector<16xi32>,
      %get3A_161 = arith.constant 48 : index
      %get3A_162 = tpu.vector_load %arg8[%get3A_161] {strides = array<i32>} : memref<320xi32, #tpu.memory_space<vmem>>, vector<16xi32>,
      %sub3A_163 = vector.broadcast %mul3A_6 : i32 to vector<16xi32>
      %sub3A_164 = arith.subi %get3A_162, %sub3A_163 : vector<16xi32>
      %lt3A_165 = arith.constant 0 : i32
      %lt3A_166 = vector.broadcast %lt3A_165 : i32 to vector<16xi32>
      %lt3A_167 = arith.cmpi slt, %sub3A_164, %lt3A_166 : vector<16xi32>
      %ge3A_168 = arith.constant 25000 : i32
      %ge3A_169 = vector.broadcast %ge3A_168 : i32 to vector<16xi32>
      %ge3A_170 = arith.cmpi sge, %sub3A_164, %ge3A_169 : vector<16xi32>
      %or3A_171 = arith.ori %lt3A_167, %ge3A_170 : vector<16xi1>
      %add3A_172 = arith.constant 25000 : i32
      %add3A_173 = arith.addi %add3A_172, %arg1 : i32
      %broadcast_in_dim3A_174 = vector.broadcast %add3A_173 : i32 to vector<16xi32>
      %select_n3A_175 = arith.select %or3A_171, %broadcast_in_dim3A_174, %sub3A_164 : vector<16xi1>, vector<16xi32>
      %swap3A_176 = arith.constant 48 : index
      %swap3A_177 = tpu.vector_load %arg10[%swap3A_176] {strides = array<i32>} : memref<160xi32, #tpu.memory_space<vmem>>, vector<16xi32>,
      tpu.vector_store %arg10[%swap3A_176], %select_n3A_175 {strides = array<i32>} : memref<160xi32, #tpu.memory_space<vmem>>, vector<16xi32>,
      %get3A_178 = arith.constant 64 : index
      %get3A_179 = tpu.vector_load %arg8[%get3A_178] {strides = array<i32>} : memref<320xi32, #tpu.memory_space<vmem>>, vector<16xi32>,
      %sub3A_180 = vector.broadcast %mul3A_6 : i32 to vector<16xi32>
      %sub3A_181 = arith.subi %get3A_179, %sub3A_180 : vector<16xi32>
      %lt3A_182 = arith.constant 0 : i32
      %lt3A_183 = vector.broadcast %lt3A_182 : i32 to vector<16xi32>
      %lt3A_184 = arith.cmpi slt, %sub3A_181, %lt3A_183 : vector<16xi32>
      %ge3A_185 = arith.constant 25000 : i32
      %ge3A_186 = vector.broadcast %ge3A_185 : i32 to vector<16xi32>
      %ge3A_187 = arith.cmpi sge, %sub3A_181, %ge3A_186 : vector<16xi32>
      %or3A_188 = arith.ori %lt3A_184, %ge3A_187 : vector<16xi1>
      %add3A_189 = arith.constant 25000 : i32
      %add3A_190 = arith.addi %add3A_189, %arg1 : i32
      %broadcast_in_dim3A_191 = vector.broadcast %add3A_190 : i32 to vector<16xi32>
      %select_n3A_192 = arith.select %or3A_188, %broadcast_in_dim3A_191, %sub3A_181 : vector<16xi1>, vector<16xi32>
      %swap3A_193 = arith.constant 64 : index
      %swap3A_194 = tpu.vector_load %arg10[%swap3A_193] {strides = array<i32>} : memref<160xi32, #tpu.memory_space<vmem>>, vector<16xi32>,
      tpu.vector_store %arg10[%swap3A_193], %select_n3A_192 {strides = array<i32>} : memref<160xi32, #tpu.memory_space<vmem>>, vector<16xi32>,
      %get3A_195 = arith.constant 80 : index
      %get3A_196 = tpu.vector_load %arg8[%get3A_195] {strides = array<i32>} : memref<320xi32, #tpu.memory_space<vmem>>, vector<16xi32>,
      %sub3A_197 = vector.broadcast %mul3A_6 : i32 to vector<16xi32>
      %sub3A_198 = arith.subi %get3A_196, %sub3A_197 : vector<16xi32>
      %lt3A_199 = arith.constant 0 : i32
      %lt3A_200 = vector.broadcast %lt3A_199 : i32 to vector<16xi32>
      %lt3A_201 = arith.cmpi slt, %sub3A_198, %lt3A_200 : vector<16xi32>
      %ge3A_202 = arith.constant 25000 : i32
      %ge3A_203 = vector.broadcast %ge3A_202 : i32 to vector<16xi32>
      %ge3A_204 = arith.cmpi sge, %sub3A_198, %ge3A_203 : vector<16xi32>
      %or3A_205 = arith.ori %lt3A_201, %ge3A_204 : vector<16xi1>
      %add3A_206 = arith.constant 25000 : i32
      %add3A_207 = arith.addi %add3A_206, %arg1 : i32
      %broadcast_in_dim3A_208 = vector.broadcast %add3A_207 : i32 to vector<16xi32>
      %select_n3A_209 = arith.select %or3A_205, %broadcast_in_dim3A_208, %sub3A_198 : vector<16xi1>, vector<16xi32>
      %swap3A_210 = arith.constant 80 : index
      %swap3A_211 = tpu.vector_load %arg10[%swap3A_210] {strides = array<i32>} : memref<160xi32, #tpu.memory_space<vmem>>, vector<16xi32>,
      tpu.vector_store %arg10[%swap3A_210], %select_n3A_209 {strides = array<i32>} : memref<160xi32, #tpu.memory_space<vmem>>, vector<16xi32>,
      %get3A_212 = arith.constant 96 : index
      %get3A_213 = tpu.vector_load %arg8[%get3A_212] {strides = array<i32>} : memref<320xi32, #tpu.memory_space<vmem>>, vector<16xi32>,
      %sub3A_214 = vector.broadcast %mul3A_6 : i32 to vector<16xi32>
      %sub3A_215 = arith.subi %get3A_213, %sub3A_214 : vector<16xi32>
      %lt3A_216 = arith.constant 0 : i32
      %lt3A_217 = vector.broadcast %lt3A_216 : i32 to vector<16xi32>
      %lt3A_218 = arith.cmpi slt, %sub3A_215, %lt3A_217 : vector<16xi32>
      %ge3A_219 = arith.constant 25000 : i32
      %ge3A_220 = vector.broadcast %ge3A_219 : i32 to vector<16xi32>
      %ge3A_221 = arith.cmpi sge, %sub3A_215, %ge3A_220 : vector<16xi32>
      %or3A_222 = arith.ori %lt3A_218, %ge3A_221 : vector<16xi1>
      %add3A_223 = arith.constant 25000 : i32
      %add3A_224 = arith.addi %add3A_223, %arg1 : i32
      %broadcast_in_dim3A_225 = vector.broadcast %add3A_224 : i32 to vector<16xi32>
      %select_n3A_226 = arith.select %or3A_222, %broadcast_in_dim3A_225, %sub3A_215 : vector<16xi1>, vector<16xi32>
      %swap3A_227 = arith.constant 96 : index
      %swap3A_228 = tpu.vector_load %arg10[%swap3A_227] {strides = array<i32>} : memref<160xi32, #tpu.memory_space<vmem>>, vector<16xi32>,
      tpu.vector_store %arg10[%swap3A_227], %select_n3A_226 {strides = array<i32>} : memref<160xi32, #tpu.memory_space<vmem>>, vector<16xi32>,
      %get3A_229 = arith.constant 112 : index
      %get3A_230 = tpu.vector_load %arg8[%get3A_229] {strides = array<i32>} : memref<320xi32, #tpu.memory_space<vmem>>, vector<16xi32>,
      %sub3A_231 = vector.broadcast %mul3A_6 : i32 to vector<16xi32>
      %sub3A_232 = arith.subi %get3A_230, %sub3A_231 : vector<16xi32>
      %lt3A_233 = arith.constant 0 : i32
      %lt3A_234 = vector.broadcast %lt3A_233 : i32 to vector<16xi32>
      %lt3A_235 = arith.cmpi slt, %sub3A_232, %lt3A_234 : vector<16xi32>
      %ge3A_236 = arith.constant 25000 : i32
      %ge3A_237 = vector.broadcast %ge3A_236 : i32 to vector<16xi32>
      %ge3A_238 = arith.cmpi sge, %sub3A_232, %ge3A_237 : vector<16xi32>
      %or3A_239 = arith.ori %lt3A_235, %ge3A_238 : vector<16xi1>
      %add3A_240 = arith.constant 25000 : i32
      %add3A_241 = arith.addi %add3A_240, %arg1 : i32
      %broadcast_in_dim3A_242 = vector.broadcast %add3A_241 : i32 to vector<16xi32>
      %select_n3A_243 = arith.select %or3A_239, %broadcast_in_dim3A_242, %sub3A_232 : vector<16xi1>, vector<16xi32>
      %swap3A_244 = arith.constant 112 : index
      %swap3A_245 = tpu.vector_load %arg10[%swap3A_244] {strides = array<i32>} : memref<160xi32, #tpu.memory_space<vmem>>, vector<16xi32>,
      tpu.vector_store %arg10[%swap3A_244], %select_n3A_243 {strides = array<i32>} : memref<160xi32, #tpu.memory_space<vmem>>, vector<16xi32>,
      %get3A_246 = arith.constant 128 : index
      %get3A_247 = tpu.vector_load %arg8[%get3A_246] {strides = array<i32>} : memref<320xi32, #tpu.memory_space<vmem>>, vector<16xi32>,
      %sub3A_248 = vector.broadcast %mul3A_6 : i32 to vector<16xi32>
      %sub3A_249 = arith.subi %get3A_247, %sub3A_248 : vector<16xi32>
      %lt3A_250 = arith.constant 0 : i32
      %lt3A_251 = vector.broadcast %lt3A_250 : i32 to vector<16xi32>
      %lt3A_252 = arith.cmpi slt, %sub3A_249, %lt3A_251 : vector<16xi32>
      %ge3A_253 = arith.constant 25000 : i32
      %ge3A_254 = vector.broadcast %ge3A_253 : i32 to vector<16xi32>
      %ge3A_255 = arith.cmpi sge, %sub3A_249, %ge3A_254 : vector<16xi32>
      %or3A_256 = arith.ori %lt3A_252, %ge3A_255 : vector<16xi1>
      %add3A_257 = arith.constant 25000 : i32
      %add3A_258 = arith.addi %add3A_257, %arg1 : i32
      %broadcast_in_dim3A_259 = vector.broadcast %add3A_258 : i32 to vector<16xi32>
      %select_n3A_260 = arith.select %or3A_256, %broadcast_in_dim3A_259, %sub3A_249 : vector<16xi1>, vector<16xi32>
      %swap3A_261 = arith.constant 128 : index
      %swap3A_262 = tpu.vector_load %arg10[%swap3A_261] {strides = array<i32>} : memref<160xi32, #tpu.memory_space<vmem>>, vector<16xi32>,
      tpu.vector_store %arg10[%swap3A_261], %select_n3A_260 {strides = array<i32>} : memref<160xi32, #tpu.memory_space<vmem>>, vector<16xi32>,
      %get3A_263 = arith.constant 144 : index
      %get3A_264 = tpu.vector_load %arg8[%get3A_263] {strides = array<i32>} : memref<320xi32, #tpu.memory_space<vmem>>, vector<16xi32>,
      %sub3A_265 = vector.broadcast %mul3A_6 : i32 to vector<16xi32>
      %sub3A_266 = arith.subi %get3A_264, %sub3A_265 : vector<16xi32>
      %lt3A_267 = arith.constant 0 : i32
      %lt3A_268 = vector.broadcast %lt3A_267 : i32 to vector<16xi32>
      %lt3A_269 = arith.cmpi slt, %sub3A_266, %lt3A_268 : vector<16xi32>
      %ge3A_270 = arith.constant 25000 : i32
      %ge3A_271 = vector.broadcast %ge3A_270 : i32 to vector<16xi32>
      %ge3A_272 = arith.cmpi sge, %sub3A_266, %ge3A_271 : vector<16xi32>
      %or3A_273 = arith.ori %lt3A_269, %ge3A_272 : vector<16xi1>
      %add3A_274 = arith.constant 25000 : i32
      %add3A_275 = arith.addi %add3A_274, %arg1 : i32
      %broadcast_in_dim3A_276 = vector.broadcast %add3A_275 : i32 to vector<16xi32>
      %select_n3A_277 = arith.select %or3A_273, %broadcast_in_dim3A_276, %sub3A_266 : vector<16xi1>, vector<16xi32>
      %swap3A_278 = arith.constant 144 : index
      %swap3A_279 = tpu.vector_load %arg10[%swap3A_278] {strides = array<i32>} : memref<160xi32, #tpu.memory_space<vmem>>, vector<16xi32>,
      tpu.vector_store %arg10[%swap3A_278], %select_n3A_277 {strides = array<i32>} : memref<160xi32, #tpu.memory_space<vmem>>, vector<16xi32>,
      %dma_wait3A_280 = arith.constant 0 : i32
      %dma_wait3A_281 = tpu.memref_slice %arg6[%dma_wait3A_280] : memref<320xi32, #tpu.memory_space<vmem>> -> memref<160xi32, #tpu.memory_space<vmem>>
      %dma_wait3A_282 = arith.constant 0 : i32
      %dma_wait3A_283 = arith.constant 0 : i32
      %dma_wait3A_284 = tpu.memref_slice %arg2[%dma_wait3A_282, %dma_wait3A_283] : memref<50000x64xf32, #tpu.memory_space<hbm>> -> memref<50000x64xf32, #tpu.memory_space<hbm>>
      tpu.wait_indirect_dma semaphore(%arg16 : memref<!tpu.dma_semaphore, #tpu.memory_space<semaphore_mem>>) src(%dma_wait3A_284 : memref<50000x64xf32, #tpu.memory_space<hbm>>) dst(%arg12 : memref<160x64xf32, #tpu.memory_space<vmem>>)
      %dma_start3A_285 = arith.constant 0 : i32
      %dma_start3A_286 = arith.constant 0 : i32
      %dma_start3A_287 = tpu.memref_slice %arg15[%dma_start3A_285, %dma_start3A_286] : memref<25104x64xf32, #tpu.memory_space<vmem_shared>> -> memref<25104x64xf32, #tpu.memory_space<vmem_shared>>
      tpu.enqueue_indirect_dma source(%arg12 : memref<160x64xf32, #tpu.memory_space<vmem>>) target(%dma_start3A_287 : memref<25104x64xf32, #tpu.memory_space<vmem_shared>>) offsets(%arg10 : memref<160xi32, #tpu.memory_space<vmem>>) semaphore(%arg18 : memref<!tpu.dma_semaphore, #tpu.memory_space<semaphore_mem>>) {add = true}
      %get3A_288 = arith.constant 160 : index
      %get3A_289 = tpu.vector_load %arg8[%get3A_288] {strides = array<i32>} : memref<320xi32, #tpu.memory_space<vmem>>, vector<16xi32>,
      %sub3A_290 = vector.broadcast %mul3A_6 : i32 to vector<16xi32>
      %sub3A_291 = arith.subi %get3A_289, %sub3A_290 : vector<16xi32>
      %lt3A_292 = arith.constant 0 : i32
      %lt3A_293 = vector.broadcast %lt3A_292 : i32 to vector<16xi32>
      %lt3A_294 = arith.cmpi slt, %sub3A_291, %lt3A_293 : vector<16xi32>
      %ge3A_295 = arith.constant 25000 : i32
      %ge3A_296 = vector.broadcast %ge3A_295 : i32 to vector<16xi32>
      %ge3A_297 = arith.cmpi sge, %sub3A_291, %ge3A_296 : vector<16xi32>
      %or3A_298 = arith.ori %lt3A_294, %ge3A_297 : vector<16xi1>
      %add3A_299 = arith.constant 25000 : i32
      %add3A_300 = arith.addi %add3A_299, %arg1 : i32
      %broadcast_in_dim3A_301 = vector.broadcast %add3A_300 : i32 to vector<16xi32>
      %select_n3A_302 = arith.select %or3A_298, %broadcast_in_dim3A_301, %sub3A_291 : vector<16xi1>, vector<16xi32>
      %swap3A_303 = arith.constant 0 : index
      %swap3A_304 = tpu.vector_load %arg11[%swap3A_303] {strides = array<i32>} : memref<160xi32, #tpu.memory_space<vmem>>, vector<16xi32>,
      tpu.vector_store %arg11[%swap3A_303], %select_n3A_302 {strides = array<i32>} : memref<160xi32, #tpu.memory_space<vmem>>, vector<16xi32>,
      %get3A_305 = arith.constant 176 : index
      %get3A_306 = tpu.vector_load %arg8[%get3A_305] {strides = array<i32>} : memref<320xi32, #tpu.memory_space<vmem>>, vector<16xi32>,
      %sub3A_307 = vector.broadcast %mul3A_6 : i32 to vector<16xi32>
      %sub3A_308 = arith.subi %get3A_306, %sub3A_307 : vector<16xi32>
      %lt3A_309 = arith.constant 0 : i32
      %lt3A_310 = vector.broadcast %lt3A_309 : i32 to vector<16xi32>
      %lt3A_311 = arith.cmpi slt, %sub3A_308, %lt3A_310 : vector<16xi32>
      %ge3A_312 = arith.constant 25000 : i32
      %ge3A_313 = vector.broadcast %ge3A_312 : i32 to vector<16xi32>
      %ge3A_314 = arith.cmpi sge, %sub3A_308, %ge3A_313 : vector<16xi32>
      %or3A_315 = arith.ori %lt3A_311, %ge3A_314 : vector<16xi1>
      %add3A_316 = arith.constant 25000 : i32
      %add3A_317 = arith.addi %add3A_316, %arg1 : i32
      %broadcast_in_dim3A_318 = vector.broadcast %add3A_317 : i32 to vector<16xi32>
      %select_n3A_319 = arith.select %or3A_315, %broadcast_in_dim3A_318, %sub3A_308 : vector<16xi1>, vector<16xi32>
      %swap3A_320 = arith.constant 16 : index
      %swap3A_321 = tpu.vector_load %arg11[%swap3A_320] {strides = array<i32>} : memref<160xi32, #tpu.memory_space<vmem>>, vector<16xi32>,
      tpu.vector_store %arg11[%swap3A_320], %select_n3A_319 {strides = array<i32>} : memref<160xi32, #tpu.memory_space<vmem>>, vector<16xi32>,
      %get3A_322 = arith.constant 192 : index
      %get3A_323 = tpu.vector_load %arg8[%get3A_322] {strides = array<i32>} : memref<320xi32, #tpu.memory_space<vmem>>, vector<16xi32>,
      %sub3A_324 = vector.broadcast %mul3A_6 : i32 to vector<16xi32>
      %sub3A_325 = arith.subi %get3A_323, %sub3A_324 : vector<16xi32>
      %lt3A_326 = arith.constant 0 : i32
      %lt3A_327 = vector.broadcast %lt3A_326 : i32 to vector<16xi32>
      %lt3A_328 = arith.cmpi slt, %sub3A_325, %lt3A_327 : vector<16xi32>
      %ge3A_329 = arith.constant 25000 : i32
      %ge3A_330 = vector.broadcast %ge3A_329 : i32 to vector<16xi32>
      %ge3A_331 = arith.cmpi sge, %sub3A_325, %ge3A_330 : vector<16xi32>
      %or3A_332 = arith.ori %lt3A_328, %ge3A_331 : vector<16xi1>
      %add3A_333 = arith.constant 25000 : i32
      %add3A_334 = arith.addi %add3A_333, %arg1 : i32
      %broadcast_in_dim3A_335 = vector.broadcast %add3A_334 : i32 to vector<16xi32>
      %select_n3A_336 = arith.select %or3A_332, %broadcast_in_dim3A_335, %sub3A_325 : vector<16xi1>, vector<16xi32>
      %swap3A_337 = arith.constant 32 : index
      %swap3A_338 = tpu.vector_load %arg11[%swap3A_337] {strides = array<i32>} : memref<160xi32, #tpu.memory_space<vmem>>, vector<16xi32>,
      tpu.vector_store %arg11[%swap3A_337], %select_n3A_336 {strides = array<i32>} : memref<160xi32, #tpu.memory_space<vmem>>, vector<16xi32>,
      %get3A_339 = arith.constant 208 : index
      %get3A_340 = tpu.vector_load %arg8[%get3A_339] {strides = array<i32>} : memref<320xi32, #tpu.memory_space<vmem>>, vector<16xi32>,
      %sub3A_341 = vector.broadcast %mul3A_6 : i32 to vector<16xi32>
      %sub3A_342 = arith.subi %get3A_340, %sub3A_341 : vector<16xi32>
      %lt3A_343 = arith.constant 0 : i32
      %lt3A_344 = vector.broadcast %lt3A_343 : i32 to vector<16xi32>
      %lt3A_345 = arith.cmpi slt, %sub3A_342, %lt3A_344 : vector<16xi32>
      %ge3A_346 = arith.constant 25000 : i32
      %ge3A_347 = vector.broadcast %ge3A_346 : i32 to vector<16xi32>
      %ge3A_348 = arith.cmpi sge, %sub3A_342, %ge3A_347 : vector<16xi32>
      %or3A_349 = arith.ori %lt3A_345, %ge3A_348 : vector<16xi1>
      %add3A_350 = arith.constant 25000 : i32
      %add3A_351 = arith.addi %add3A_350, %arg1 : i32
      %broadcast_in_dim3A_352 = vector.broadcast %add3A_351 : i32 to vector<16xi32>
      %select_n3A_353 = arith.select %or3A_349, %broadcast_in_dim3A_352, %sub3A_342 : vector<16xi1>, vector<16xi32>
      %swap3A_354 = arith.constant 48 : index
      %swap3A_355 = tpu.vector_load %arg11[%swap3A_354] {strides = array<i32>} : memref<160xi32, #tpu.memory_space<vmem>>, vector<16xi32>,
      tpu.vector_store %arg11[%swap3A_354], %select_n3A_353 {strides = array<i32>} : memref<160xi32, #tpu.memory_space<vmem>>, vector<16xi32>,
      %get3A_356 = arith.constant 224 : index
      %get3A_357 = tpu.vector_load %arg8[%get3A_356] {strides = array<i32>} : memref<320xi32, #tpu.memory_space<vmem>>, vector<16xi32>,
      %sub3A_358 = vector.broadcast %mul3A_6 : i32 to vector<16xi32>
      %sub3A_359 = arith.subi %get3A_357, %sub3A_358 : vector<16xi32>
      %lt3A_360 = arith.constant 0 : i32
      %lt3A_361 = vector.broadcast %lt3A_360 : i32 to vector<16xi32>
      %lt3A_362 = arith.cmpi slt, %sub3A_359, %lt3A_361 : vector<16xi32>
      %ge3A_363 = arith.constant 25000 : i32
      %ge3A_364 = vector.broadcast %ge3A_363 : i32 to vector<16xi32>
      %ge3A_365 = arith.cmpi sge, %sub3A_359, %ge3A_364 : vector<16xi32>
      %or3A_366 = arith.ori %lt3A_362, %ge3A_365 : vector<16xi1>
      %add3A_367 = arith.constant 25000 : i32
      %add3A_368 = arith.addi %add3A_367, %arg1 : i32
      %broadcast_in_dim3A_369 = vector.broadcast %add3A_368 : i32 to vector<16xi32>
      %select_n3A_370 = arith.select %or3A_366, %broadcast_in_dim3A_369, %sub3A_359 : vector<16xi1>, vector<16xi32>
      %swap3A_371 = arith.constant 64 : index
      %swap3A_372 = tpu.vector_load %arg11[%swap3A_371] {strides = array<i32>} : memref<160xi32, #tpu.memory_space<vmem>>, vector<16xi32>,
      tpu.vector_store %arg11[%swap3A_371], %select_n3A_370 {strides = array<i32>} : memref<160xi32, #tpu.memory_space<vmem>>, vector<16xi32>,
      %get3A_373 = arith.constant 240 : index
      %get3A_374 = tpu.vector_load %arg8[%get3A_373] {strides = array<i32>} : memref<320xi32, #tpu.memory_space<vmem>>, vector<16xi32>,
      %sub3A_375 = vector.broadcast %mul3A_6 : i32 to vector<16xi32>
      %sub3A_376 = arith.subi %get3A_374, %sub3A_375 : vector<16xi32>
      %lt3A_377 = arith.constant 0 : i32
      %lt3A_378 = vector.broadcast %lt3A_377 : i32 to vector<16xi32>
      %lt3A_379 = arith.cmpi slt, %sub3A_376, %lt3A_378 : vector<16xi32>
      %ge3A_380 = arith.constant 25000 : i32
      %ge3A_381 = vector.broadcast %ge3A_380 : i32 to vector<16xi32>
      %ge3A_382 = arith.cmpi sge, %sub3A_376, %ge3A_381 : vector<16xi32>
      %or3A_383 = arith.ori %lt3A_379, %ge3A_382 : vector<16xi1>
      %add3A_384 = arith.constant 25000 : i32
      %add3A_385 = arith.addi %add3A_384, %arg1 : i32
      %broadcast_in_dim3A_386 = vector.broadcast %add3A_385 : i32 to vector<16xi32>
      %select_n3A_387 = arith.select %or3A_383, %broadcast_in_dim3A_386, %sub3A_376 : vector<16xi1>, vector<16xi32>
      %swap3A_388 = arith.constant 80 : index
      %swap3A_389 = tpu.vector_load %arg11[%swap3A_388] {strides = array<i32>} : memref<160xi32, #tpu.memory_space<vmem>>, vector<16xi32>,
      tpu.vector_store %arg11[%swap3A_388], %select_n3A_387 {strides = array<i32>} : memref<160xi32, #tpu.memory_space<vmem>>, vector<16xi32>,
      %get3A_390 = arith.constant 256 : index
      %get3A_391 = tpu.vector_load %arg8[%get3A_390] {strides = array<i32>} : memref<320xi32, #tpu.memory_space<vmem>>, vector<16xi32>,
      %sub3A_392 = vector.broadcast %mul3A_6 : i32 to vector<16xi32>
      %sub3A_393 = arith.subi %get3A_391, %sub3A_392 : vector<16xi32>
      %lt3A_394 = arith.constant 0 : i32
      %lt3A_395 = vector.broadcast %lt3A_394 : i32 to vector<16xi32>
      %lt3A_396 = arith.cmpi slt, %sub3A_393, %lt3A_395 : vector<16xi32>
      %ge3A_397 = arith.constant 25000 : i32
      %ge3A_398 = vector.broadcast %ge3A_397 : i32 to vector<16xi32>
      %ge3A_399 = arith.cmpi sge, %sub3A_393, %ge3A_398 : vector<16xi32>
      %or3A_400 = arith.ori %lt3A_396, %ge3A_399 : vector<16xi1>
      %add3A_401 = arith.constant 25000 : i32
      %add3A_402 = arith.addi %add3A_401, %arg1 : i32
      %broadcast_in_dim3A_403 = vector.broadcast %add3A_402 : i32 to vector<16xi32>
      %select_n3A_404 = arith.select %or3A_400, %broadcast_in_dim3A_403, %sub3A_393 : vector<16xi1>, vector<16xi32>
      %swap3A_405 = arith.constant 96 : index
      %swap3A_406 = tpu.vector_load %arg11[%swap3A_405] {strides = array<i32>} : memref<160xi32, #tpu.memory_space<vmem>>, vector<16xi32>,
      tpu.vector_store %arg11[%swap3A_405], %select_n3A_404 {strides = array<i32>} : memref<160xi32, #tpu.memory_space<vmem>>, vector<16xi32>,
      %get3A_407 = arith.constant 272 : index
      %get3A_408 = tpu.vector_load %arg8[%get3A_407] {strides = array<i32>} : memref<320xi32, #tpu.memory_space<vmem>>, vector<16xi32>,
      %sub3A_409 = vector.broadcast %mul3A_6 : i32 to vector<16xi32>
      %sub3A_410 = arith.subi %get3A_408, %sub3A_409 : vector<16xi32>
      %lt3A_411 = arith.constant 0 : i32
      %lt3A_412 = vector.broadcast %lt3A_411 : i32 to vector<16xi32>
      %lt3A_413 = arith.cmpi slt, %sub3A_410, %lt3A_412 : vector<16xi32>
      %ge3A_414 = arith.constant 25000 : i32
      %ge3A_415 = vector.broadcast %ge3A_414 : i32 to vector<16xi32>
      %ge3A_416 = arith.cmpi sge, %sub3A_410, %ge3A_415 : vector<16xi32>
      %or3A_417 = arith.ori %lt3A_413, %ge3A_416 : vector<16xi1>
      %add3A_418 = arith.constant 25000 : i32
      %add3A_419 = arith.addi %add3A_418, %arg1 : i32
      %broadcast_in_dim3A_420 = vector.broadcast %add3A_419 : i32 to vector<16xi32>
      %select_n3A_421 = arith.select %or3A_417, %broadcast_in_dim3A_420, %sub3A_410 : vector<16xi1>, vector<16xi32>
      %swap3A_422 = arith.constant 112 : index
      %swap3A_423 = tpu.vector_load %arg11[%swap3A_422] {strides = array<i32>} : memref<160xi32, #tpu.memory_space<vmem>>, vector<16xi32>,
      tpu.vector_store %arg11[%swap3A_422], %select_n3A_421 {strides = array<i32>} : memref<160xi32, #tpu.memory_space<vmem>>, vector<16xi32>,
      %get3A_424 = arith.constant 288 : index
      %get3A_425 = tpu.vector_load %arg8[%get3A_424] {strides = array<i32>} : memref<320xi32, #tpu.memory_space<vmem>>, vector<16xi32>,
      %sub3A_426 = vector.broadcast %mul3A_6 : i32 to vector<16xi32>
      %sub3A_427 = arith.subi %get3A_425, %sub3A_426 : vector<16xi32>
      %lt3A_428 = arith.constant 0 : i32
      %lt3A_429 = vector.broadcast %lt3A_428 : i32 to vector<16xi32>
      %lt3A_430 = arith.cmpi slt, %sub3A_427, %lt3A_429 : vector<16xi32>
      %ge3A_431 = arith.constant 25000 : i32
      %ge3A_432 = vector.broadcast %ge3A_431 : i32 to vector<16xi32>
      %ge3A_433 = arith.cmpi sge, %sub3A_427, %ge3A_432 : vector<16xi32>
      %or3A_434 = arith.ori %lt3A_430, %ge3A_433 : vector<16xi1>
      %add3A_435 = arith.constant 25000 : i32
      %add3A_436 = arith.addi %add3A_435, %arg1 : i32
      %broadcast_in_dim3A_437 = vector.broadcast %add3A_436 : i32 to vector<16xi32>
      %select_n3A_438 = arith.select %or3A_434, %broadcast_in_dim3A_437, %sub3A_427 : vector<16xi1>, vector<16xi32>
      %swap3A_439 = arith.constant 128 : index
      %swap3A_440 = tpu.vector_load %arg11[%swap3A_439] {strides = array<i32>} : memref<160xi32, #tpu.memory_space<vmem>>, vector<16xi32>,
      tpu.vector_store %arg11[%swap3A_439], %select_n3A_438 {strides = array<i32>} : memref<160xi32, #tpu.memory_space<vmem>>, vector<16xi32>,
      %get3A_441 = arith.constant 304 : index
      %get3A_442 = tpu.vector_load %arg8[%get3A_441] {strides = array<i32>} : memref<320xi32, #tpu.memory_space<vmem>>, vector<16xi32>,
      %sub3A_443 = vector.broadcast %mul3A_6 : i32 to vector<16xi32>
      %sub3A_444 = arith.subi %get3A_442, %sub3A_443 : vector<16xi32>
      %lt3A_445 = arith.constant 0 : i32
      %lt3A_446 = vector.broadcast %lt3A_445 : i32 to vector<16xi32>
      %lt3A_447 = arith.cmpi slt, %sub3A_444, %lt3A_446 : vector<16xi32>
      %ge3A_448 = arith.constant 25000 : i32
      %ge3A_449 = vector.broadcast %ge3A_448 : i32 to vector<16xi32>
      %ge3A_450 = arith.cmpi sge, %sub3A_444, %ge3A_449 : vector<16xi32>
      %or3A_451 = arith.ori %lt3A_447, %ge3A_450 : vector<16xi1>
      %add3A_452 = arith.constant 25000 : i32
      %add3A_453 = arith.addi %add3A_452, %arg1 : i32
      %broadcast_in_dim3A_454 = vector.broadcast %add3A_453 : i32 to vector<16xi32>
      %select_n3A_455 = arith.select %or3A_451, %broadcast_in_dim3A_454, %sub3A_444 : vector<16xi1>, vector<16xi32>
      %swap3A_456 = arith.constant 144 : index
      %swap3A_457 = tpu.vector_load %arg11[%swap3A_456] {strides = array<i32>} : memref<160xi32, #tpu.memory_space<vmem>>, vector<16xi32>,
      tpu.vector_store %arg11[%swap3A_456], %select_n3A_455 {strides = array<i32>} : memref<160xi32, #tpu.memory_space<vmem>>, vector<16xi32>,
      %dma_wait3A_458 = arith.constant 160 : i32
      %dma_wait3A_459 = tpu.memref_slice %arg6[%dma_wait3A_458] : memref<320xi32, #tpu.memory_space<vmem>> -> memref<160xi32, #tpu.memory_space<vmem>>
      %dma_wait3A_460 = arith.constant 0 : i32
      %dma_wait3A_461 = arith.constant 0 : i32
      %dma_wait3A_462 = tpu.memref_slice %arg2[%dma_wait3A_460, %dma_wait3A_461] : memref<50000x64xf32, #tpu.memory_space<hbm>> -> memref<50000x64xf32, #tpu.memory_space<hbm>>
      tpu.wait_indirect_dma semaphore(%arg17 : memref<!tpu.dma_semaphore, #tpu.memory_space<semaphore_mem>>) src(%dma_wait3A_462 : memref<50000x64xf32, #tpu.memory_space<hbm>>) dst(%arg13 : memref<160x64xf32, #tpu.memory_space<vmem>>)
      %dma_start3A_463 = arith.constant 0 : i32
      %dma_start3A_464 = arith.constant 0 : i32
      %dma_start3A_465 = tpu.memref_slice %arg15[%dma_start3A_463, %dma_start3A_464] : memref<25104x64xf32, #tpu.memory_space<vmem_shared>> -> memref<25104x64xf32, #tpu.memory_space<vmem_shared>>
      tpu.enqueue_indirect_dma source(%arg13 : memref<160x64xf32, #tpu.memory_space<vmem>>) target(%dma_start3A_465 : memref<25104x64xf32, #tpu.memory_space<vmem_shared>>) offsets(%arg11 : memref<160xi32, #tpu.memory_space<vmem>>) semaphore(%arg19 : memref<!tpu.dma_semaphore, #tpu.memory_space<semaphore_mem>>) {add = true}
      %add3A_466 = arith.constant 2 : i32
      %add3A_467 = arith.addi %add3A_87, %add3A_466 : i32
      %lt3A_468 = arith.constant 160 : i32
      %lt3A_469 = arith.cmpi slt, %add3A_467, %lt3A_468 : i32
      %convert_element_type3A_470 = arith.extui %lt3A_469 : i1 to i32
      %cond3A_471 = arith.constant 0 : i32
      %cond3A_472 = arith.cmpi ne, %convert_element_type3A_470, %cond3A_471 : i32
      scf.if %cond3A_472 {
        %add3A_868 = arith.constant 2 : i32
        %add3A_869 = arith.addi %add3A_87, %add3A_868 : i32
        %mul3A_870 = arith.constant 160 : i32
        %mul3A_871 = arith.muli %arg1, %mul3A_870 : i32
        %add3A_872 = arith.addi %mul3A_871, %add3A_869 : i32
        %mul3A_873 = arith.constant 320 : i32
        %mul3A_874 = arith.muli %add3A_872, %mul3A_873 : i32
        %dma_start3A_875 = tpu.memref_slice %arg3[%mul3A_874] : memref<819200xi32, #tpu.memory_space<hbm>> -> memref<320xi32, #tpu.memory_space<hbm>>
        %dma_start3A_876 = tpu.memref_slice %arg3[%mul3A_874] : memref<819200xi32, #tpu.memory_space<hbm>> -> memref<320xi32, #tpu.memory_space<hbm>>
        tpu.enqueue_dma source(%dma_start3A_876 : memref<320xi32, #tpu.memory_space<hbm>>) target(%arg6 : memref<320xi32, #tpu.memory_space<vmem>>) target_semaphore(%arg20 : memref<!tpu.dma_semaphore, #tpu.memory_space<semaphore_mem>>)
        %mul3A_877 = arith.constant 160 : i32
        %mul3A_878 = arith.muli %arg1, %mul3A_877 : i32
        %add3A_879 = arith.addi %mul3A_878, %add3A_869 : i32
        %mul3A_880 = arith.constant 320 : i32
        %mul3A_881 = arith.muli %add3A_879, %mul3A_880 : i32
        %dma_start3A_882 = tpu.memref_slice %arg4[%mul3A_881] : memref<819200xi32, #tpu.memory_space<hbm>> -> memref<320xi32, #tpu.memory_space<hbm>>
        %dma_start3A_883 = tpu.memref_slice %arg4[%mul3A_881] : memref<819200xi32, #tpu.memory_space<hbm>> -> memref<320xi32, #tpu.memory_space<hbm>>
        tpu.enqueue_dma source(%dma_start3A_883 : memref<320xi32, #tpu.memory_space<hbm>>) target(%arg8 : memref<320xi32, #tpu.memory_space<vmem>>) target_semaphore(%arg20 : memref<!tpu.dma_semaphore, #tpu.memory_space<semaphore_mem>>)
      } else {
      }
      %mul3A_473 = arith.constant 2 : i32
      %mul3A_474 = arith.muli %mul3A_473, %scan3A_83 : i32
      %add3A_475 = arith.constant 1 : i32
      %add3A_476 = arith.addi %mul3A_474, %add3A_475 : i32
      %dma_wait3A_477 = arith.constant 0 : i32
      %dma_wait3A_478 = tpu.memref_slice %arg3[%dma_wait3A_477] : memref<819200xi32, #tpu.memory_space<hbm>> -> memref<320xi32, #tpu.memory_space<hbm>>
      %dma_wait3A_479 = arith.constant 0 : i32
      %dma_wait3A_480 = tpu.memref_slice %arg3[%dma_wait3A_479] : memref<819200xi32, #tpu.memory_space<hbm>> -> memref<320xi32, #tpu.memory_space<hbm>>
      tpu.wait_dma2 semaphore(%arg21 : memref<!tpu.dma_semaphore, #tpu.memory_space<semaphore_mem>>) src(%dma_wait3A_480 : memref<320xi32, #tpu.memory_space<hbm>>) dst(%arg7 : memref<320xi32, #tpu.memory_space<vmem>>)
      %dma_wait3A_481 = arith.constant 0 : i32
      %dma_wait3A_482 = tpu.memref_slice %arg4[%dma_wait3A_481] : memref<819200xi32, #tpu.memory_space<hbm>> -> memref<320xi32, #tpu.memory_space<hbm>>
      %dma_wait3A_483 = arith.constant 0 : i32
      %dma_wait3A_484 = tpu.memref_slice %arg4[%dma_wait3A_483] : memref<819200xi32, #tpu.memory_space<hbm>> -> memref<320xi32, #tpu.memory_space<hbm>>
      tpu.wait_dma2 semaphore(%arg21 : memref<!tpu.dma_semaphore, #tpu.memory_space<semaphore_mem>>) src(%dma_wait3A_484 : memref<320xi32, #tpu.memory_space<hbm>>) dst(%arg9 : memref<320xi32, #tpu.memory_space<vmem>>)
      %gt3A_485 = arith.constant 0 : i32
      %gt3A_486 = arith.cmpi sgt, %add3A_476, %gt3A_485 : i32
      %convert_element_type3A_487 = arith.extui %gt3A_486 : i1 to i32
      %cond3A_488 = arith.constant 0 : i32
      %cond3A_489 = arith.cmpi ne, %convert_element_type3A_487, %cond3A_488 : i32
      scf.if %cond3A_489 {
        %dma_wait3A_868 = arith.constant 0 : i32
        %dma_wait3A_869 = arith.constant 0 : i32
        %dma_wait3A_870 = tpu.memref_slice %arg15[%dma_wait3A_868, %dma_wait3A_869] : memref<25104x64xf32, #tpu.memory_space<vmem_shared>> -> memref<25104x64xf32, #tpu.memory_space<vmem_shared>>
        tpu.wait_indirect_dma semaphore(%arg18 : memref<!tpu.dma_semaphore, #tpu.memory_space<semaphore_mem>>) src(%arg12 : memref<160x64xf32, #tpu.memory_space<vmem>>) dst(%dma_wait3A_870 : memref<25104x64xf32, #tpu.memory_space<vmem_shared>>)
      } else {
      }
      %dma_start3A_490 = arith.constant 0 : i32
      %dma_start3A_491 = tpu.memref_slice %arg7[%dma_start3A_490] : memref<320xi32, #tpu.memory_space<vmem>> -> memref<160xi32, #tpu.memory_space<vmem>>
      %dma_start3A_492 = arith.constant 0 : i32
      %dma_start3A_493 = arith.constant 0 : i32
      %dma_start3A_494 = tpu.memref_slice %arg2[%dma_start3A_492, %dma_start3A_493] : memref<50000x64xf32, #tpu.memory_space<hbm>> -> memref<50000x64xf32, #tpu.memory_space<hbm>>
      tpu.enqueue_indirect_dma source(%dma_start3A_494 : memref<50000x64xf32, #tpu.memory_space<hbm>>) target(%arg12 : memref<160x64xf32, #tpu.memory_space<vmem>>) offsets(%dma_start3A_491 : memref<160xi32, #tpu.memory_space<vmem>>) semaphore(%arg16 : memref<!tpu.dma_semaphore, #tpu.memory_space<semaphore_mem>>)
      %gt3A_495 = arith.constant 0 : i32
      %gt3A_496 = arith.cmpi sgt, %add3A_476, %gt3A_495 : i32
      %convert_element_type3A_497 = arith.extui %gt3A_496 : i1 to i32
      %cond3A_498 = arith.constant 0 : i32
      %cond3A_499 = arith.cmpi ne, %convert_element_type3A_497, %cond3A_498 : i32
      scf.if %cond3A_499 {
        %dma_wait3A_868 = arith.constant 0 : i32
        %dma_wait3A_869 = arith.constant 0 : i32
        %dma_wait3A_870 = tpu.memref_slice %arg15[%dma_wait3A_868, %dma_wait3A_869] : memref<25104x64xf32, #tpu.memory_space<vmem_shared>> -> memref<25104x64xf32, #tpu.memory_space<vmem_shared>>
        tpu.wait_indirect_dma semaphore(%arg19 : memref<!tpu.dma_semaphore, #tpu.memory_space<semaphore_mem>>) src(%arg13 : memref<160x64xf32, #tpu.memory_space<vmem>>) dst(%dma_wait3A_870 : memref<25104x64xf32, #tpu.memory_space<vmem_shared>>)
      } else {
      }
      %dma_start3A_500 = arith.constant 160 : i32
      %dma_start3A_501 = tpu.memref_slice %arg7[%dma_start3A_500] : memref<320xi32, #tpu.memory_space<vmem>> -> memref<160xi32, #tpu.memory_space<vmem>>
      %dma_start3A_502 = arith.constant 0 : i32
      %dma_start3A_503 = arith.constant 0 : i32
      %dma_start3A_504 = tpu.memref_slice %arg2[%dma_start3A_502, %dma_start3A_503] : memref<50000x64xf32, #tpu.memory_space<hbm>> -> memref<50000x64xf32, #tpu.memory_space<hbm>>
      tpu.enqueue_indirect_dma source(%dma_start3A_504 : memref<50000x64xf32, #tpu.memory_space<hbm>>) target(%arg13 : memref<160x64xf32, #tpu.memory_space<vmem>>) offsets(%dma_start3A_501 : memref<160xi32, #tpu.memory_space<vmem>>) semaphore(%arg17 : memref<!tpu.dma_semaphore, #tpu.memory_space<semaphore_mem>>)
      %get3A_505 = arith.constant 0 : index
      %get3A_506 = tpu.vector_load %arg9[%get3A_505] {strides = array<i32>} : memref<320xi32, #tpu.memory_space<vmem>>, vector<16xi32>,
      %sub3A_507 = vector.broadcast %mul3A_6 : i32 to vector<16xi32>
      %sub3A_508 = arith.subi %get3A_506, %sub3A_507 : vector<16xi32>
      %lt3A_509 = arith.constant 0 : i32
      %lt3A_510 = vector.broadcast %lt3A_509 : i32 to vector<16xi32>
      %lt3A_511 = arith.cmpi slt, %sub3A_508, %lt3A_510 : vector<16xi32>
      %ge3A_512 = arith.constant 25000 : i32
      %ge3A_513 = vector.broadcast %ge3A_512 : i32 to vector<16xi32>
      %ge3A_514 = arith.cmpi sge, %sub3A_508, %ge3A_513 : vector<16xi32>
      %or3A_515 = arith.ori %lt3A_511, %ge3A_514 : vector<16xi1>
      %add3A_516 = arith.constant 25000 : i32
      %add3A_517 = arith.addi %add3A_516, %arg1 : i32
      %broadcast_in_dim3A_518 = vector.broadcast %add3A_517 : i32 to vector<16xi32>
      %select_n3A_519 = arith.select %or3A_515, %broadcast_in_dim3A_518, %sub3A_508 : vector<16xi1>, vector<16xi32>
      %swap3A_520 = arith.constant 0 : index
      %swap3A_521 = tpu.vector_load %arg10[%swap3A_520] {strides = array<i32>} : memref<160xi32, #tpu.memory_space<vmem>>, vector<16xi32>,
      tpu.vector_store %arg10[%swap3A_520], %select_n3A_519 {strides = array<i32>} : memref<160xi32, #tpu.memory_space<vmem>>, vector<16xi32>,
      %get3A_522 = arith.constant 16 : index
      %get3A_523 = tpu.vector_load %arg9[%get3A_522] {strides = array<i32>} : memref<320xi32, #tpu.memory_space<vmem>>, vector<16xi32>,
      %sub3A_524 = vector.broadcast %mul3A_6 : i32 to vector<16xi32>
      %sub3A_525 = arith.subi %get3A_523, %sub3A_524 : vector<16xi32>
      %lt3A_526 = arith.constant 0 : i32
      %lt3A_527 = vector.broadcast %lt3A_526 : i32 to vector<16xi32>
      %lt3A_528 = arith.cmpi slt, %sub3A_525, %lt3A_527 : vector<16xi32>
      %ge3A_529 = arith.constant 25000 : i32
      %ge3A_530 = vector.broadcast %ge3A_529 : i32 to vector<16xi32>
      %ge3A_531 = arith.cmpi sge, %sub3A_525, %ge3A_530 : vector<16xi32>
      %or3A_532 = arith.ori %lt3A_528, %ge3A_531 : vector<16xi1>
      %add3A_533 = arith.constant 25000 : i32
      %add3A_534 = arith.addi %add3A_533, %arg1 : i32
      %broadcast_in_dim3A_535 = vector.broadcast %add3A_534 : i32 to vector<16xi32>
      %select_n3A_536 = arith.select %or3A_532, %broadcast_in_dim3A_535, %sub3A_525 : vector<16xi1>, vector<16xi32>
      %swap3A_537 = arith.constant 16 : index
      %swap3A_538 = tpu.vector_load %arg10[%swap3A_537] {strides = array<i32>} : memref<160xi32, #tpu.memory_space<vmem>>, vector<16xi32>,
      tpu.vector_store %arg10[%swap3A_537], %select_n3A_536 {strides = array<i32>} : memref<160xi32, #tpu.memory_space<vmem>>, vector<16xi32>,
      %get3A_539 = arith.constant 32 : index
      %get3A_540 = tpu.vector_load %arg9[%get3A_539] {strides = array<i32>} : memref<320xi32, #tpu.memory_space<vmem>>, vector<16xi32>,
      %sub3A_541 = vector.broadcast %mul3A_6 : i32 to vector<16xi32>
      %sub3A_542 = arith.subi %get3A_540, %sub3A_541 : vector<16xi32>
      %lt3A_543 = arith.constant 0 : i32
      %lt3A_544 = vector.broadcast %lt3A_543 : i32 to vector<16xi32>
      %lt3A_545 = arith.cmpi slt, %sub3A_542, %lt3A_544 : vector<16xi32>
      %ge3A_546 = arith.constant 25000 : i32
      %ge3A_547 = vector.broadcast %ge3A_546 : i32 to vector<16xi32>
      %ge3A_548 = arith.cmpi sge, %sub3A_542, %ge3A_547 : vector<16xi32>
      %or3A_549 = arith.ori %lt3A_545, %ge3A_548 : vector<16xi1>
      %add3A_550 = arith.constant 25000 : i32
      %add3A_551 = arith.addi %add3A_550, %arg1 : i32
      %broadcast_in_dim3A_552 = vector.broadcast %add3A_551 : i32 to vector<16xi32>
      %select_n3A_553 = arith.select %or3A_549, %broadcast_in_dim3A_552, %sub3A_542 : vector<16xi1>, vector<16xi32>
      %swap3A_554 = arith.constant 32 : index
      %swap3A_555 = tpu.vector_load %arg10[%swap3A_554] {strides = array<i32>} : memref<160xi32, #tpu.memory_space<vmem>>, vector<16xi32>,
      tpu.vector_store %arg10[%swap3A_554], %select_n3A_553 {strides = array<i32>} : memref<160xi32, #tpu.memory_space<vmem>>, vector<16xi32>,
      %get3A_556 = arith.constant 48 : index
      %get3A_557 = tpu.vector_load %arg9[%get3A_556] {strides = array<i32>} : memref<320xi32, #tpu.memory_space<vmem>>, vector<16xi32>,
      %sub3A_558 = vector.broadcast %mul3A_6 : i32 to vector<16xi32>
      %sub3A_559 = arith.subi %get3A_557, %sub3A_558 : vector<16xi32>
      %lt3A_560 = arith.constant 0 : i32
      %lt3A_561 = vector.broadcast %lt3A_560 : i32 to vector<16xi32>
      %lt3A_562 = arith.cmpi slt, %sub3A_559, %lt3A_561 : vector<16xi32>
      %ge3A_563 = arith.constant 25000 : i32
      %ge3A_564 = vector.broadcast %ge3A_563 : i32 to vector<16xi32>
      %ge3A_565 = arith.cmpi sge, %sub3A_559, %ge3A_564 : vector<16xi32>
      %or3A_566 = arith.ori %lt3A_562, %ge3A_565 : vector<16xi1>
      %add3A_567 = arith.constant 25000 : i32
      %add3A_568 = arith.addi %add3A_567, %arg1 : i32
      %broadcast_in_dim3A_569 = vector.broadcast %add3A_568 : i32 to vector<16xi32>
      %select_n3A_570 = arith.select %or3A_566, %broadcast_in_dim3A_569, %sub3A_559 : vector<16xi1>, vector<16xi32>
      %swap3A_571 = arith.constant 48 : index
      %swap3A_572 = tpu.vector_load %arg10[%swap3A_571] {strides = array<i32>} : memref<160xi32, #tpu.memory_space<vmem>>, vector<16xi32>,
      tpu.vector_store %arg10[%swap3A_571], %select_n3A_570 {strides = array<i32>} : memref<160xi32, #tpu.memory_space<vmem>>, vector<16xi32>,
      %get3A_573 = arith.constant 64 : index
      %get3A_574 = tpu.vector_load %arg9[%get3A_573] {strides = array<i32>} : memref<320xi32, #tpu.memory_space<vmem>>, vector<16xi32>,
      %sub3A_575 = vector.broadcast %mul3A_6 : i32 to vector<16xi32>
      %sub3A_576 = arith.subi %get3A_574, %sub3A_575 : vector<16xi32>
      %lt3A_577 = arith.constant 0 : i32
      %lt3A_578 = vector.broadcast %lt3A_577 : i32 to vector<16xi32>
      %lt3A_579 = arith.cmpi slt, %sub3A_576, %lt3A_578 : vector<16xi32>
      %ge3A_580 = arith.constant 25000 : i32
      %ge3A_581 = vector.broadcast %ge3A_580 : i32 to vector<16xi32>
      %ge3A_582 = arith.cmpi sge, %sub3A_576, %ge3A_581 : vector<16xi32>
      %or3A_583 = arith.ori %lt3A_579, %ge3A_582 : vector<16xi1>
      %add3A_584 = arith.constant 25000 : i32
      %add3A_585 = arith.addi %add3A_584, %arg1 : i32
      %broadcast_in_dim3A_586 = vector.broadcast %add3A_585 : i32 to vector<16xi32>
      %select_n3A_587 = arith.select %or3A_583, %broadcast_in_dim3A_586, %sub3A_576 : vector<16xi1>, vector<16xi32>
      %swap3A_588 = arith.constant 64 : index
      %swap3A_589 = tpu.vector_load %arg10[%swap3A_588] {strides = array<i32>} : memref<160xi32, #tpu.memory_space<vmem>>, vector<16xi32>,
      tpu.vector_store %arg10[%swap3A_588], %select_n3A_587 {strides = array<i32>} : memref<160xi32, #tpu.memory_space<vmem>>, vector<16xi32>,
      %get3A_590 = arith.constant 80 : index
      %get3A_591 = tpu.vector_load %arg9[%get3A_590] {strides = array<i32>} : memref<320xi32, #tpu.memory_space<vmem>>, vector<16xi32>,
      %sub3A_592 = vector.broadcast %mul3A_6 : i32 to vector<16xi32>
      %sub3A_593 = arith.subi %get3A_591, %sub3A_592 : vector<16xi32>
      %lt3A_594 = arith.constant 0 : i32
      %lt3A_595 = vector.broadcast %lt3A_594 : i32 to vector<16xi32>
      %lt3A_596 = arith.cmpi slt, %sub3A_593, %lt3A_595 : vector<16xi32>
      %ge3A_597 = arith.constant 25000 : i32
      %ge3A_598 = vector.broadcast %ge3A_597 : i32 to vector<16xi32>
      %ge3A_599 = arith.cmpi sge, %sub3A_593, %ge3A_598 : vector<16xi32>
      %or3A_600 = arith.ori %lt3A_596, %ge3A_599 : vector<16xi1>
      %add3A_601 = arith.constant 25000 : i32
      %add3A_602 = arith.addi %add3A_601, %arg1 : i32
      %broadcast_in_dim3A_603 = vector.broadcast %add3A_602 : i32 to vector<16xi32>
      %select_n3A_604 = arith.select %or3A_600, %broadcast_in_dim3A_603, %sub3A_593 : vector<16xi1>, vector<16xi32>
      %swap3A_605 = arith.constant 80 : index
      %swap3A_606 = tpu.vector_load %arg10[%swap3A_605] {strides = array<i32>} : memref<160xi32, #tpu.memory_space<vmem>>, vector<16xi32>,
      tpu.vector_store %arg10[%swap3A_605], %select_n3A_604 {strides = array<i32>} : memref<160xi32, #tpu.memory_space<vmem>>, vector<16xi32>,
      %get3A_607 = arith.constant 96 : index
      %get3A_608 = tpu.vector_load %arg9[%get3A_607] {strides = array<i32>} : memref<320xi32, #tpu.memory_space<vmem>>, vector<16xi32>,
      %sub3A_609 = vector.broadcast %mul3A_6 : i32 to vector<16xi32>
      %sub3A_610 = arith.subi %get3A_608, %sub3A_609 : vector<16xi32>
      %lt3A_611 = arith.constant 0 : i32
      %lt3A_612 = vector.broadcast %lt3A_611 : i32 to vector<16xi32>
      %lt3A_613 = arith.cmpi slt, %sub3A_610, %lt3A_612 : vector<16xi32>
      %ge3A_614 = arith.constant 25000 : i32
      %ge3A_615 = vector.broadcast %ge3A_614 : i32 to vector<16xi32>
      %ge3A_616 = arith.cmpi sge, %sub3A_610, %ge3A_615 : vector<16xi32>
      %or3A_617 = arith.ori %lt3A_613, %ge3A_616 : vector<16xi1>
      %add3A_618 = arith.constant 25000 : i32
      %add3A_619 = arith.addi %add3A_618, %arg1 : i32
      %broadcast_in_dim3A_620 = vector.broadcast %add3A_619 : i32 to vector<16xi32>
      %select_n3A_621 = arith.select %or3A_617, %broadcast_in_dim3A_620, %sub3A_610 : vector<16xi1>, vector<16xi32>
      %swap3A_622 = arith.constant 96 : index
      %swap3A_623 = tpu.vector_load %arg10[%swap3A_622] {strides = array<i32>} : memref<160xi32, #tpu.memory_space<vmem>>, vector<16xi32>,
      tpu.vector_store %arg10[%swap3A_622], %select_n3A_621 {strides = array<i32>} : memref<160xi32, #tpu.memory_space<vmem>>, vector<16xi32>,
      %get3A_624 = arith.constant 112 : index
      %get3A_625 = tpu.vector_load %arg9[%get3A_624] {strides = array<i32>} : memref<320xi32, #tpu.memory_space<vmem>>, vector<16xi32>,
      %sub3A_626 = vector.broadcast %mul3A_6 : i32 to vector<16xi32>
      %sub3A_627 = arith.subi %get3A_625, %sub3A_626 : vector<16xi32>
      %lt3A_628 = arith.constant 0 : i32
      %lt3A_629 = vector.broadcast %lt3A_628 : i32 to vector<16xi32>
      %lt3A_630 = arith.cmpi slt, %sub3A_627, %lt3A_629 : vector<16xi32>
      %ge3A_631 = arith.constant 25000 : i32
      %ge3A_632 = vector.broadcast %ge3A_631 : i32 to vector<16xi32>
      %ge3A_633 = arith.cmpi sge, %sub3A_627, %ge3A_632 : vector<16xi32>
      %or3A_634 = arith.ori %lt3A_630, %ge3A_633 : vector<16xi1>
      %add3A_635 = arith.constant 25000 : i32
      %add3A_636 = arith.addi %add3A_635, %arg1 : i32
      %broadcast_in_dim3A_637 = vector.broadcast %add3A_636 : i32 to vector<16xi32>
      %select_n3A_638 = arith.select %or3A_634, %broadcast_in_dim3A_637, %sub3A_627 : vector<16xi1>, vector<16xi32>
      %swap3A_639 = arith.constant 112 : index
      %swap3A_640 = tpu.vector_load %arg10[%swap3A_639] {strides = array<i32>} : memref<160xi32, #tpu.memory_space<vmem>>, vector<16xi32>,
      tpu.vector_store %arg10[%swap3A_639], %select_n3A_638 {strides = array<i32>} : memref<160xi32, #tpu.memory_space<vmem>>, vector<16xi32>,
      %get3A_641 = arith.constant 128 : index
      %get3A_642 = tpu.vector_load %arg9[%get3A_641] {strides = array<i32>} : memref<320xi32, #tpu.memory_space<vmem>>, vector<16xi32>,
      %sub3A_643 = vector.broadcast %mul3A_6 : i32 to vector<16xi32>
      %sub3A_644 = arith.subi %get3A_642, %sub3A_643 : vector<16xi32>
      %lt3A_645 = arith.constant 0 : i32
      %lt3A_646 = vector.broadcast %lt3A_645 : i32 to vector<16xi32>
      %lt3A_647 = arith.cmpi slt, %sub3A_644, %lt3A_646 : vector<16xi32>
      %ge3A_648 = arith.constant 25000 : i32
      %ge3A_649 = vector.broadcast %ge3A_648 : i32 to vector<16xi32>
      %ge3A_650 = arith.cmpi sge, %sub3A_644, %ge3A_649 : vector<16xi32>
      %or3A_651 = arith.ori %lt3A_647, %ge3A_650 : vector<16xi1>
      %add3A_652 = arith.constant 25000 : i32
      %add3A_653 = arith.addi %add3A_652, %arg1 : i32
      %broadcast_in_dim3A_654 = vector.broadcast %add3A_653 : i32 to vector<16xi32>
      %select_n3A_655 = arith.select %or3A_651, %broadcast_in_dim3A_654, %sub3A_644 : vector<16xi1>, vector<16xi32>
      %swap3A_656 = arith.constant 128 : index
      %swap3A_657 = tpu.vector_load %arg10[%swap3A_656] {strides = array<i32>} : memref<160xi32, #tpu.memory_space<vmem>>, vector<16xi32>,
      tpu.vector_store %arg10[%swap3A_656], %select_n3A_655 {strides = array<i32>} : memref<160xi32, #tpu.memory_space<vmem>>, vector<16xi32>,
      %get3A_658 = arith.constant 144 : index
      %get3A_659 = tpu.vector_load %arg9[%get3A_658] {strides = array<i32>} : memref<320xi32, #tpu.memory_space<vmem>>, vector<16xi32>,
      %sub3A_660 = vector.broadcast %mul3A_6 : i32 to vector<16xi32>
      %sub3A_661 = arith.subi %get3A_659, %sub3A_660 : vector<16xi32>
      %lt3A_662 = arith.constant 0 : i32
      %lt3A_663 = vector.broadcast %lt3A_662 : i32 to vector<16xi32>
      %lt3A_664 = arith.cmpi slt, %sub3A_661, %lt3A_663 : vector<16xi32>
      %ge3A_665 = arith.constant 25000 : i32
      %ge3A_666 = vector.broadcast %ge3A_665 : i32 to vector<16xi32>
      %ge3A_667 = arith.cmpi sge, %sub3A_661, %ge3A_666 : vector<16xi32>
      %or3A_668 = arith.ori %lt3A_664, %ge3A_667 : vector<16xi1>
      %add3A_669 = arith.constant 25000 : i32
      %add3A_670 = arith.addi %add3A_669, %arg1 : i32
      %broadcast_in_dim3A_671 = vector.broadcast %add3A_670 : i32 to vector<16xi32>
      %select_n3A_672 = arith.select %or3A_668, %broadcast_in_dim3A_671, %sub3A_661 : vector<16xi1>, vector<16xi32>
      %swap3A_673 = arith.constant 144 : index
      %swap3A_674 = tpu.vector_load %arg10[%swap3A_673] {strides = array<i32>} : memref<160xi32, #tpu.memory_space<vmem>>, vector<16xi32>,
      tpu.vector_store %arg10[%swap3A_673], %select_n3A_672 {strides = array<i32>} : memref<160xi32, #tpu.memory_space<vmem>>, vector<16xi32>,
      %dma_wait3A_675 = arith.constant 0 : i32
      %dma_wait3A_676 = tpu.memref_slice %arg7[%dma_wait3A_675] : memref<320xi32, #tpu.memory_space<vmem>> -> memref<160xi32, #tpu.memory_space<vmem>>
      %dma_wait3A_677 = arith.constant 0 : i32
      %dma_wait3A_678 = arith.constant 0 : i32
      %dma_wait3A_679 = tpu.memref_slice %arg2[%dma_wait3A_677, %dma_wait3A_678] : memref<50000x64xf32, #tpu.memory_space<hbm>> -> memref<50000x64xf32, #tpu.memory_space<hbm>>
      tpu.wait_indirect_dma semaphore(%arg16 : memref<!tpu.dma_semaphore, #tpu.memory_space<semaphore_mem>>) src(%dma_wait3A_679 : memref<50000x64xf32, #tpu.memory_space<hbm>>) dst(%arg12 : memref<160x64xf32, #tpu.memory_space<vmem>>)
      %dma_start3A_680 = arith.constant 0 : i32
      %dma_start3A_681 = arith.constant 0 : i32
      %dma_start3A_682 = tpu.memref_slice %arg15[%dma_start3A_680, %dma_start3A_681] : memref<25104x64xf32, #tpu.memory_space<vmem_shared>> -> memref<25104x64xf32, #tpu.memory_space<vmem_shared>>
      tpu.enqueue_indirect_dma source(%arg12 : memref<160x64xf32, #tpu.memory_space<vmem>>) target(%dma_start3A_682 : memref<25104x64xf32, #tpu.memory_space<vmem_shared>>) offsets(%arg10 : memref<160xi32, #tpu.memory_space<vmem>>) semaphore(%arg18 : memref<!tpu.dma_semaphore, #tpu.memory_space<semaphore_mem>>) {add = true}
      %get3A_683 = arith.constant 160 : index
      %get3A_684 = tpu.vector_load %arg9[%get3A_683] {strides = array<i32>} : memref<320xi32, #tpu.memory_space<vmem>>, vector<16xi32>,
      %sub3A_685 = vector.broadcast %mul3A_6 : i32 to vector<16xi32>
      %sub3A_686 = arith.subi %get3A_684, %sub3A_685 : vector<16xi32>
      %lt3A_687 = arith.constant 0 : i32
      %lt3A_688 = vector.broadcast %lt3A_687 : i32 to vector<16xi32>
      %lt3A_689 = arith.cmpi slt, %sub3A_686, %lt3A_688 : vector<16xi32>
      %ge3A_690 = arith.constant 25000 : i32
      %ge3A_691 = vector.broadcast %ge3A_690 : i32 to vector<16xi32>
      %ge3A_692 = arith.cmpi sge, %sub3A_686, %ge3A_691 : vector<16xi32>
      %or3A_693 = arith.ori %lt3A_689, %ge3A_692 : vector<16xi1>
      %add3A_694 = arith.constant 25000 : i32
      %add3A_695 = arith.addi %add3A_694, %arg1 : i32
      %broadcast_in_dim3A_696 = vector.broadcast %add3A_695 : i32 to vector<16xi32>
      %select_n3A_697 = arith.select %or3A_693, %broadcast_in_dim3A_696, %sub3A_686 : vector<16xi1>, vector<16xi32>
      %swap3A_698 = arith.constant 0 : index
      %swap3A_699 = tpu.vector_load %arg11[%swap3A_698] {strides = array<i32>} : memref<160xi32, #tpu.memory_space<vmem>>, vector<16xi32>,
      tpu.vector_store %arg11[%swap3A_698], %select_n3A_697 {strides = array<i32>} : memref<160xi32, #tpu.memory_space<vmem>>, vector<16xi32>,
      %get3A_700 = arith.constant 176 : index
      %get3A_701 = tpu.vector_load %arg9[%get3A_700] {strides = array<i32>} : memref<320xi32, #tpu.memory_space<vmem>>, vector<16xi32>,
      %sub3A_702 = vector.broadcast %mul3A_6 : i32 to vector<16xi32>
      %sub3A_703 = arith.subi %get3A_701, %sub3A_702 : vector<16xi32>
      %lt3A_704 = arith.constant 0 : i32
      %lt3A_705 = vector.broadcast %lt3A_704 : i32 to vector<16xi32>
      %lt3A_706 = arith.cmpi slt, %sub3A_703, %lt3A_705 : vector<16xi32>
      %ge3A_707 = arith.constant 25000 : i32
      %ge3A_708 = vector.broadcast %ge3A_707 : i32 to vector<16xi32>
      %ge3A_709 = arith.cmpi sge, %sub3A_703, %ge3A_708 : vector<16xi32>
      %or3A_710 = arith.ori %lt3A_706, %ge3A_709 : vector<16xi1>
      %add3A_711 = arith.constant 25000 : i32
      %add3A_712 = arith.addi %add3A_711, %arg1 : i32
      %broadcast_in_dim3A_713 = vector.broadcast %add3A_712 : i32 to vector<16xi32>
      %select_n3A_714 = arith.select %or3A_710, %broadcast_in_dim3A_713, %sub3A_703 : vector<16xi1>, vector<16xi32>
      %swap3A_715 = arith.constant 16 : index
      %swap3A_716 = tpu.vector_load %arg11[%swap3A_715] {strides = array<i32>} : memref<160xi32, #tpu.memory_space<vmem>>, vector<16xi32>,
      tpu.vector_store %arg11[%swap3A_715], %select_n3A_714 {strides = array<i32>} : memref<160xi32, #tpu.memory_space<vmem>>, vector<16xi32>,
      %get3A_717 = arith.constant 192 : index
      %get3A_718 = tpu.vector_load %arg9[%get3A_717] {strides = array<i32>} : memref<320xi32, #tpu.memory_space<vmem>>, vector<16xi32>,
      %sub3A_719 = vector.broadcast %mul3A_6 : i32 to vector<16xi32>
      %sub3A_720 = arith.subi %get3A_718, %sub3A_719 : vector<16xi32>
      %lt3A_721 = arith.constant 0 : i32
      %lt3A_722 = vector.broadcast %lt3A_721 : i32 to vector<16xi32>
      %lt3A_723 = arith.cmpi slt, %sub3A_720, %lt3A_722 : vector<16xi32>
      %ge3A_724 = arith.constant 25000 : i32
      %ge3A_725 = vector.broadcast %ge3A_724 : i32 to vector<16xi32>
      %ge3A_726 = arith.cmpi sge, %sub3A_720, %ge3A_725 : vector<16xi32>
      %or3A_727 = arith.ori %lt3A_723, %ge3A_726 : vector<16xi1>
      %add3A_728 = arith.constant 25000 : i32
      %add3A_729 = arith.addi %add3A_728, %arg1 : i32
      %broadcast_in_dim3A_730 = vector.broadcast %add3A_729 : i32 to vector<16xi32>
      %select_n3A_731 = arith.select %or3A_727, %broadcast_in_dim3A_730, %sub3A_720 : vector<16xi1>, vector<16xi32>
      %swap3A_732 = arith.constant 32 : index
      %swap3A_733 = tpu.vector_load %arg11[%swap3A_732] {strides = array<i32>} : memref<160xi32, #tpu.memory_space<vmem>>, vector<16xi32>,
      tpu.vector_store %arg11[%swap3A_732], %select_n3A_731 {strides = array<i32>} : memref<160xi32, #tpu.memory_space<vmem>>, vector<16xi32>,
      %get3A_734 = arith.constant 208 : index
      %get3A_735 = tpu.vector_load %arg9[%get3A_734] {strides = array<i32>} : memref<320xi32, #tpu.memory_space<vmem>>, vector<16xi32>,
      %sub3A_736 = vector.broadcast %mul3A_6 : i32 to vector<16xi32>
      %sub3A_737 = arith.subi %get3A_735, %sub3A_736 : vector<16xi32>
      %lt3A_738 = arith.constant 0 : i32
      %lt3A_739 = vector.broadcast %lt3A_738 : i32 to vector<16xi32>
      %lt3A_740 = arith.cmpi slt, %sub3A_737, %lt3A_739 : vector<16xi32>
      %ge3A_741 = arith.constant 25000 : i32
      %ge3A_742 = vector.broadcast %ge3A_741 : i32 to vector<16xi32>
      %ge3A_743 = arith.cmpi sge, %sub3A_737, %ge3A_742 : vector<16xi32>
      %or3A_744 = arith.ori %lt3A_740, %ge3A_743 : vector<16xi1>
      %add3A_745 = arith.constant 25000 : i32
      %add3A_746 = arith.addi %add3A_745, %arg1 : i32
      %broadcast_in_dim3A_747 = vector.broadcast %add3A_746 : i32 to vector<16xi32>
      %select_n3A_748 = arith.select %or3A_744, %broadcast_in_dim3A_747, %sub3A_737 : vector<16xi1>, vector<16xi32>
      %swap3A_749 = arith.constant 48 : index
      %swap3A_750 = tpu.vector_load %arg11[%swap3A_749] {strides = array<i32>} : memref<160xi32, #tpu.memory_space<vmem>>, vector<16xi32>,
      tpu.vector_store %arg11[%swap3A_749], %select_n3A_748 {strides = array<i32>} : memref<160xi32, #tpu.memory_space<vmem>>, vector<16xi32>,
      %get3A_751 = arith.constant 224 : index
      %get3A_752 = tpu.vector_load %arg9[%get3A_751] {strides = array<i32>} : memref<320xi32, #tpu.memory_space<vmem>>, vector<16xi32>,
      %sub3A_753 = vector.broadcast %mul3A_6 : i32 to vector<16xi32>
      %sub3A_754 = arith.subi %get3A_752, %sub3A_753 : vector<16xi32>
      %lt3A_755 = arith.constant 0 : i32
      %lt3A_756 = vector.broadcast %lt3A_755 : i32 to vector<16xi32>
      %lt3A_757 = arith.cmpi slt, %sub3A_754, %lt3A_756 : vector<16xi32>
      %ge3A_758 = arith.constant 25000 : i32
      %ge3A_759 = vector.broadcast %ge3A_758 : i32 to vector<16xi32>
      %ge3A_760 = arith.cmpi sge, %sub3A_754, %ge3A_759 : vector<16xi32>
      %or3A_761 = arith.ori %lt3A_757, %ge3A_760 : vector<16xi1>
      %add3A_762 = arith.constant 25000 : i32
      %add3A_763 = arith.addi %add3A_762, %arg1 : i32
      %broadcast_in_dim3A_764 = vector.broadcast %add3A_763 : i32 to vector<16xi32>
      %select_n3A_765 = arith.select %or3A_761, %broadcast_in_dim3A_764, %sub3A_754 : vector<16xi1>, vector<16xi32>
      %swap3A_766 = arith.constant 64 : index
      %swap3A_767 = tpu.vector_load %arg11[%swap3A_766] {strides = array<i32>} : memref<160xi32, #tpu.memory_space<vmem>>, vector<16xi32>,
      tpu.vector_store %arg11[%swap3A_766], %select_n3A_765 {strides = array<i32>} : memref<160xi32, #tpu.memory_space<vmem>>, vector<16xi32>,
      %get3A_768 = arith.constant 240 : index
      %get3A_769 = tpu.vector_load %arg9[%get3A_768] {strides = array<i32>} : memref<320xi32, #tpu.memory_space<vmem>>, vector<16xi32>,
      %sub3A_770 = vector.broadcast %mul3A_6 : i32 to vector<16xi32>
      %sub3A_771 = arith.subi %get3A_769, %sub3A_770 : vector<16xi32>
      %lt3A_772 = arith.constant 0 : i32
      %lt3A_773 = vector.broadcast %lt3A_772 : i32 to vector<16xi32>
      %lt3A_774 = arith.cmpi slt, %sub3A_771, %lt3A_773 : vector<16xi32>
      %ge3A_775 = arith.constant 25000 : i32
      %ge3A_776 = vector.broadcast %ge3A_775 : i32 to vector<16xi32>
      %ge3A_777 = arith.cmpi sge, %sub3A_771, %ge3A_776 : vector<16xi32>
      %or3A_778 = arith.ori %lt3A_774, %ge3A_777 : vector<16xi1>
      %add3A_779 = arith.constant 25000 : i32
      %add3A_780 = arith.addi %add3A_779, %arg1 : i32
      %broadcast_in_dim3A_781 = vector.broadcast %add3A_780 : i32 to vector<16xi32>
      %select_n3A_782 = arith.select %or3A_778, %broadcast_in_dim3A_781, %sub3A_771 : vector<16xi1>, vector<16xi32>
      %swap3A_783 = arith.constant 80 : index
      %swap3A_784 = tpu.vector_load %arg11[%swap3A_783] {strides = array<i32>} : memref<160xi32, #tpu.memory_space<vmem>>, vector<16xi32>,
      tpu.vector_store %arg11[%swap3A_783], %select_n3A_782 {strides = array<i32>} : memref<160xi32, #tpu.memory_space<vmem>>, vector<16xi32>,
      %get3A_785 = arith.constant 256 : index
      %get3A_786 = tpu.vector_load %arg9[%get3A_785] {strides = array<i32>} : memref<320xi32, #tpu.memory_space<vmem>>, vector<16xi32>,
      %sub3A_787 = vector.broadcast %mul3A_6 : i32 to vector<16xi32>
      %sub3A_788 = arith.subi %get3A_786, %sub3A_787 : vector<16xi32>
      %lt3A_789 = arith.constant 0 : i32
      %lt3A_790 = vector.broadcast %lt3A_789 : i32 to vector<16xi32>
      %lt3A_791 = arith.cmpi slt, %sub3A_788, %lt3A_790 : vector<16xi32>
      %ge3A_792 = arith.constant 25000 : i32
      %ge3A_793 = vector.broadcast %ge3A_792 : i32 to vector<16xi32>
      %ge3A_794 = arith.cmpi sge, %sub3A_788, %ge3A_793 : vector<16xi32>
      %or3A_795 = arith.ori %lt3A_791, %ge3A_794 : vector<16xi1>
      %add3A_796 = arith.constant 25000 : i32
      %add3A_797 = arith.addi %add3A_796, %arg1 : i32
      %broadcast_in_dim3A_798 = vector.broadcast %add3A_797 : i32 to vector<16xi32>
      %select_n3A_799 = arith.select %or3A_795, %broadcast_in_dim3A_798, %sub3A_788 : vector<16xi1>, vector<16xi32>
      %swap3A_800 = arith.constant 96 : index
      %swap3A_801 = tpu.vector_load %arg11[%swap3A_800] {strides = array<i32>} : memref<160xi32, #tpu.memory_space<vmem>>, vector<16xi32>,
      tpu.vector_store %arg11[%swap3A_800], %select_n3A_799 {strides = array<i32>} : memref<160xi32, #tpu.memory_space<vmem>>, vector<16xi32>,
      %get3A_802 = arith.constant 272 : index
      %get3A_803 = tpu.vector_load %arg9[%get3A_802] {strides = array<i32>} : memref<320xi32, #tpu.memory_space<vmem>>, vector<16xi32>,
      %sub3A_804 = vector.broadcast %mul3A_6 : i32 to vector<16xi32>
      %sub3A_805 = arith.subi %get3A_803, %sub3A_804 : vector<16xi32>
      %lt3A_806 = arith.constant 0 : i32
      %lt3A_807 = vector.broadcast %lt3A_806 : i32 to vector<16xi32>
      %lt3A_808 = arith.cmpi slt, %sub3A_805, %lt3A_807 : vector<16xi32>
      %ge3A_809 = arith.constant 25000 : i32
      %ge3A_810 = vector.broadcast %ge3A_809 : i32 to vector<16xi32>
      %ge3A_811 = arith.cmpi sge, %sub3A_805, %ge3A_810 : vector<16xi32>
      %or3A_812 = arith.ori %lt3A_808, %ge3A_811 : vector<16xi1>
      %add3A_813 = arith.constant 25000 : i32
      %add3A_814 = arith.addi %add3A_813, %arg1 : i32
      %broadcast_in_dim3A_815 = vector.broadcast %add3A_814 : i32 to vector<16xi32>
      %select_n3A_816 = arith.select %or3A_812, %broadcast_in_dim3A_815, %sub3A_805 : vector<16xi1>, vector<16xi32>
      %swap3A_817 = arith.constant 112 : index
      %swap3A_818 = tpu.vector_load %arg11[%swap3A_817] {strides = array<i32>} : memref<160xi32, #tpu.memory_space<vmem>>, vector<16xi32>,
      tpu.vector_store %arg11[%swap3A_817], %select_n3A_816 {strides = array<i32>} : memref<160xi32, #tpu.memory_space<vmem>>, vector<16xi32>,
      %get3A_819 = arith.constant 288 : index
      %get3A_820 = tpu.vector_load %arg9[%get3A_819] {strides = array<i32>} : memref<320xi32, #tpu.memory_space<vmem>>, vector<16xi32>,
      %sub3A_821 = vector.broadcast %mul3A_6 : i32 to vector<16xi32>
      %sub3A_822 = arith.subi %get3A_820, %sub3A_821 : vector<16xi32>
      %lt3A_823 = arith.constant 0 : i32
      %lt3A_824 = vector.broadcast %lt3A_823 : i32 to vector<16xi32>
      %lt3A_825 = arith.cmpi slt, %sub3A_822, %lt3A_824 : vector<16xi32>
      %ge3A_826 = arith.constant 25000 : i32
      %ge3A_827 = vector.broadcast %ge3A_826 : i32 to vector<16xi32>
      %ge3A_828 = arith.cmpi sge, %sub3A_822, %ge3A_827 : vector<16xi32>
      %or3A_829 = arith.ori %lt3A_825, %ge3A_828 : vector<16xi1>
      %add3A_830 = arith.constant 25000 : i32
      %add3A_831 = arith.addi %add3A_830, %arg1 : i32
      %broadcast_in_dim3A_832 = vector.broadcast %add3A_831 : i32 to vector<16xi32>
      %select_n3A_833 = arith.select %or3A_829, %broadcast_in_dim3A_832, %sub3A_822 : vector<16xi1>, vector<16xi32>
      %swap3A_834 = arith.constant 128 : index
      %swap3A_835 = tpu.vector_load %arg11[%swap3A_834] {strides = array<i32>} : memref<160xi32, #tpu.memory_space<vmem>>, vector<16xi32>,
      tpu.vector_store %arg11[%swap3A_834], %select_n3A_833 {strides = array<i32>} : memref<160xi32, #tpu.memory_space<vmem>>, vector<16xi32>,
      %get3A_836 = arith.constant 304 : index
      %get3A_837 = tpu.vector_load %arg9[%get3A_836] {strides = array<i32>} : memref<320xi32, #tpu.memory_space<vmem>>, vector<16xi32>,
      %sub3A_838 = vector.broadcast %mul3A_6 : i32 to vector<16xi32>
      %sub3A_839 = arith.subi %get3A_837, %sub3A_838 : vector<16xi32>
      %lt3A_840 = arith.constant 0 : i32
      %lt3A_841 = vector.broadcast %lt3A_840 : i32 to vector<16xi32>
      %lt3A_842 = arith.cmpi slt, %sub3A_839, %lt3A_841 : vector<16xi32>
      %ge3A_843 = arith.constant 25000 : i32
      %ge3A_844 = vector.broadcast %ge3A_843 : i32 to vector<16xi32>
      %ge3A_845 = arith.cmpi sge, %sub3A_839, %ge3A_844 : vector<16xi32>
      %or3A_846 = arith.ori %lt3A_842, %ge3A_845 : vector<16xi1>
      %add3A_847 = arith.constant 25000 : i32
      %add3A_848 = arith.addi %add3A_847, %arg1 : i32
      %broadcast_in_dim3A_849 = vector.broadcast %add3A_848 : i32 to vector<16xi32>
      %select_n3A_850 = arith.select %or3A_846, %broadcast_in_dim3A_849, %sub3A_839 : vector<16xi1>, vector<16xi32>
      %swap3A_851 = arith.constant 144 : index
      %swap3A_852 = tpu.vector_load %arg11[%swap3A_851] {strides = array<i32>} : memref<160xi32, #tpu.memory_space<vmem>>, vector<16xi32>,
      tpu.vector_store %arg11[%swap3A_851], %select_n3A_850 {strides = array<i32>} : memref<160xi32, #tpu.memory_space<vmem>>, vector<16xi32>,
      %dma_wait3A_853 = arith.constant 160 : i32
      %dma_wait3A_854 = tpu.memref_slice %arg7[%dma_wait3A_853] : memref<320xi32, #tpu.memory_space<vmem>> -> memref<160xi32, #tpu.memory_space<vmem>>
      %dma_wait3A_855 = arith.constant 0 : i32
      %dma_wait3A_856 = arith.constant 0 : i32
      %dma_wait3A_857 = tpu.memref_slice %arg2[%dma_wait3A_855, %dma_wait3A_856] : memref<50000x64xf32, #tpu.memory_space<hbm>> -> memref<50000x64xf32, #tpu.memory_space<hbm>>
      tpu.wait_indirect_dma semaphore(%arg17 : memref<!tpu.dma_semaphore, #tpu.memory_space<semaphore_mem>>) src(%dma_wait3A_857 : memref<50000x64xf32, #tpu.memory_space<hbm>>) dst(%arg13 : memref<160x64xf32, #tpu.memory_space<vmem>>)
      %dma_start3A_858 = arith.constant 0 : i32
      %dma_start3A_859 = arith.constant 0 : i32
      %dma_start3A_860 = tpu.memref_slice %arg15[%dma_start3A_858, %dma_start3A_859] : memref<25104x64xf32, #tpu.memory_space<vmem_shared>> -> memref<25104x64xf32, #tpu.memory_space<vmem_shared>>
      tpu.enqueue_indirect_dma source(%arg13 : memref<160x64xf32, #tpu.memory_space<vmem>>) target(%dma_start3A_860 : memref<25104x64xf32, #tpu.memory_space<vmem_shared>>) offsets(%arg11 : memref<160xi32, #tpu.memory_space<vmem>>) semaphore(%arg19 : memref<!tpu.dma_semaphore, #tpu.memory_space<semaphore_mem>>) {add = true}
      %add3A_861 = arith.constant 2 : i32
      %add3A_862 = arith.addi %add3A_476, %add3A_861 : i32
      %lt3A_863 = arith.constant 160 : i32
      %lt3A_864 = arith.cmpi slt, %add3A_862, %lt3A_863 : i32
      %convert_element_type3A_865 = arith.extui %lt3A_864 : i1 to i32
      %cond3A_866 = arith.constant 0 : i32
      %cond3A_867 = arith.cmpi ne, %convert_element_type3A_865, %cond3A_866 : i32
      scf.if %cond3A_867 {
        %add3A_868 = arith.constant 2 : i32
        %add3A_869 = arith.addi %add3A_476, %add3A_868 : i32
        %mul3A_870 = arith.constant 160 : i32
        %mul3A_871 = arith.muli %arg1, %mul3A_870 : i32
        %add3A_872 = arith.addi %mul3A_871, %add3A_869 : i32
        %mul3A_873 = arith.constant 320 : i32
        %mul3A_874 = arith.muli %add3A_872, %mul3A_873 : i32
        %dma_start3A_875 = tpu.memref_slice %arg3[%mul3A_874] : memref<819200xi32, #tpu.memory_space<hbm>> -> memref<320xi32, #tpu.memory_space<hbm>>
        %dma_start3A_876 = tpu.memref_slice %arg3[%mul3A_874] : memref<819200xi32, #tpu.memory_space<hbm>> -> memref<320xi32, #tpu.memory_space<hbm>>
        tpu.enqueue_dma source(%dma_start3A_876 : memref<320xi32, #tpu.memory_space<hbm>>) target(%arg7 : memref<320xi32, #tpu.memory_space<vmem>>) target_semaphore(%arg21 : memref<!tpu.dma_semaphore, #tpu.memory_space<semaphore_mem>>)
        %mul3A_877 = arith.constant 160 : i32
        %mul3A_878 = arith.muli %arg1, %mul3A_877 : i32
        %add3A_879 = arith.addi %mul3A_878, %add3A_869 : i32
        %mul3A_880 = arith.constant 320 : i32
        %mul3A_881 = arith.muli %add3A_879, %mul3A_880 : i32
        %dma_start3A_882 = tpu.memref_slice %arg4[%mul3A_881] : memref<819200xi32, #tpu.memory_space<hbm>> -> memref<320xi32, #tpu.memory_space<hbm>>
        %dma_start3A_883 = tpu.memref_slice %arg4[%mul3A_881] : memref<819200xi32, #tpu.memory_space<hbm>> -> memref<320xi32, #tpu.memory_space<hbm>>
        tpu.enqueue_dma source(%dma_start3A_883 : memref<320xi32, #tpu.memory_space<hbm>>) target(%arg9 : memref<320xi32, #tpu.memory_space<vmem>>) target_semaphore(%arg21 : memref<!tpu.dma_semaphore, #tpu.memory_space<semaphore_mem>>)
      } else {
      }
    }
    %scan3A_70 = arith.constant 80 : i32
    %dma_wait3A = arith.constant 0 : i32
    %dma_wait3A_71 = arith.constant 0 : i32
    %dma_wait3A_72 = tpu.memref_slice %arg15[%dma_wait3A, %dma_wait3A_71] : memref<25104x64xf32, #tpu.memory_space<vmem_shared>> -> memref<25104x64xf32, #tpu.memory_space<vmem_shared>>
    tpu.wait_indirect_dma semaphore(%arg18 : memref<!tpu.dma_semaphore, #tpu.memory_space<semaphore_mem>>) src(%arg12 : memref<160x64xf32, #tpu.memory_space<vmem>>) dst(%dma_wait3A_72 : memref<25104x64xf32, #tpu.memory_space<vmem_shared>>)
    %dma_wait3A_73 = arith.constant 0 : i32
    %dma_wait3A_74 = arith.constant 0 : i32
    %dma_wait3A_75 = tpu.memref_slice %arg15[%dma_wait3A_73, %dma_wait3A_74] : memref<25104x64xf32, #tpu.memory_space<vmem_shared>> -> memref<25104x64xf32, #tpu.memory_space<vmem_shared>>
    tpu.wait_indirect_dma semaphore(%arg19 : memref<!tpu.dma_semaphore, #tpu.memory_space<semaphore_mem>>) src(%arg13 : memref<160x64xf32, #tpu.memory_space<vmem>>) dst(%dma_wait3A_75 : memref<25104x64xf32, #tpu.memory_space<vmem_shared>>)
    %barrier3A_76 = arith.constant 0 : index
    tpu.barrier barrier_id(%barrier3A_76)
    %lt3A = arith.constant 8 : i32
    %lt3A_77 = arith.cmpi slt, %arg1, %lt3A : i32
    %convert_element_type3A = arith.extui %lt3A_77 : i1 to i32
    %cond3A = arith.constant 0 : i32
    %cond3A_78 = arith.cmpi ne, %convert_element_type3A, %cond3A : i32
    scf.if %cond3A_78 {
      %mul3A_83 = arith.constant 1563 : i32
      %mul3A_84 = arith.muli %arg1, %mul3A_83 : i32
      "tpu.region"() ({
        %run_scoped3A = tpu.sem_alloc : memref<!tpu.dma_semaphore, #tpu.memory_space<semaphore_mem>>
        %dma_start3A_85 = arith.constant 0 : i32
        %dma_start3A_86 = tpu.memref_slice %arg5[%arg0, %mul3A_84, %dma_start3A_85] : memref<2x25088x64xf32, #tpu.memory_space<hbm>> -> memref<1x1563x64xf32, #tpu.memory_space<hbm>>
        %dma_start3A_87 = tpu.memref_squeeze %dma_start3A_86 : memref<1x1563x64xf32, #tpu.memory_space<hbm>> -> memref<1563x64xf32, #tpu.memory_space<hbm>>
        %dma_start3A_88 = arith.constant 0 : i32
        %dma_start3A_89 = tpu.memref_slice %arg15[%mul3A_84, %dma_start3A_88] : memref<25104x64xf32, #tpu.memory_space<vmem_shared>> -> memref<1563x64xf32, #tpu.memory_space<vmem_shared>>
        tpu.enqueue_dma source(%dma_start3A_89 : memref<1563x64xf32, #tpu.memory_space<vmem_shared>>) target(%dma_start3A_87 : memref<1563x64xf32, #tpu.memory_space<hbm>>) target_semaphore(%run_scoped3A : memref<!tpu.dma_semaphore, #tpu.memory_space<semaphore_mem>>)
        %dma_wait3A_90 = arith.constant 0 : i32
        %dma_wait3A_91 = tpu.memref_slice %arg5[%arg0, %mul3A_84, %dma_wait3A_90] : memref<2x25088x64xf32, #tpu.memory_space<hbm>> -> memref<1x1563x64xf32, #tpu.memory_space<hbm>>
        %dma_wait3A_92 = tpu.memref_squeeze %dma_wait3A_91 : memref<1x1563x64xf32, #tpu.memory_space<hbm>> -> memref<1563x64xf32, #tpu.memory_space<hbm>>
        %dma_wait3A_93 = arith.constant 0 : i32
        %dma_wait3A_94 = tpu.memref_slice %arg15[%mul3A_84, %dma_wait3A_93] : memref<25104x64xf32, #tpu.memory_space<vmem_shared>> -> memref<1563x64xf32, #tpu.memory_space<vmem_shared>>
        tpu.wait_dma2 semaphore(%run_scoped3A : memref<!tpu.dma_semaphore, #tpu.memory_space<semaphore_mem>>) src(%dma_wait3A_94 : memref<1563x64xf32, #tpu.memory_space<vmem_shared>>) dst(%dma_wait3A_92 : memref<1563x64xf32, #tpu.memory_space<hbm>>)
        tpu.yield
      }) : () -> ()
    } else {
    }
    %ge3A = arith.constant 8 : i32
    %ge3A_79 = arith.cmpi sge, %arg1, %ge3A : i32
    %convert_element_type3A_80 = arith.extui %ge3A_79 : i1 to i32
    %cond3A_81 = arith.constant 0 : i32
    %cond3A_82 = arith.cmpi ne, %convert_element_type3A_80, %cond3A_81 : i32
    scf.if %cond3A_82 {
      %sub3A = arith.constant 8 : i32
      %sub3A_83 = arith.subi %arg1, %sub3A : i32
      %mul3A_84 = arith.constant 1562 : i32
      %mul3A_85 = arith.muli %sub3A_83, %mul3A_84 : i32
      %add3A_86 = arith.constant 12504 : i32
      %add3A_87 = arith.addi %add3A_86, %mul3A_85 : i32
      "tpu.region"() ({
        %run_scoped3A = tpu.sem_alloc : memref<!tpu.dma_semaphore, #tpu.memory_space<semaphore_mem>>
        %dma_start3A_88 = arith.constant 0 : i32
        %dma_start3A_89 = tpu.memref_slice %arg5[%arg0, %add3A_87, %dma_start3A_88] : memref<2x25088x64xf32, #tpu.memory_space<hbm>> -> memref<1x1562x64xf32, #tpu.memory_space<hbm>>
        %dma_start3A_90 = tpu.memref_squeeze %dma_start3A_89 : memref<1x1562x64xf32, #tpu.memory_space<hbm>> -> memref<1562x64xf32, #tpu.memory_space<hbm>>
        %dma_start3A_91 = arith.constant 0 : i32
        %dma_start3A_92 = tpu.memref_slice %arg15[%add3A_87, %dma_start3A_91] : memref<25104x64xf32, #tpu.memory_space<vmem_shared>> -> memref<1562x64xf32, #tpu.memory_space<vmem_shared>>
        tpu.enqueue_dma source(%dma_start3A_92 : memref<1562x64xf32, #tpu.memory_space<vmem_shared>>) target(%dma_start3A_90 : memref<1562x64xf32, #tpu.memory_space<hbm>>) target_semaphore(%run_scoped3A : memref<!tpu.dma_semaphore, #tpu.memory_space<semaphore_mem>>)
        %dma_wait3A_93 = arith.constant 0 : i32
        %dma_wait3A_94 = tpu.memref_slice %arg5[%arg0, %add3A_87, %dma_wait3A_93] : memref<2x25088x64xf32, #tpu.memory_space<hbm>> -> memref<1x1562x64xf32, #tpu.memory_space<hbm>>
        %dma_wait3A_95 = tpu.memref_squeeze %dma_wait3A_94 : memref<1x1562x64xf32, #tpu.memory_space<hbm>> -> memref<1562x64xf32, #tpu.memory_space<hbm>>
        %dma_wait3A_96 = arith.constant 0 : i32
        %dma_wait3A_97 = tpu.memref_slice %arg15[%add3A_87, %dma_wait3A_96] : memref<25104x64xf32, #tpu.memory_space<vmem_shared>> -> memref<1562x64xf32, #tpu.memory_space<vmem_shared>>
        tpu.wait_dma2 semaphore(%run_scoped3A : memref<!tpu.dma_semaphore, #tpu.memory_space<semaphore_mem>>) src(%dma_wait3A_97 : memref<1562x64xf32, #tpu.memory_space<vmem_shared>>) dst(%dma_wait3A_95 : memref<1562x64xf32, #tpu.memory_space<hbm>>)
        tpu.yield
      }) : () -> ()
    } else {
    }
    return
  }
}

module attributes {stable_mosaic.version = 14 : i64} {
  func.func @_pre_body(%arg0: i32, %arg1: memref<5000x1xi32, #tpu.memory_space<vmem>>, %arg2: memref<104x64xf32, #tpu.memory_space<vmem>>, %arg3: memref<64x64xf32, #tpu.memory_space<vmem>>, %arg4: memref<5000x64xf32, #tpu.memory_space<vmem>>, %arg5: memref<5000x64xf32, #tpu.memory_space<vmem>>) attributes {dimension_semantics = [#tpu.dimension_semantics<arbitrary>], iteration_bounds = array<i64: 10>, scalar_prefetch = 0 : i64, scratch_operands = 0 : i64, tpu.core_type = #tpu.core_type<tc>, window_params = [{transform_indices = @transform_0, window_bounds = array<i64: 5000, 1>}, {pipeline_mode = #tpu.pipeline_mode<synchronous>, transform_indices = @transform_1, window_bounds = array<i64: 104, 64>}, {pipeline_mode = #tpu.pipeline_mode<synchronous>, transform_indices = @transform_2, window_bounds = array<i64: 64, 64>}, {transform_indices = @transform_3, window_bounds = array<i64: 5000, 64>}, {transform_indices = @transform_4, window_bounds = array<i64: 5000, 64>}]} {
    %get3A = arith.constant 0 : index
    %get3A_0 = arith.constant 0 : index
    %get3A_1 = vector.load %arg1[%get3A, %get3A_0] : memref<5000x1xi32, #tpu.memory_space<vmem>>, vector<5000x1xi32>
    %iota3A = tpu.iota {dimensions = array<i32: 1>} : vector<1x104xi32>
    %eq3A = vector.broadcast %get3A_1 : vector<5000x1xi32> to vector<5000x104xi32>
    %eq3A_2 = vector.broadcast %iota3A : vector<1x104xi32> to vector<5000x104xi32>
    %eq3A_3 = arith.cmpi eq, %eq3A, %eq3A_2 : vector<5000x104xi32>
    %convert_element_type3A = arith.extui %eq3A_3 : vector<5000x104xi1> to vector<5000x104xi32>
    %convert_element_type3A_4 = arith.sitofp %convert_element_type3A : vector<5000x104xi32> to vector<5000x104xf32>
    %get3A_5 = arith.constant 0 : index
    %get3A_6 = arith.constant 0 : index
    %get3A_7 = vector.load %arg2[%get3A_5, %get3A_6] : memref<104x64xf32, #tpu.memory_space<vmem>>, vector<104x64xf32>
    %dot_general3A = arith.constant dense<0.000000e+00> : vector<5000x64xf32>
    %dot_general3A_8 = tpu.matmul %convert_element_type3A_4, %get3A_7, %dot_general3A {dimension_numbers = #tpu.dot_dimension_numbers<[1], [0], [0], [1], [0, 0, 1, 1], [], []>, transpose_lhs_hint = false} : vector<5000x104xf32>, vector<104x64xf32>, vector<5000x64xf32> -> vector<5000x64xf32>
    %swap3A = arith.constant 0 : index
    %swap3A_9 = arith.constant 0 : index
    %swap3A_10 = vector.load %arg4[%swap3A, %swap3A_9] : memref<5000x64xf32, #tpu.memory_space<vmem>>, vector<5000x64xf32>
    tpu.vector_store %arg4[%swap3A, %swap3A_9], %dot_general3A_8 {strides = array<i32>} : memref<5000x64xf32, #tpu.memory_space<vmem>>, vector<5000x64xf32>,
    %get3A_11 = arith.constant 0 : index
    %get3A_12 = arith.constant 0 : index
    %get3A_13 = vector.load %arg3[%get3A_11, %get3A_12] : memref<64x64xf32, #tpu.memory_space<vmem>>, vector<64x64xf32>
    %dot_general3A_14 = arith.constant dense<0.000000e+00> : vector<5000x64xf32>
    %dot_general3A_15 = tpu.matmul %dot_general3A_8, %get3A_13, %dot_general3A_14 {dimension_numbers = #tpu.dot_dimension_numbers<[1], [0], [0], [1], [0, 0, 1, 1], [], []>, transpose_lhs_hint = false} : vector<5000x64xf32>, vector<64x64xf32>, vector<5000x64xf32> -> vector<5000x64xf32>
    %swap3A_16 = arith.constant 0 : index
    %swap3A_17 = arith.constant 0 : index
    %swap3A_18 = vector.load %arg5[%swap3A_16, %swap3A_17] : memref<5000x64xf32, #tpu.memory_space<vmem>>, vector<5000x64xf32>
    tpu.vector_store %arg5[%swap3A_16, %swap3A_17], %dot_general3A_15 {strides = array<i32>} : memref<5000x64xf32, #tpu.memory_space<vmem>>, vector<5000x64xf32>,
    return
  }
  func.func @transform_0(%arg0: i32) -> (i32, i32) {
    %c0_i32 = arith.constant 0 : i32
    %c0_i32_0 = arith.constant 0 : i32
    return %arg0, %c0_i32 : i32, i32
  }
  func.func @transform_1(%arg0: i32) -> (i32, i32) {
    %c0_i32 = arith.constant 0 : i32
    %c0_i32_0 = arith.constant 0 : i32
    %c0_i32_1 = arith.constant 0 : i32
    return %c0_i32, %c0_i32_0 : i32, i32
  }
  func.func @transform_2(%arg0: i32) -> (i32, i32) {
    %c0_i32 = arith.constant 0 : i32
    %c0_i32_0 = arith.constant 0 : i32
    %c0_i32_1 = arith.constant 0 : i32
    return %c0_i32, %c0_i32_0 : i32, i32
  }
  func.func @transform_3(%arg0: i32) -> (i32, i32) {
    %c0_i32 = arith.constant 0 : i32
    %c0_i32_0 = arith.constant 0 : i32
    return %arg0, %c0_i32 : i32, i32
  }
  func.func @transform_4(%arg0: i32) -> (i32, i32) {
    %c0_i32 = arith.constant 0 : i32
    %c0_i32_0 = arith.constant 0 : i32
    return %arg0, %c0_i32 : i32, i32
  }
}

module attributes {stable_mosaic.version = 14 : i64} {
  func.func @_gru_body(%arg0: i32, %arg1: memref<5000x64xf32, #tpu.memory_space<vmem>>, %arg2: memref<1x5000x64xf32, #tpu.memory_space<vmem>>, %arg3: memref<64x192xf32, #tpu.memory_space<vmem>>, %arg4: memref<64x192xf32, #tpu.memory_space<vmem>>, %arg5: memref<1x128xf32, #tpu.memory_space<vmem>>, %arg6: memref<1x64xf32, #tpu.memory_space<vmem>>, %arg7: memref<1x64xf32, #tpu.memory_space<vmem>>, %arg8: memref<64x64xf32, #tpu.memory_space<vmem>>, %arg9: memref<5000x64xf32, #tpu.memory_space<vmem>>, %arg10: memref<5000x64xf32, #tpu.memory_space<vmem>>) attributes {dimension_semantics = [#tpu.dimension_semantics<arbitrary>], iteration_bounds = array<i64: 10>, scalar_prefetch = 0 : i64, scratch_operands = 0 : i64, tpu.core_type = #tpu.core_type<tc>, window_params = [{transform_indices = @transform_0, window_bounds = array<i64: 5000, 64>}, {transform_indices = @transform_1, window_bounds = array<i64: 1, 5000, 64>}, {pipeline_mode = #tpu.pipeline_mode<synchronous>, transform_indices = @transform_2, window_bounds = array<i64: 64, 192>}, {pipeline_mode = #tpu.pipeline_mode<synchronous>, transform_indices = @transform_3, window_bounds = array<i64: 64, 192>}, {pipeline_mode = #tpu.pipeline_mode<synchronous>, transform_indices = @transform_4, window_bounds = array<i64: 1, 128>}, {pipeline_mode = #tpu.pipeline_mode<synchronous>, transform_indices = @transform_5, window_bounds = array<i64: 1, 64>}, {pipeline_mode = #tpu.pipeline_mode<synchronous>, transform_indices = @transform_6, window_bounds = array<i64: 1, 64>}, {pipeline_mode = #tpu.pipeline_mode<synchronous>, transform_indices = @transform_7, window_bounds = array<i64: 64, 64>}, {transform_indices = @transform_8, window_bounds = array<i64: 5000, 64>}, {transform_indices = @transform_9, window_bounds = array<i64: 5000, 64>}]} {
    %get3A = arith.constant 0 : index
    %get3A_0 = arith.constant 0 : index
    %get3A_1 = vector.load %arg1[%get3A, %get3A_0] : memref<5000x64xf32, #tpu.memory_space<vmem>>, vector<5000x64xf32>
    %get3A_2 = arith.constant 0 : index
    %get3A_3 = arith.constant 0 : index
    %get3A_4 = arith.constant 0 : index
    %get3A_5 = vector.load %arg2[%get3A_2, %get3A_3, %get3A_4] : memref<1x5000x64xf32, #tpu.memory_space<vmem>>, vector<1x5000x64xf32>
    %get3A_6 = vector.shape_cast %get3A_5 : vector<1x5000x64xf32> to vector<5000x64xf32>
    %get3A_7 = arith.constant 0 : index
    %get3A_8 = arith.constant 0 : index
    %get3A_9 = vector.load %arg3[%get3A_7, %get3A_8] : memref<64x192xf32, #tpu.memory_space<vmem>>, vector<64x192xf32>
    %dot_general3A = arith.constant dense<0.000000e+00> : vector<5000x192xf32>
    %dot_general3A_10 = tpu.matmul %get3A_6, %get3A_9, %dot_general3A {dimension_numbers = #tpu.dot_dimension_numbers<[1], [0], [0], [1], [0, 0, 1, 1], [], []>, transpose_lhs_hint = false} : vector<5000x64xf32>, vector<64x192xf32>, vector<5000x192xf32> -> vector<5000x192xf32>
    %get3A_11 = arith.constant 0 : index
    %get3A_12 = arith.constant 0 : index
    %get3A_13 = vector.load %arg4[%get3A_11, %get3A_12] : memref<64x192xf32, #tpu.memory_space<vmem>>, vector<64x192xf32>
    %dot_general3A_14 = arith.constant dense<0.000000e+00> : vector<5000x192xf32>
    %dot_general3A_15 = tpu.matmul %get3A_1, %get3A_13, %dot_general3A_14 {dimension_numbers = #tpu.dot_dimension_numbers<[1], [0], [0], [1], [0, 0, 1, 1], [], []>, transpose_lhs_hint = false} : vector<5000x64xf32>, vector<64x192xf32>, vector<5000x192xf32> -> vector<5000x192xf32>
    %slice3A = vector.extract_strided_slice %dot_general3A_10 {offsets = [0, 0], sizes = [5000, 128], strides = [1, 1]} : vector<5000x192xf32> to vector<5000x128xf32>
    %slice3A_16 = vector.extract_strided_slice %dot_general3A_15 {offsets = [0, 0], sizes = [5000, 128], strides = [1, 1]} : vector<5000x192xf32> to vector<5000x128xf32>
    %add3A = arith.addf %slice3A, %slice3A_16 : vector<5000x128xf32>
    %get3A_17 = arith.constant 0 : index
    %get3A_18 = arith.constant 0 : index
    %get3A_19 = vector.load %arg5[%get3A_17, %get3A_18] : memref<1x128xf32, #tpu.memory_space<vmem>>, vector<1x128xf32>
    %add3A_20 = vector.broadcast %get3A_19 : vector<1x128xf32> to vector<5000x128xf32>
    %add3A_21 = arith.addf %add3A, %add3A_20 : vector<5000x128xf32>
    %logistic3A = arith.negf %add3A_21 : vector<5000x128xf32>
    %logistic3A_22 = math.exp %logistic3A : vector<5000x128xf32>
    %logistic3A_23 = arith.constant 1.000000e+00 : f32
    %logistic3A_24 = vector.broadcast %logistic3A_23 : f32 to vector<5000x128xf32>
    %logistic3A_25 = arith.addf %logistic3A_24, %logistic3A_22 : vector<5000x128xf32>
    %logistic3A_26 = arith.divf %logistic3A_24, %logistic3A_25 : vector<5000x128xf32>
    %slice3A_27 = vector.extract_strided_slice %logistic3A_26 {offsets = [0, 0], sizes = [5000, 64], strides = [1, 1]} : vector<5000x128xf32> to vector<5000x64xf32>
    %slice3A_28 = vector.extract_strided_slice %logistic3A_26 {offsets = [0, 64], sizes = [5000, 64], strides = [1, 1]} : vector<5000x128xf32> to vector<5000x64xf32>
    %slice3A_29 = vector.extract_strided_slice %dot_general3A_10 {offsets = [0, 128], sizes = [5000, 64], strides = [1, 1]} : vector<5000x192xf32> to vector<5000x64xf32>
    %get3A_30 = arith.constant 0 : index
    %get3A_31 = arith.constant 0 : index
    %get3A_32 = vector.load %arg6[%get3A_30, %get3A_31] : memref<1x64xf32, #tpu.memory_space<vmem>>, vector<1x64xf32>
    %add3A_33 = vector.broadcast %get3A_32 : vector<1x64xf32> to vector<5000x64xf32>
    %add3A_34 = arith.addf %slice3A_29, %add3A_33 : vector<5000x64xf32>
    %slice3A_35 = vector.extract_strided_slice %dot_general3A_15 {offsets = [0, 128], sizes = [5000, 64], strides = [1, 1]} : vector<5000x192xf32> to vector<5000x64xf32>
    %get3A_36 = arith.constant 0 : index
    %get3A_37 = arith.constant 0 : index
    %get3A_38 = vector.load %arg7[%get3A_36, %get3A_37] : memref<1x64xf32, #tpu.memory_space<vmem>>, vector<1x64xf32>
    %add3A_39 = vector.broadcast %get3A_38 : vector<1x64xf32> to vector<5000x64xf32>
    %add3A_40 = arith.addf %slice3A_35, %add3A_39 : vector<5000x64xf32>
    %mul3A = arith.mulf %slice3A_27, %add3A_40 : vector<5000x64xf32>
    %add3A_41 = arith.addf %add3A_34, %mul3A : vector<5000x64xf32>
    %tanh3A = math.tanh %add3A_41 : vector<5000x64xf32>
    %sub3A = arith.constant 1.000000e+00 : f32
    %sub3A_42 = vector.broadcast %sub3A : f32 to vector<5000x64xf32>
    %sub3A_43 = arith.subf %sub3A_42, %slice3A_28 : vector<5000x64xf32>
    %mul3A_44 = arith.mulf %sub3A_43, %tanh3A : vector<5000x64xf32>
    %mul3A_45 = arith.mulf %slice3A_28, %get3A_1 : vector<5000x64xf32>
    %add3A_46 = arith.addf %mul3A_44, %mul3A_45 : vector<5000x64xf32>
    %max3A = arith.constant 0.000000e+00 : f32
    %max3A_47 = vector.broadcast %max3A : f32 to vector<5000x64xf32>
    %max3A_48 = arith.maximumf %add3A_46, %max3A_47 : vector<5000x64xf32>
    %swap3A = arith.constant 0 : index
    %swap3A_49 = arith.constant 0 : index
    %swap3A_50 = vector.load %arg9[%swap3A, %swap3A_49] : memref<5000x64xf32, #tpu.memory_space<vmem>>, vector<5000x64xf32>
    tpu.vector_store %arg9[%swap3A, %swap3A_49], %max3A_48 {strides = array<i32>} : memref<5000x64xf32, #tpu.memory_space<vmem>>, vector<5000x64xf32>,
    %get3A_51 = arith.constant 0 : index
    %get3A_52 = arith.constant 0 : index
    %get3A_53 = vector.load %arg8[%get3A_51, %get3A_52] : memref<64x64xf32, #tpu.memory_space<vmem>>, vector<64x64xf32>
    %dot_general3A_54 = arith.constant dense<0.000000e+00> : vector<5000x64xf32>
    %dot_general3A_55 = tpu.matmul %max3A_48, %get3A_53, %dot_general3A_54 {dimension_numbers = #tpu.dot_dimension_numbers<[1], [0], [0], [1], [0, 0, 1, 1], [], []>, transpose_lhs_hint = false} : vector<5000x64xf32>, vector<64x64xf32>, vector<5000x64xf32> -> vector<5000x64xf32>
    %swap3A_56 = arith.constant 0 : index
    %swap3A_57 = arith.constant 0 : index
    %swap3A_58 = vector.load %arg10[%swap3A_56, %swap3A_57] : memref<5000x64xf32, #tpu.memory_space<vmem>>, vector<5000x64xf32>
    tpu.vector_store %arg10[%swap3A_56, %swap3A_57], %dot_general3A_55 {strides = array<i32>} : memref<5000x64xf32, #tpu.memory_space<vmem>>, vector<5000x64xf32>,
    return
  }
  func.func @transform_0(%arg0: i32) -> (i32, i32) {
    %c0_i32 = arith.constant 0 : i32
    %c0_i32_0 = arith.constant 0 : i32
    return %arg0, %c0_i32 : i32, i32
  }
  func.func @transform_1(%arg0: i32) -> (i32, i32, i32) {
    %jit3A = arith.constant 5 : i32
    %div3A = arith.divsi %arg0, %jit3A : i32
    %sign3A = arith.constant 0 : i32
    %sign3A_0 = arith.cmpi sgt, %arg0, %sign3A : i32
    %sign3A_1 = arith.extui %sign3A_0 : i1 to i32
    %sign3A_2 = arith.constant 0 : i32
    %sign3A_3 = arith.cmpi slt, %arg0, %sign3A_2 : i32
    %sign3A_4 = arith.extui %sign3A_3 : i1 to i32
    %sign3A_5 = arith.subi %sign3A_1, %sign3A_4 : i32
    %sign3A_6 = arith.constant 0 : i32
    %sign3A_7 = arith.cmpi sgt, %jit3A, %sign3A_6 : i32
    %sign3A_8 = arith.extui %sign3A_7 : i1 to i32
    %sign3A_9 = arith.constant 0 : i32
    %sign3A_10 = arith.cmpi slt, %jit3A, %sign3A_9 : i32
    %sign3A_11 = arith.extui %sign3A_10 : i1 to i32
    %sign3A_12 = arith.subi %sign3A_8, %sign3A_11 : i32
    %ne3A = arith.cmpi ne, %sign3A_5, %sign3A_12 : i32
    %rem3A = arith.remsi %arg0, %jit3A : i32
    %ne3A_13 = arith.constant 0 : i32
    %ne3A_14 = arith.cmpi ne, %rem3A, %ne3A_13 : i32
    %and3A = arith.andi %ne3A, %ne3A_14 : i1
    %sub3A = arith.constant 1 : i32
    %sub3A_15 = arith.subi %div3A, %sub3A : i32
    %select_n3A = arith.select %and3A, %sub3A_15, %div3A : i32
    %jit3A_16 = arith.constant 5 : i32
    %eq3A = arith.constant 0 : i32
    %eq3A_17 = arith.cmpi eq, %jit3A_16, %eq3A : i32
    %jit3A_18 = arith.constant 1 : i32
    %select_n3A_19 = arith.select %eq3A_17, %jit3A_18, %jit3A_16 : i32
    %rem3A_20 = arith.remsi %arg0, %select_n3A_19 : i32
    %ne3A_21 = arith.constant 0 : i32
    %ne3A_22 = arith.cmpi ne, %rem3A_20, %ne3A_21 : i32
    %lt3A = arith.constant 0 : i32
    %lt3A_23 = arith.cmpi slt, %rem3A_20, %lt3A : i32
    %lt3A_24 = arith.constant 0 : i32
    %lt3A_25 = arith.cmpi slt, %select_n3A_19, %lt3A_24 : i32
    %ne3A_26 = arith.xori %lt3A_23, %lt3A_25 : i1
    %and3A_27 = arith.andi %ne3A_26, %ne3A_22 : i1
    %add3A = arith.addi %rem3A_20, %select_n3A_19 : i32
    %select_n3A_28 = arith.select %and3A_27, %add3A, %rem3A_20 : i32
    %c0_i32 = arith.constant 0 : i32
    %c0_i32_29 = arith.constant 0 : i32
    return %select_n3A, %select_n3A_28, %c0_i32 : i32, i32, i32
  }
  func.func @transform_2(%arg0: i32) -> (i32, i32) {
    %c0_i32 = arith.constant 0 : i32
    %c0_i32_0 = arith.constant 0 : i32
    %c0_i32_1 = arith.constant 0 : i32
    return %c0_i32, %c0_i32_0 : i32, i32
  }
  func.func @transform_3(%arg0: i32) -> (i32, i32) {
    %c0_i32 = arith.constant 0 : i32
    %c0_i32_0 = arith.constant 0 : i32
    %c0_i32_1 = arith.constant 0 : i32
    return %c0_i32, %c0_i32_0 : i32, i32
  }
  func.func @transform_4(%arg0: i32) -> (i32, i32) {
    %c0_i32 = arith.constant 0 : i32
    %c0_i32_0 = arith.constant 0 : i32
    %c0_i32_1 = arith.constant 0 : i32
    return %c0_i32, %c0_i32_0 : i32, i32
  }
  func.func @transform_5(%arg0: i32) -> (i32, i32) {
    %c0_i32 = arith.constant 0 : i32
    %c0_i32_0 = arith.constant 0 : i32
    %c0_i32_1 = arith.constant 0 : i32
    return %c0_i32, %c0_i32_0 : i32, i32
  }
  func.func @transform_6(%arg0: i32) -> (i32, i32) {
    %c0_i32 = arith.constant 0 : i32
    %c0_i32_0 = arith.constant 0 : i32
    %c0_i32_1 = arith.constant 0 : i32
    return %c0_i32, %c0_i32_0 : i32, i32
  }
  func.func @transform_7(%arg0: i32) -> (i32, i32) {
    %c0_i32 = arith.constant 0 : i32
    %c0_i32_0 = arith.constant 0 : i32
    %c0_i32_1 = arith.constant 0 : i32
    return %c0_i32, %c0_i32_0 : i32, i32
  }
  func.func @transform_8(%arg0: i32) -> (i32, i32) {
    %c0_i32 = arith.constant 0 : i32
    %c0_i32_0 = arith.constant 0 : i32
    return %arg0, %c0_i32 : i32, i32
  }
  func.func @transform_9(%arg0: i32) -> (i32, i32) {
    %c0_i32 = arith.constant 0 : i32
    %c0_i32_0 = arith.constant 0 : i32
    return %arg0, %c0_i32 : i32, i32
  }
}

module attributes {stable_mosaic.version = 14 : i64} {
  func.func @_gru_pool_body(%arg0: i32, %arg1: memref<5000x64xf32, #tpu.memory_space<vmem>>, %arg2: memref<1x5000x64xf32, #tpu.memory_space<vmem>>, %arg3: memref<64x192xf32, #tpu.memory_space<vmem>>, %arg4: memref<64x192xf32, #tpu.memory_space<vmem>>, %arg5: memref<1x128xf32, #tpu.memory_space<vmem>>, %arg6: memref<1x64xf32, #tpu.memory_space<vmem>>, %arg7: memref<1x64xf32, #tpu.memory_space<vmem>>, %arg8: memref<5000x1xi32, #tpu.memory_space<vmem>>, %arg9: memref<64x32xf32, #tpu.memory_space<vmem>>, %arg10: memref<1x32xf32, #tpu.memory_space<vmem>>, %arg11: memref<32x16xf32, #tpu.memory_space<vmem>>, %arg12: memref<1x16xf32, #tpu.memory_space<vmem>>, %arg13: memref<16x1xf32, #tpu.memory_space<vmem>>, %arg14: memref<1x1xf32, #tpu.memory_space<vmem>>, %arg15: memref<64x1xf32, #tpu.memory_space<vmem>>, %arg16: memref<64x64xf32, #tpu.memory_space<vmem>>, %arg17: memref<64x1xf32, #tpu.memory_space<vmem>>) attributes {dimension_semantics = [#tpu.dimension_semantics<arbitrary>], iteration_bounds = array<i64: 10>, scalar_prefetch = 0 : i64, scratch_operands = 2 : i64, tpu.core_type = #tpu.core_type<tc>, window_params = [{transform_indices = @transform_0, window_bounds = array<i64: 5000, 64>}, {transform_indices = @transform_1, window_bounds = array<i64: 1, 5000, 64>}, {pipeline_mode = #tpu.pipeline_mode<synchronous>, transform_indices = @transform_2, window_bounds = array<i64: 64, 192>}, {pipeline_mode = #tpu.pipeline_mode<synchronous>, transform_indices = @transform_3, window_bounds = array<i64: 64, 192>}, {pipeline_mode = #tpu.pipeline_mode<synchronous>, transform_indices = @transform_4, window_bounds = array<i64: 1, 128>}, {pipeline_mode = #tpu.pipeline_mode<synchronous>, transform_indices = @transform_5, window_bounds = array<i64: 1, 64>}, {pipeline_mode = #tpu.pipeline_mode<synchronous>, transform_indices = @transform_6, window_bounds = array<i64: 1, 64>}, {transform_indices = @transform_7, window_bounds = array<i64: 5000, 1>}, {pipeline_mode = #tpu.pipeline_mode<synchronous>, transform_indices = @transform_8, window_bounds = array<i64: 64, 32>}, {pipeline_mode = #tpu.pipeline_mode<synchronous>, transform_indices = @transform_9, window_bounds = array<i64: 1, 32>}, {pipeline_mode = #tpu.pipeline_mode<synchronous>, transform_indices = @transform_10, window_bounds = array<i64: 32, 16>}, {pipeline_mode = #tpu.pipeline_mode<synchronous>, transform_indices = @transform_11, window_bounds = array<i64: 1, 16>}, {pipeline_mode = #tpu.pipeline_mode<synchronous>, transform_indices = @transform_12, window_bounds = array<i64: 16, 1>}, {pipeline_mode = #tpu.pipeline_mode<synchronous>, transform_indices = @transform_13, window_bounds = array<i64: 1, 1>}, {pipeline_mode = #tpu.pipeline_mode<synchronous>, transform_indices = @transform_14, window_bounds = array<i64: 64, 1>}]} {
    %eq3A = arith.constant 0 : i32
    %eq3A_0 = arith.cmpi eq, %arg0, %eq3A : i32
    %convert_element_type3A = arith.extui %eq3A_0 : i1 to i32
    %cond3A = arith.constant 0 : i32
    %cond3A_1 = arith.cmpi ne, %convert_element_type3A, %cond3A : i32
    scf.if %cond3A_1 {
      %broadcast_in_dim3A_82 = arith.constant 0.000000e+00 : f32
      %broadcast_in_dim3A_83 = vector.broadcast %broadcast_in_dim3A_82 : f32 to vector<64x64xf32>
      %swap3A_84 = arith.constant 0 : index
      %swap3A_85 = arith.constant 0 : index
      %swap3A_86 = vector.load %arg16[%swap3A_84, %swap3A_85] : memref<64x64xf32, #tpu.memory_space<vmem>>, vector<64x64xf32>
      tpu.vector_store %arg16[%swap3A_84, %swap3A_85], %broadcast_in_dim3A_83 {strides = array<i32>} : memref<64x64xf32, #tpu.memory_space<vmem>>, vector<64x64xf32>,
      %broadcast_in_dim3A_87 = arith.constant 0.000000e+00 : f32
      %broadcast_in_dim3A_88 = vector.broadcast %broadcast_in_dim3A_87 : f32 to vector<64x1xf32>
      %swap3A_89 = arith.constant 0 : index
      %swap3A_90 = arith.constant 0 : index
      %swap3A_91 = vector.load %arg17[%swap3A_89, %swap3A_90] : memref<64x1xf32, #tpu.memory_space<vmem>>, vector<64x1xf32>
      tpu.vector_store %arg17[%swap3A_89, %swap3A_90], %broadcast_in_dim3A_88 {strides = array<i32>} : memref<64x1xf32, #tpu.memory_space<vmem>>, vector<64x1xf32>,
    } else {
    }
    %get3A = arith.constant 0 : index
    %get3A_2 = arith.constant 0 : index
    %get3A_3 = vector.load %arg1[%get3A, %get3A_2] : memref<5000x64xf32, #tpu.memory_space<vmem>>, vector<5000x64xf32>
    %get3A_4 = arith.constant 0 : index
    %get3A_5 = arith.constant 0 : index
    %get3A_6 = arith.constant 0 : index
    %get3A_7 = vector.load %arg2[%get3A_4, %get3A_5, %get3A_6] : memref<1x5000x64xf32, #tpu.memory_space<vmem>>, vector<1x5000x64xf32>
    %get3A_8 = vector.shape_cast %get3A_7 : vector<1x5000x64xf32> to vector<5000x64xf32>
    %get3A_9 = arith.constant 0 : index
    %get3A_10 = arith.constant 0 : index
    %get3A_11 = vector.load %arg3[%get3A_9, %get3A_10] : memref<64x192xf32, #tpu.memory_space<vmem>>, vector<64x192xf32>
    %dot_general3A = arith.constant dense<0.000000e+00> : vector<5000x192xf32>
    %dot_general3A_12 = tpu.matmul %get3A_8, %get3A_11, %dot_general3A {dimension_numbers = #tpu.dot_dimension_numbers<[1], [0], [0], [1], [0, 0, 1, 1], [], []>, transpose_lhs_hint = false} : vector<5000x64xf32>, vector<64x192xf32>, vector<5000x192xf32> -> vector<5000x192xf32>
    %get3A_13 = arith.constant 0 : index
    %get3A_14 = arith.constant 0 : index
    %get3A_15 = vector.load %arg4[%get3A_13, %get3A_14] : memref<64x192xf32, #tpu.memory_space<vmem>>, vector<64x192xf32>
    %dot_general3A_16 = arith.constant dense<0.000000e+00> : vector<5000x192xf32>
    %dot_general3A_17 = tpu.matmul %get3A_3, %get3A_15, %dot_general3A_16 {dimension_numbers = #tpu.dot_dimension_numbers<[1], [0], [0], [1], [0, 0, 1, 1], [], []>, transpose_lhs_hint = false} : vector<5000x64xf32>, vector<64x192xf32>, vector<5000x192xf32> -> vector<5000x192xf32>
    %slice3A = vector.extract_strided_slice %dot_general3A_12 {offsets = [0, 0], sizes = [5000, 128], strides = [1, 1]} : vector<5000x192xf32> to vector<5000x128xf32>
    %slice3A_18 = vector.extract_strided_slice %dot_general3A_17 {offsets = [0, 0], sizes = [5000, 128], strides = [1, 1]} : vector<5000x192xf32> to vector<5000x128xf32>
    %add3A = arith.addf %slice3A, %slice3A_18 : vector<5000x128xf32>
    %get3A_19 = arith.constant 0 : index
    %get3A_20 = arith.constant 0 : index
    %get3A_21 = vector.load %arg5[%get3A_19, %get3A_20] : memref<1x128xf32, #tpu.memory_space<vmem>>, vector<1x128xf32>
    %add3A_22 = vector.broadcast %get3A_21 : vector<1x128xf32> to vector<5000x128xf32>
    %add3A_23 = arith.addf %add3A, %add3A_22 : vector<5000x128xf32>
    %logistic3A = arith.negf %add3A_23 : vector<5000x128xf32>
    %logistic3A_24 = math.exp %logistic3A : vector<5000x128xf32>
    %logistic3A_25 = arith.constant 1.000000e+00 : f32
    %logistic3A_26 = vector.broadcast %logistic3A_25 : f32 to vector<5000x128xf32>
    %logistic3A_27 = arith.addf %logistic3A_26, %logistic3A_24 : vector<5000x128xf32>
    %logistic3A_28 = arith.divf %logistic3A_26, %logistic3A_27 : vector<5000x128xf32>
    %slice3A_29 = vector.extract_strided_slice %logistic3A_28 {offsets = [0, 0], sizes = [5000, 64], strides = [1, 1]} : vector<5000x128xf32> to vector<5000x64xf32>
    %slice3A_30 = vector.extract_strided_slice %logistic3A_28 {offsets = [0, 64], sizes = [5000, 64], strides = [1, 1]} : vector<5000x128xf32> to vector<5000x64xf32>
    %slice3A_31 = vector.extract_strided_slice %dot_general3A_12 {offsets = [0, 128], sizes = [5000, 64], strides = [1, 1]} : vector<5000x192xf32> to vector<5000x64xf32>
    %get3A_32 = arith.constant 0 : index
    %get3A_33 = arith.constant 0 : index
    %get3A_34 = vector.load %arg6[%get3A_32, %get3A_33] : memref<1x64xf32, #tpu.memory_space<vmem>>, vector<1x64xf32>
    %add3A_35 = vector.broadcast %get3A_34 : vector<1x64xf32> to vector<5000x64xf32>
    %add3A_36 = arith.addf %slice3A_31, %add3A_35 : vector<5000x64xf32>
    %slice3A_37 = vector.extract_strided_slice %dot_general3A_17 {offsets = [0, 128], sizes = [5000, 64], strides = [1, 1]} : vector<5000x192xf32> to vector<5000x64xf32>
    %get3A_38 = arith.constant 0 : index
    %get3A_39 = arith.constant 0 : index
    %get3A_40 = vector.load %arg7[%get3A_38, %get3A_39] : memref<1x64xf32, #tpu.memory_space<vmem>>, vector<1x64xf32>
    %add3A_41 = vector.broadcast %get3A_40 : vector<1x64xf32> to vector<5000x64xf32>
    %add3A_42 = arith.addf %slice3A_37, %add3A_41 : vector<5000x64xf32>
    %mul3A = arith.mulf %slice3A_29, %add3A_42 : vector<5000x64xf32>
    %add3A_43 = arith.addf %add3A_36, %mul3A : vector<5000x64xf32>
    %tanh3A = math.tanh %add3A_43 : vector<5000x64xf32>
    %sub3A = arith.constant 1.000000e+00 : f32
    %sub3A_44 = vector.broadcast %sub3A : f32 to vector<5000x64xf32>
    %sub3A_45 = arith.subf %sub3A_44, %slice3A_30 : vector<5000x64xf32>
    %mul3A_46 = arith.mulf %sub3A_45, %tanh3A : vector<5000x64xf32>
    %mul3A_47 = arith.mulf %slice3A_30, %get3A_3 : vector<5000x64xf32>
    %add3A_48 = arith.addf %mul3A_46, %mul3A_47 : vector<5000x64xf32>
    %max3A = arith.constant 0.000000e+00 : f32
    %max3A_49 = vector.broadcast %max3A : f32 to vector<5000x64xf32>
    %max3A_50 = arith.maximumf %add3A_48, %max3A_49 : vector<5000x64xf32>
    %get3A_51 = arith.constant 0 : index
    %get3A_52 = arith.constant 0 : index
    %get3A_53 = vector.load %arg8[%get3A_51, %get3A_52] : memref<5000x1xi32, #tpu.memory_space<vmem>>, vector<5000x1xi32>
    %iota3A = tpu.iota {dimensions = array<i32: 1>} : vector<1x64xi32>
    %eq3A_54 = vector.broadcast %get3A_53 : vector<5000x1xi32> to vector<5000x64xi32>
    %eq3A_55 = vector.broadcast %iota3A : vector<1x64xi32> to vector<5000x64xi32>
    %eq3A_56 = arith.cmpi eq, %eq3A_54, %eq3A_55 : vector<5000x64xi32>
    %convert_element_type3A_57 = arith.extui %eq3A_56 : vector<5000x64xi1> to vector<5000x64xi32>
    %convert_element_type3A_58 = arith.sitofp %convert_element_type3A_57 : vector<5000x64xi32> to vector<5000x64xf32>
    %get3A_59 = arith.constant 0 : index
    %get3A_60 = arith.constant 0 : index
    %get3A_61 = vector.load %arg16[%get3A_59, %get3A_60] : memref<64x64xf32, #tpu.memory_space<vmem>>, vector<64x64xf32>
    %dot_general3A_62 = arith.constant dense<0.000000e+00> : vector<64x64xf32>
    %dot_general3A_63 = tpu.matmul %convert_element_type3A_58, %max3A_50, %dot_general3A_62 {dimension_numbers = #tpu.dot_dimension_numbers<[0], [0], [1], [1], [0, 1, 1, 1], [], []>, transpose_lhs_hint = false} : vector<5000x64xf32>, vector<5000x64xf32>, vector<64x64xf32> -> vector<64x64xf32>
    %add3A_64 = arith.addf %get3A_61, %dot_general3A_63 : vector<64x64xf32>
    %swap3A = arith.constant 0 : index
    %swap3A_65 = arith.constant 0 : index
    %swap3A_66 = vector.load %arg16[%swap3A, %swap3A_65] : memref<64x64xf32, #tpu.memory_space<vmem>>, vector<64x64xf32>
    tpu.vector_store %arg16[%swap3A, %swap3A_65], %add3A_64 {strides = array<i32>} : memref<64x64xf32, #tpu.memory_space<vmem>>, vector<64x64xf32>,
    %get3A_67 = arith.constant 0 : index
    %get3A_68 = arith.constant 0 : index
    %get3A_69 = vector.load %arg17[%get3A_67, %get3A_68] : memref<64x1xf32, #tpu.memory_space<vmem>>, vector<64x1xf32>
    %broadcast_in_dim3A = arith.constant 1.000000e+00 : f32
    %broadcast_in_dim3A_70 = vector.broadcast %broadcast_in_dim3A : f32 to vector<5000x1xf32>
    %dot_general3A_71 = arith.constant dense<0.000000e+00> : vector<64x1xf32>
    %dot_general3A_72 = tpu.matmul %convert_element_type3A_58, %broadcast_in_dim3A_70, %dot_general3A_71 {dimension_numbers = #tpu.dot_dimension_numbers<[0], [0], [1], [1], [0, 1, 1, 1], [], []>, transpose_lhs_hint = false} : vector<5000x64xf32>, vector<5000x1xf32>, vector<64x1xf32> -> vector<64x1xf32>
    %add3A_73 = arith.addf %get3A_69, %dot_general3A_72 : vector<64x1xf32>
    %swap3A_74 = arith.constant 0 : index
    %swap3A_75 = arith.constant 0 : index
    %swap3A_76 = vector.load %arg17[%swap3A_74, %swap3A_75] : memref<64x1xf32, #tpu.memory_space<vmem>>, vector<64x1xf32>
    tpu.vector_store %arg17[%swap3A_74, %swap3A_75], %add3A_73 {strides = array<i32>} : memref<64x1xf32, #tpu.memory_space<vmem>>, vector<64x1xf32>,
    %eq3A_77 = arith.constant 9 : i32
    %eq3A_78 = arith.cmpi eq, %arg0, %eq3A_77 : i32
    %convert_element_type3A_79 = arith.extui %eq3A_78 : i1 to i32
    %cond3A_80 = arith.constant 0 : i32
    %cond3A_81 = arith.cmpi ne, %convert_element_type3A_79, %cond3A_80 : i32
    scf.if %cond3A_81 {
      %get3A_82 = arith.constant 0 : index
      %get3A_83 = arith.constant 0 : index
      %get3A_84 = vector.load %arg16[%get3A_82, %get3A_83] : memref<64x64xf32, #tpu.memory_space<vmem>>, vector<64x64xf32>
      %get3A_85 = arith.constant 0 : index
      %get3A_86 = arith.constant 0 : index
      %get3A_87 = vector.load %arg17[%get3A_85, %get3A_86] : memref<64x1xf32, #tpu.memory_space<vmem>>, vector<64x1xf32>
      %max3A_88 = arith.constant 1.000000e+00 : f32
      %max3A_89 = vector.broadcast %max3A_88 : f32 to vector<64x1xf32>
      %max3A_90 = arith.maximumf %get3A_87, %max3A_89 : vector<64x1xf32>
      %div3A = vector.broadcast %max3A_90 : vector<64x1xf32> to vector<64x64xf32>
      %div3A_91 = arith.divf %get3A_84, %div3A : vector<64x64xf32>
      %get3A_92 = arith.constant 0 : index
      %get3A_93 = arith.constant 0 : index
      %get3A_94 = vector.load %arg9[%get3A_92, %get3A_93] : memref<64x32xf32, #tpu.memory_space<vmem>>, vector<64x32xf32>
      %dot_general3A_95 = arith.constant dense<0.000000e+00> : vector<64x32xf32>
      %dot_general3A_96 = tpu.matmul %div3A_91, %get3A_94, %dot_general3A_95 {dimension_numbers = #tpu.dot_dimension_numbers<[1], [0], [0], [1], [0, 0, 1, 1], [], []>, transpose_lhs_hint = false} : vector<64x64xf32>, vector<64x32xf32>, vector<64x32xf32> -> vector<64x32xf32>
      %get3A_97 = arith.constant 0 : index
      %get3A_98 = arith.constant 0 : index
      %get3A_99 = vector.load %arg10[%get3A_97, %get3A_98] : memref<1x32xf32, #tpu.memory_space<vmem>>, vector<1x32xf32>
      %add3A_100 = vector.broadcast %get3A_99 : vector<1x32xf32> to vector<64x32xf32>
      %add3A_101 = arith.addf %dot_general3A_96, %add3A_100 : vector<64x32xf32>
      %max3A_102 = arith.constant 0.000000e+00 : f32
      %max3A_103 = vector.broadcast %max3A_102 : f32 to vector<64x32xf32>
      %max3A_104 = arith.maximumf %add3A_101, %max3A_103 : vector<64x32xf32>
      %get3A_105 = arith.constant 0 : index
      %get3A_106 = arith.constant 0 : index
      %get3A_107 = vector.load %arg11[%get3A_105, %get3A_106] : memref<32x16xf32, #tpu.memory_space<vmem>>, vector<32x16xf32>
      %dot_general3A_108 = arith.constant dense<0.000000e+00> : vector<64x16xf32>
      %dot_general3A_109 = tpu.matmul %max3A_104, %get3A_107, %dot_general3A_108 {dimension_numbers = #tpu.dot_dimension_numbers<[1], [0], [0], [1], [0, 0, 1, 1], [], []>, transpose_lhs_hint = false} : vector<64x32xf32>, vector<32x16xf32>, vector<64x16xf32> -> vector<64x16xf32>
      %get3A_110 = arith.constant 0 : index
      %get3A_111 = arith.constant 0 : index
      %get3A_112 = vector.load %arg12[%get3A_110, %get3A_111] : memref<1x16xf32, #tpu.memory_space<vmem>>, vector<1x16xf32>
      %add3A_113 = vector.broadcast %get3A_112 : vector<1x16xf32> to vector<64x16xf32>
      %add3A_114 = arith.addf %dot_general3A_109, %add3A_113 : vector<64x16xf32>
      %max3A_115 = arith.constant 0.000000e+00 : f32
      %max3A_116 = vector.broadcast %max3A_115 : f32 to vector<64x16xf32>
      %max3A_117 = arith.maximumf %add3A_114, %max3A_116 : vector<64x16xf32>
      %get3A_118 = arith.constant 0 : index
      %get3A_119 = arith.constant 0 : index
      %get3A_120 = vector.load %arg13[%get3A_118, %get3A_119] : memref<16x1xf32, #tpu.memory_space<vmem>>, vector<16x1xf32>
      %dot_general3A_121 = arith.constant dense<0.000000e+00> : vector<64x1xf32>
      %dot_general3A_122 = tpu.matmul %max3A_117, %get3A_120, %dot_general3A_121 {dimension_numbers = #tpu.dot_dimension_numbers<[1], [0], [0], [1], [0, 0, 1, 1], [], []>, transpose_lhs_hint = false} : vector<64x16xf32>, vector<16x1xf32>, vector<64x1xf32> -> vector<64x1xf32>
      %get3A_123 = arith.constant 0 : index
      %get3A_124 = arith.constant 0 : index
      %get3A_125 = vector.load %arg14[%get3A_123, %get3A_124] : memref<1x1xf32, #tpu.memory_space<vmem>>, vector<1x1xf32>
      %add3A_126 = vector.broadcast %get3A_125 : vector<1x1xf32> to vector<64x1xf32>
      %add3A_127 = arith.addf %dot_general3A_122, %add3A_126 : vector<64x1xf32>
      %swap3A_128 = arith.constant 0 : index
      %swap3A_129 = arith.constant 0 : index
      %swap3A_130 = vector.load %arg15[%swap3A_128, %swap3A_129] : memref<64x1xf32, #tpu.memory_space<vmem>>, vector<64x1xf32>
      tpu.vector_store %arg15[%swap3A_128, %swap3A_129], %add3A_127 {strides = array<i32>} : memref<64x1xf32, #tpu.memory_space<vmem>>, vector<64x1xf32>,
    } else {
    }
    return
  }
  func.func @transform_0(%arg0: i32) -> (i32, i32) {
    %c0_i32 = arith.constant 0 : i32
    %c0_i32_0 = arith.constant 0 : i32
    return %arg0, %c0_i32 : i32, i32
  }
  func.func @transform_1(%arg0: i32) -> (i32, i32, i32) {
    %jit3A = arith.constant 5 : i32
    %div3A = arith.divsi %arg0, %jit3A : i32
    %sign3A = arith.constant 0 : i32
    %sign3A_0 = arith.cmpi sgt, %arg0, %sign3A : i32
    %sign3A_1 = arith.extui %sign3A_0 : i1 to i32
    %sign3A_2 = arith.constant 0 : i32
    %sign3A_3 = arith.cmpi slt, %arg0, %sign3A_2 : i32
    %sign3A_4 = arith.extui %sign3A_3 : i1 to i32
    %sign3A_5 = arith.subi %sign3A_1, %sign3A_4 : i32
    %sign3A_6 = arith.constant 0 : i32
    %sign3A_7 = arith.cmpi sgt, %jit3A, %sign3A_6 : i32
    %sign3A_8 = arith.extui %sign3A_7 : i1 to i32
    %sign3A_9 = arith.constant 0 : i32
    %sign3A_10 = arith.cmpi slt, %jit3A, %sign3A_9 : i32
    %sign3A_11 = arith.extui %sign3A_10 : i1 to i32
    %sign3A_12 = arith.subi %sign3A_8, %sign3A_11 : i32
    %ne3A = arith.cmpi ne, %sign3A_5, %sign3A_12 : i32
    %rem3A = arith.remsi %arg0, %jit3A : i32
    %ne3A_13 = arith.constant 0 : i32
    %ne3A_14 = arith.cmpi ne, %rem3A, %ne3A_13 : i32
    %and3A = arith.andi %ne3A, %ne3A_14 : i1
    %sub3A = arith.constant 1 : i32
    %sub3A_15 = arith.subi %div3A, %sub3A : i32
    %select_n3A = arith.select %and3A, %sub3A_15, %div3A : i32
    %jit3A_16 = arith.constant 5 : i32
    %eq3A = arith.constant 0 : i32
    %eq3A_17 = arith.cmpi eq, %jit3A_16, %eq3A : i32
    %jit3A_18 = arith.constant 1 : i32
    %select_n3A_19 = arith.select %eq3A_17, %jit3A_18, %jit3A_16 : i32
    %rem3A_20 = arith.remsi %arg0, %select_n3A_19 : i32
    %ne3A_21 = arith.constant 0 : i32
    %ne3A_22 = arith.cmpi ne, %rem3A_20, %ne3A_21 : i32
    %lt3A = arith.constant 0 : i32
    %lt3A_23 = arith.cmpi slt, %rem3A_20, %lt3A : i32
    %lt3A_24 = arith.constant 0 : i32
    %lt3A_25 = arith.cmpi slt, %select_n3A_19, %lt3A_24 : i32
    %ne3A_26 = arith.xori %lt3A_23, %lt3A_25 : i1
    %and3A_27 = arith.andi %ne3A_26, %ne3A_22 : i1
    %add3A = arith.addi %rem3A_20, %select_n3A_19 : i32
    %select_n3A_28 = arith.select %and3A_27, %add3A, %rem3A_20 : i32
    %c0_i32 = arith.constant 0 : i32
    %c0_i32_29 = arith.constant 0 : i32
    return %select_n3A, %select_n3A_28, %c0_i32 : i32, i32, i32
  }
  func.func @transform_2(%arg0: i32) -> (i32, i32) {
    %c0_i32 = arith.constant 0 : i32
    %c0_i32_0 = arith.constant 0 : i32
    %c0_i32_1 = arith.constant 0 : i32
    return %c0_i32, %c0_i32_0 : i32, i32
  }
  func.func @transform_3(%arg0: i32) -> (i32, i32) {
    %c0_i32 = arith.constant 0 : i32
    %c0_i32_0 = arith.constant 0 : i32
    %c0_i32_1 = arith.constant 0 : i32
    return %c0_i32, %c0_i32_0 : i32, i32
  }
  func.func @transform_4(%arg0: i32) -> (i32, i32) {
    %c0_i32 = arith.constant 0 : i32
    %c0_i32_0 = arith.constant 0 : i32
    %c0_i32_1 = arith.constant 0 : i32
    return %c0_i32, %c0_i32_0 : i32, i32
  }
  func.func @transform_5(%arg0: i32) -> (i32, i32) {
    %c0_i32 = arith.constant 0 : i32
    %c0_i32_0 = arith.constant 0 : i32
    %c0_i32_1 = arith.constant 0 : i32
    return %c0_i32, %c0_i32_0 : i32, i32
  }
  func.func @transform_6(%arg0: i32) -> (i32, i32) {
    %c0_i32 = arith.constant 0 : i32
    %c0_i32_0 = arith.constant 0 : i32
    %c0_i32_1 = arith.constant 0 : i32
    return %c0_i32, %c0_i32_0 : i32, i32
  }
  func.func @transform_7(%arg0: i32) -> (i32, i32) {
    %c0_i32 = arith.constant 0 : i32
    %c0_i32_0 = arith.constant 0 : i32
    return %arg0, %c0_i32 : i32, i32
  }
  func.func @transform_8(%arg0: i32) -> (i32, i32) {
    %c0_i32 = arith.constant 0 : i32
    %c0_i32_0 = arith.constant 0 : i32
    %c0_i32_1 = arith.constant 0 : i32
    return %c0_i32, %c0_i32_0 : i32, i32
  }
  func.func @transform_9(%arg0: i32) -> (i32, i32) {
    %c0_i32 = arith.constant 0 : i32
    %c0_i32_0 = arith.constant 0 : i32
    %c0_i32_1 = arith.constant 0 : i32
    return %c0_i32, %c0_i32_0 : i32, i32
  }
  func.func @transform_10(%arg0: i32) -> (i32, i32) {
    %c0_i32 = arith.constant 0 : i32
    %c0_i32_0 = arith.constant 0 : i32
    %c0_i32_1 = arith.constant 0 : i32
    return %c0_i32, %c0_i32_0 : i32, i32
  }
  func.func @transform_11(%arg0: i32) -> (i32, i32) {
    %c0_i32 = arith.constant 0 : i32
    %c0_i32_0 = arith.constant 0 : i32
    %c0_i32_1 = arith.constant 0 : i32
    return %c0_i32, %c0_i32_0 : i32, i32
  }
  func.func @transform_12(%arg0: i32) -> (i32, i32) {
    %c0_i32 = arith.constant 0 : i32
    %c0_i32_0 = arith.constant 0 : i32
    %c0_i32_1 = arith.constant 0 : i32
    return %c0_i32, %c0_i32_0 : i32, i32
  }
  func.func @transform_13(%arg0: i32) -> (i32, i32) {
    %c0_i32 = arith.constant 0 : i32
    %c0_i32_0 = arith.constant 0 : i32
    %c0_i32_1 = arith.constant 0 : i32
    return %c0_i32, %c0_i32_0 : i32, i32
  }
  func.func @transform_14(%arg0: i32) -> (i32, i32) {
    %c0_i32 = arith.constant 0 : i32
    %c0_i32_0 = arith.constant 0 : i32
    %c0_i32_1 = arith.constant 0 : i32
    return %c0_i32, %c0_i32_0 : i32, i32
  }
}

</mosaic_0001>

<sc_bundles>
// kernel: kernel.12.cloned.1.call-start
scs
__scs_entry_jumppad:
0x0: {  	(pc) =	sbr.rel $0x88, $3  }
0x1: {  	(tag) =	ssettag $0x0;
	lr =	simm.s32 $0x1  }
0x2: {  	[smem:$0x3F92] =	sst lr;
	_ =	strace $0xD0000000  }
0x3: {  	_ = 	snop  }
0x4: {  	_ = 	snop  }
0x5: {  	_ = 	snop  }
0x6: {  	_ = 	snop  }
0x7: {  	_ = 	snop  }
__scs_overlays_trampoline_lowered:
0x8: {  	[smem:$0x3FA1] =	sst s0  }
0x9: {  	[smem:$0x3FA2] =	sst s1  }
0xa: {  	[smem:$0x3FA3] =	sst s2  }
0xb: {  	[smem:$0x3FA4] =	sst s3  }
0xc: {  	[smem:$0x3FA5] =	sst s4  }
0xd: {  	[smem:$0x3FA6] =	sst s5  }
0xe: {  	[smem:$0x3FA7] =	sst s6  }
0xf: {  	[smem:$0x3FA8] =	sst s7  }
0x10: {  	[smem:$0x3FA9] =	sst s8  }
0x11: {  	[smem:$0x3FAA] =	sst s9;
	s0 =	simm.s32 @!p0 $0x0  }
0x12: {  	s1 =	sld [smem:$0x3F90];
	s0 =	simm.s32 @p0 $0x1  }
0x13: {  	[smem:$0x3FAB] =	sst s0;
	s0 =	simm.s32 @!p1 $0x0  }
0x14: {  	s2 =	sld [smem:$0x3F8F];
	s0 =	simm.s32 @p1 $0x1  }
0x15: {  	[smem:$0x3FAC] =	sst s0;
	s0 =	simm.s32 @!p2 $0x0  }
0x16: {  	s3 =	sld [smem:$0x3FDB];
	s0 =	simm.s32 @p2 $0x1  }
0x17: {  	s4 =	simm.s32 $0x1BF5;
	[smem:$0x3FAE] =	sst s0  }
0x18: {  	s0 =	sld [smem:$0x3F91];
	_ =	swait.ge [sflag:s4], $0x0  }
0x19: {  	s7 =	sld [smem:$0x3F92]  }
0x1a: {  	s8 =	sadd.s32 $0xFFFFE003, lr  }
0x1b: {  	s9 =	sadd.s32 $0xFFFFFEF7, lr;
	s5 =	simm.s32 $0xFFFFFFFF;
	p2 =	slt.u32 s8, $0xFFFFF086  }
0x1c: {  	p1 =	slt.u32 s9, $0xF7A;
	s5 =	simm.s32 @!p2 $0x0  }
0x1d: {  	s5 =	simm.s32 @p1 $0x1;
	p0 =	seq.s32 s7, s2  }
0x1e: {  	s7 =	smul.u32 @!p0 $0xF7A, s2;
	p2 =	seq.s32 @!p0 s5, $0x0  }
0x1f: {  	s9 =	smul.u32 $0xF7A, s1;
	s8 =	simm.s32 @!p0 $0x1BF5;
	p2 =	por !p2, p0  }
0x20: {  	[sflag:s8] =	ssyncset.s32 @!p0 $0xFFFFF086;
	s6 =	sadd.s32 @!p0 s3, s7;
	s7 =	simm.s32 @!p0 $0x108  }
0x21: {  	s3 =	sadd.s32 s3, s9;
	s6 =	sadd.s32 @!p0 $0x88, s6;
	s7 =	simm.s32 @p2 $0x1082  }
0x22: {  	[simem:s7], [sflag:s8] =	dma.local @!p0 [hbm:s6], $0xF7A  }
0x23: {  	s9 =	sor.u32 $0xD0000000, s2;
	s6 =	simm.s32 $0x108;
	_ =	swait.ge @!p0 [sflag:s8], $0x0  }
0x24: {  	s3 =	sadd.s32 $0x88, s3;
	s6 =	simm.s32 @!p1 $0x1082;
	[sflag:s4] =	ssyncset.s32 $0xFFFFF086  }
0x25: {  	[simem:s6], [sflag:s4] =	dma.local [hbm:s3], $0xF7A  }
0x26: {  	[smem:$0x3F92] =	sst s1;
	(tag) =	ssettag s2;
	_ =	strace s9  }
0x27: {  	s1 =	sld [smem:$0x3FA2]  }
0x28: {  	s2 =	sld [smem:$0x3FA3]  }
0x29: {  	s4 =	sld [smem:$0x3FA5]  }
0x2a: {  	p0 =	seq.s32 s5, $0x0;
	s5 =	sld [smem:$0x3FA6]  }
0x2b: {  	s6 =	sld [smem:$0x3FA7]  }
0x2c: {  	s7 =	sld [smem:$0x3FA8]  }
0x2d: {  	s3 =	simm.s32 $0x108;
	s8 =	sld [smem:$0x3FA9]  }
0x2e: {  	s3 =	simm.s32 @!p0 $0x1082;
	s9 =	sld [smem:$0x3FAA]  }
0x2f: {  	lr =	sadd.s32 s0, s3;
	s0 =	sld [smem:$0x3FA1]  }
0x30: {  	s3 =	sld [smem:$0x3FA4]  }
0x31: {  	[smem:$0x3FAD] =	sst s10  }
0x32: {  	s10 =	sld [smem:$0x3FAB];
	_ =	sdelay $0x3  }
0x33: {  	p0 =	seq.s32 s10, $0x1;
	s10 =	sld [smem:$0x3FAD];
	_ =	sdelay $0x3  }
0x34: {  	[smem:$0x3FAD] =	sst s10  }
0x35: {  	s10 =	sld [smem:$0x3FAC];
	_ =	sdelay $0x3  }
0x36: {  	p1 =	seq.s32 s10, $0x1;
	s10 =	sld [smem:$0x3FAD];
	_ =	sdelay $0x3  }
0x37: {  	[smem:$0x3FAD] =	sst s10  }
0x38: {  	s10 =	sld [smem:$0x3FAE]  }
0x39: {  	_ = 	snop;
	(pc) =	sbr.ind lr, $3  }
0x3a: {  	_ = 	snop  }
0x3b: {  	_ = 	snop  }
0x3c: {  	p2 =	seq.s32 s10, $0x1;
	s10 =	sld [smem:$0x3FAD]  }
0x3d: {  	_ =	shalt  }
0x3e: {  	_ =	shalt  }
0x3f: {  	_ =	shalt  }
0x40: {  	_ =	shalt  }
0x41: {  	_ =	shalt  }
0x42: {  	_ =	shalt  }
0x43: {  	_ =	shalt  }
0x44: {  	_ =	shalt  }
0x45: {  	_ =	shalt  }
0x46: {  	_ =	shalt  }
0x47: {  	_ =	shalt  }
0x48: {  	_ =	shalt  }
0x49: {  	_ =	shalt  }
0x4a: {  	_ =	shalt  }
0x4b: {  	_ =	shalt  }
0x4c: {  	_ =	shalt  }
0x4d: {  	_ =	shalt  }
0x4e: {  	_ =	shalt  }
0x4f: {  	_ =	shalt  }
0x50: {  	_ =	shalt  }
0x51: {  	_ =	shalt  }
0x52: {  	_ =	shalt  }
0x53: {  	_ =	shalt  }
0x54: {  	_ =	shalt  }
0x55: {  	_ =	shalt  }
0x56: {  	_ =	shalt  }
0x57: {  	_ =	shalt  }
0x58: {  	_ =	shalt  }
0x59: {  	_ =	shalt  }
0x5a: {  	_ =	shalt  }
0x5b: {  	_ =	shalt  }
0x5c: {  	_ =	shalt  }
0x5d: {  	_ =	shalt  }
0x5e: {  	_ =	shalt  }
0x5f: {  	_ =	shalt  }
0x60: {  	_ =	shalt  }
0x61: {  	_ =	shalt  }
0x62: {  	_ =	shalt  }
0x63: {  	_ =	shalt  }
0x64: {  	_ =	shalt  }
0x65: {  	_ =	shalt  }
0x66: {  	_ =	shalt  }
0x67: {  	_ =	shalt  }
0x68: {  	_ =	shalt  }
0x69: {  	_ =	shalt  }
0x6a: {  	_ =	shalt  }
0x6b: {  	_ =	shalt  }
0x6c: {  	_ =	shalt  }
0x6d: {  	_ =	shalt  }
0x6e: {  	_ =	shalt  }
0x6f: {  	_ =	shalt  }
0x70: {  	_ =	shalt  }
0x71: {  	_ =	shalt  }
0x72: {  	_ =	shalt  }
0x73: {  	_ =	shalt  }
0x74: {  	_ =	shalt  }
0x75: {  	_ =	shalt  }
0x76: {  	_ =	shalt  }
0x77: {  	_ =	shalt  }
0x78: {  	_ =	shalt  }
0x79: {  	_ =	shalt  }
0x7a: {  	_ =	shalt  }
0x7b: {  	_ =	shalt  }
0x7c: {  	_ =	shalt  }
0x7d: {  	_ =	shalt  }
0x7e: {  	_ =	shalt  }
0x7f: {  	_ =	shalt  }
0x80: {  	_ =	shalt  }
0x81: {  	_ =	shalt  }
0x82: {  	_ =	shalt  }
0x83: {  	_ =	shalt  }
0x84: {  	_ =	shalt  }
0x85: {  	_ =	shalt  }
0x86: {  	_ =	shalt  }
0x87: {  	_ =	shalt  }
.Lfunc_end0:
.L_simem_size_0:
called_computation.1_lowered:
.L_overlay_start_0:
0x88: {  	s2 =	sld [smem:$0x3FD9]  }
0x89: {  	s3 =	sld [smem:$0x3FFE];
	_ =	sdelay $0x1  }
0x8a: {  	s1 =	srdreg.scid  }
0x8b: {  	s0 =	sand.u32 $0x1, s1  }
0x8c: {  	s16 =	sshll.u32 s0, $0xA;
	s2 =	sadd.s32 s3, s2  }
0x8d: {  	s2 =	sadd.s32 s2, s16  }
0x8e: {  	[smem:$0x3FB9] =	sst s2  }
0x8f: {  	_ = 	snop  }
0x90: {  	(tm) =	ssettm $0x1  }
0x91: {  	s17 =	sld [smem:$0x3FFB];
	_ =	sdelay $0x3  }
0x92: {  	_ =	strace s17  }
0x93: {  	s2 =	sld [smem:$0x3FFC];
	_ =	sdelay $0x3  }
0x94: {  	_ =	strace s2  }
0x95: {  	s2 =	sld [smem:$0x3FFD];
	_ =	sdelay $0x3  }
0x96: {  	_ =	strace s2  }
0x97: {  	_ =	strace $0x8FFFFFFF  }
0x98: {  	s18 =	sld [smem:$0x3FDB];
	_ =	sdelay $0x1  }
0x99: {  	s19 =	simm.s32 $_scs_section_size  }
0x9a: {  	s4 =	simm.s32 $_size__tile_overlayer_lowered;
	s5 =	simm.s32 $_tile_overlayer_lowered  }
0x9b: {  	s22 =	simm.s32 $0x1BFF;
	s21 =	sshll.u32 s5, $0x1;
	s2 =	sadd.s32 s19, s18  }
0x9c: {  	s6 =	simm.s32 $0x0;
	s20 =	sshll.u32 s4, $0x1;
	s4 =	sadd.s32 s21, s2  }
0x9d: {  	[timem:s6], [sflag:s22] =	dma.local [hbm:s4], s20  }
0x9e: {  	_ =	swait.ge [sflag:s22], s20  }
0x9f: {  	s3 =	ssub.s32 $0x0, s20;
	[sflag:s22] =	ssyncset.done $0x0  }
0xa0: {  	[sflag:s22] =	ssyncadd.s32 s3;
	_ =	sdelay $0x1  }
0xa1: {  	s23 =	simm.s32 $0x1B8B  }
0xa2: {  	_ =	swait.ge [sflag:s23], $0x1  }
0xa3: {  	[sflag:s23] =	ssyncset.done $0x0  }
0xa4: {  	s25 =	simm.s32 $0x1B8E;
	s24 =	sld [smem:$0x3FFE];
	[sflag:s23] =	ssyncadd.s32 $0xFFFFFFFF  }
0xa5: {  	s26 =	simm.s32 $execute0_lowered;
	[smem:$0x3FD2] =	sst s25  }
0xa6: {  	s4 =	sshll.u32 s26, $0x1;
	_ =	strace $0x80000049;
	[dreg:$0x1] =	wrdreg $0xFFFFFFFF  }
0xa7: {  	s28 =	simm.s32 $_size_execute0_lowered;
	s2 =	sadd.s32 s2, s4;
	[dreg:$0x0] =	wrdreg $0x0  }
0xa8: {  	s4 =	sshll.u32 s28, $0x1;
	[dreg:$0x2] =	wrdreg s2  }
0xa9: {  	[dreg:$0x3] =	wrdreg s4  }
0xaa: {  	[dreg:$0x4] =	wrdreg $0xC0  }
0xab: {  	_ =	task [dreg:s6], $0x5FFFF  }
0xac: {  	[dreg:$0x1] =	wrdreg $0xFFFFFFFF  }
0xad: {  	[dreg:$0x0] =	wrdreg $0x60  }
0xae: {  	[dreg:$0x2] =	wrdreg s24  }
0xaf: {  	[dreg:$0x3] =	wrdreg $0x76400  }
0xb0: {  	[dreg:$0x4] =	wrdreg $0x9  }
0xb1: {  	_ =	task.clear_ibuf [dreg:s6], $0x5FFFF;
	_ =	strace $0x90000049  }
0xb2: {  	s29 =	simm.s32 $0x9;
	_ =	strace $0x8000004B  }
0xb3: {  	_ =	swait.ge [sflag:s29], $0x1  }
0xb4: {  	[sflag:s29] =	ssyncadd.s32 $0xFFFFFFFF  }
0xb5: {  	_ =	strace $0x9000004B  }
0xb6: {  	_ =	sfence  }
0xb7: {  	s30 =	sld [smem:$0x0];
	_ =	sdelay $0x2  }
0xb8: {  	s31 =	sshll.u32 s1, $0xD;
	s1 =	sshrl.u32 s1, $0x2  }
0xb9: {  	s3 =	sand.u32 $0x4000, s31;
	s1 =	sadd.s32 s1, s30  }
0xba: {  	s0 =	sor.u32 s3, s0;
	s1 =	sshll.u32 s1, $0x11  }
0xbb: {  	s0 =	sor.u32 s1, s0  }
0xbc: {  	s0 =	sadd.s32 $0x8F2B, s0  }
0xbd: {  	[sflag:s0] =	ssyncadd.remote.s32 $0x1  }
0xbe: {  	_ =	sfence.sel $0xFFFF  }
0xbf: {  	[dreg:$0x0] =	wrdreg $0xFFFFFFFF;
	(pc) =	sbr.abs _section_cstart, $3  }
0xc0: {  	[dreg:$0x1] =	wrdreg $0xFFFFFFFF  }
0xc1: {  	_ =	task.clear_ibuf [dreg:s6], $0x2FFFF;
	_ =	strace $0x9FFFFFFF  }
0xc2: {  	(tm) =	ssettm $0x7FFFFFFF  }
0xc3: {  	_ =	shalt  }
tec
execute0_lowered:
.L_overlay_start_1:
0x0: {  	(tag) =	ssettag $0x1  }
0x1: {  	s0 =	rddreg [dreg:$0x0]  }
0x2: {  	s1 =	rddreg [dreg:$0x1];
	s3 =	simm.s32 $0x0  }
0x3: {  	s2 =	srdreg.scid;
	s13 =	stileid.u32;
	s28 =	simm.s32 $0x5640  }
0x4: {  	s29 =	simm.s32 $0x7;
	s31 =	simm.s32 $0x140;
	s5 =	smul.u32 $0x62100, s13  }
0x5: {  	s30 =	simm.s32 $0x5;
	[smem:$0x7FF] =	sst s3;
	s22 =	smul.u32 $0x1900, s13  }
0x6: {  	s2 =	sand.u32 $0x1, s2;
	s4 =	sadd.s32 $0x3400, s0;
	s26 =	smul.u32 $0x18680, s13  }
0x7: {  	s6 =	sadd.s32 $0x65000, s0;
	s8 =	sadd.s32 $0x7E000, s0;
	s12 =	smul.u32 $0x186C0, s13  }
0x8: {  	s0 =	sadd.s32 $0x97000, s0;
	p0 =	sgt.u32 s13, $0x7;
	s17 =	smul.u32 $0x61A8, s2  }
0x9: {  	_ =	strace $0x8000004A;
	s7 =	ssub.s32 $0x2, s2;
	s2 =	smul.u32 $0x188000, s2  }
0xa: {  	s9 =	sshrl.u32 s7, $0x1;
	s5 =	sshrl.u32 s5, $0x2;
	s11 =	sor.u32 $0x28, s22  }
0xb: {  	s14 =	sadd.s32 s6, s22;
	s15 =	sadd.s32 s8, s22;
	s6 =	sadd.s32 s6, s11  }
0xc: {  	s5 =	sadd.s32 s5, s1;
	s8 =	sadd.s32 s8, s11;
	[dreg:$0xb] =	wrdreg s6  }
0xd: {  	s16 =	sadd.s32 $0x200, s26;
	s18 =	sadd.s32 $0x2000, s5;
	[dreg:$0xc] =	wrdreg s8  }
0xe: {  	s22 =	sadd.s32 $0x61A8, s13;
	s19 =	sadd.s32 $0x4000, s5;
	[dreg:$0x3] =	wrdreg s18  }
0xf: {  	s13 =	simm.s32 $0x6;
	s20 =	sadd.s32 $0x6000, s5;
	[dreg:$0x4] =	wrdreg s19  }
0x10: {  	s7 =	ssub.s32 s7, s9;
	s21 =	sadd.s32 $0x8000, s5;
	[dreg:$0x5] =	wrdreg s20  }
0x11: {  	s9 =	simm.s32 $0x500;
	s10 =	sadd.s32 $0xA000, s5;
	[dreg:$0x6] =	wrdreg s21  }
0x12: {  	s11 =	simm.s32 $0x2;
	s23 =	sadd.s32 $0xC000, s5;
	[dreg:$0x7] =	wrdreg s10  }
0x13: {  	v0 =	vmov s17;
	s17 =	simm.s32 $0x4;
	s24 =	sadd.s32 $0xE000, s5;
	[dreg:$0x8] =	wrdreg s23  }
0x14: {  	s25 =	sadd.s32 $0x10000, s5;
	s26 =	sadd.s32 $0x18000, s5;
	[dreg:$0x9] =	wrdreg s24  }
0x15: {  	s6 =	simm.s32 $0xA0;
	[dreg:$0xa] =	wrdreg s25;
	s18 =	sadd.s32 s2, s16  }
0x16: {  	s2 =	sadd.s32 s12, s2;
	s19 =	sadd.s32 $0x12000, s5;
	s20 =	sadd.s32 $0x14000, s5  }
0x17: {  	s21 =	smax.u32 s7, $0x1;
	s25 =	sadd.s32 $0x16000, s5;
	[dreg:$0xd] =	wrdreg s19  }
0x18: {  	s7 =	simm.s32 $0x2E40;
	s10 =	simm.s32 $0x640;
	[dreg:$0x10] =	wrdreg s20  }
0x19: {  	s8 =	sshrl.u32 s18, $0x3;
	s2 =	sshrl.u32 s2, $0x3;
	[dreg:$0x11] =	wrdreg s21  }
.Ltmp0:
0x1a: {  	s18 =	simm.s32 $0x1E0;
	s8 =	sadd.s32 s0, s8;
	(pc) =	sbr.rel .LBB2_1-.Ltmp0, $4  }
0x1b: {  	s0 =	sadd.s32 s0, s2;
	s2 =	sadd.s32 s12, s1;
	[dreg:$0xe] =	wrdreg s8  }
0x1c: {  	s12 =	simm.s32 $0x5A0;
	[dreg:$0xf] =	wrdreg s0;
	s0 =	sadd.s32 s16, s1  }
0x1d: {  	s24 =	sshrl.u32 @!p0 s2, $0x3;
	s8 =	simm.s32 $0x1;
	s16 =	simm.s32 $0x3  }
0x1e: {  	v2 =	vimm.f32 $0.0e+00;
	v1 =	vmov s22;
	s2 =	simm.s32 $0x0;
	s23 =	sshrl.u32 @p0 s0, $0x3;
	s0 =	simm.s32 $0x3C0  }
.LBB2_6:
0x1f: {  	_ =	swait.ge [sflag:s16], $0x2800  }
0x20: {  	[sflag:s16] =	ssyncset.done $0x0  }
0x21: {  	[sflag:s16] =	ssyncadd.s32 $0xFFFFD800  }
0x22: {  	_ =	swait.ge [sflag:s17], $0x2800  }
0x23: {  	[sflag:s17] =	ssyncset.done $0x0  }
0x24: {  	s20 =	stileid.u32;
	[sflag:s17] =	ssyncadd.s32 $0xFFFFD800  }
0x25: {  	s19 =	sshll.u32 @p0 s20, $0x6;
	[bflag:$0x0] =	sbarrier.arrive $0xFFFF  }
0x26: {  	s19 =	sor.u32 @p0 $0x1C07, s19;
	s21 =	rddreg [dreg:$0xe]  }
0x27: {  	[hbm:s21], [sflag:s19] =	dma.local @p0 [spmem:s23], $0x30D0  }
0x28: {  	s19 =	simm.s32 @p0 $0x7  }
0x29: {  	_ =	swait.ge @p0 [sflag:s19], $0x30D0  }
0x2a: {  	s20 =	sshll.u32 @!p0 s20, $0x6;
	[sflag:s19] =	ssyncset.done @p0 $0x0  }
0x2b: {  	[sflag:s19] =	ssyncadd.s32 @p0 $0xFFFFCF30;
	s19 =	sor.u32 @!p0 $0x1C07, s20;
	s20 =	rddreg [dreg:$0xf]  }
0x2c: {  	[hbm:s20], [sflag:s19] =	dma.local @!p0 [spmem:s24], $0x30D8  }
0x2d: {  	s19 =	simm.s32 @!p0 $0x7  }
0x2e: {  	_ =	swait.ge @!p0 [sflag:s19], $0x30D8  }
0x2f: {  	s2 =	sadd.s32 $0x1, s2;
	s22 =	rddreg [dreg:$0x11]  }
0x30: {  	p1 =	sne.s32 s2, s22  }
.Ltmp1:
0x31: {  	_ = 	snop;
	(pc) =	sbr.rel @!p1 .LBB2_7-.Ltmp1, $3  }
0x32: {  	_ =	sdelay $0x1  }
0x33: {  	[sflag:s19] =	ssyncset.done @!p0 $0x0  }
0x34: {  	s21 =	stileid.u32;
	[sflag:s19] =	ssyncadd.s32 @!p0 $0xFFFFCF28  }
.LBB2_1:
0x35: {  	s20 =	simm.s32 $0x100;
	s19 =	simm.s32 $0x0  }
.LBB2_2:
0x36: {  	p1 =	sne.s32 s20, $0x7F00;
	[tilespmem:s19+$0x5670] =	vst v2;
	s21 =	smov.u32 s20;
	s20 =	sadd.s32 $0x100, s20  }
.Ltmp2:
0x37: {  	[tilespmem:s19+$0x5660] =	vst v2;
	(pc) =	sbr.rel @p1 .LBB2_2-.Ltmp2, $3  }
0x38: {  	[tilespmem:s19+$0x5640] =	vst v2  }
0x39: {  	[tilespmem:s19+$0x5650] =	vst v2;
	_ =	sdelay $0x1  }
0x3a: {  	s19 =	sshra.s32 s21, $0x2  }
0x3b: {  	[tilespmem:s19+$0x5670] =	vst v2  }
0x3c: {  	[tilespmem:s19+$0x5660] =	vst v2  }
0x3d: {  	[tilespmem:s19+$0x5640] =	vst v2  }
0x3e: {  	[tilespmem:s19+$0x5650] =	vst v2  }
0x3f: {  	[spmem:s5] =	stream.linear.scatter [tilespmem:s28], [sflag:$0x7], $0x2000, $0x38;
	[tilespmem:$0x1FE80] =	vst v63  }
0x40: {  	_ =	swait.ge [sflag:s29], $0x2000  }
0x41: {  	[sflag:s29] =	ssyncset.done $0x0  }
0x42: {  	s20 =	rddreg [dreg:$0x3];
	[sflag:s29] =	ssyncadd.s32 $0xFFFFE000  }
0x43: {  	[spmem:s20] =	stream.linear.scatter [tilespmem:s28], [sflag:$0x7], $0x2000, $0x38;
	[tilespmem:$0x1FE80] =	vst v63  }
0x44: {  	_ =	swait.ge [sflag:s29], $0x2000  }
0x45: {  	[sflag:s29] =	ssyncset.done $0x0  }
0x46: {  	s21 =	rddreg [dreg:$0x4];
	[sflag:s29] =	ssyncadd.s32 $0xFFFFE000  }
0x47: {  	[spmem:s21] =	stream.linear.scatter [tilespmem:s28], [sflag:$0x7], $0x2000, $0x38;
	[tilespmem:$0x1FE80] =	vst v63  }
0x48: {  	_ =	swait.ge [sflag:s29], $0x2000  }
0x49: {  	[sflag:s29] =	ssyncset.done $0x0  }
0x4a: {  	s22 =	rddreg [dreg:$0x5];
	[sflag:s29] =	ssyncadd.s32 $0xFFFFE000  }
0x4b: {  	[spmem:s22] =	stream.linear.scatter [tilespmem:s28], [sflag:$0x7], $0x2000, $0x38;
	[tilespmem:$0x1FE80] =	vst v63  }
0x4c: {  	_ =	swait.ge [sflag:s29], $0x2000  }
0x4d: {  	[sflag:s29] =	ssyncset.done $0x0  }
0x4e: {  	s20 =	rddreg [dreg:$0x6];
	[sflag:s29] =	ssyncadd.s32 $0xFFFFE000  }
0x4f: {  	[spmem:s20] =	stream.linear.scatter [tilespmem:s28], [sflag:$0x7], $0x2000, $0x38;
	[tilespmem:$0x1FE80] =	vst v63  }
0x50: {  	_ =	swait.ge [sflag:s29], $0x2000  }
0x51: {  	[sflag:s29] =	ssyncset.done $0x0  }
0x52: {  	s21 =	rddreg [dreg:$0x7];
	[sflag:s29] =	ssyncadd.s32 $0xFFFFE000  }
0x53: {  	[spmem:s21] =	stream.linear.scatter [tilespmem:s28], [sflag:$0x7], $0x2000, $0x38;
	[tilespmem:$0x1FE80] =	vst v63  }
0x54: {  	_ =	swait.ge [sflag:s29], $0x2000  }
0x55: {  	[sflag:s29] =	ssyncset.done $0x0  }
0x56: {  	s22 =	rddreg [dreg:$0x8];
	[sflag:s29] =	ssyncadd.s32 $0xFFFFE000  }
0x57: {  	[spmem:s22] =	stream.linear.scatter [tilespmem:s28], [sflag:$0x7], $0x2000, $0x38;
	[tilespmem:$0x1FE80] =	vst v63  }
0x58: {  	_ =	swait.ge [sflag:s29], $0x2000  }
0x59: {  	[sflag:s29] =	ssyncset.done $0x0  }
0x5a: {  	s20 =	rddreg [dreg:$0x9];
	[sflag:s29] =	ssyncadd.s32 $0xFFFFE000  }
0x5b: {  	[spmem:s20] =	stream.linear.scatter [tilespmem:s28], [sflag:$0x7], $0x2000, $0x38;
	[tilespmem:$0x1FE80] =	vst v63  }
0x5c: {  	_ =	swait.ge [sflag:s29], $0x2000  }
0x5d: {  	[sflag:s29] =	ssyncset.done $0x0  }
0x5e: {  	s21 =	rddreg [dreg:$0xa];
	[sflag:s29] =	ssyncadd.s32 $0xFFFFE000  }
0x5f: {  	[spmem:s21] =	stream.linear.scatter [tilespmem:s28], [sflag:$0x7], $0x2000, $0x38;
	[tilespmem:$0x1FE80] =	vst v63  }
0x60: {  	_ =	swait.ge [sflag:s29], $0x2000  }
0x61: {  	[sflag:s29] =	ssyncset.done $0x0  }
0x62: {  	s22 =	rddreg [dreg:$0xd];
	[sflag:s29] =	ssyncadd.s32 $0xFFFFE000  }
0x63: {  	[spmem:s22] =	stream.linear.scatter [tilespmem:s28], [sflag:$0x7], $0x2000, $0x38;
	[tilespmem:$0x1FE80] =	vst v63  }
0x64: {  	_ =	swait.ge [sflag:s29], $0x2000  }
0x65: {  	[sflag:s29] =	ssyncset.done $0x0  }
0x66: {  	s20 =	rddreg [dreg:$0x10];
	[sflag:s29] =	ssyncadd.s32 $0xFFFFE000  }
0x67: {  	[spmem:s20] =	stream.linear.scatter [tilespmem:s28], [sflag:$0x7], $0x2000, $0x38;
	[tilespmem:$0x1FE80] =	vst v63  }
0x68: {  	_ =	swait.ge [sflag:s29], $0x2000  }
0x69: {  	[sflag:s29] =	ssyncset.done $0x0  }
0x6a: {  	[sflag:s29] =	ssyncadd.s32 $0xFFFFE000  }
0x6b: {  	[spmem:s25] =	stream.linear.scatter [tilespmem:s28], [sflag:$0x7], $0x2000, $0x38;
	[tilespmem:$0x1FE80] =	vst v63  }
0x6c: {  	_ =	swait.ge [sflag:s29], $0x2000  }
0x6d: {  	[sflag:s29] =	ssyncset.done $0x0  }
0x6e: {  	[sflag:s29] =	ssyncadd.s32 $0xFFFFE000  }
0x6f: {  	[spmem:s26] =	stream.linear.scatter [tilespmem:s28], [sflag:$0x7], $0x840, $0x38;
	[tilespmem:$0x1FE80] =	vst v63  }
0x70: {  	_ =	swait.ge [sflag:s29], $0x840  }
0x71: {  	[sflag:s29] =	ssyncset.done $0x0  }
0x72: {  	[sflag:s29] =	ssyncadd.s32 $0xFFFFF7C0  }
0x73: {  	s19 =	simm.s32 $0x0;
	[bflag:$0x0] =	sbarrier.arrive $0xFFFF  }
0x74: {  	[tilespmem:s19], [sflag:$0x5] =	stream.linear.gather [hbm4b:s14+s19], $0x140, $0x38;
	[tilespmem:$0x1FE80] =	vst v63  }
0x75: {  	s20 =	simm.s32 $0x280  }
0x76: {  	[tilespmem:s20], [sflag:$0x5] =	stream.linear.gather [hbm4b:s15+s19], $0x140, $0x38;
	[tilespmem:$0x1FE80] =	vst v63  }
0x77: {  	s21 =	rddreg [dreg:$0xb]  }
0x78: {  	[tilespmem:s31], [sflag:$0x6] =	stream.linear.gather [hbm4b:s21+s19], $0x140, $0x38;
	[tilespmem:$0x1FE80] =	vst v63  }
0x79: {  	s22 =	rddreg [dreg:$0xc]  }
0x7a: {  	[tilespmem:s0], [sflag:$0x6] =	stream.linear.gather [hbm4b:s22+s19], $0x140, $0x38;
	[tilespmem:$0x1FE80] =	vst v63  }
.LBB2_4:
0x7b: {  	_ =	swait.ge [sflag:s30], $0x140  }
0x7c: {  	[sflag:s30] =	ssyncset.done $0x0  }
0x7d: {  	[sflag:s30] =	ssyncadd.s32 $0xFFFFFEC0  }
0x7e: {  	p1 =	seq.s32 s19, $0x0;
	_ =	swait.ge [sflag:s30], $0x140  }
0x7f: {  	s20 =	simm.s32 @p1 $0xA0;
	[sflag:s30] =	ssyncset.done $0x0  }
0x80: {  	s21 =	simm.s32 @p1 $0x0;
	s22 =	simm.s32 @p1 $0x640;
	[sflag:s30] =	ssyncadd.s32 $0xFFFFFEC0  }
0x81: {  	[tilespmem:s22], [sflag:$0x1] =	stream.indirect.gather @p1 [hbm4b:s4+s20], $0x40, s21, s20, $0xb8;
	[tilespmem:$0x1FE80] =	vst v63  }
0x82: {  	s20 =	simm.s32 @!p1 $0x3  }
0x83: {  	_ =	swait.ge @!p1 [sflag:s20], $0x2800  }
0x84: {  	s21 =	simm.s32 @!p1 $0x0;
	[sflag:s20] =	ssyncset.done @!p1 $0x0  }
0x85: {  	s22 =	simm.s32 @!p1 $0x640;
	[sflag:s20] =	ssyncadd.s32 @!p1 $0xFFFFD800;
	s20 =	simm.s32 @!p1 $0xA0  }
0x86: {  	[tilespmem:s22], [sflag:$0x1] =	stream.indirect.gather @!p1 [hbm4b:s4+s20], $0x40, s21, s20, $0xb8;
	[tilespmem:$0x1FE80] =	vst v63  }
0x87: {  	s20 =	simm.s32 @!p1 $0x4  }
0x88: {  	_ =	swait.ge @!p1 [sflag:s20], $0x2800  }
0x89: {  	[sflag:s20] =	ssyncset.done @!p1 $0x0  }
0x8a: {  	[sflag:s20] =	ssyncadd.s32 @!p1 $0xFFFFD800  }
0x8b: {  	[tilespmem:s7], [sflag:$0x2] =	stream.indirect.gather [hbm4b:s4+s6], $0x40, s6, s6, $0xb8;
	[tilespmem:$0x1FE80] =	vst v63  }
0x8c: {  	v3 =	vld [tilespmem:$0x280]  }
0x8d: {  	v4 =	vld [tilespmem:$0x290]  }
0x8e: {  	v5 =	vld [tilespmem:$0x2A0]  }
0x8f: {  	v6 =	vld [tilespmem:$0x2B0]  }
0x90: {  	v7 =	vld [tilespmem:$0x2C0]  }
0x91: {  	v8 =	vld [tilespmem:$0x2D0];
	v3 =	vsub.s32 v3, v0  }
0x92: {  	v9 =	vld [tilespmem:$0x2E0];
	v4 =	vsub.s32 v4, v0;
	vm0 =	vgt.u32 v3, $0x61A7  }
0x93: {  	v10 =	vld [tilespmem:$0x2F0];
	v5 =	vsub.s32 v5, v0;
	vm13 =	vgt.u32 v4, $0x61A7;
	v3 =	vsel vm0, v1, v3  }
0x94: {  	v61 =	vld [tilespmem:$0x300];
	v60 =	vsub.s32 v6, v0;
	vm14 =	vgt.u32 v5, $0x61A7;
	[tilespmem:$0x500] =	vst v3;
	v3 =	vsel vm13, v1, v4  }
0x95: {  	v63 =	vld [tilespmem:$0x310];
	v62 =	vsub.s32 v7, v0;
	vm15 =	vgt.u32 v60, $0x61A7;
	[tilespmem:$0x510] =	vst v3;
	v3 =	vsel vm14, v1, v5  }
0x96: {  	v11 =	vsub.s32 v8, v0;
	vm4 =	vgt.u32 v62, $0x61A7;
	[tilespmem:$0x520] =	vst v3;
	v3 =	vsel vm15, v1, v60  }
0x97: {  	v12 =	vsub.s32 v9, v0;
	vm5 =	vgt.u32 v11, $0x61A7;
	[tilespmem:$0x530] =	vst v3;
	v3 =	vsel vm4, v1, v62  }
0x98: {  	v13 =	vsub.s32 v10, v0;
	vm6 =	vgt.u32 v12, $0x61A7;
	[tilespmem:$0x540] =	vst v3;
	v3 =	vsel vm5, v1, v11  }
0x99: {  	v14 =	vsub.s32 v61, v0;
	vm7 =	vgt.u32 v13, $0x61A7;
	[tilespmem:$0x550] =	vst v3;
	v3 =	vsel vm6, v1, v12  }
0x9a: {  	v15 =	vsub.s32 v63, v0;
	vm8 =	vgt.u32 v14, $0x61A7;
	[tilespmem:$0x560] =	vst v3;
	v3 =	vsel vm7, v1, v13  }
0x9b: {  	vm9 =	vgt.u32 v15, $0x61A7;
	[tilespmem:$0x570] =	vst v3;
	v3 =	vsel vm8, v1, v14  }
0x9c: {  	[tilespmem:$0x580] =	vst v3;
	v3 =	vsel vm9, v1, v15  }
0x9d: {  	[tilespmem:$0x590] =	vst v3  }
0x9e: {  	_ =	swait.ge [sflag:s8], $0x2800  }
0x9f: {  	[sflag:s8] =	ssyncset.done $0x0  }
0xa0: {  	[sflag:s8] =	ssyncadd.s32 $0xFFFFD800  }
0xa1: {  	[spmem:s1] =	stream.indirect.scatter.add.f32 [tilespmem:s10], [sflag:$0x3], $0x40, s9, s6, $0xb8;
	[tilespmem:$0x1FE80] =	vst v63  }
0xa2: {  	v3 =	vld [tilespmem:$0x320]  }
0xa3: {  	v16 =	vld [tilespmem:$0x330]  }
0xa4: {  	v17 =	vld [tilespmem:$0x340]  }
0xa5: {  	v18 =	vld [tilespmem:$0x350]  }
0xa6: {  	v19 =	vld [tilespmem:$0x360]  }
0xa7: {  	v20 =	vld [tilespmem:$0x370];
	v3 =	vsub.s32 v3, v0  }
0xa8: {  	v21 =	vld [tilespmem:$0x380];
	v4 =	vsub.s32 v16, v0;
	vm10 =	vgt.u32 v3, $0x61A7  }
0xa9: {  	v22 =	vld [tilespmem:$0x390];
	v5 =	vsub.s32 v17, v0;
	vm11 =	vgt.u32 v4, $0x61A7;
	v3 =	vsel vm10, v1, v3  }
0xaa: {  	v24 =	vld [tilespmem:$0x3A0];
	v23 =	vsub.s32 v18, v0;
	vm12 =	vgt.u32 v5, $0x61A7;
	[tilespmem:$0x5A0] =	vst v3;
	v3 =	vsel vm11, v1, v4  }
0xab: {  	v26 =	vld [tilespmem:$0x3B0];
	v25 =	vsub.s32 v19, v0;
	vm13 =	vgt.u32 v23, $0x61A7;
	[tilespmem:$0x5B0] =	vst v3;
	v3 =	vsel vm12, v1, v5  }
0xac: {  	v27 =	vsub.s32 v20, v0;
	vm14 =	vgt.u32 v25, $0x61A7;
	[tilespmem:$0x5C0] =	vst v3;
	v3 =	vsel vm13, v1, v23  }
0xad: {  	v28 =	vsub.s32 v21, v0;
	vm15 =	vgt.u32 v27, $0x61A7;
	[tilespmem:$0x5D0] =	vst v3;
	v3 =	vsel vm14, v1, v25  }
0xae: {  	v29 =	vsub.s32 v22, v0;
	vm4 =	vgt.u32 v28, $0x61A7;
	[tilespmem:$0x5E0] =	vst v3;
	v3 =	vsel vm15, v1, v27  }
0xaf: {  	v30 =	vsub.s32 v24, v0;
	vm5 =	vgt.u32 v29, $0x61A7;
	[tilespmem:$0x5F0] =	vst v3;
	v3 =	vsel vm4, v1, v28  }
0xb0: {  	v31 =	vsub.s32 v26, v0;
	vm6 =	vgt.u32 v30, $0x61A7;
	[tilespmem:$0x600] =	vst v3;
	v3 =	vsel vm5, v1, v29  }
0xb1: {  	vm7 =	vgt.u32 v31, $0x61A7;
	[tilespmem:$0x610] =	vst v3;
	v3 =	vsel vm6, v1, v30  }
0xb2: {  	[tilespmem:$0x620] =	vst v3;
	v3 =	vsel vm7, v1, v31  }
0xb3: {  	[tilespmem:$0x630] =	vst v3  }
0xb4: {  	_ =	swait.ge [sflag:s11], $0x2800  }
0xb5: {  	p1 =	seq.s32 s19, $0x18B0;
	[sflag:s11] =	ssyncset.done $0x0  }
0xb6: {  	s20 =	sadd.s32 @!p1 s19, s14;
	[sflag:s11] =	ssyncadd.s32 $0xFFFFD800  }
0xb7: {  	[spmem:s1] =	stream.indirect.scatter.add.f32 [tilespmem:s7], [sflag:$0x4], $0x40, s12, s6, $0xb8;
	[tilespmem:$0x1FE80] =	vst v63  }
0xb8: {  	s21 =	simm.s32 @!p1 $0x0;
	s20 =	sadd.s32 @!p1 $0x50, s20  }
0xb9: {  	[tilespmem:s21], [sflag:$0x5] =	stream.linear.gather @!p1 [hbm4b:s20+s21], $0x140, $0x38;
	[tilespmem:$0x1FE80] =	vst v63  }
0xba: {  	s20 =	sadd.s32 @!p1 s19, s15  }
0xbb: {  	s22 =	simm.s32 @!p1 $0x280;
	s20 =	sadd.s32 @!p1 $0x50, s20  }
0xbc: {  	[tilespmem:s22], [sflag:$0x5] =	stream.linear.gather @!p1 [hbm4b:s20+s21], $0x140, $0x38;
	[tilespmem:$0x1FE80] =	vst v63  }
0xbd: {  	_ =	swait.ge [sflag:s13], $0x140  }
0xbe: {  	[sflag:s13] =	ssyncset.done $0x0  }
0xbf: {  	[sflag:s13] =	ssyncadd.s32 $0xFFFFFEC0  }
0xc0: {  	_ =	swait.ge [sflag:s13], $0x140  }
0xc1: {  	[sflag:s13] =	ssyncset.done $0x0  }
0xc2: {  	[sflag:s13] =	ssyncadd.s32 $0xFFFFFEC0  }
0xc3: {  	_ =	swait.ge [sflag:s16], $0x2800  }
0xc4: {  	[sflag:s16] =	ssyncset.done $0x0  }
0xc5: {  	[sflag:s16] =	ssyncadd.s32 $0xFFFFD800  }
0xc6: {  	[tilespmem:s10], [sflag:$0x1] =	stream.indirect.gather [hbm4b:s4+s6], $0x40, s31, s6, $0xb8;
	[tilespmem:$0x1FE80] =	vst v63  }
0xc7: {  	_ =	swait.ge [sflag:s17], $0x2800  }
0xc8: {  	[sflag:s17] =	ssyncset.done $0x0  }
0xc9: {  	[sflag:s17] =	ssyncadd.s32 $0xFFFFD800  }
0xca: {  	[tilespmem:s7], [sflag:$0x2] =	stream.indirect.gather [hbm4b:s4+s6], $0x40, s18, s6, $0xb8;
	[tilespmem:$0x1FE80] =	vst v63  }
0xcb: {  	v3 =	vld [tilespmem:$0x3C0]  }
0xcc: {  	v32 =	vld [tilespmem:$0x3D0]  }
0xcd: {  	v33 =	vld [tilespmem:$0x3E0]  }
0xce: {  	v34 =	vld [tilespmem:$0x3F0]  }
0xcf: {  	v35 =	vld [tilespmem:$0x400]  }
0xd0: {  	v36 =	vld [tilespmem:$0x410];
	v3 =	vsub.s32 v3, v0  }
0xd1: {  	v37 =	vld [tilespmem:$0x420];
	v4 =	vsub.s32 v32, v0;
	vm8 =	vgt.u32 v3, $0x61A7  }
0xd2: {  	v38 =	vld [tilespmem:$0x430];
	v5 =	vsub.s32 v33, v0;
	vm9 =	vgt.u32 v4, $0x61A7;
	v3 =	vsel vm8, v1, v3  }
0xd3: {  	v40 =	vld [tilespmem:$0x440];
	v39 =	vsub.s32 v34, v0;
	vm10 =	vgt.u32 v5, $0x61A7;
	[tilespmem:$0x500] =	vst v3;
	v3 =	vsel vm9, v1, v4  }
0xd4: {  	v42 =	vld [tilespmem:$0x450];
	v41 =	vsub.s32 v35, v0;
	vm11 =	vgt.u32 v39, $0x61A7;
	[tilespmem:$0x510] =	vst v3;
	v3 =	vsel vm10, v1, v5  }
0xd5: {  	v43 =	vsub.s32 v36, v0;
	vm12 =	vgt.u32 v41, $0x61A7;
	[tilespmem:$0x520] =	vst v3;
	v3 =	vsel vm11, v1, v39  }
0xd6: {  	v44 =	vsub.s32 v37, v0;
	vm13 =	vgt.u32 v43, $0x61A7;
	[tilespmem:$0x530] =	vst v3;
	v3 =	vsel vm12, v1, v41  }
0xd7: {  	v45 =	vsub.s32 v38, v0;
	vm14 =	vgt.u32 v44, $0x61A7;
	[tilespmem:$0x540] =	vst v3;
	v3 =	vsel vm13, v1, v43  }
0xd8: {  	v46 =	vsub.s32 v40, v0;
	vm15 =	vgt.u32 v45, $0x61A7;
	[tilespmem:$0x550] =	vst v3;
	v3 =	vsel vm14, v1, v44  }
0xd9: {  	v47 =	vsub.s32 v42, v0;
	vm4 =	vgt.u32 v46, $0x61A7;
	[tilespmem:$0x560] =	vst v3;
	v3 =	vsel vm15, v1, v45  }
0xda: {  	vm5 =	vgt.u32 v47, $0x61A7;
	[tilespmem:$0x570] =	vst v3;
	v3 =	vsel vm4, v1, v46  }
0xdb: {  	[tilespmem:$0x580] =	vst v3;
	v3 =	vsel vm5, v1, v47  }
0xdc: {  	[tilespmem:$0x590] =	vst v3  }
0xdd: {  	_ =	swait.ge [sflag:s8], $0x2800  }
0xde: {  	[sflag:s8] =	ssyncset.done $0x0  }
0xdf: {  	[sflag:s8] =	ssyncadd.s32 $0xFFFFD800  }
0xe0: {  	[spmem:s1] =	stream.indirect.scatter.add.f32 [tilespmem:s10], [sflag:$0x3], $0x40, s9, s6, $0xb8;
	[tilespmem:$0x1FE80] =	vst v63  }
0xe1: {  	v3 =	vld [tilespmem:$0x460]  }
0xe2: {  	v48 =	vld [tilespmem:$0x470]  }
0xe3: {  	v49 =	vld [tilespmem:$0x480]  }
0xe4: {  	v50 =	vld [tilespmem:$0x490]  }
0xe5: {  	v51 =	vld [tilespmem:$0x4A0]  }
0xe6: {  	v52 =	vld [tilespmem:$0x4B0];
	v3 =	vsub.s32 v3, v0  }
0xe7: {  	v53 =	vld [tilespmem:$0x4C0];
	v4 =	vsub.s32 v48, v0;
	vm6 =	vgt.u32 v3, $0x61A7  }
0xe8: {  	v54 =	vld [tilespmem:$0x4D0];
	v5 =	vsub.s32 v49, v0;
	vm7 =	vgt.u32 v4, $0x61A7;
	v3 =	vsel vm6, v1, v3  }
0xe9: {  	v56 =	vld [tilespmem:$0x4E0];
	v55 =	vsub.s32 v50, v0;
	vm8 =	vgt.u32 v5, $0x61A7;
	[tilespmem:$0x5A0] =	vst v3;
	v3 =	vsel vm7, v1, v4  }
0xea: {  	v58 =	vld [tilespmem:$0x4F0];
	v57 =	vsub.s32 v51, v0;
	vm9 =	vgt.u32 v55, $0x61A7;
	[tilespmem:$0x5B0] =	vst v3;
	v3 =	vsel vm8, v1, v5  }
0xeb: {  	v59 =	vsub.s32 v52, v0;
	vm10 =	vgt.u32 v57, $0x61A7;
	[tilespmem:$0x5C0] =	vst v3;
	v3 =	vsel vm9, v1, v55  }
0xec: {  	v60 =	vsub.s32 v53, v0;
	vm11 =	vgt.u32 v59, $0x61A7;
	[tilespmem:$0x5D0] =	vst v3;
	v3 =	vsel vm10, v1, v57  }
0xed: {  	v61 =	vsub.s32 v54, v0;
	vm12 =	vgt.u32 v60, $0x61A7;
	[tilespmem:$0x5E0] =	vst v3;
	v3 =	vsel vm11, v1, v59  }
0xee: {  	v62 =	vsub.s32 v56, v0;
	vm13 =	vgt.u32 v61, $0x61A7;
	[tilespmem:$0x5F0] =	vst v3;
	v3 =	vsel vm12, v1, v60  }
0xef: {  	v63 =	vsub.s32 v58, v0;
	vm14 =	vgt.u32 v62, $0x61A7;
	[tilespmem:$0x600] =	vst v3;
	v3 =	vsel vm13, v1, v61  }
0xf0: {  	vm15 =	vgt.u32 v63, $0x61A7;
	[tilespmem:$0x610] =	vst v3;
	v3 =	vsel vm14, v1, v62  }
0xf1: {  	[tilespmem:$0x620] =	vst v3;
	v3 =	vsel vm15, v1, v63  }
.Ltmp3:
0xf2: {  	[tilespmem:$0x630] =	vst v3;
	(pc) =	sbr.rel @p1 .LBB2_6-.Ltmp3, $4  }
0xf3: {  	_ =	swait.ge [sflag:s11], $0x2800  }
0xf4: {  	[sflag:s11] =	ssyncset.done $0x0  }
0xf5: {  	[sflag:s11] =	ssyncadd.s32 $0xFFFFD800  }
0xf6: {  	[spmem:s1] =	stream.indirect.scatter.add.f32 [tilespmem:s7], [sflag:$0x4], $0x40, s12, s6, $0xb8;
	[tilespmem:$0x1FE80] =	vst v63  }
.Ltmp4:
0xf7: {  	s20 =	sadd.s32 s19, s14;
	(pc) =	sbr.rel .LBB2_4-.Ltmp4, $4  }
0xf8: {  	s22 =	sadd.s32 s19, s15;
	s20 =	sadd.s32 $0x78, s20  }
0xf9: {  	[tilespmem:s31], [sflag:$0x6] =	stream.linear.gather [hbm4b:s20+s3], $0x140, $0x38;
	[tilespmem:$0x1FE80] =	vst v63  }
0xfa: {  	s19 =	sadd.s32 $0x50, s19;
	s20 =	sadd.s32 $0x78, s22  }
0xfb: {  	[tilespmem:s0], [sflag:$0x6] =	stream.linear.gather [hbm4b:s20+s3], $0x140, $0x38;
	[tilespmem:$0x1FE80] =	vst v63  }
.LBB2_7:
0xfc: {  	_ =	sfence.sel $0x180000  }
0xfd: {  	[bflag:$0x0] =	sbarrier.arrive $0xFFFF  }
0xfe: {  	_ =	strace $0x9000004A  }
0xff: {  	[bflag:$0x2] =	sbarrier.arrive $0xFFFF  }
0x100: {  	p0 =	sne.s32 s21, $0x0;
	s0 =	rddreg [dreg:$0x2]  }
0x101: {  	s0 =	sadd.s32 @!p0 $0x100000, s0  }
0x102: {  	[sflag:s0] =	ssyncadd.tile.s32 @!p0 $0x1;
	_ =	shalt  }
.Lfunc_end2:
_tile_overlayer_lowered:
.L_overlay_start_2:
0x103: {  	(tag) =	ssettag $0x2  }
0x104: {  	s0 =	rddreg [dreg:$0x0];
	s2 =	stileid.u32  }
0x105: {  	s1 =	rddreg [dreg:$0x1];
	p0 =	sne.s32 s2, $0x0  }
0x106: {  	s3 =	rddreg [dreg:$0x2];
	[bflag:$0x3] =	sbarrier.arrive $0xFFFF;
	s2 =	simm.s32 @!p0 $0x1C07  }
0x107: {  	[timem:s3], [sflag:s2] =	dma.local @!p0 [hbm:s0], s1  }
0x108: {  	s0 =	simm.s32 @!p0 $0x7  }
0x109: {  	_ =	swait.ge @!p0 [sflag:s0], s1  }
0x10a: {  	s1 =	ssub.s32 @!p0 $0x0, s1;
	[sflag:s0] =	ssyncset.done @!p0 $0x0  }
0x10b: {  	[sflag:s0] =	ssyncadd.s32 @!p0 s1  }
0x10c: {  	[bflag:$0x3] =	sbarrier.arrive $0xFFFF  }
0x10d: {  	_ =	shalt  }

// kernel: kernel.15.cloned.1.call-start
scs
__scs_entry_jumppad:
0x0: {  	(pc) =	sbr.rel $0x88, $3  }
0x1: {  	(tag) =	ssettag $0x0;
	lr =	simm.s32 $0x1  }
0x2: {  	[smem:$0x3F92] =	sst lr;
	_ =	strace $0xD0000000  }
0x3: {  	_ = 	snop  }
0x4: {  	_ = 	snop  }
0x5: {  	_ = 	snop  }
0x6: {  	_ = 	snop  }
0x7: {  	_ = 	snop  }
__scs_overlays_trampoline_lowered:
0x8: {  	[smem:$0x3FA1] =	sst s0  }
0x9: {  	[smem:$0x3FA2] =	sst s1  }
0xa: {  	[smem:$0x3FA3] =	sst s2  }
0xb: {  	[smem:$0x3FA4] =	sst s3  }
0xc: {  	[smem:$0x3FA5] =	sst s4  }
0xd: {  	[smem:$0x3FA6] =	sst s5  }
0xe: {  	[smem:$0x3FA7] =	sst s6  }
0xf: {  	[smem:$0x3FA8] =	sst s7  }
0x10: {  	[smem:$0x3FA9] =	sst s8  }
0x11: {  	[smem:$0x3FAA] =	sst s9;
	s0 =	simm.s32 @!p0 $0x0  }
0x12: {  	s1 =	sld [smem:$0x3F90];
	s0 =	simm.s32 @p0 $0x1  }
0x13: {  	[smem:$0x3FAB] =	sst s0;
	s0 =	simm.s32 @!p1 $0x0  }
0x14: {  	s2 =	sld [smem:$0x3F8F];
	s0 =	simm.s32 @p1 $0x1  }
0x15: {  	[smem:$0x3FAC] =	sst s0;
	s0 =	simm.s32 @!p2 $0x0  }
0x16: {  	s3 =	sld [smem:$0x3FDB];
	s0 =	simm.s32 @p2 $0x1  }
0x17: {  	s4 =	simm.s32 $0x1BF5;
	[smem:$0x3FAE] =	sst s0  }
0x18: {  	s0 =	sld [smem:$0x3F91];
	_ =	swait.ge [sflag:s4], $0x0  }
0x19: {  	s7 =	sld [smem:$0x3F92]  }
0x1a: {  	s8 =	sadd.s32 $0xFFFFE003, lr  }
0x1b: {  	s9 =	sadd.s32 $0xFFFFFEF7, lr;
	s5 =	simm.s32 $0xFFFFFFFF;
	p2 =	slt.u32 s8, $0xFFFFF086  }
0x1c: {  	p1 =	slt.u32 s9, $0xF7A;
	s5 =	simm.s32 @!p2 $0x0  }
0x1d: {  	s5 =	simm.s32 @p1 $0x1;
	p0 =	seq.s32 s7, s2  }
0x1e: {  	s7 =	smul.u32 @!p0 $0xF7A, s2;
	p2 =	seq.s32 @!p0 s5, $0x0  }
0x1f: {  	s9 =	smul.u32 $0xF7A, s1;
	s8 =	simm.s32 @!p0 $0x1BF5;
	p2 =	por !p2, p0  }
0x20: {  	[sflag:s8] =	ssyncset.s32 @!p0 $0xFFFFF086;
	s6 =	sadd.s32 @!p0 s3, s7;
	s7 =	simm.s32 @!p0 $0x108  }
0x21: {  	s3 =	sadd.s32 s3, s9;
	s6 =	sadd.s32 @!p0 $0x88, s6;
	s7 =	simm.s32 @p2 $0x1082  }
0x22: {  	[simem:s7], [sflag:s8] =	dma.local @!p0 [hbm:s6], $0xF7A  }
0x23: {  	s9 =	sor.u32 $0xD0000000, s2;
	s6 =	simm.s32 $0x108;
	_ =	swait.ge @!p0 [sflag:s8], $0x0  }
0x24: {  	s3 =	sadd.s32 $0x88, s3;
	s6 =	simm.s32 @!p1 $0x1082;
	[sflag:s4] =	ssyncset.s32 $0xFFFFF086  }
0x25: {  	[simem:s6], [sflag:s4] =	dma.local [hbm:s3], $0xF7A  }
0x26: {  	[smem:$0x3F92] =	sst s1;
	(tag) =	ssettag s2;
	_ =	strace s9  }
0x27: {  	s1 =	sld [smem:$0x3FA2]  }
0x28: {  	s2 =	sld [smem:$0x3FA3]  }
0x29: {  	s4 =	sld [smem:$0x3FA5]  }
0x2a: {  	p0 =	seq.s32 s5, $0x0;
	s5 =	sld [smem:$0x3FA6]  }
0x2b: {  	s6 =	sld [smem:$0x3FA7]  }
0x2c: {  	s7 =	sld [smem:$0x3FA8]  }
0x2d: {  	s3 =	simm.s32 $0x108;
	s8 =	sld [smem:$0x3FA9]  }
0x2e: {  	s3 =	simm.s32 @!p0 $0x1082;
	s9 =	sld [smem:$0x3FAA]  }
0x2f: {  	lr =	sadd.s32 s0, s3;
	s0 =	sld [smem:$0x3FA1]  }
0x30: {  	s3 =	sld [smem:$0x3FA4]  }
0x31: {  	[smem:$0x3FAD] =	sst s10  }
0x32: {  	s10 =	sld [smem:$0x3FAB];
	_ =	sdelay $0x3  }
0x33: {  	p0 =	seq.s32 s10, $0x1;
	s10 =	sld [smem:$0x3FAD];
	_ =	sdelay $0x3  }
0x34: {  	[smem:$0x3FAD] =	sst s10  }
0x35: {  	s10 =	sld [smem:$0x3FAC];
	_ =	sdelay $0x3  }
0x36: {  	p1 =	seq.s32 s10, $0x1;
	s10 =	sld [smem:$0x3FAD];
	_ =	sdelay $0x3  }
0x37: {  	[smem:$0x3FAD] =	sst s10  }
0x38: {  	s10 =	sld [smem:$0x3FAE]  }
0x39: {  	_ = 	snop;
	(pc) =	sbr.ind lr, $3  }
0x3a: {  	_ = 	snop  }
0x3b: {  	_ = 	snop  }
0x3c: {  	p2 =	seq.s32 s10, $0x1;
	s10 =	sld [smem:$0x3FAD]  }
0x3d: {  	_ =	shalt  }
0x3e: {  	_ =	shalt  }
0x3f: {  	_ =	shalt  }
0x40: {  	_ =	shalt  }
0x41: {  	_ =	shalt  }
0x42: {  	_ =	shalt  }
0x43: {  	_ =	shalt  }
0x44: {  	_ =	shalt  }
0x45: {  	_ =	shalt  }
0x46: {  	_ =	shalt  }
0x47: {  	_ =	shalt  }
0x48: {  	_ =	shalt  }
0x49: {  	_ =	shalt  }
0x4a: {  	_ =	shalt  }
0x4b: {  	_ =	shalt  }
0x4c: {  	_ =	shalt  }
0x4d: {  	_ =	shalt  }
0x4e: {  	_ =	shalt  }
0x4f: {  	_ =	shalt  }
0x50: {  	_ =	shalt  }
0x51: {  	_ =	shalt  }
0x52: {  	_ =	shalt  }
0x53: {  	_ =	shalt  }
0x54: {  	_ =	shalt  }
0x55: {  	_ =	shalt  }
0x56: {  	_ =	shalt  }
0x57: {  	_ =	shalt  }
0x58: {  	_ =	shalt  }
0x59: {  	_ =	shalt  }
0x5a: {  	_ =	shalt  }
0x5b: {  	_ =	shalt  }
0x5c: {  	_ =	shalt  }
0x5d: {  	_ =	shalt  }
0x5e: {  	_ =	shalt  }
0x5f: {  	_ =	shalt  }
0x60: {  	_ =	shalt  }
0x61: {  	_ =	shalt  }
0x62: {  	_ =	shalt  }
0x63: {  	_ =	shalt  }
0x64: {  	_ =	shalt  }
0x65: {  	_ =	shalt  }
0x66: {  	_ =	shalt  }
0x67: {  	_ =	shalt  }
0x68: {  	_ =	shalt  }
0x69: {  	_ =	shalt  }
0x6a: {  	_ =	shalt  }
0x6b: {  	_ =	shalt  }
0x6c: {  	_ =	shalt  }
0x6d: {  	_ =	shalt  }
0x6e: {  	_ =	shalt  }
0x6f: {  	_ =	shalt  }
0x70: {  	_ =	shalt  }
0x71: {  	_ =	shalt  }
0x72: {  	_ =	shalt  }
0x73: {  	_ =	shalt  }
0x74: {  	_ =	shalt  }
0x75: {  	_ =	shalt  }
0x76: {  	_ =	shalt  }
0x77: {  	_ =	shalt  }
0x78: {  	_ =	shalt  }
0x79: {  	_ =	shalt  }
0x7a: {  	_ =	shalt  }
0x7b: {  	_ =	shalt  }
0x7c: {  	_ =	shalt  }
0x7d: {  	_ =	shalt  }
0x7e: {  	_ =	shalt  }
0x7f: {  	_ =	shalt  }
0x80: {  	_ =	shalt  }
0x81: {  	_ =	shalt  }
0x82: {  	_ =	shalt  }
0x83: {  	_ =	shalt  }
0x84: {  	_ =	shalt  }
0x85: {  	_ =	shalt  }
0x86: {  	_ =	shalt  }
0x87: {  	_ =	shalt  }
.Lfunc_end0:
.L_simem_size_0:
called_computation.2_lowered:
.L_overlay_start_0:
0x88: {  	s2 =	sld [smem:$0x3FD9]  }
0x89: {  	s3 =	sld [smem:$0x3FFE];
	_ =	sdelay $0x1  }
0x8a: {  	s1 =	srdreg.scid  }
0x8b: {  	s0 =	sand.u32 $0x1, s1  }
0x8c: {  	s16 =	sshll.u32 s0, $0xA;
	s2 =	sadd.s32 s3, s2  }
0x8d: {  	s2 =	sadd.s32 s2, s16  }
0x8e: {  	[smem:$0x3FB9] =	sst s2  }
0x8f: {  	_ = 	snop  }
0x90: {  	(tm) =	ssettm $0x1  }
0x91: {  	s17 =	sld [smem:$0x3FFB];
	_ =	sdelay $0x3  }
0x92: {  	_ =	strace s17  }
0x93: {  	s2 =	sld [smem:$0x3FFC];
	_ =	sdelay $0x3  }
0x94: {  	_ =	strace s2  }
0x95: {  	s2 =	sld [smem:$0x3FFD];
	_ =	sdelay $0x3  }
0x96: {  	_ =	strace s2  }
0x97: {  	_ =	strace $0x8FFFFFFF  }
0x98: {  	s18 =	sld [smem:$0x3FDB];
	_ =	sdelay $0x1  }
0x99: {  	s19 =	simm.s32 $_scs_section_size  }
0x9a: {  	s4 =	simm.s32 $_size__tile_overlayer_lowered;
	s5 =	simm.s32 $_tile_overlayer_lowered  }
0x9b: {  	s22 =	simm.s32 $0x1BFF;
	s21 =	sshll.u32 s5, $0x1;
	s2 =	sadd.s32 s19, s18  }
0x9c: {  	s6 =	simm.s32 $0x0;
	s20 =	sshll.u32 s4, $0x1;
	s4 =	sadd.s32 s21, s2  }
0x9d: {  	[timem:s6], [sflag:s22] =	dma.local [hbm:s4], s20  }
0x9e: {  	_ =	swait.ge [sflag:s22], s20  }
0x9f: {  	s3 =	ssub.s32 $0x0, s20;
	[sflag:s22] =	ssyncset.done $0x0  }
0xa0: {  	[sflag:s22] =	ssyncadd.s32 s3;
	_ =	sdelay $0x1  }
0xa1: {  	s23 =	simm.s32 $0x1B8B  }
0xa2: {  	_ =	swait.ge [sflag:s23], $0x1  }
0xa3: {  	[sflag:s23] =	ssyncset.done $0x0  }
0xa4: {  	s25 =	simm.s32 $0x1B8E;
	s24 =	sld [smem:$0x3FFE];
	[sflag:s23] =	ssyncadd.s32 $0xFFFFFFFF  }
0xa5: {  	s26 =	simm.s32 $execute0_lowered;
	[smem:$0x3FD2] =	sst s25  }
0xa6: {  	s4 =	sshll.u32 s26, $0x1;
	_ =	strace $0x8000004C;
	[dreg:$0x1] =	wrdreg $0xFFFFFFFF  }
0xa7: {  	s28 =	simm.s32 $_size_execute0_lowered;
	s2 =	sadd.s32 s2, s4;
	[dreg:$0x0] =	wrdreg $0x0  }
0xa8: {  	s4 =	sshll.u32 s28, $0x1;
	[dreg:$0x2] =	wrdreg s2  }
0xa9: {  	[dreg:$0x3] =	wrdreg s4  }
0xaa: {  	[dreg:$0x4] =	wrdreg $0xC0  }
0xab: {  	_ =	task [dreg:s6], $0x5FFFF  }
0xac: {  	[dreg:$0x1] =	wrdreg $0xFFFFFFFF  }
0xad: {  	[dreg:$0x0] =	wrdreg $0x60  }
0xae: {  	[dreg:$0x2] =	wrdreg s24  }
0xaf: {  	[dreg:$0x3] =	wrdreg $0x76400  }
0xb0: {  	[dreg:$0x4] =	wrdreg $0x9  }
0xb1: {  	_ =	task.clear_ibuf [dreg:s6], $0x5FFFF;
	_ =	strace $0x9000004C  }
0xb2: {  	s29 =	simm.s32 $0x9;
	_ =	strace $0x8000004E  }
0xb3: {  	_ =	swait.ge [sflag:s29], $0x1  }
0xb4: {  	[sflag:s29] =	ssyncadd.s32 $0xFFFFFFFF  }
0xb5: {  	_ =	strace $0x9000004E  }
0xb6: {  	_ =	sfence  }
0xb7: {  	s30 =	sld [smem:$0x0];
	_ =	sdelay $0x2  }
0xb8: {  	s31 =	sshll.u32 s1, $0xD;
	s1 =	sshrl.u32 s1, $0x2  }
0xb9: {  	s3 =	sand.u32 $0x4000, s31;
	s1 =	sadd.s32 s1, s30  }
0xba: {  	s0 =	sor.u32 s3, s0;
	s1 =	sshll.u32 s1, $0x11  }
0xbb: {  	s0 =	sor.u32 s1, s0  }
0xbc: {  	s0 =	sadd.s32 $0x8F2B, s0  }
0xbd: {  	[sflag:s0] =	ssyncadd.remote.s32 $0x1  }
0xbe: {  	_ =	sfence.sel $0xFFFF  }
0xbf: {  	[dreg:$0x0] =	wrdreg $0xFFFFFFFF;
	(pc) =	sbr.abs _section_cstart, $3  }
0xc0: {  	[dreg:$0x1] =	wrdreg $0xFFFFFFFF  }
0xc1: {  	_ =	task.clear_ibuf [dreg:s6], $0x2FFFF;
	_ =	strace $0x9FFFFFFF  }
0xc2: {  	(tm) =	ssettm $0x7FFFFFFF  }
0xc3: {  	_ =	shalt  }
tec
execute0_lowered:
.L_overlay_start_1:
0x0: {  	(tag) =	ssettag $0x1  }
0x1: {  	s0 =	rddreg [dreg:$0x0]  }
0x2: {  	s1 =	rddreg [dreg:$0x1];
	s3 =	simm.s32 $0x0  }
0x3: {  	s2 =	srdreg.scid;
	s13 =	stileid.u32;
	s28 =	simm.s32 $0x5640  }
0x4: {  	s29 =	simm.s32 $0x7;
	s31 =	simm.s32 $0x140;
	s5 =	smul.u32 $0x62100, s13  }
0x5: {  	s30 =	simm.s32 $0x5;
	[smem:$0x7FF] =	sst s3;
	s22 =	smul.u32 $0x1900, s13  }
0x6: {  	s2 =	sand.u32 $0x1, s2;
	s4 =	sadd.s32 $0x3400, s0;
	s26 =	smul.u32 $0x18680, s13  }
0x7: {  	s6 =	sadd.s32 $0x65000, s0;
	s8 =	sadd.s32 $0x7E000, s0;
	s12 =	smul.u32 $0x186C0, s13  }
0x8: {  	s0 =	sadd.s32 $0x97000, s0;
	p0 =	sgt.u32 s13, $0x7;
	s17 =	smul.u32 $0x61A8, s2  }
0x9: {  	_ =	strace $0x8000004D;
	s7 =	ssub.s32 $0x2, s2;
	s2 =	smul.u32 $0x188000, s2  }
0xa: {  	s9 =	sshrl.u32 s7, $0x1;
	s5 =	sshrl.u32 s5, $0x2;
	s11 =	sor.u32 $0x28, s22  }
0xb: {  	s14 =	sadd.s32 s6, s22;
	s15 =	sadd.s32 s8, s22;
	s6 =	sadd.s32 s6, s11  }
0xc: {  	s5 =	sadd.s32 s5, s1;
	s8 =	sadd.s32 s8, s11;
	[dreg:$0xb] =	wrdreg s6  }
0xd: {  	s16 =	sadd.s32 $0x200, s26;
	s18 =	sadd.s32 $0x2000, s5;
	[dreg:$0xc] =	wrdreg s8  }
0xe: {  	s22 =	sadd.s32 $0x61A8, s13;
	s19 =	sadd.s32 $0x4000, s5;
	[dreg:$0x3] =	wrdreg s18  }
0xf: {  	s13 =	simm.s32 $0x6;
	s20 =	sadd.s32 $0x6000, s5;
	[dreg:$0x4] =	wrdreg s19  }
0x10: {  	s7 =	ssub.s32 s7, s9;
	s21 =	sadd.s32 $0x8000, s5;
	[dreg:$0x5] =	wrdreg s20  }
0x11: {  	s9 =	simm.s32 $0x500;
	s10 =	sadd.s32 $0xA000, s5;
	[dreg:$0x6] =	wrdreg s21  }
0x12: {  	s11 =	simm.s32 $0x2;
	s23 =	sadd.s32 $0xC000, s5;
	[dreg:$0x7] =	wrdreg s10  }
0x13: {  	v0 =	vmov s17;
	s17 =	simm.s32 $0x4;
	s24 =	sadd.s32 $0xE000, s5;
	[dreg:$0x8] =	wrdreg s23  }
0x14: {  	s25 =	sadd.s32 $0x10000, s5;
	s26 =	sadd.s32 $0x18000, s5;
	[dreg:$0x9] =	wrdreg s24  }
0x15: {  	s6 =	simm.s32 $0xA0;
	[dreg:$0xa] =	wrdreg s25;
	s18 =	sadd.s32 s2, s16  }
0x16: {  	s2 =	sadd.s32 s12, s2;
	s19 =	sadd.s32 $0x12000, s5;
	s20 =	sadd.s32 $0x14000, s5  }
0x17: {  	s21 =	smax.u32 s7, $0x1;
	s25 =	sadd.s32 $0x16000, s5;
	[dreg:$0xd] =	wrdreg s19  }
0x18: {  	s7 =	simm.s32 $0x2E40;
	s10 =	simm.s32 $0x640;
	[dreg:$0x10] =	wrdreg s20  }
0x19: {  	s8 =	sshrl.u32 s18, $0x3;
	s2 =	sshrl.u32 s2, $0x3;
	[dreg:$0x11] =	wrdreg s21  }
.Ltmp0:
0x1a: {  	s18 =	simm.s32 $0x1E0;
	s8 =	sadd.s32 s0, s8;
	(pc) =	sbr.rel .LBB2_1-.Ltmp0, $4  }
0x1b: {  	s0 =	sadd.s32 s0, s2;
	s2 =	sadd.s32 s12, s1;
	[dreg:$0xe] =	wrdreg s8  }
0x1c: {  	s12 =	simm.s32 $0x5A0;
	[dreg:$0xf] =	wrdreg s0;
	s0 =	sadd.s32 s16, s1  }
0x1d: {  	s24 =	sshrl.u32 @!p0 s2, $0x3;
	s8 =	simm.s32 $0x1;
	s16 =	simm.s32 $0x3  }
0x1e: {  	v2 =	vimm.f32 $0.0e+00;
	v1 =	vmov s22;
	s2 =	simm.s32 $0x0;
	s23 =	sshrl.u32 @p0 s0, $0x3;
	s0 =	simm.s32 $0x3C0  }
.LBB2_6:
0x1f: {  	_ =	swait.ge [sflag:s16], $0x2800  }
0x20: {  	[sflag:s16] =	ssyncset.done $0x0  }
0x21: {  	[sflag:s16] =	ssyncadd.s32 $0xFFFFD800  }
0x22: {  	_ =	swait.ge [sflag:s17], $0x2800  }
0x23: {  	[sflag:s17] =	ssyncset.done $0x0  }
0x24: {  	s20 =	stileid.u32;
	[sflag:s17] =	ssyncadd.s32 $0xFFFFD800  }
0x25: {  	s19 =	sshll.u32 @p0 s20, $0x6;
	[bflag:$0x0] =	sbarrier.arrive $0xFFFF  }
0x26: {  	s19 =	sor.u32 @p0 $0x1C07, s19;
	s21 =	rddreg [dreg:$0xe]  }
0x27: {  	[hbm:s21], [sflag:s19] =	dma.local @p0 [spmem:s23], $0x30D0  }
0x28: {  	s19 =	simm.s32 @p0 $0x7  }
0x29: {  	_ =	swait.ge @p0 [sflag:s19], $0x30D0  }
0x2a: {  	s20 =	sshll.u32 @!p0 s20, $0x6;
	[sflag:s19] =	ssyncset.done @p0 $0x0  }
0x2b: {  	[sflag:s19] =	ssyncadd.s32 @p0 $0xFFFFCF30;
	s19 =	sor.u32 @!p0 $0x1C07, s20;
	s20 =	rddreg [dreg:$0xf]  }
0x2c: {  	[hbm:s20], [sflag:s19] =	dma.local @!p0 [spmem:s24], $0x30D8  }
0x2d: {  	s19 =	simm.s32 @!p0 $0x7  }
0x2e: {  	_ =	swait.ge @!p0 [sflag:s19], $0x30D8  }
0x2f: {  	s2 =	sadd.s32 $0x1, s2;
	s22 =	rddreg [dreg:$0x11]  }
0x30: {  	p1 =	sne.s32 s2, s22  }
.Ltmp1:
0x31: {  	_ = 	snop;
	(pc) =	sbr.rel @!p1 .LBB2_7-.Ltmp1, $3  }
0x32: {  	_ =	sdelay $0x1  }
0x33: {  	[sflag:s19] =	ssyncset.done @!p0 $0x0  }
0x34: {  	s21 =	stileid.u32;
	[sflag:s19] =	ssyncadd.s32 @!p0 $0xFFFFCF28  }
.LBB2_1:
0x35: {  	s20 =	simm.s32 $0x100;
	s19 =	simm.s32 $0x0  }
.LBB2_2:
0x36: {  	p1 =	sne.s32 s20, $0x7F00;
	[tilespmem:s19+$0x5670] =	vst v2;
	s21 =	smov.u32 s20;
	s20 =	sadd.s32 $0x100, s20  }
.Ltmp2:
0x37: {  	[tilespmem:s19+$0x5660] =	vst v2;
	(pc) =	sbr.rel @p1 .LBB2_2-.Ltmp2, $3  }
0x38: {  	[tilespmem:s19+$0x5640] =	vst v2  }
0x39: {  	[tilespmem:s19+$0x5650] =	vst v2;
	_ =	sdelay $0x1  }
0x3a: {  	s19 =	sshra.s32 s21, $0x2  }
0x3b: {  	[tilespmem:s19+$0x5670] =	vst v2  }
0x3c: {  	[tilespmem:s19+$0x5660] =	vst v2  }
0x3d: {  	[tilespmem:s19+$0x5640] =	vst v2  }
0x3e: {  	[tilespmem:s19+$0x5650] =	vst v2  }
0x3f: {  	[spmem:s5] =	stream.linear.scatter [tilespmem:s28], [sflag:$0x7], $0x2000, $0x38;
	[tilespmem:$0x1FE80] =	vst v63  }
0x40: {  	_ =	swait.ge [sflag:s29], $0x2000  }
0x41: {  	[sflag:s29] =	ssyncset.done $0x0  }
0x42: {  	s20 =	rddreg [dreg:$0x3];
	[sflag:s29] =	ssyncadd.s32 $0xFFFFE000  }
0x43: {  	[spmem:s20] =	stream.linear.scatter [tilespmem:s28], [sflag:$0x7], $0x2000, $0x38;
	[tilespmem:$0x1FE80] =	vst v63  }
0x44: {  	_ =	swait.ge [sflag:s29], $0x2000  }
0x45: {  	[sflag:s29] =	ssyncset.done $0x0  }
0x46: {  	s21 =	rddreg [dreg:$0x4];
	[sflag:s29] =	ssyncadd.s32 $0xFFFFE000  }
0x47: {  	[spmem:s21] =	stream.linear.scatter [tilespmem:s28], [sflag:$0x7], $0x2000, $0x38;
	[tilespmem:$0x1FE80] =	vst v63  }
0x48: {  	_ =	swait.ge [sflag:s29], $0x2000  }
0x49: {  	[sflag:s29] =	ssyncset.done $0x0  }
0x4a: {  	s22 =	rddreg [dreg:$0x5];
	[sflag:s29] =	ssyncadd.s32 $0xFFFFE000  }
0x4b: {  	[spmem:s22] =	stream.linear.scatter [tilespmem:s28], [sflag:$0x7], $0x2000, $0x38;
	[tilespmem:$0x1FE80] =	vst v63  }
0x4c: {  	_ =	swait.ge [sflag:s29], $0x2000  }
0x4d: {  	[sflag:s29] =	ssyncset.done $0x0  }
0x4e: {  	s20 =	rddreg [dreg:$0x6];
	[sflag:s29] =	ssyncadd.s32 $0xFFFFE000  }
0x4f: {  	[spmem:s20] =	stream.linear.scatter [tilespmem:s28], [sflag:$0x7], $0x2000, $0x38;
	[tilespmem:$0x1FE80] =	vst v63  }
0x50: {  	_ =	swait.ge [sflag:s29], $0x2000  }
0x51: {  	[sflag:s29] =	ssyncset.done $0x0  }
0x52: {  	s21 =	rddreg [dreg:$0x7];
	[sflag:s29] =	ssyncadd.s32 $0xFFFFE000  }
0x53: {  	[spmem:s21] =	stream.linear.scatter [tilespmem:s28], [sflag:$0x7], $0x2000, $0x38;
	[tilespmem:$0x1FE80] =	vst v63  }
0x54: {  	_ =	swait.ge [sflag:s29], $0x2000  }
0x55: {  	[sflag:s29] =	ssyncset.done $0x0  }
0x56: {  	s22 =	rddreg [dreg:$0x8];
	[sflag:s29] =	ssyncadd.s32 $0xFFFFE000  }
0x57: {  	[spmem:s22] =	stream.linear.scatter [tilespmem:s28], [sflag:$0x7], $0x2000, $0x38;
	[tilespmem:$0x1FE80] =	vst v63  }
0x58: {  	_ =	swait.ge [sflag:s29], $0x2000  }
0x59: {  	[sflag:s29] =	ssyncset.done $0x0  }
0x5a: {  	s20 =	rddreg [dreg:$0x9];
	[sflag:s29] =	ssyncadd.s32 $0xFFFFE000  }
0x5b: {  	[spmem:s20] =	stream.linear.scatter [tilespmem:s28], [sflag:$0x7], $0x2000, $0x38;
	[tilespmem:$0x1FE80] =	vst v63  }
0x5c: {  	_ =	swait.ge [sflag:s29], $0x2000  }
0x5d: {  	[sflag:s29] =	ssyncset.done $0x0  }
0x5e: {  	s21 =	rddreg [dreg:$0xa];
	[sflag:s29] =	ssyncadd.s32 $0xFFFFE000  }
0x5f: {  	[spmem:s21] =	stream.linear.scatter [tilespmem:s28], [sflag:$0x7], $0x2000, $0x38;
	[tilespmem:$0x1FE80] =	vst v63  }
0x60: {  	_ =	swait.ge [sflag:s29], $0x2000  }
0x61: {  	[sflag:s29] =	ssyncset.done $0x0  }
0x62: {  	s22 =	rddreg [dreg:$0xd];
	[sflag:s29] =	ssyncadd.s32 $0xFFFFE000  }
0x63: {  	[spmem:s22] =	stream.linear.scatter [tilespmem:s28], [sflag:$0x7], $0x2000, $0x38;
	[tilespmem:$0x1FE80] =	vst v63  }
0x64: {  	_ =	swait.ge [sflag:s29], $0x2000  }
0x65: {  	[sflag:s29] =	ssyncset.done $0x0  }
0x66: {  	s20 =	rddreg [dreg:$0x10];
	[sflag:s29] =	ssyncadd.s32 $0xFFFFE000  }
0x67: {  	[spmem:s20] =	stream.linear.scatter [tilespmem:s28], [sflag:$0x7], $0x2000, $0x38;
	[tilespmem:$0x1FE80] =	vst v63  }
0x68: {  	_ =	swait.ge [sflag:s29], $0x2000  }
0x69: {  	[sflag:s29] =	ssyncset.done $0x0  }
0x6a: {  	[sflag:s29] =	ssyncadd.s32 $0xFFFFE000  }
0x6b: {  	[spmem:s25] =	stream.linear.scatter [tilespmem:s28], [sflag:$0x7], $0x2000, $0x38;
	[tilespmem:$0x1FE80] =	vst v63  }
0x6c: {  	_ =	swait.ge [sflag:s29], $0x2000  }
0x6d: {  	[sflag:s29] =	ssyncset.done $0x0  }
0x6e: {  	[sflag:s29] =	ssyncadd.s32 $0xFFFFE000  }
0x6f: {  	[spmem:s26] =	stream.linear.scatter [tilespmem:s28], [sflag:$0x7], $0x840, $0x38;
	[tilespmem:$0x1FE80] =	vst v63  }
0x70: {  	_ =	swait.ge [sflag:s29], $0x840  }
0x71: {  	[sflag:s29] =	ssyncset.done $0x0  }
0x72: {  	[sflag:s29] =	ssyncadd.s32 $0xFFFFF7C0  }
0x73: {  	s19 =	simm.s32 $0x0;
	[bflag:$0x0] =	sbarrier.arrive $0xFFFF  }
0x74: {  	[tilespmem:s19], [sflag:$0x5] =	stream.linear.gather [hbm4b:s14+s19], $0x140, $0x38;
	[tilespmem:$0x1FE80] =	vst v63  }
0x75: {  	s20 =	simm.s32 $0x280  }
0x76: {  	[tilespmem:s20], [sflag:$0x5] =	stream.linear.gather [hbm4b:s15+s19], $0x140, $0x38;
	[tilespmem:$0x1FE80] =	vst v63  }
0x77: {  	s21 =	rddreg [dreg:$0xb]  }
0x78: {  	[tilespmem:s31], [sflag:$0x6] =	stream.linear.gather [hbm4b:s21+s19], $0x140, $0x38;
	[tilespmem:$0x1FE80] =	vst v63  }
0x79: {  	s22 =	rddreg [dreg:$0xc]  }
0x7a: {  	[tilespmem:s0], [sflag:$0x6] =	stream.linear.gather [hbm4b:s22+s19], $0x140, $0x38;
	[tilespmem:$0x1FE80] =	vst v63  }
.LBB2_4:
0x7b: {  	_ =	swait.ge [sflag:s30], $0x140  }
0x7c: {  	[sflag:s30] =	ssyncset.done $0x0  }
0x7d: {  	[sflag:s30] =	ssyncadd.s32 $0xFFFFFEC0  }
0x7e: {  	p1 =	seq.s32 s19, $0x0;
	_ =	swait.ge [sflag:s30], $0x140  }
0x7f: {  	s20 =	simm.s32 @p1 $0xA0;
	[sflag:s30] =	ssyncset.done $0x0  }
0x80: {  	s21 =	simm.s32 @p1 $0x0;
	s22 =	simm.s32 @p1 $0x640;
	[sflag:s30] =	ssyncadd.s32 $0xFFFFFEC0  }
0x81: {  	[tilespmem:s22], [sflag:$0x1] =	stream.indirect.gather @p1 [hbm4b:s4+s20], $0x40, s21, s20, $0xb8;
	[tilespmem:$0x1FE80] =	vst v63  }
0x82: {  	s20 =	simm.s32 @!p1 $0x3  }
0x83: {  	_ =	swait.ge @!p1 [sflag:s20], $0x2800  }
0x84: {  	s21 =	simm.s32 @!p1 $0x0;
	[sflag:s20] =	ssyncset.done @!p1 $0x0  }
0x85: {  	s22 =	simm.s32 @!p1 $0x640;
	[sflag:s20] =	ssyncadd.s32 @!p1 $0xFFFFD800;
	s20 =	simm.s32 @!p1 $0xA0  }
0x86: {  	[tilespmem:s22], [sflag:$0x1] =	stream.indirect.gather @!p1 [hbm4b:s4+s20], $0x40, s21, s20, $0xb8;
	[tilespmem:$0x1FE80] =	vst v63  }
0x87: {  	s20 =	simm.s32 @!p1 $0x4  }
0x88: {  	_ =	swait.ge @!p1 [sflag:s20], $0x2800  }
0x89: {  	[sflag:s20] =	ssyncset.done @!p1 $0x0  }
0x8a: {  	[sflag:s20] =	ssyncadd.s32 @!p1 $0xFFFFD800  }
0x8b: {  	[tilespmem:s7], [sflag:$0x2] =	stream.indirect.gather [hbm4b:s4+s6], $0x40, s6, s6, $0xb8;
	[tilespmem:$0x1FE80] =	vst v63  }
0x8c: {  	v3 =	vld [tilespmem:$0x280]  }
0x8d: {  	v4 =	vld [tilespmem:$0x290]  }
0x8e: {  	v5 =	vld [tilespmem:$0x2A0]  }
0x8f: {  	v6 =	vld [tilespmem:$0x2B0]  }
0x90: {  	v7 =	vld [tilespmem:$0x2C0]  }
0x91: {  	v8 =	vld [tilespmem:$0x2D0];
	v3 =	vsub.s32 v3, v0  }
0x92: {  	v9 =	vld [tilespmem:$0x2E0];
	v4 =	vsub.s32 v4, v0;
	vm0 =	vgt.u32 v3, $0x61A7  }
0x93: {  	v10 =	vld [tilespmem:$0x2F0];
	v5 =	vsub.s32 v5, v0;
	vm13 =	vgt.u32 v4, $0x61A7;
	v3 =	vsel vm0, v1, v3  }
0x94: {  	v61 =	vld [tilespmem:$0x300];
	v60 =	vsub.s32 v6, v0;
	vm14 =	vgt.u32 v5, $0x61A7;
	[tilespmem:$0x500] =	vst v3;
	v3 =	vsel vm13, v1, v4  }
0x95: {  	v63 =	vld [tilespmem:$0x310];
	v62 =	vsub.s32 v7, v0;
	vm15 =	vgt.u32 v60, $0x61A7;
	[tilespmem:$0x510] =	vst v3;
	v3 =	vsel vm14, v1, v5  }
0x96: {  	v11 =	vsub.s32 v8, v0;
	vm4 =	vgt.u32 v62, $0x61A7;
	[tilespmem:$0x520] =	vst v3;
	v3 =	vsel vm15, v1, v60  }
0x97: {  	v12 =	vsub.s32 v9, v0;
	vm5 =	vgt.u32 v11, $0x61A7;
	[tilespmem:$0x530] =	vst v3;
	v3 =	vsel vm4, v1, v62  }
0x98: {  	v13 =	vsub.s32 v10, v0;
	vm6 =	vgt.u32 v12, $0x61A7;
	[tilespmem:$0x540] =	vst v3;
	v3 =	vsel vm5, v1, v11  }
0x99: {  	v14 =	vsub.s32 v61, v0;
	vm7 =	vgt.u32 v13, $0x61A7;
	[tilespmem:$0x550] =	vst v3;
	v3 =	vsel vm6, v1, v12  }
0x9a: {  	v15 =	vsub.s32 v63, v0;
	vm8 =	vgt.u32 v14, $0x61A7;
	[tilespmem:$0x560] =	vst v3;
	v3 =	vsel vm7, v1, v13  }
0x9b: {  	vm9 =	vgt.u32 v15, $0x61A7;
	[tilespmem:$0x570] =	vst v3;
	v3 =	vsel vm8, v1, v14  }
0x9c: {  	[tilespmem:$0x580] =	vst v3;
	v3 =	vsel vm9, v1, v15  }
0x9d: {  	[tilespmem:$0x590] =	vst v3  }
0x9e: {  	_ =	swait.ge [sflag:s8], $0x2800  }
0x9f: {  	[sflag:s8] =	ssyncset.done $0x0  }
0xa0: {  	[sflag:s8] =	ssyncadd.s32 $0xFFFFD800  }
0xa1: {  	[spmem:s1] =	stream.indirect.scatter.add.f32 [tilespmem:s10], [sflag:$0x3], $0x40, s9, s6, $0xb8;
	[tilespmem:$0x1FE80] =	vst v63  }
0xa2: {  	v3 =	vld [tilespmem:$0x320]  }
0xa3: {  	v16 =	vld [tilespmem:$0x330]  }
0xa4: {  	v17 =	vld [tilespmem:$0x340]  }
0xa5: {  	v18 =	vld [tilespmem:$0x350]  }
0xa6: {  	v19 =	vld [tilespmem:$0x360]  }
0xa7: {  	v20 =	vld [tilespmem:$0x370];
	v3 =	vsub.s32 v3, v0  }
0xa8: {  	v21 =	vld [tilespmem:$0x380];
	v4 =	vsub.s32 v16, v0;
	vm10 =	vgt.u32 v3, $0x61A7  }
0xa9: {  	v22 =	vld [tilespmem:$0x390];
	v5 =	vsub.s32 v17, v0;
	vm11 =	vgt.u32 v4, $0x61A7;
	v3 =	vsel vm10, v1, v3  }
0xaa: {  	v24 =	vld [tilespmem:$0x3A0];
	v23 =	vsub.s32 v18, v0;
	vm12 =	vgt.u32 v5, $0x61A7;
	[tilespmem:$0x5A0] =	vst v3;
	v3 =	vsel vm11, v1, v4  }
0xab: {  	v26 =	vld [tilespmem:$0x3B0];
	v25 =	vsub.s32 v19, v0;
	vm13 =	vgt.u32 v23, $0x61A7;
	[tilespmem:$0x5B0] =	vst v3;
	v3 =	vsel vm12, v1, v5  }
0xac: {  	v27 =	vsub.s32 v20, v0;
	vm14 =	vgt.u32 v25, $0x61A7;
	[tilespmem:$0x5C0] =	vst v3;
	v3 =	vsel vm13, v1, v23  }
0xad: {  	v28 =	vsub.s32 v21, v0;
	vm15 =	vgt.u32 v27, $0x61A7;
	[tilespmem:$0x5D0] =	vst v3;
	v3 =	vsel vm14, v1, v25  }
0xae: {  	v29 =	vsub.s32 v22, v0;
	vm4 =	vgt.u32 v28, $0x61A7;
	[tilespmem:$0x5E0] =	vst v3;
	v3 =	vsel vm15, v1, v27  }
0xaf: {  	v30 =	vsub.s32 v24, v0;
	vm5 =	vgt.u32 v29, $0x61A7;
	[tilespmem:$0x5F0] =	vst v3;
	v3 =	vsel vm4, v1, v28  }
0xb0: {  	v31 =	vsub.s32 v26, v0;
	vm6 =	vgt.u32 v30, $0x61A7;
	[tilespmem:$0x600] =	vst v3;
	v3 =	vsel vm5, v1, v29  }
0xb1: {  	vm7 =	vgt.u32 v31, $0x61A7;
	[tilespmem:$0x610] =	vst v3;
	v3 =	vsel vm6, v1, v30  }
0xb2: {  	[tilespmem:$0x620] =	vst v3;
	v3 =	vsel vm7, v1, v31  }
0xb3: {  	[tilespmem:$0x630] =	vst v3  }
0xb4: {  	_ =	swait.ge [sflag:s11], $0x2800  }
0xb5: {  	p1 =	seq.s32 s19, $0x18B0;
	[sflag:s11] =	ssyncset.done $0x0  }
0xb6: {  	s20 =	sadd.s32 @!p1 s19, s14;
	[sflag:s11] =	ssyncadd.s32 $0xFFFFD800  }
0xb7: {  	[spmem:s1] =	stream.indirect.scatter.add.f32 [tilespmem:s7], [sflag:$0x4], $0x40, s12, s6, $0xb8;
	[tilespmem:$0x1FE80] =	vst v63  }
0xb8: {  	s21 =	simm.s32 @!p1 $0x0;
	s20 =	sadd.s32 @!p1 $0x50, s20  }
0xb9: {  	[tilespmem:s21], [sflag:$0x5] =	stream.linear.gather @!p1 [hbm4b:s20+s21], $0x140, $0x38;
	[tilespmem:$0x1FE80] =	vst v63  }
0xba: {  	s20 =	sadd.s32 @!p1 s19, s15  }
0xbb: {  	s22 =	simm.s32 @!p1 $0x280;
	s20 =	sadd.s32 @!p1 $0x50, s20  }
0xbc: {  	[tilespmem:s22], [sflag:$0x5] =	stream.linear.gather @!p1 [hbm4b:s20+s21], $0x140, $0x38;
	[tilespmem:$0x1FE80] =	vst v63  }
0xbd: {  	_ =	swait.ge [sflag:s13], $0x140  }
0xbe: {  	[sflag:s13] =	ssyncset.done $0x0  }
0xbf: {  	[sflag:s13] =	ssyncadd.s32 $0xFFFFFEC0  }
0xc0: {  	_ =	swait.ge [sflag:s13], $0x140  }
0xc1: {  	[sflag:s13] =	ssyncset.done $0x0  }
0xc2: {  	[sflag:s13] =	ssyncadd.s32 $0xFFFFFEC0  }
0xc3: {  	_ =	swait.ge [sflag:s16], $0x2800  }
0xc4: {  	[sflag:s16] =	ssyncset.done $0x0  }
0xc5: {  	[sflag:s16] =	ssyncadd.s32 $0xFFFFD800  }
0xc6: {  	[tilespmem:s10], [sflag:$0x1] =	stream.indirect.gather [hbm4b:s4+s6], $0x40, s31, s6, $0xb8;
	[tilespmem:$0x1FE80] =	vst v63  }
0xc7: {  	_ =	swait.ge [sflag:s17], $0x2800  }
0xc8: {  	[sflag:s17] =	ssyncset.done $0x0  }
0xc9: {  	[sflag:s17] =	ssyncadd.s32 $0xFFFFD800  }
0xca: {  	[tilespmem:s7], [sflag:$0x2] =	stream.indirect.gather [hbm4b:s4+s6], $0x40, s18, s6, $0xb8;
	[tilespmem:$0x1FE80] =	vst v63  }
0xcb: {  	v3 =	vld [tilespmem:$0x3C0]  }
0xcc: {  	v32 =	vld [tilespmem:$0x3D0]  }
0xcd: {  	v33 =	vld [tilespmem:$0x3E0]  }
0xce: {  	v34 =	vld [tilespmem:$0x3F0]  }
0xcf: {  	v35 =	vld [tilespmem:$0x400]  }
0xd0: {  	v36 =	vld [tilespmem:$0x410];
	v3 =	vsub.s32 v3, v0  }
0xd1: {  	v37 =	vld [tilespmem:$0x420];
	v4 =	vsub.s32 v32, v0;
	vm8 =	vgt.u32 v3, $0x61A7  }
0xd2: {  	v38 =	vld [tilespmem:$0x430];
	v5 =	vsub.s32 v33, v0;
	vm9 =	vgt.u32 v4, $0x61A7;
	v3 =	vsel vm8, v1, v3  }
0xd3: {  	v40 =	vld [tilespmem:$0x440];
	v39 =	vsub.s32 v34, v0;
	vm10 =	vgt.u32 v5, $0x61A7;
	[tilespmem:$0x500] =	vst v3;
	v3 =	vsel vm9, v1, v4  }
0xd4: {  	v42 =	vld [tilespmem:$0x450];
	v41 =	vsub.s32 v35, v0;
	vm11 =	vgt.u32 v39, $0x61A7;
	[tilespmem:$0x510] =	vst v3;
	v3 =	vsel vm10, v1, v5  }
0xd5: {  	v43 =	vsub.s32 v36, v0;
	vm12 =	vgt.u32 v41, $0x61A7;
	[tilespmem:$0x520] =	vst v3;
	v3 =	vsel vm11, v1, v39  }
0xd6: {  	v44 =	vsub.s32 v37, v0;
	vm13 =	vgt.u32 v43, $0x61A7;
	[tilespmem:$0x530] =	vst v3;
	v3 =	vsel vm12, v1, v41  }
0xd7: {  	v45 =	vsub.s32 v38, v0;
	vm14 =	vgt.u32 v44, $0x61A7;
	[tilespmem:$0x540] =	vst v3;
	v3 =	vsel vm13, v1, v43  }
0xd8: {  	v46 =	vsub.s32 v40, v0;
	vm15 =	vgt.u32 v45, $0x61A7;
	[tilespmem:$0x550] =	vst v3;
	v3 =	vsel vm14, v1, v44  }
0xd9: {  	v47 =	vsub.s32 v42, v0;
	vm4 =	vgt.u32 v46, $0x61A7;
	[tilespmem:$0x560] =	vst v3;
	v3 =	vsel vm15, v1, v45  }
0xda: {  	vm5 =	vgt.u32 v47, $0x61A7;
	[tilespmem:$0x570] =	vst v3;
	v3 =	vsel vm4, v1, v46  }
0xdb: {  	[tilespmem:$0x580] =	vst v3;
	v3 =	vsel vm5, v1, v47  }
0xdc: {  	[tilespmem:$0x590] =	vst v3  }
0xdd: {  	_ =	swait.ge [sflag:s8], $0x2800  }
0xde: {  	[sflag:s8] =	ssyncset.done $0x0  }
0xdf: {  	[sflag:s8] =	ssyncadd.s32 $0xFFFFD800  }
0xe0: {  	[spmem:s1] =	stream.indirect.scatter.add.f32 [tilespmem:s10], [sflag:$0x3], $0x40, s9, s6, $0xb8;
	[tilespmem:$0x1FE80] =	vst v63  }
0xe1: {  	v3 =	vld [tilespmem:$0x460]  }
0xe2: {  	v48 =	vld [tilespmem:$0x470]  }
0xe3: {  	v49 =	vld [tilespmem:$0x480]  }
0xe4: {  	v50 =	vld [tilespmem:$0x490]  }
0xe5: {  	v51 =	vld [tilespmem:$0x4A0]  }
0xe6: {  	v52 =	vld [tilespmem:$0x4B0];
	v3 =	vsub.s32 v3, v0  }
0xe7: {  	v53 =	vld [tilespmem:$0x4C0];
	v4 =	vsub.s32 v48, v0;
	vm6 =	vgt.u32 v3, $0x61A7  }
0xe8: {  	v54 =	vld [tilespmem:$0x4D0];
	v5 =	vsub.s32 v49, v0;
	vm7 =	vgt.u32 v4, $0x61A7;
	v3 =	vsel vm6, v1, v3  }
0xe9: {  	v56 =	vld [tilespmem:$0x4E0];
	v55 =	vsub.s32 v50, v0;
	vm8 =	vgt.u32 v5, $0x61A7;
	[tilespmem:$0x5A0] =	vst v3;
	v3 =	vsel vm7, v1, v4  }
0xea: {  	v58 =	vld [tilespmem:$0x4F0];
	v57 =	vsub.s32 v51, v0;
	vm9 =	vgt.u32 v55, $0x61A7;
	[tilespmem:$0x5B0] =	vst v3;
	v3 =	vsel vm8, v1, v5  }
0xeb: {  	v59 =	vsub.s32 v52, v0;
	vm10 =	vgt.u32 v57, $0x61A7;
	[tilespmem:$0x5C0] =	vst v3;
	v3 =	vsel vm9, v1, v55  }
0xec: {  	v60 =	vsub.s32 v53, v0;
	vm11 =	vgt.u32 v59, $0x61A7;
	[tilespmem:$0x5D0] =	vst v3;
	v3 =	vsel vm10, v1, v57  }
0xed: {  	v61 =	vsub.s32 v54, v0;
	vm12 =	vgt.u32 v60, $0x61A7;
	[tilespmem:$0x5E0] =	vst v3;
	v3 =	vsel vm11, v1, v59  }
0xee: {  	v62 =	vsub.s32 v56, v0;
	vm13 =	vgt.u32 v61, $0x61A7;
	[tilespmem:$0x5F0] =	vst v3;
	v3 =	vsel vm12, v1, v60  }
0xef: {  	v63 =	vsub.s32 v58, v0;
	vm14 =	vgt.u32 v62, $0x61A7;
	[tilespmem:$0x600] =	vst v3;
	v3 =	vsel vm13, v1, v61  }
0xf0: {  	vm15 =	vgt.u32 v63, $0x61A7;
	[tilespmem:$0x610] =	vst v3;
	v3 =	vsel vm14, v1, v62  }
0xf1: {  	[tilespmem:$0x620] =	vst v3;
	v3 =	vsel vm15, v1, v63  }
.Ltmp3:
0xf2: {  	[tilespmem:$0x630] =	vst v3;
	(pc) =	sbr.rel @p1 .LBB2_6-.Ltmp3, $4  }
0xf3: {  	_ =	swait.ge [sflag:s11], $0x2800  }
0xf4: {  	[sflag:s11] =	ssyncset.done $0x0  }
0xf5: {  	[sflag:s11] =	ssyncadd.s32 $0xFFFFD800  }
0xf6: {  	[spmem:s1] =	stream.indirect.scatter.add.f32 [tilespmem:s7], [sflag:$0x4], $0x40, s12, s6, $0xb8;
	[tilespmem:$0x1FE80] =	vst v63  }
.Ltmp4:
0xf7: {  	s20 =	sadd.s32 s19, s14;
	(pc) =	sbr.rel .LBB2_4-.Ltmp4, $4  }
0xf8: {  	s22 =	sadd.s32 s19, s15;
	s20 =	sadd.s32 $0x78, s20  }
0xf9: {  	[tilespmem:s31], [sflag:$0x6] =	stream.linear.gather [hbm4b:s20+s3], $0x140, $0x38;
	[tilespmem:$0x1FE80] =	vst v63  }
0xfa: {  	s19 =	sadd.s32 $0x50, s19;
	s20 =	sadd.s32 $0x78, s22  }
0xfb: {  	[tilespmem:s0], [sflag:$0x6] =	stream.linear.gather [hbm4b:s20+s3], $0x140, $0x38;
	[tilespmem:$0x1FE80] =	vst v63  }
.LBB2_7:
0xfc: {  	_ =	sfence.sel $0x180000  }
0xfd: {  	[bflag:$0x0] =	sbarrier.arrive $0xFFFF  }
0xfe: {  	_ =	strace $0x9000004D  }
0xff: {  	[bflag:$0x2] =	sbarrier.arrive $0xFFFF  }
0x100: {  	p0 =	sne.s32 s21, $0x0;
	s0 =	rddreg [dreg:$0x2]  }
0x101: {  	s0 =	sadd.s32 @!p0 $0x100000, s0  }
0x102: {  	[sflag:s0] =	ssyncadd.tile.s32 @!p0 $0x1;
	_ =	shalt  }
.Lfunc_end2:
_tile_overlayer_lowered:
.L_overlay_start_2:
0x103: {  	(tag) =	ssettag $0x2  }
0x104: {  	s0 =	rddreg [dreg:$0x0];
	s2 =	stileid.u32  }
0x105: {  	s1 =	rddreg [dreg:$0x1];
	p0 =	sne.s32 s2, $0x0  }
0x106: {  	s3 =	rddreg [dreg:$0x2];
	[bflag:$0x3] =	sbarrier.arrive $0xFFFF;
	s2 =	simm.s32 @!p0 $0x1C07  }
0x107: {  	[timem:s3], [sflag:s2] =	dma.local @!p0 [hbm:s0], s1  }
0x108: {  	s0 =	simm.s32 @!p0 $0x7  }
0x109: {  	_ =	swait.ge @!p0 [sflag:s0], s1  }
0x10a: {  	s1 =	ssub.s32 @!p0 $0x0, s1;
	[sflag:s0] =	ssyncset.done @!p0 $0x0  }
0x10b: {  	[sflag:s0] =	ssyncadd.s32 @!p0 s1  }
0x10c: {  	[bflag:$0x3] =	sbarrier.arrive $0xFFFF  }
0x10d: {  	_ =	shalt  }

// kernel: kernel.9.cloned.1.call-start
scs
__scs_entry_jumppad:
0x0: {  	(pc) =	sbr.rel $0x88, $3  }
0x1: {  	(tag) =	ssettag $0x0;
	lr =	simm.s32 $0x1  }
0x2: {  	[smem:$0x3F92] =	sst lr;
	_ =	strace $0xD0000000  }
0x3: {  	_ = 	snop  }
0x4: {  	_ = 	snop  }
0x5: {  	_ = 	snop  }
0x6: {  	_ = 	snop  }
0x7: {  	_ = 	snop  }
__scs_overlays_trampoline_lowered:
0x8: {  	[smem:$0x3FA1] =	sst s0  }
0x9: {  	[smem:$0x3FA2] =	sst s1  }
0xa: {  	[smem:$0x3FA3] =	sst s2  }
0xb: {  	[smem:$0x3FA4] =	sst s3  }
0xc: {  	[smem:$0x3FA5] =	sst s4  }
0xd: {  	[smem:$0x3FA6] =	sst s5  }
0xe: {  	[smem:$0x3FA7] =	sst s6  }
0xf: {  	[smem:$0x3FA8] =	sst s7  }
0x10: {  	[smem:$0x3FA9] =	sst s8  }
0x11: {  	[smem:$0x3FAA] =	sst s9;
	s0 =	simm.s32 @!p0 $0x0  }
0x12: {  	s1 =	sld [smem:$0x3F90];
	s0 =	simm.s32 @p0 $0x1  }
0x13: {  	[smem:$0x3FAB] =	sst s0;
	s0 =	simm.s32 @!p1 $0x0  }
0x14: {  	s2 =	sld [smem:$0x3F8F];
	s0 =	simm.s32 @p1 $0x1  }
0x15: {  	[smem:$0x3FAC] =	sst s0;
	s0 =	simm.s32 @!p2 $0x0  }
0x16: {  	s3 =	sld [smem:$0x3FDB];
	s0 =	simm.s32 @p2 $0x1  }
0x17: {  	s4 =	simm.s32 $0x1BF5;
	[smem:$0x3FAE] =	sst s0  }
0x18: {  	s0 =	sld [smem:$0x3F91];
	_ =	swait.ge [sflag:s4], $0x0  }
0x19: {  	s7 =	sld [smem:$0x3F92]  }
0x1a: {  	s8 =	sadd.s32 $0xFFFFE003, lr  }
0x1b: {  	s9 =	sadd.s32 $0xFFFFFEF7, lr;
	s5 =	simm.s32 $0xFFFFFFFF;
	p2 =	slt.u32 s8, $0xFFFFF086  }
0x1c: {  	p1 =	slt.u32 s9, $0xF7A;
	s5 =	simm.s32 @!p2 $0x0  }
0x1d: {  	s5 =	simm.s32 @p1 $0x1;
	p0 =	seq.s32 s7, s2  }
0x1e: {  	s7 =	smul.u32 @!p0 $0xF7A, s2;
	p2 =	seq.s32 @!p0 s5, $0x0  }
0x1f: {  	s9 =	smul.u32 $0xF7A, s1;
	s8 =	simm.s32 @!p0 $0x1BF5;
	p2 =	por !p2, p0  }
0x20: {  	[sflag:s8] =	ssyncset.s32 @!p0 $0xFFFFF086;
	s6 =	sadd.s32 @!p0 s3, s7;
	s7 =	simm.s32 @!p0 $0x108  }
0x21: {  	s3 =	sadd.s32 s3, s9;
	s6 =	sadd.s32 @!p0 $0x88, s6;
	s7 =	simm.s32 @p2 $0x1082  }
0x22: {  	[simem:s7], [sflag:s8] =	dma.local @!p0 [hbm:s6], $0xF7A  }
0x23: {  	s9 =	sor.u32 $0xD0000000, s2;
	s6 =	simm.s32 $0x108;
	_ =	swait.ge @!p0 [sflag:s8], $0x0  }
0x24: {  	s3 =	sadd.s32 $0x88, s3;
	s6 =	simm.s32 @!p1 $0x1082;
	[sflag:s4] =	ssyncset.s32 $0xFFFFF086  }
0x25: {  	[simem:s6], [sflag:s4] =	dma.local [hbm:s3], $0xF7A  }
0x26: {  	[smem:$0x3F92] =	sst s1;
	(tag) =	ssettag s2;
	_ =	strace s9  }
0x27: {  	s1 =	sld [smem:$0x3FA2]  }
0x28: {  	s2 =	sld [smem:$0x3FA3]  }
0x29: {  	s4 =	sld [smem:$0x3FA5]  }
0x2a: {  	p0 =	seq.s32 s5, $0x0;
	s5 =	sld [smem:$0x3FA6]  }
0x2b: {  	s6 =	sld [smem:$0x3FA7]  }
0x2c: {  	s7 =	sld [smem:$0x3FA8]  }
0x2d: {  	s3 =	simm.s32 $0x108;
	s8 =	sld [smem:$0x3FA9]  }
0x2e: {  	s3 =	simm.s32 @!p0 $0x1082;
	s9 =	sld [smem:$0x3FAA]  }
0x2f: {  	lr =	sadd.s32 s0, s3;
	s0 =	sld [smem:$0x3FA1]  }
0x30: {  	s3 =	sld [smem:$0x3FA4]  }
0x31: {  	[smem:$0x3FAD] =	sst s10  }
0x32: {  	s10 =	sld [smem:$0x3FAB];
	_ =	sdelay $0x3  }
0x33: {  	p0 =	seq.s32 s10, $0x1;
	s10 =	sld [smem:$0x3FAD];
	_ =	sdelay $0x3  }
0x34: {  	[smem:$0x3FAD] =	sst s10  }
0x35: {  	s10 =	sld [smem:$0x3FAC];
	_ =	sdelay $0x3  }
0x36: {  	p1 =	seq.s32 s10, $0x1;
	s10 =	sld [smem:$0x3FAD];
	_ =	sdelay $0x3  }
0x37: {  	[smem:$0x3FAD] =	sst s10  }
0x38: {  	s10 =	sld [smem:$0x3FAE]  }
0x39: {  	_ = 	snop;
	(pc) =	sbr.ind lr, $3  }
0x3a: {  	_ = 	snop  }
0x3b: {  	_ = 	snop  }
0x3c: {  	p2 =	seq.s32 s10, $0x1;
	s10 =	sld [smem:$0x3FAD]  }
0x3d: {  	_ =	shalt  }
0x3e: {  	_ =	shalt  }
0x3f: {  	_ =	shalt  }
0x40: {  	_ =	shalt  }
0x41: {  	_ =	shalt  }
0x42: {  	_ =	shalt  }
0x43: {  	_ =	shalt  }
0x44: {  	_ =	shalt  }
0x45: {  	_ =	shalt  }
0x46: {  	_ =	shalt  }
0x47: {  	_ =	shalt  }
0x48: {  	_ =	shalt  }
0x49: {  	_ =	shalt  }
0x4a: {  	_ =	shalt  }
0x4b: {  	_ =	shalt  }
0x4c: {  	_ =	shalt  }
0x4d: {  	_ =	shalt  }
0x4e: {  	_ =	shalt  }
0x4f: {  	_ =	shalt  }
0x50: {  	_ =	shalt  }
0x51: {  	_ =	shalt  }
0x52: {  	_ =	shalt  }
0x53: {  	_ =	shalt  }
0x54: {  	_ =	shalt  }
0x55: {  	_ =	shalt  }
0x56: {  	_ =	shalt  }
0x57: {  	_ =	shalt  }
0x58: {  	_ =	shalt  }
0x59: {  	_ =	shalt  }
0x5a: {  	_ =	shalt  }
0x5b: {  	_ =	shalt  }
0x5c: {  	_ =	shalt  }
0x5d: {  	_ =	shalt  }
0x5e: {  	_ =	shalt  }
0x5f: {  	_ =	shalt  }
0x60: {  	_ =	shalt  }
0x61: {  	_ =	shalt  }
0x62: {  	_ =	shalt  }
0x63: {  	_ =	shalt  }
0x64: {  	_ =	shalt  }
0x65: {  	_ =	shalt  }
0x66: {  	_ =	shalt  }
0x67: {  	_ =	shalt  }
0x68: {  	_ =	shalt  }
0x69: {  	_ =	shalt  }
0x6a: {  	_ =	shalt  }
0x6b: {  	_ =	shalt  }
0x6c: {  	_ =	shalt  }
0x6d: {  	_ =	shalt  }
0x6e: {  	_ =	shalt  }
0x6f: {  	_ =	shalt  }
0x70: {  	_ =	shalt  }
0x71: {  	_ =	shalt  }
0x72: {  	_ =	shalt  }
0x73: {  	_ =	shalt  }
0x74: {  	_ =	shalt  }
0x75: {  	_ =	shalt  }
0x76: {  	_ =	shalt  }
0x77: {  	_ =	shalt  }
0x78: {  	_ =	shalt  }
0x79: {  	_ =	shalt  }
0x7a: {  	_ =	shalt  }
0x7b: {  	_ =	shalt  }
0x7c: {  	_ =	shalt  }
0x7d: {  	_ =	shalt  }
0x7e: {  	_ =	shalt  }
0x7f: {  	_ =	shalt  }
0x80: {  	_ =	shalt  }
0x81: {  	_ =	shalt  }
0x82: {  	_ =	shalt  }
0x83: {  	_ =	shalt  }
0x84: {  	_ =	shalt  }
0x85: {  	_ =	shalt  }
0x86: {  	_ =	shalt  }
0x87: {  	_ =	shalt  }
.Lfunc_end0:
.L_simem_size_0:
called_computation_lowered:
.L_overlay_start_0:
0x88: {  	s2 =	sld [smem:$0x3FD9]  }
0x89: {  	s3 =	sld [smem:$0x3FFE];
	_ =	sdelay $0x1  }
0x8a: {  	s1 =	srdreg.scid  }
0x8b: {  	s0 =	sand.u32 $0x1, s1  }
0x8c: {  	s16 =	sshll.u32 s0, $0xA;
	s2 =	sadd.s32 s3, s2  }
0x8d: {  	s2 =	sadd.s32 s2, s16  }
0x8e: {  	[smem:$0x3FB9] =	sst s2  }
0x8f: {  	_ = 	snop  }
0x90: {  	(tm) =	ssettm $0x1  }
0x91: {  	s17 =	sld [smem:$0x3FFB];
	_ =	sdelay $0x3  }
0x92: {  	_ =	strace s17  }
0x93: {  	s2 =	sld [smem:$0x3FFC];
	_ =	sdelay $0x3  }
0x94: {  	_ =	strace s2  }
0x95: {  	s2 =	sld [smem:$0x3FFD];
	_ =	sdelay $0x3  }
0x96: {  	_ =	strace s2  }
0x97: {  	_ =	strace $0x8FFFFFFF  }
0x98: {  	s18 =	sld [smem:$0x3FDB];
	_ =	sdelay $0x1  }
0x99: {  	s19 =	simm.s32 $_scs_section_size  }
0x9a: {  	s4 =	simm.s32 $_size__tile_overlayer_lowered;
	s5 =	simm.s32 $_tile_overlayer_lowered  }
0x9b: {  	s22 =	simm.s32 $0x1BFF;
	s21 =	sshll.u32 s5, $0x1;
	s2 =	sadd.s32 s19, s18  }
0x9c: {  	s6 =	simm.s32 $0x0;
	s20 =	sshll.u32 s4, $0x1;
	s4 =	sadd.s32 s21, s2  }
0x9d: {  	[timem:s6], [sflag:s22] =	dma.local [hbm:s4], s20  }
0x9e: {  	_ =	swait.ge [sflag:s22], s20  }
0x9f: {  	s3 =	ssub.s32 $0x0, s20;
	[sflag:s22] =	ssyncset.done $0x0  }
0xa0: {  	[sflag:s22] =	ssyncadd.s32 s3;
	_ =	sdelay $0x1  }
0xa1: {  	s23 =	simm.s32 $0x1B8B  }
0xa2: {  	_ =	swait.ge [sflag:s23], $0x1  }
0xa3: {  	[sflag:s23] =	ssyncset.done $0x0  }
0xa4: {  	s25 =	simm.s32 $0x1B8E;
	s24 =	sld [smem:$0x3FFE];
	[sflag:s23] =	ssyncadd.s32 $0xFFFFFFFF  }
0xa5: {  	s26 =	simm.s32 $execute0_lowered;
	[smem:$0x3FD2] =	sst s25  }
0xa6: {  	s4 =	sshll.u32 s26, $0x1;
	_ =	strace $0x80000046;
	[dreg:$0x1] =	wrdreg $0xFFFFFFFF  }
0xa7: {  	s28 =	simm.s32 $_size_execute0_lowered;
	s2 =	sadd.s32 s2, s4;
	[dreg:$0x0] =	wrdreg $0x0  }
0xa8: {  	s4 =	sshll.u32 s28, $0x1;
	[dreg:$0x2] =	wrdreg s2  }
0xa9: {  	[dreg:$0x3] =	wrdreg s4  }
0xaa: {  	[dreg:$0x4] =	wrdreg $0xC0  }
0xab: {  	_ =	task [dreg:s6], $0x5FFFF  }
0xac: {  	[dreg:$0x1] =	wrdreg $0xFFFFFFFF  }
0xad: {  	[dreg:$0x0] =	wrdreg $0x60  }
0xae: {  	[dreg:$0x2] =	wrdreg s24  }
0xaf: {  	[dreg:$0x3] =	wrdreg $0x76400  }
0xb0: {  	[dreg:$0x4] =	wrdreg $0x9  }
0xb1: {  	_ =	task.clear_ibuf [dreg:s6], $0x5FFFF;
	_ =	strace $0x90000046  }
0xb2: {  	s29 =	simm.s32 $0x9;
	_ =	strace $0x80000048  }
0xb3: {  	_ =	swait.ge [sflag:s29], $0x1  }
0xb4: {  	[sflag:s29] =	ssyncadd.s32 $0xFFFFFFFF  }
0xb5: {  	_ =	strace $0x90000048  }
0xb6: {  	_ =	sfence  }
0xb7: {  	s30 =	sld [smem:$0x0];
	_ =	sdelay $0x2  }
0xb8: {  	s31 =	sshll.u32 s1, $0xD;
	s1 =	sshrl.u32 s1, $0x2  }
0xb9: {  	s3 =	sand.u32 $0x4000, s31;
	s1 =	sadd.s32 s1, s30  }
0xba: {  	s0 =	sor.u32 s3, s0;
	s1 =	sshll.u32 s1, $0x11  }
0xbb: {  	s0 =	sor.u32 s1, s0  }
0xbc: {  	s0 =	sadd.s32 $0x8F2B, s0  }
0xbd: {  	[sflag:s0] =	ssyncadd.remote.s32 $0x1  }
0xbe: {  	_ =	sfence.sel $0xFFFF  }
0xbf: {  	[dreg:$0x0] =	wrdreg $0xFFFFFFFF;
	(pc) =	sbr.abs _section_cstart, $3  }
0xc0: {  	[dreg:$0x1] =	wrdreg $0xFFFFFFFF  }
0xc1: {  	_ =	task.clear_ibuf [dreg:s6], $0x2FFFF;
	_ =	strace $0x9FFFFFFF  }
0xc2: {  	(tm) =	ssettm $0x7FFFFFFF  }
0xc3: {  	_ =	shalt  }
tec
execute0_lowered:
.L_overlay_start_1:
0x0: {  	(tag) =	ssettag $0x1  }
0x1: {  	s0 =	rddreg [dreg:$0x0]  }
0x2: {  	s1 =	rddreg [dreg:$0x1];
	s3 =	simm.s32 $0x0  }
0x3: {  	s2 =	srdreg.scid;
	s13 =	stileid.u32;
	s28 =	simm.s32 $0x5640  }
0x4: {  	s29 =	simm.s32 $0x7;
	s31 =	simm.s32 $0x140;
	s5 =	smul.u32 $0x62100, s13  }
0x5: {  	s30 =	simm.s32 $0x5;
	[smem:$0x7FF] =	sst s3;
	s22 =	smul.u32 $0x1900, s13  }
0x6: {  	s2 =	sand.u32 $0x1, s2;
	s4 =	sadd.s32 $0x3400, s0;
	s26 =	smul.u32 $0x18680, s13  }
0x7: {  	s6 =	sadd.s32 $0x65000, s0;
	s8 =	sadd.s32 $0x7E000, s0;
	s12 =	smul.u32 $0x186C0, s13  }
0x8: {  	s0 =	sadd.s32 $0x97000, s0;
	p0 =	sgt.u32 s13, $0x7;
	s17 =	smul.u32 $0x61A8, s2  }
0x9: {  	_ =	strace $0x80000047;
	s7 =	ssub.s32 $0x2, s2;
	s2 =	smul.u32 $0x188000, s2  }
0xa: {  	s9 =	sshrl.u32 s7, $0x1;
	s5 =	sshrl.u32 s5, $0x2;
	s11 =	sor.u32 $0x28, s22  }
0xb: {  	s14 =	sadd.s32 s6, s22;
	s15 =	sadd.s32 s8, s22;
	s6 =	sadd.s32 s6, s11  }
0xc: {  	s5 =	sadd.s32 s5, s1;
	s8 =	sadd.s32 s8, s11;
	[dreg:$0xb] =	wrdreg s6  }
0xd: {  	s16 =	sadd.s32 $0x200, s26;
	s18 =	sadd.s32 $0x2000, s5;
	[dreg:$0xc] =	wrdreg s8  }
0xe: {  	s22 =	sadd.s32 $0x61A8, s13;
	s19 =	sadd.s32 $0x4000, s5;
	[dreg:$0x3] =	wrdreg s18  }
0xf: {  	s13 =	simm.s32 $0x6;
	s20 =	sadd.s32 $0x6000, s5;
	[dreg:$0x4] =	wrdreg s19  }
0x10: {  	s7 =	ssub.s32 s7, s9;
	s21 =	sadd.s32 $0x8000, s5;
	[dreg:$0x5] =	wrdreg s20  }
0x11: {  	s9 =	simm.s32 $0x500;
	s10 =	sadd.s32 $0xA000, s5;
	[dreg:$0x6] =	wrdreg s21  }
0x12: {  	s11 =	simm.s32 $0x2;
	s23 =	sadd.s32 $0xC000, s5;
	[dreg:$0x7] =	wrdreg s10  }
0x13: {  	v0 =	vmov s17;
	s17 =	simm.s32 $0x4;
	s24 =	sadd.s32 $0xE000, s5;
	[dreg:$0x8] =	wrdreg s23  }
0x14: {  	s25 =	sadd.s32 $0x10000, s5;
	s26 =	sadd.s32 $0x18000, s5;
	[dreg:$0x9] =	wrdreg s24  }
0x15: {  	s6 =	simm.s32 $0xA0;
	[dreg:$0xa] =	wrdreg s25;
	s18 =	sadd.s32 s2, s16  }
0x16: {  	s2 =	sadd.s32 s12, s2;
	s19 =	sadd.s32 $0x12000, s5;
	s20 =	sadd.s32 $0x14000, s5  }
0x17: {  	s21 =	smax.u32 s7, $0x1;
	s25 =	sadd.s32 $0x16000, s5;
	[dreg:$0xd] =	wrdreg s19  }
0x18: {  	s7 =	simm.s32 $0x2E40;
	s10 =	simm.s32 $0x640;
	[dreg:$0x10] =	wrdreg s20  }
0x19: {  	s8 =	sshrl.u32 s18, $0x3;
	s2 =	sshrl.u32 s2, $0x3;
	[dreg:$0x11] =	wrdreg s21  }
.Ltmp0:
0x1a: {  	s18 =	simm.s32 $0x1E0;
	s8 =	sadd.s32 s0, s8;
	(pc) =	sbr.rel .LBB2_1-.Ltmp0, $4  }
0x1b: {  	s0 =	sadd.s32 s0, s2;
	s2 =	sadd.s32 s12, s1;
	[dreg:$0xe] =	wrdreg s8  }
0x1c: {  	s12 =	simm.s32 $0x5A0;
	[dreg:$0xf] =	wrdreg s0;
	s0 =	sadd.s32 s16, s1  }
0x1d: {  	s24 =	sshrl.u32 @!p0 s2, $0x3;
	s8 =	simm.s32 $0x1;
	s16 =	simm.s32 $0x3  }
0x1e: {  	v2 =	vimm.f32 $0.0e+00;
	v1 =	vmov s22;
	s2 =	simm.s32 $0x0;
	s23 =	sshrl.u32 @p0 s0, $0x3;
	s0 =	simm.s32 $0x3C0  }
.LBB2_6:
0x1f: {  	_ =	swait.ge [sflag:s16], $0x2800  }
0x20: {  	[sflag:s16] =	ssyncset.done $0x0  }
0x21: {  	[sflag:s16] =	ssyncadd.s32 $0xFFFFD800  }
0x22: {  	_ =	swait.ge [sflag:s17], $0x2800  }
0x23: {  	[sflag:s17] =	ssyncset.done $0x0  }
0x24: {  	s20 =	stileid.u32;
	[sflag:s17] =	ssyncadd.s32 $0xFFFFD800  }
0x25: {  	s19 =	sshll.u32 @p0 s20, $0x6;
	[bflag:$0x0] =	sbarrier.arrive $0xFFFF  }
0x26: {  	s19 =	sor.u32 @p0 $0x1C07, s19;
	s21 =	rddreg [dreg:$0xe]  }
0x27: {  	[hbm:s21], [sflag:s19] =	dma.local @p0 [spmem:s23], $0x30D0  }
0x28: {  	s19 =	simm.s32 @p0 $0x7  }
0x29: {  	_ =	swait.ge @p0 [sflag:s19], $0x30D0  }
0x2a: {  	s20 =	sshll.u32 @!p0 s20, $0x6;
	[sflag:s19] =	ssyncset.done @p0 $0x0  }
0x2b: {  	[sflag:s19] =	ssyncadd.s32 @p0 $0xFFFFCF30;
	s19 =	sor.u32 @!p0 $0x1C07, s20;
	s20 =	rddreg [dreg:$0xf]  }
0x2c: {  	[hbm:s20], [sflag:s19] =	dma.local @!p0 [spmem:s24], $0x30D8  }
0x2d: {  	s19 =	simm.s32 @!p0 $0x7  }
0x2e: {  	_ =	swait.ge @!p0 [sflag:s19], $0x30D8  }
0x2f: {  	s2 =	sadd.s32 $0x1, s2;
	s22 =	rddreg [dreg:$0x11]  }
0x30: {  	p1 =	sne.s32 s2, s22  }
.Ltmp1:
0x31: {  	_ = 	snop;
	(pc) =	sbr.rel @!p1 .LBB2_7-.Ltmp1, $3  }
0x32: {  	_ =	sdelay $0x1  }
0x33: {  	[sflag:s19] =	ssyncset.done @!p0 $0x0  }
0x34: {  	s21 =	stileid.u32;
	[sflag:s19] =	ssyncadd.s32 @!p0 $0xFFFFCF28  }
.LBB2_1:
0x35: {  	s20 =	simm.s32 $0x100;
	s19 =	simm.s32 $0x0  }
.LBB2_2:
0x36: {  	p1 =	sne.s32 s20, $0x7F00;
	[tilespmem:s19+$0x5670] =	vst v2;
	s21 =	smov.u32 s20;
	s20 =	sadd.s32 $0x100, s20  }
.Ltmp2:
0x37: {  	[tilespmem:s19+$0x5660] =	vst v2;
	(pc) =	sbr.rel @p1 .LBB2_2-.Ltmp2, $3  }
0x38: {  	[tilespmem:s19+$0x5640] =	vst v2  }
0x39: {  	[tilespmem:s19+$0x5650] =	vst v2;
	_ =	sdelay $0x1  }
0x3a: {  	s19 =	sshra.s32 s21, $0x2  }
0x3b: {  	[tilespmem:s19+$0x5670] =	vst v2  }
0x3c: {  	[tilespmem:s19+$0x5660] =	vst v2  }
0x3d: {  	[tilespmem:s19+$0x5640] =	vst v2  }
0x3e: {  	[tilespmem:s19+$0x5650] =	vst v2  }
0x3f: {  	[spmem:s5] =	stream.linear.scatter [tilespmem:s28], [sflag:$0x7], $0x2000, $0x38;
	[tilespmem:$0x1FE80] =	vst v63  }
0x40: {  	_ =	swait.ge [sflag:s29], $0x2000  }
0x41: {  	[sflag:s29] =	ssyncset.done $0x0  }
0x42: {  	s20 =	rddreg [dreg:$0x3];
	[sflag:s29] =	ssyncadd.s32 $0xFFFFE000  }
0x43: {  	[spmem:s20] =	stream.linear.scatter [tilespmem:s28], [sflag:$0x7], $0x2000, $0x38;
	[tilespmem:$0x1FE80] =	vst v63  }
0x44: {  	_ =	swait.ge [sflag:s29], $0x2000  }
0x45: {  	[sflag:s29] =	ssyncset.done $0x0  }
0x46: {  	s21 =	rddreg [dreg:$0x4];
	[sflag:s29] =	ssyncadd.s32 $0xFFFFE000  }
0x47: {  	[spmem:s21] =	stream.linear.scatter [tilespmem:s28], [sflag:$0x7], $0x2000, $0x38;
	[tilespmem:$0x1FE80] =	vst v63  }
0x48: {  	_ =	swait.ge [sflag:s29], $0x2000  }
0x49: {  	[sflag:s29] =	ssyncset.done $0x0  }
0x4a: {  	s22 =	rddreg [dreg:$0x5];
	[sflag:s29] =	ssyncadd.s32 $0xFFFFE000  }
0x4b: {  	[spmem:s22] =	stream.linear.scatter [tilespmem:s28], [sflag:$0x7], $0x2000, $0x38;
	[tilespmem:$0x1FE80] =	vst v63  }
0x4c: {  	_ =	swait.ge [sflag:s29], $0x2000  }
0x4d: {  	[sflag:s29] =	ssyncset.done $0x0  }
0x4e: {  	s20 =	rddreg [dreg:$0x6];
	[sflag:s29] =	ssyncadd.s32 $0xFFFFE000  }
0x4f: {  	[spmem:s20] =	stream.linear.scatter [tilespmem:s28], [sflag:$0x7], $0x2000, $0x38;
	[tilespmem:$0x1FE80] =	vst v63  }
0x50: {  	_ =	swait.ge [sflag:s29], $0x2000  }
0x51: {  	[sflag:s29] =	ssyncset.done $0x0  }
0x52: {  	s21 =	rddreg [dreg:$0x7];
	[sflag:s29] =	ssyncadd.s32 $0xFFFFE000  }
0x53: {  	[spmem:s21] =	stream.linear.scatter [tilespmem:s28], [sflag:$0x7], $0x2000, $0x38;
	[tilespmem:$0x1FE80] =	vst v63  }
0x54: {  	_ =	swait.ge [sflag:s29], $0x2000  }
0x55: {  	[sflag:s29] =	ssyncset.done $0x0  }
0x56: {  	s22 =	rddreg [dreg:$0x8];
	[sflag:s29] =	ssyncadd.s32 $0xFFFFE000  }
0x57: {  	[spmem:s22] =	stream.linear.scatter [tilespmem:s28], [sflag:$0x7], $0x2000, $0x38;
	[tilespmem:$0x1FE80] =	vst v63  }
0x58: {  	_ =	swait.ge [sflag:s29], $0x2000  }
0x59: {  	[sflag:s29] =	ssyncset.done $0x0  }
0x5a: {  	s20 =	rddreg [dreg:$0x9];
	[sflag:s29] =	ssyncadd.s32 $0xFFFFE000  }
0x5b: {  	[spmem:s20] =	stream.linear.scatter [tilespmem:s28], [sflag:$0x7], $0x2000, $0x38;
	[tilespmem:$0x1FE80] =	vst v63  }
0x5c: {  	_ =	swait.ge [sflag:s29], $0x2000  }
0x5d: {  	[sflag:s29] =	ssyncset.done $0x0  }
0x5e: {  	s21 =	rddreg [dreg:$0xa];
	[sflag:s29] =	ssyncadd.s32 $0xFFFFE000  }
0x5f: {  	[spmem:s21] =	stream.linear.scatter [tilespmem:s28], [sflag:$0x7], $0x2000, $0x38;
	[tilespmem:$0x1FE80] =	vst v63  }
0x60: {  	_ =	swait.ge [sflag:s29], $0x2000  }
0x61: {  	[sflag:s29] =	ssyncset.done $0x0  }
0x62: {  	s22 =	rddreg [dreg:$0xd];
	[sflag:s29] =	ssyncadd.s32 $0xFFFFE000  }
0x63: {  	[spmem:s22] =	stream.linear.scatter [tilespmem:s28], [sflag:$0x7], $0x2000, $0x38;
	[tilespmem:$0x1FE80] =	vst v63  }
0x64: {  	_ =	swait.ge [sflag:s29], $0x2000  }
0x65: {  	[sflag:s29] =	ssyncset.done $0x0  }
0x66: {  	s20 =	rddreg [dreg:$0x10];
	[sflag:s29] =	ssyncadd.s32 $0xFFFFE000  }
0x67: {  	[spmem:s20] =	stream.linear.scatter [tilespmem:s28], [sflag:$0x7], $0x2000, $0x38;
	[tilespmem:$0x1FE80] =	vst v63  }
0x68: {  	_ =	swait.ge [sflag:s29], $0x2000  }
0x69: {  	[sflag:s29] =	ssyncset.done $0x0  }
0x6a: {  	[sflag:s29] =	ssyncadd.s32 $0xFFFFE000  }
0x6b: {  	[spmem:s25] =	stream.linear.scatter [tilespmem:s28], [sflag:$0x7], $0x2000, $0x38;
	[tilespmem:$0x1FE80] =	vst v63  }
0x6c: {  	_ =	swait.ge [sflag:s29], $0x2000  }
0x6d: {  	[sflag:s29] =	ssyncset.done $0x0  }
0x6e: {  	[sflag:s29] =	ssyncadd.s32 $0xFFFFE000  }
0x6f: {  	[spmem:s26] =	stream.linear.scatter [tilespmem:s28], [sflag:$0x7], $0x840, $0x38;
	[tilespmem:$0x1FE80] =	vst v63  }
0x70: {  	_ =	swait.ge [sflag:s29], $0x840  }
0x71: {  	[sflag:s29] =	ssyncset.done $0x0  }
0x72: {  	[sflag:s29] =	ssyncadd.s32 $0xFFFFF7C0  }
0x73: {  	s19 =	simm.s32 $0x0;
	[bflag:$0x0] =	sbarrier.arrive $0xFFFF  }
0x74: {  	[tilespmem:s19], [sflag:$0x5] =	stream.linear.gather [hbm4b:s14+s19], $0x140, $0x38;
	[tilespmem:$0x1FE80] =	vst v63  }
0x75: {  	s20 =	simm.s32 $0x280  }
0x76: {  	[tilespmem:s20], [sflag:$0x5] =	stream.linear.gather [hbm4b:s15+s19], $0x140, $0x38;
	[tilespmem:$0x1FE80] =	vst v63  }
0x77: {  	s21 =	rddreg [dreg:$0xb]  }
0x78: {  	[tilespmem:s31], [sflag:$0x6] =	stream.linear.gather [hbm4b:s21+s19], $0x140, $0x38;
	[tilespmem:$0x1FE80] =	vst v63  }
0x79: {  	s22 =	rddreg [dreg:$0xc]  }
0x7a: {  	[tilespmem:s0], [sflag:$0x6] =	stream.linear.gather [hbm4b:s22+s19], $0x140, $0x38;
	[tilespmem:$0x1FE80] =	vst v63  }
.LBB2_4:
0x7b: {  	_ =	swait.ge [sflag:s30], $0x140  }
0x7c: {  	[sflag:s30] =	ssyncset.done $0x0  }
0x7d: {  	[sflag:s30] =	ssyncadd.s32 $0xFFFFFEC0  }
0x7e: {  	p1 =	seq.s32 s19, $0x0;
	_ =	swait.ge [sflag:s30], $0x140  }
0x7f: {  	s20 =	simm.s32 @p1 $0xA0;
	[sflag:s30] =	ssyncset.done $0x0  }
0x80: {  	s21 =	simm.s32 @p1 $0x0;
	s22 =	simm.s32 @p1 $0x640;
	[sflag:s30] =	ssyncadd.s32 $0xFFFFFEC0  }
0x81: {  	[tilespmem:s22], [sflag:$0x1] =	stream.indirect.gather @p1 [hbm4b:s4+s20], $0x40, s21, s20, $0xb8;
	[tilespmem:$0x1FE80] =	vst v63  }
0x82: {  	s20 =	simm.s32 @!p1 $0x3  }
0x83: {  	_ =	swait.ge @!p1 [sflag:s20], $0x2800  }
0x84: {  	s21 =	simm.s32 @!p1 $0x0;
	[sflag:s20] =	ssyncset.done @!p1 $0x0  }
0x85: {  	s22 =	simm.s32 @!p1 $0x640;
	[sflag:s20] =	ssyncadd.s32 @!p1 $0xFFFFD800;
	s20 =	simm.s32 @!p1 $0xA0  }
0x86: {  	[tilespmem:s22], [sflag:$0x1] =	stream.indirect.gather @!p1 [hbm4b:s4+s20], $0x40, s21, s20, $0xb8;
	[tilespmem:$0x1FE80] =	vst v63  }
0x87: {  	s20 =	simm.s32 @!p1 $0x4  }
0x88: {  	_ =	swait.ge @!p1 [sflag:s20], $0x2800  }
0x89: {  	[sflag:s20] =	ssyncset.done @!p1 $0x0  }
0x8a: {  	[sflag:s20] =	ssyncadd.s32 @!p1 $0xFFFFD800  }
0x8b: {  	[tilespmem:s7], [sflag:$0x2] =	stream.indirect.gather [hbm4b:s4+s6], $0x40, s6, s6, $0xb8;
	[tilespmem:$0x1FE80] =	vst v63  }
0x8c: {  	v3 =	vld [tilespmem:$0x280]  }
0x8d: {  	v4 =	vld [tilespmem:$0x290]  }
0x8e: {  	v5 =	vld [tilespmem:$0x2A0]  }
0x8f: {  	v6 =	vld [tilespmem:$0x2B0]  }
0x90: {  	v7 =	vld [tilespmem:$0x2C0]  }
0x91: {  	v8 =	vld [tilespmem:$0x2D0];
	v3 =	vsub.s32 v3, v0  }
0x92: {  	v9 =	vld [tilespmem:$0x2E0];
	v4 =	vsub.s32 v4, v0;
	vm0 =	vgt.u32 v3, $0x61A7  }
0x93: {  	v10 =	vld [tilespmem:$0x2F0];
	v5 =	vsub.s32 v5, v0;
	vm13 =	vgt.u32 v4, $0x61A7;
	v3 =	vsel vm0, v1, v3  }
0x94: {  	v61 =	vld [tilespmem:$0x300];
	v60 =	vsub.s32 v6, v0;
	vm14 =	vgt.u32 v5, $0x61A7;
	[tilespmem:$0x500] =	vst v3;
	v3 =	vsel vm13, v1, v4  }
0x95: {  	v63 =	vld [tilespmem:$0x310];
	v62 =	vsub.s32 v7, v0;
	vm15 =	vgt.u32 v60, $0x61A7;
	[tilespmem:$0x510] =	vst v3;
	v3 =	vsel vm14, v1, v5  }
0x96: {  	v11 =	vsub.s32 v8, v0;
	vm4 =	vgt.u32 v62, $0x61A7;
	[tilespmem:$0x520] =	vst v3;
	v3 =	vsel vm15, v1, v60  }
0x97: {  	v12 =	vsub.s32 v9, v0;
	vm5 =	vgt.u32 v11, $0x61A7;
	[tilespmem:$0x530] =	vst v3;
	v3 =	vsel vm4, v1, v62  }
0x98: {  	v13 =	vsub.s32 v10, v0;
	vm6 =	vgt.u32 v12, $0x61A7;
	[tilespmem:$0x540] =	vst v3;
	v3 =	vsel vm5, v1, v11  }
0x99: {  	v14 =	vsub.s32 v61, v0;
	vm7 =	vgt.u32 v13, $0x61A7;
	[tilespmem:$0x550] =	vst v3;
	v3 =	vsel vm6, v1, v12  }
0x9a: {  	v15 =	vsub.s32 v63, v0;
	vm8 =	vgt.u32 v14, $0x61A7;
	[tilespmem:$0x560] =	vst v3;
	v3 =	vsel vm7, v1, v13  }
0x9b: {  	vm9 =	vgt.u32 v15, $0x61A7;
	[tilespmem:$0x570] =	vst v3;
	v3 =	vsel vm8, v1, v14  }
0x9c: {  	[tilespmem:$0x580] =	vst v3;
	v3 =	vsel vm9, v1, v15  }
0x9d: {  	[tilespmem:$0x590] =	vst v3  }
0x9e: {  	_ =	swait.ge [sflag:s8], $0x2800  }
0x9f: {  	[sflag:s8] =	ssyncset.done $0x0  }
0xa0: {  	[sflag:s8] =	ssyncadd.s32 $0xFFFFD800  }
0xa1: {  	[spmem:s1] =	stream.indirect.scatter.add.f32 [tilespmem:s10], [sflag:$0x3], $0x40, s9, s6, $0xb8;
	[tilespmem:$0x1FE80] =	vst v63  }
0xa2: {  	v3 =	vld [tilespmem:$0x320]  }
0xa3: {  	v16 =	vld [tilespmem:$0x330]  }
0xa4: {  	v17 =	vld [tilespmem:$0x340]  }
0xa5: {  	v18 =	vld [tilespmem:$0x350]  }
0xa6: {  	v19 =	vld [tilespmem:$0x360]  }
0xa7: {  	v20 =	vld [tilespmem:$0x370];
	v3 =	vsub.s32 v3, v0  }
0xa8: {  	v21 =	vld [tilespmem:$0x380];
	v4 =	vsub.s32 v16, v0;
	vm10 =	vgt.u32 v3, $0x61A7  }
0xa9: {  	v22 =	vld [tilespmem:$0x390];
	v5 =	vsub.s32 v17, v0;
	vm11 =	vgt.u32 v4, $0x61A7;
	v3 =	vsel vm10, v1, v3  }
0xaa: {  	v24 =	vld [tilespmem:$0x3A0];
	v23 =	vsub.s32 v18, v0;
	vm12 =	vgt.u32 v5, $0x61A7;
	[tilespmem:$0x5A0] =	vst v3;
	v3 =	vsel vm11, v1, v4  }
0xab: {  	v26 =	vld [tilespmem:$0x3B0];
	v25 =	vsub.s32 v19, v0;
	vm13 =	vgt.u32 v23, $0x61A7;
	[tilespmem:$0x5B0] =	vst v3;
	v3 =	vsel vm12, v1, v5  }
0xac: {  	v27 =	vsub.s32 v20, v0;
	vm14 =	vgt.u32 v25, $0x61A7;
	[tilespmem:$0x5C0] =	vst v3;
	v3 =	vsel vm13, v1, v23  }
0xad: {  	v28 =	vsub.s32 v21, v0;
	vm15 =	vgt.u32 v27, $0x61A7;
	[tilespmem:$0x5D0] =	vst v3;
	v3 =	vsel vm14, v1, v25  }
0xae: {  	v29 =	vsub.s32 v22, v0;
	vm4 =	vgt.u32 v28, $0x61A7;
	[tilespmem:$0x5E0] =	vst v3;
	v3 =	vsel vm15, v1, v27  }
0xaf: {  	v30 =	vsub.s32 v24, v0;
	vm5 =	vgt.u32 v29, $0x61A7;
	[tilespmem:$0x5F0] =	vst v3;
	v3 =	vsel vm4, v1, v28  }
0xb0: {  	v31 =	vsub.s32 v26, v0;
	vm6 =	vgt.u32 v30, $0x61A7;
	[tilespmem:$0x600] =	vst v3;
	v3 =	vsel vm5, v1, v29  }
0xb1: {  	vm7 =	vgt.u32 v31, $0x61A7;
	[tilespmem:$0x610] =	vst v3;
	v3 =	vsel vm6, v1, v30  }
0xb2: {  	[tilespmem:$0x620] =	vst v3;
	v3 =	vsel vm7, v1, v31  }
0xb3: {  	[tilespmem:$0x630] =	vst v3  }
0xb4: {  	_ =	swait.ge [sflag:s11], $0x2800  }
0xb5: {  	p1 =	seq.s32 s19, $0x18B0;
	[sflag:s11] =	ssyncset.done $0x0  }
0xb6: {  	s20 =	sadd.s32 @!p1 s19, s14;
	[sflag:s11] =	ssyncadd.s32 $0xFFFFD800  }
0xb7: {  	[spmem:s1] =	stream.indirect.scatter.add.f32 [tilespmem:s7], [sflag:$0x4], $0x40, s12, s6, $0xb8;
	[tilespmem:$0x1FE80] =	vst v63  }
0xb8: {  	s21 =	simm.s32 @!p1 $0x0;
	s20 =	sadd.s32 @!p1 $0x50, s20  }
0xb9: {  	[tilespmem:s21], [sflag:$0x5] =	stream.linear.gather @!p1 [hbm4b:s20+s21], $0x140, $0x38;
	[tilespmem:$0x1FE80] =	vst v63  }
0xba: {  	s20 =	sadd.s32 @!p1 s19, s15  }
0xbb: {  	s22 =	simm.s32 @!p1 $0x280;
	s20 =	sadd.s32 @!p1 $0x50, s20  }
0xbc: {  	[tilespmem:s22], [sflag:$0x5] =	stream.linear.gather @!p1 [hbm4b:s20+s21], $0x140, $0x38;
	[tilespmem:$0x1FE80] =	vst v63  }
0xbd: {  	_ =	swait.ge [sflag:s13], $0x140  }
0xbe: {  	[sflag:s13] =	ssyncset.done $0x0  }
0xbf: {  	[sflag:s13] =	ssyncadd.s32 $0xFFFFFEC0  }
0xc0: {  	_ =	swait.ge [sflag:s13], $0x140  }
0xc1: {  	[sflag:s13] =	ssyncset.done $0x0  }
0xc2: {  	[sflag:s13] =	ssyncadd.s32 $0xFFFFFEC0  }
0xc3: {  	_ =	swait.ge [sflag:s16], $0x2800  }
0xc4: {  	[sflag:s16] =	ssyncset.done $0x0  }
0xc5: {  	[sflag:s16] =	ssyncadd.s32 $0xFFFFD800  }
0xc6: {  	[tilespmem:s10], [sflag:$0x1] =	stream.indirect.gather [hbm4b:s4+s6], $0x40, s31, s6, $0xb8;
	[tilespmem:$0x1FE80] =	vst v63  }
0xc7: {  	_ =	swait.ge [sflag:s17], $0x2800  }
0xc8: {  	[sflag:s17] =	ssyncset.done $0x0  }
0xc9: {  	[sflag:s17] =	ssyncadd.s32 $0xFFFFD800  }
0xca: {  	[tilespmem:s7], [sflag:$0x2] =	stream.indirect.gather [hbm4b:s4+s6], $0x40, s18, s6, $0xb8;
	[tilespmem:$0x1FE80] =	vst v63  }
0xcb: {  	v3 =	vld [tilespmem:$0x3C0]  }
0xcc: {  	v32 =	vld [tilespmem:$0x3D0]  }
0xcd: {  	v33 =	vld [tilespmem:$0x3E0]  }
0xce: {  	v34 =	vld [tilespmem:$0x3F0]  }
0xcf: {  	v35 =	vld [tilespmem:$0x400]  }
0xd0: {  	v36 =	vld [tilespmem:$0x410];
	v3 =	vsub.s32 v3, v0  }
0xd1: {  	v37 =	vld [tilespmem:$0x420];
	v4 =	vsub.s32 v32, v0;
	vm8 =	vgt.u32 v3, $0x61A7  }
0xd2: {  	v38 =	vld [tilespmem:$0x430];
	v5 =	vsub.s32 v33, v0;
	vm9 =	vgt.u32 v4, $0x61A7;
	v3 =	vsel vm8, v1, v3  }
0xd3: {  	v40 =	vld [tilespmem:$0x440];
	v39 =	vsub.s32 v34, v0;
	vm10 =	vgt.u32 v5, $0x61A7;
	[tilespmem:$0x500] =	vst v3;
	v3 =	vsel vm9, v1, v4  }
0xd4: {  	v42 =	vld [tilespmem:$0x450];
	v41 =	vsub.s32 v35, v0;
	vm11 =	vgt.u32 v39, $0x61A7;
	[tilespmem:$0x510] =	vst v3;
	v3 =	vsel vm10, v1, v5  }
0xd5: {  	v43 =	vsub.s32 v36, v0;
	vm12 =	vgt.u32 v41, $0x61A7;
	[tilespmem:$0x520] =	vst v3;
	v3 =	vsel vm11, v1, v39  }
0xd6: {  	v44 =	vsub.s32 v37, v0;
	vm13 =	vgt.u32 v43, $0x61A7;
	[tilespmem:$0x530] =	vst v3;
	v3 =	vsel vm12, v1, v41  }
0xd7: {  	v45 =	vsub.s32 v38, v0;
	vm14 =	vgt.u32 v44, $0x61A7;
	[tilespmem:$0x540] =	vst v3;
	v3 =	vsel vm13, v1, v43  }
0xd8: {  	v46 =	vsub.s32 v40, v0;
	vm15 =	vgt.u32 v45, $0x61A7;
	[tilespmem:$0x550] =	vst v3;
	v3 =	vsel vm14, v1, v44  }
0xd9: {  	v47 =	vsub.s32 v42, v0;
	vm4 =	vgt.u32 v46, $0x61A7;
	[tilespmem:$0x560] =	vst v3;
	v3 =	vsel vm15, v1, v45  }
0xda: {  	vm5 =	vgt.u32 v47, $0x61A7;
	[tilespmem:$0x570] =	vst v3;
	v3 =	vsel vm4, v1, v46  }
0xdb: {  	[tilespmem:$0x580] =	vst v3;
	v3 =	vsel vm5, v1, v47  }
0xdc: {  	[tilespmem:$0x590] =	vst v3  }
0xdd: {  	_ =	swait.ge [sflag:s8], $0x2800  }
0xde: {  	[sflag:s8] =	ssyncset.done $0x0  }
0xdf: {  	[sflag:s8] =	ssyncadd.s32 $0xFFFFD800  }
0xe0: {  	[spmem:s1] =	stream.indirect.scatter.add.f32 [tilespmem:s10], [sflag:$0x3], $0x40, s9, s6, $0xb8;
	[tilespmem:$0x1FE80] =	vst v63  }
0xe1: {  	v3 =	vld [tilespmem:$0x460]  }
0xe2: {  	v48 =	vld [tilespmem:$0x470]  }
0xe3: {  	v49 =	vld [tilespmem:$0x480]  }
0xe4: {  	v50 =	vld [tilespmem:$0x490]  }
0xe5: {  	v51 =	vld [tilespmem:$0x4A0]  }
0xe6: {  	v52 =	vld [tilespmem:$0x4B0];
	v3 =	vsub.s32 v3, v0  }
0xe7: {  	v53 =	vld [tilespmem:$0x4C0];
	v4 =	vsub.s32 v48, v0;
	vm6 =	vgt.u32 v3, $0x61A7  }
0xe8: {  	v54 =	vld [tilespmem:$0x4D0];
	v5 =	vsub.s32 v49, v0;
	vm7 =	vgt.u32 v4, $0x61A7;
	v3 =	vsel vm6, v1, v3  }
0xe9: {  	v56 =	vld [tilespmem:$0x4E0];
	v55 =	vsub.s32 v50, v0;
	vm8 =	vgt.u32 v5, $0x61A7;
	[tilespmem:$0x5A0] =	vst v3;
	v3 =	vsel vm7, v1, v4  }
0xea: {  	v58 =	vld [tilespmem:$0x4F0];
	v57 =	vsub.s32 v51, v0;
	vm9 =	vgt.u32 v55, $0x61A7;
	[tilespmem:$0x5B0] =	vst v3;
	v3 =	vsel vm8, v1, v5  }
0xeb: {  	v59 =	vsub.s32 v52, v0;
	vm10 =	vgt.u32 v57, $0x61A7;
	[tilespmem:$0x5C0] =	vst v3;
	v3 =	vsel vm9, v1, v55  }
0xec: {  	v60 =	vsub.s32 v53, v0;
	vm11 =	vgt.u32 v59, $0x61A7;
	[tilespmem:$0x5D0] =	vst v3;
	v3 =	vsel vm10, v1, v57  }
0xed: {  	v61 =	vsub.s32 v54, v0;
	vm12 =	vgt.u32 v60, $0x61A7;
	[tilespmem:$0x5E0] =	vst v3;
	v3 =	vsel vm11, v1, v59  }
0xee: {  	v62 =	vsub.s32 v56, v0;
	vm13 =	vgt.u32 v61, $0x61A7;
	[tilespmem:$0x5F0] =	vst v3;
	v3 =	vsel vm12, v1, v60  }
0xef: {  	v63 =	vsub.s32 v58, v0;
	vm14 =	vgt.u32 v62, $0x61A7;
	[tilespmem:$0x600] =	vst v3;
	v3 =	vsel vm13, v1, v61  }
0xf0: {  	vm15 =	vgt.u32 v63, $0x61A7;
	[tilespmem:$0x610] =	vst v3;
	v3 =	vsel vm14, v1, v62  }
0xf1: {  	[tilespmem:$0x620] =	vst v3;
	v3 =	vsel vm15, v1, v63  }
.Ltmp3:
0xf2: {  	[tilespmem:$0x630] =	vst v3;
	(pc) =	sbr.rel @p1 .LBB2_6-.Ltmp3, $4  }
0xf3: {  	_ =	swait.ge [sflag:s11], $0x2800  }
0xf4: {  	[sflag:s11] =	ssyncset.done $0x0  }
0xf5: {  	[sflag:s11] =	ssyncadd.s32 $0xFFFFD800  }
0xf6: {  	[spmem:s1] =	stream.indirect.scatter.add.f32 [tilespmem:s7], [sflag:$0x4], $0x40, s12, s6, $0xb8;
	[tilespmem:$0x1FE80] =	vst v63  }
.Ltmp4:
0xf7: {  	s20 =	sadd.s32 s19, s14;
	(pc) =	sbr.rel .LBB2_4-.Ltmp4, $4  }
0xf8: {  	s22 =	sadd.s32 s19, s15;
	s20 =	sadd.s32 $0x78, s20  }
0xf9: {  	[tilespmem:s31], [sflag:$0x6] =	stream.linear.gather [hbm4b:s20+s3], $0x140, $0x38;
	[tilespmem:$0x1FE80] =	vst v63  }
0xfa: {  	s19 =	sadd.s32 $0x50, s19;
	s20 =	sadd.s32 $0x78, s22  }
0xfb: {  	[tilespmem:s0], [sflag:$0x6] =	stream.linear.gather [hbm4b:s20+s3], $0x140, $0x38;
	[tilespmem:$0x1FE80] =	vst v63  }
.LBB2_7:
0xfc: {  	_ =	sfence.sel $0x180000  }
0xfd: {  	[bflag:$0x0] =	sbarrier.arrive $0xFFFF  }
0xfe: {  	_ =	strace $0x90000047  }
0xff: {  	[bflag:$0x2] =	sbarrier.arrive $0xFFFF  }
0x100: {  	p0 =	sne.s32 s21, $0x0;
	s0 =	rddreg [dreg:$0x2]  }
0x101: {  	s0 =	sadd.s32 @!p0 $0x100000, s0  }
0x102: {  	[sflag:s0] =	ssyncadd.tile.s32 @!p0 $0x1;
	_ =	shalt  }
.Lfunc_end2:
_tile_overlayer_lowered:
.L_overlay_start_2:
0x103: {  	(tag) =	ssettag $0x2  }
0x104: {  	s0 =	rddreg [dreg:$0x0];
	s2 =	stileid.u32  }
0x105: {  	s1 =	rddreg [dreg:$0x1];
	p0 =	sne.s32 s2, $0x0  }
0x106: {  	s3 =	rddreg [dreg:$0x2];
	[bflag:$0x3] =	sbarrier.arrive $0xFFFF;
	s2 =	simm.s32 @!p0 $0x1C07  }
0x107: {  	[timem:s3], [sflag:s2] =	dma.local @!p0 [hbm:s0], s1  }
0x108: {  	s0 =	simm.s32 @!p0 $0x7  }
0x109: {  	_ =	swait.ge @!p0 [sflag:s0], s1  }
0x10a: {  	s1 =	ssub.s32 @!p0 $0x0, s1;
	[sflag:s0] =	ssyncset.done @!p0 $0x0  }
0x10b: {  	[sflag:s0] =	ssyncadd.s32 @!p0 s1  }
0x10c: {  	[bflag:$0x3] =	sbarrier.arrive $0xFFFF  }
0x10d: {  	_ =	shalt  }

</sc_bundles>
